<compile_context>
chip_gen: v7x
topology: tpu7x:2x2x1
jax: 0.10.2.dev20260603
libtpu: 0.0.44.dev20260713+nightly
codegen_flags: <defaults>
</compile_context>

<pallas_src>
import dataclasses
import functools

import jax
import jax.numpy as jnp
from jax import lax
from jax.experimental import pallas as pl
from jax.experimental.pallas import tpu as pltpu
from jax.experimental.pallas import tpu_sc as plsc

NN = 10000
NP = 10240
D = 128
EE = 320000
NC = 2
NS = 16
NW = NC * NS
CH = 80
NCH = 125
EPW = NCH * CH
RPT = NP // NS

_mesh = plsc.VectorSubcoreMesh(core_axis_name="c", subcore_axis_name="s")

_cp = pltpu.CompilerParams()
if "needs_layout_passes" in pltpu.CompilerParams.__dataclass_fields__:
    _cp = dataclasses.replace(_cp, needs_layout_passes=False)


@functools.partial(
    pl.kernel,
    out_type=jax.ShapeDtypeStruct((NC, NP), jnp.float32),
    mesh=_mesh,
    compiler_params=_cp,
    scratch_types=[
        pltpu.VMEM((32, CH), jnp.int32),
        pltpu.VMEM((2 * CH,), jnp.float32),
        pltpu.VMEM((RPT,), jnp.float32),
        pltpu.VMEM_SHARED((NP,), jnp.float32),
        pltpu.SemaphoreType.DMA((2,)),
        pltpu.SemaphoreType.DMA((4,)),
    ],
)
def _deg_kernel(idx_hbm, out_hbm, ibuf, stage, zbuf, acc_s, ssem, isem):
    cid = lax.axis_index("c")
    sid = lax.axis_index("s")
    wid = sid * NC + cid

    zeros = jnp.zeros((16,), jnp.float32)

    @pl.loop(0, RPT // 16)
    def _(i):
        zbuf[pl.ds(pl.multiple_of(i * 16, 16), 16)] = zeros

    @pl.loop(0, 2 * CH // 16)
    def _(i):
        stage[pl.ds(pl.multiple_of(i * 16, 16), 16)] = zeros

    base = pl.multiple_of(sid * RPT, RPT)
    pltpu.sync_copy(zbuf, acc_s.at[pl.ds(base, RPT)])
    plsc.subcore_barrier()

    for t in range(4):
        pltpu.async_copy(idx_hbm.at[wid, t], ibuf.at[pl.ds(t * 8, 8)],
                         isem.at[t])
    for b in range(2):
        pltpu.make_async_copy(idx_hbm.at[wid, b],
                              ibuf.at[pl.ds(b * 8, 8)], isem.at[b]).wait()
        pltpu.async_copy(stage.at[pl.ds(b * CH, CH)],
                         acc_s.at[ibuf.at[b * 8 + 1]], ssem.at[b], add=True)

    @pl.loop(0, NCH)
    def _(j):
        b4 = j % 4
        b2 = j % 2
        ir = b4 * 8
        st = stage.at[pl.ds(b2 * CH, CH)]

        @pl.when(j >= 2)
        def _():
            pltpu.make_async_copy(idx_hbm.at[wid, 0],
                                  ibuf.at[pl.ds(b4 * 8, 8)], isem.at[b4]).wait()

        pltpu.make_async_copy(st, acc_s.at[ibuf.at[ir + 1]],
                              ssem.at[b2]).wait()

        @pl.loop(0, CH // 16)
        def _(k):
            sl = pl.ds(pl.multiple_of(k * 16, 16), 16)
            st[sl] = plsc.bitcast(ibuf[ir + 2, sl], jnp.float32)

        pltpu.async_copy(st, acc_s.at[ibuf.at[ir + 1]], ssem.at[b2], add=True)

        @pl.when(j + 4 < NCH)
        def _():
            pltpu.async_copy(idx_hbm.at[wid, j + 4],
                             ibuf.at[pl.ds(b4 * 8, 8)], isem.at[b4])

    for b in range(2):
        pltpu.make_async_copy(stage.at[pl.ds(b * CH, CH)],
                              acc_s.at[ibuf.at[b * 8 + 1]], ssem.at[b]).wait()

    plsc.subcore_barrier()

    pltpu.sync_copy(acc_s.at[pl.ds(base, RPT)], zbuf)
    pltpu.sync_copy(zbuf, out_hbm.at[cid, pl.ds(base, RPT)])


@functools.partial(
    pl.kernel,
    out_type=jax.ShapeDtypeStruct((NC, NP, D), jnp.float32),
    mesh=_mesh,
    compiler_params=_cp,
    scratch_types=[
        pltpu.VMEM((48, CH), jnp.int32),
        pltpu.VMEM((2 * CH, D), jnp.float32),
        pltpu.VMEM((2 * CH, D), jnp.float32),
        pltpu.VMEM_SHARED((NP, D), jnp.float32),
        pltpu.SemaphoreType.DMA((2,)),
        pltpu.SemaphoreType.DMA((2,)),
        pltpu.SemaphoreType.DMA((6,)),
    ],
)
def _agg_kernel(h_hbm, idx_hbm, out_hbm, ibuf, gbuf, sbuf, acc_s,
                gsem, ssem, isem):
    cid = lax.axis_index("c")
    sid = lax.axis_index("s")
    wid = sid * NC + cid

    zeros = jnp.zeros((16,), jnp.float32)

    for t in range(4):
        pltpu.async_copy(idx_hbm.at[wid, t], ibuf.at[pl.ds(t * 8, 8)],
                         isem.at[t])

    @pl.loop(0, 2 * CH)
    def _(r):
        for f in range(D // 16):
            sbuf[r, pl.ds(f * 16, 16)] = zeros

    @pl.loop(0, RPT // CH)
    def _(t):
        base = pl.multiple_of(sid * RPT + t * CH, CH)
        pltpu.async_copy(sbuf.at[pl.ds(0, CH)], acc_s.at[pl.ds(base, CH)],
                         gsem.at[0])

    @pl.loop(0, RPT // CH)
    def _(t):
        base = pl.multiple_of(sid * RPT + t * CH, CH)
        pltpu.make_async_copy(sbuf.at[pl.ds(0, CH)],
                              acc_s.at[pl.ds(base, CH)], gsem.at[0]).wait()

    plsc.subcore_barrier()

    for b in range(2):
        pltpu.make_async_copy(idx_hbm.at[wid, b],
                              ibuf.at[pl.ds(b * 8, 8)], isem.at[b]).wait()
        pltpu.async_copy(h_hbm.at[ibuf.at[b * 8]],
                         gbuf.at[pl.ds(b * CH, CH)], gsem.at[b])
        pltpu.async_copy(sbuf.at[pl.ds(b * CH, CH)],
                         acc_s.at[ibuf.at[b * 8 + 1]], ssem.at[b], add=True)

    @pl.loop(0, NCH)
    def _(j):
        b6 = j % 6
        b2 = j % 2
        g = gbuf.at[pl.ds(b2 * CH, CH)]
        s = sbuf.at[pl.ds(b2 * CH, CH)]
        ir = b6 * 8
        pltpu.make_async_copy(h_hbm.at[ibuf.at[ir]], g, gsem.at[b2]).wait()
        pltpu.make_async_copy(s, acc_s.at[ibuf.at[ir + 1]],
                              ssem.at[b2]).wait()

        @pl.when(j + 4 < NCH)
        def _():
            b_f = (b6 + 4) % 6
            pltpu.async_copy(idx_hbm.at[wid, j + 4],
                             ibuf.at[pl.ds(b_f * 8, 8)], isem.at[b_f])

        @plsc.parallel_loop(0, CH // 16, unroll=5)
        def _(k):
            sl16 = pl.ds(pl.multiple_of(k * 16, 16), 16)
            wv = plsc.bitcast(ibuf[ir + 2, sl16], jnp.float32)
            for l in range(16):
                w = wv[l]
                e = k * 16 + l
                for f in range(D // 16):
                    sl = pl.ds(f * 16, 16)
                    s[e, sl] = g[e, sl] * w

        @pl.when(j + 2 < NCH)
        def _():
            bn = (b6 + 2) % 6
            pltpu.make_async_copy(idx_hbm.at[wid, 0],
                                  ibuf.at[pl.ds(bn * 8, 8)], isem.at[bn]).wait()
            pltpu.async_copy(h_hbm.at[ibuf.at[bn * 8]], g, gsem.at[b2])

        pltpu.async_copy(s, acc_s.at[ibuf.at[ir + 1]], ssem.at[b2], add=True)

    for b in range(2):
        pltpu.make_async_copy(sbuf.at[pl.ds(b * CH, CH)],
                              acc_s.at[ibuf.at[b * 8 + 1]], ssem.at[b]).wait()

    plsc.subcore_barrier()

    base = pl.multiple_of(sid * RPT, RPT)
    pltpu.sync_copy(acc_s.at[pl.ds(base, RPT)],
                    out_hbm.at[cid, pl.ds(base, RPT)])


def _pre_body(x_ref, w_ref, degp_ref, h_ref):
    deg = 1.0 + jnp.sum(degp_ref[...], axis=0)
    dis = lax.rsqrt(deg)
    h = jnp.dot(x_ref[...], w_ref[...], preferred_element_type=jnp.float32)
    h_ref[...] = h * dis[:, None]


def _post_body(p_ref, h_ref, degp_ref, b_ref, o_ref):
    deg = 1.0 + jnp.sum(degp_ref[...], axis=0)
    dis = lax.rsqrt(deg)[:, None]
    o_ref[...] = jnp.maximum(dis * (p_ref[0] + p_ref[1] + h_ref[...]) + b_ref[...], 0.0)


_BM = 1024
_GRID = (NP // _BM,)

_spec_x = pl.BlockSpec((_BM, D), lambda i: (i, 0))
_spec_w = pl.BlockSpec((D, D), lambda i: (0, 0))
_spec_degp = pl.BlockSpec((NC, _BM), lambda i: (0, i))
_spec_p = pl.BlockSpec((NC, _BM, D), lambda i: (0, i, 0))
_spec_b = pl.BlockSpec((1, D), lambda i: (0, 0))

_pre = pl.pallas_call(
    _pre_body,
    grid=_GRID,
    in_specs=[_spec_x, _spec_w, _spec_degp],
    out_specs=_spec_x,
    out_shape=jax.ShapeDtypeStruct((NP, D), jnp.float32),
)

_post = pl.pallas_call(
    _post_body,
    grid=_GRID,
    in_specs=[_spec_p, _spec_x, _spec_degp, _spec_b],
    out_specs=_spec_x,
    out_shape=jax.ShapeDtypeStruct((NP, D), jnp.float32),
)


def kernel(edge_index, node_feats, edge_feats, nodes_mask_list, W1, b1, W2, b2):
    x = node_feats[-1]
    ei = edge_index[-1]
    ew = edge_feats[-1]
    row, col = ei[0], ei[1]

    ew_bits = lax.bitcast_convert_type(ew, jnp.int32)
    idx = (jnp.stack([row, col, ew_bits])
           .reshape(3, NW, NCH, CH)
           .transpose(1, 2, 0, 3))
    idx = jnp.pad(idx, ((0, 0), (0, 0), (0, 5), (0, 0)))
    x_p = jnp.pad(x, ((0, NP - NN), (0, 0)))

    degp = _deg_kernel(idx)
    Ws = jnp.stack([W1, W2])
    bs = jnp.stack([b1.reshape(1, D), b2.reshape(1, D)])

    def _step(xc, wb):
        W, b = wb
        h = _pre(xc, W, degp)
        p = _agg_kernel(h, idx)
        return _post(p, h, degp, b), None

    xf, _ = lax.scan(_step, x_p, (Ws, bs))
    return xf[:NN]

# --- scband reference (transcript-rebuilt; emitter-appended) ---
"""Pipeline reference for scband-gcn-21784074125836 (READ-ONLY COPY).

The authoritative reference and input builder live on the scoring server;
editing this copy changes nothing except your own understanding.
"""

import jax, jax.numpy as jnp
import numpy as np

N = 10000
E = 320000
D_IN = 128
D_H1 = 128
D_H2 = 128


def setup_inputs(seed: int = 0) -> dict:
    key = jax.random.key(seed)
    k1, k2, k3, k4, k5 = jax.random.split(key, 5)
    node_feats = jax.random.normal(k1, (1, N, D_IN), dtype=jnp.float32)
    edge_index = jax.random.randint(k2, (1, 2, E), 0, N, dtype=jnp.int32)
    edge_feats = jax.random.uniform(k3, (1, E), dtype=jnp.float32)
    nodes_mask_list = jnp.ones((1, N), dtype=jnp.float32)
    W1 = jax.random.normal(k4, (D_IN, D_H1), dtype=jnp.float32) * 0.05
    b1 = jnp.zeros((D_H1,), dtype=jnp.float32)
    W2 = jax.random.normal(k5, (D_H1, D_H2), dtype=jnp.float32) * 0.05
    b2 = jnp.zeros((D_H2,), dtype=jnp.float32)
    return {"edge_index": edge_index, "node_feats": node_feats, "edge_feats": edge_feats,
            "nodes_mask_list": nodes_mask_list, "W1": W1, "b1": b1, "W2": W2, "b2": b2}


def _gcn_conv(x, row, col, edge_weight, W, b, num_nodes):
    # PyG GCNConv with edge_weight: add self-loops (weight 1), symmetric normalization,
    # linear transform, weighted scatter-add aggregation, bias.
    loop = jnp.arange(num_nodes, dtype=row.dtype)
    row = jnp.concatenate([row, loop])
    col = jnp.concatenate([col, loop])
    ew = jnp.concatenate([edge_weight, jnp.ones((num_nodes,), dtype=x.dtype)])
    deg = jnp.zeros((num_nodes,), dtype=x.dtype).at[col].add(ew)
    deg_inv_sqrt = jnp.where(deg > 0, jax.lax.rsqrt(jnp.maximum(deg, 1e-12)), 0.0)
    norm = deg_inv_sqrt[row] * ew * deg_inv_sqrt[col]
    h = x @ W
    msgs = norm[:, None] * jnp.take(h, row, axis=0)
    out = jnp.zeros((num_nodes, h.shape[1]), dtype=x.dtype).at[col].add(msgs)
    return out + b


def reference(edge_index, node_feats, edge_feats, nodes_mask_list, W1, b1, W2, b2):
    x = node_feats[-1]
    ei = edge_index[-1]
    ew = edge_feats[-1]
    row, col = ei[0], ei[1]
    x = jax.nn.relu(_gcn_conv(x, row, col, ew, W1, b1, N))
    x = jax.nn.relu(_gcn_conv(x, row, col, ew, W2, b2, N))
    return x

if __name__ == "__main__":
    import jax
    _d = setup_inputs()
    print(jax.jit(kernel)(*tuple(_d.values())))

</pallas_src>

<mosaic_0001>
#map = affine_map<(d0, d1) -> (0, 0, 0, 0)>
#map1 = affine_map<(d0, d1) -> (0, 0)>
module attributes {stable_mosaic.version = 14 : i64} {
  func.func @_deg_kernel(%arg0: i32, %arg1: i32, %arg2: memref<32x125x8x80xi32, #tpu.memory_space<hbm>>, %arg3: memref<2x10240xf32, #tpu.memory_space<hbm>>, %arg4: memref<32x80xi32, #tpu.memory_space<vmem>>, %arg5: memref<160xf32, #tpu.memory_space<vmem>>, %arg6: memref<640xf32, #tpu.memory_space<vmem>>, %arg7: memref<10240xf32, #tpu.memory_space<vmem_shared>>, %arg8: memref<2x!tpu.dma_semaphore, #tpu.memory_space<semaphore_mem>>, %arg9: memref<4x!tpu.dma_semaphore, #tpu.memory_space<semaphore_mem>>) attributes {dimension_semantics = [#tpu.dimension_semantics<core_parallel>, #tpu.dimension_semantics<subcore_parallel>], iteration_bounds = array<i64: 2, 16>, scalar_prefetch = 0 : i64, scratch_operands = 6 : i64, tpu.core_type = #tpu.core_type<sc_vector_subcore>, window_params = [{transform_indices = #map}, {transform_indices = #map1}]} {
    %mul3A = arith.constant 2 : i32
    %mul3A_0 = arith.muli %arg1, %mul3A : i32
    %add3A = arith.addi %mul3A_0, %arg0 : i32
    %broadcast_in_dim3A = arith.constant 0.000000e+00 : f32
    %broadcast_in_dim3A_1 = vector.broadcast %broadcast_in_dim3A : f32 to vector<16xf32>
    %scan3A = arith.constant 0 : i32
    %scan3A_2 = arith.constant 40 : i32
    %scan3A_3 = arith.addi %scan3A, %scan3A_2 : i32
    %scan3A_4 = arith.constant 1 : i32
    scf.for %scan3A_169 = %scan3A to %scan3A_3 step %scan3A_4  : i32 {
      %mul3A_170 = arith.constant 1 : i32
      %mul3A_171 = arith.muli %scan3A_169, %mul3A_170 : i32
      %add3A_172 = arith.constant 0 : i32
      %add3A_173 = arith.addi %add3A_172, %mul3A_171 : i32
      %mul3A_174 = arith.constant 16 : i32
      %mul3A_175 = arith.muli %add3A_173, %mul3A_174 : i32
      %multiple_of3A_176 = tpu.assume_multiple %mul3A_175, 16 : i32
      %swap3A = arith.index_cast %multiple_of3A_176 : i32 to index
      %swap3A_177 = tpu.vector_load %arg6[%swap3A] {strides = array<i32>} : memref<640xf32, #tpu.memory_space<vmem>>, vector<16xf32>,
      tpu.vector_store %arg6[%swap3A], %broadcast_in_dim3A_1 {strides = array<i32>} : memref<640xf32, #tpu.memory_space<vmem>>, vector<16xf32>,
    }
    %scan3A_5 = arith.constant 40 : i32
    %scan3A_6 = arith.constant 0 : i32
    %scan3A_7 = arith.constant 10 : i32
    %scan3A_8 = arith.addi %scan3A_6, %scan3A_7 : i32
    %scan3A_9 = arith.constant 1 : i32
    scf.for %scan3A_169 = %scan3A_6 to %scan3A_8 step %scan3A_9  : i32 {
      %mul3A_170 = arith.constant 1 : i32
      %mul3A_171 = arith.muli %scan3A_169, %mul3A_170 : i32
      %add3A_172 = arith.constant 0 : i32
      %add3A_173 = arith.addi %add3A_172, %mul3A_171 : i32
      %mul3A_174 = arith.constant 16 : i32
      %mul3A_175 = arith.muli %add3A_173, %mul3A_174 : i32
      %multiple_of3A_176 = tpu.assume_multiple %mul3A_175, 16 : i32
      %swap3A = arith.index_cast %multiple_of3A_176 : i32 to index
      %swap3A_177 = tpu.vector_load %arg5[%swap3A] {strides = array<i32>} : memref<160xf32, #tpu.memory_space<vmem>>, vector<16xf32>,
      tpu.vector_store %arg5[%swap3A], %broadcast_in_dim3A_1 {strides = array<i32>} : memref<160xf32, #tpu.memory_space<vmem>>, vector<16xf32>,
    }
    %scan3A_10 = arith.constant 10 : i32
    %mul3A_11 = arith.constant 640 : i32
    %mul3A_12 = arith.muli %arg1, %mul3A_11 : i32
    %multiple_of3A = tpu.assume_multiple %mul3A_12, 640 : i32
    "tpu.region"() ({
      %run_scoped3A = tpu.sem_alloc : memref<!tpu.dma_semaphore, #tpu.memory_space<semaphore_mem>>
      %dma_start3A_169 = tpu.memref_slice %arg7[%multiple_of3A] : memref<10240xf32, #tpu.memory_space<vmem_shared>> -> memref<640xf32, #tpu.memory_space<vmem_shared>>
      %dma_start3A_170 = tpu.memref_slice %arg7[%multiple_of3A] : memref<10240xf32, #tpu.memory_space<vmem_shared>> -> memref<640xf32, #tpu.memory_space<vmem_shared>>
      tpu.enqueue_dma source(%arg6 : memref<640xf32, #tpu.memory_space<vmem>>) target(%dma_start3A_170 : memref<640xf32, #tpu.memory_space<vmem_shared>>) target_semaphore(%run_scoped3A : memref<!tpu.dma_semaphore, #tpu.memory_space<semaphore_mem>>)
      %dma_wait3A_171 = tpu.memref_slice %arg7[%multiple_of3A] : memref<10240xf32, #tpu.memory_space<vmem_shared>> -> memref<640xf32, #tpu.memory_space<vmem_shared>>
      %dma_wait3A_172 = tpu.memref_slice %arg7[%multiple_of3A] : memref<10240xf32, #tpu.memory_space<vmem_shared>> -> memref<640xf32, #tpu.memory_space<vmem_shared>>
      tpu.wait_dma2 semaphore(%run_scoped3A : memref<!tpu.dma_semaphore, #tpu.memory_space<semaphore_mem>>) src(%arg6 : memref<640xf32, #tpu.memory_space<vmem>>) dst(%dma_wait3A_172 : memref<640xf32, #tpu.memory_space<vmem_shared>>)
      tpu.yield
    }) : () -> ()
    %barrier3A = arith.constant 0 : index
    tpu.barrier barrier_id(%barrier3A)
    %dma_start3A = arith.constant 0 : i32
    %dma_start3A_13 = arith.constant 0 : i32
    %dma_start3A_14 = arith.constant 0 : i32
    %dma_start3A_15 = arith.constant 0 : i32
    %dma_start3A_16 = tpu.memref_slice %arg4[%dma_start3A_14, %dma_start3A_15] : memref<32x80xi32, #tpu.memory_space<vmem>> -> memref<8x80xi32, #tpu.memory_space<vmem>>
    %dma_start3A_17 = arith.constant 0 : i32
    %dma_start3A_18 = arith.constant 0 : i32
    %dma_start3A_19 = tpu.memref_slice %arg2[%add3A, %dma_start3A, %dma_start3A_17, %dma_start3A_18] : memref<32x125x8x80xi32, #tpu.memory_space<hbm>> -> memref<1x1x8x80xi32, #tpu.memory_space<hbm>>
    %dma_start3A_20 = tpu.memref_squeeze %dma_start3A_19 : memref<1x1x8x80xi32, #tpu.memory_space<hbm>> -> memref<8x80xi32, #tpu.memory_space<hbm>>
    %dma_start3A_21 = tpu.memref_slice %arg9[%dma_start3A_13] : memref<4x!tpu.dma_semaphore, #tpu.memory_space<semaphore_mem>> -> memref<1x!tpu.dma_semaphore, #tpu.memory_space<semaphore_mem>>
    %dma_start3A_22 = tpu.memref_squeeze %dma_start3A_21 : memref<1x!tpu.dma_semaphore, #tpu.memory_space<semaphore_mem>> -> memref<!tpu.dma_semaphore, #tpu.memory_space<semaphore_mem>>
    %dma_start3A_23 = arith.constant 0 : i32
    %dma_start3A_24 = arith.constant 0 : i32
    %dma_start3A_25 = tpu.memref_slice %arg4[%dma_start3A_23, %dma_start3A_24] : memref<32x80xi32, #tpu.memory_space<vmem>> -> memref<8x80xi32, #tpu.memory_space<vmem>>
    %dma_start3A_26 = arith.constant 0 : i32
    %dma_start3A_27 = arith.constant 0 : i32
    %dma_start3A_28 = tpu.memref_slice %arg2[%add3A, %dma_start3A, %dma_start3A_26, %dma_start3A_27] : memref<32x125x8x80xi32, #tpu.memory_space<hbm>> -> memref<1x1x8x80xi32, #tpu.memory_space<hbm>>
    %dma_start3A_29 = tpu.memref_squeeze %dma_start3A_28 : memref<1x1x8x80xi32, #tpu.memory_space<hbm>> -> memref<8x80xi32, #tpu.memory_space<hbm>>
    tpu.enqueue_dma source(%dma_start3A_29 : memref<8x80xi32, #tpu.memory_space<hbm>>) target(%dma_start3A_25 : memref<8x80xi32, #tpu.memory_space<vmem>>) target_semaphore(%dma_start3A_22 : memref<!tpu.dma_semaphore, #tpu.memory_space<semaphore_mem>>)
    %dma_start3A_30 = arith.constant 1 : i32
    %dma_start3A_31 = arith.constant 1 : i32
    %dma_start3A_32 = arith.constant 8 : i32
    %dma_start3A_33 = arith.constant 0 : i32
    %dma_start3A_34 = tpu.memref_slice %arg4[%dma_start3A_32, %dma_start3A_33] : memref<32x80xi32, #tpu.memory_space<vmem>> -> memref<8x80xi32, #tpu.memory_space<vmem>>
    %dma_start3A_35 = arith.constant 0 : i32
    %dma_start3A_36 = arith.constant 0 : i32
    %dma_start3A_37 = tpu.memref_slice %arg2[%add3A, %dma_start3A_30, %dma_start3A_35, %dma_start3A_36] : memref<32x125x8x80xi32, #tpu.memory_space<hbm>> -> memref<1x1x8x80xi32, #tpu.memory_space<hbm>>
    %dma_start3A_38 = tpu.memref_squeeze %dma_start3A_37 : memref<1x1x8x80xi32, #tpu.memory_space<hbm>> -> memref<8x80xi32, #tpu.memory_space<hbm>>
    %dma_start3A_39 = tpu.memref_slice %arg9[%dma_start3A_31] : memref<4x!tpu.dma_semaphore, #tpu.memory_space<semaphore_mem>> -> memref<1x!tpu.dma_semaphore, #tpu.memory_space<semaphore_mem>>
    %dma_start3A_40 = tpu.memref_squeeze %dma_start3A_39 : memref<1x!tpu.dma_semaphore, #tpu.memory_space<semaphore_mem>> -> memref<!tpu.dma_semaphore, #tpu.memory_space<semaphore_mem>>
    %dma_start3A_41 = arith.constant 8 : i32
    %dma_start3A_42 = arith.constant 0 : i32
    %dma_start3A_43 = tpu.memref_slice %arg4[%dma_start3A_41, %dma_start3A_42] : memref<32x80xi32, #tpu.memory_space<vmem>> -> memref<8x80xi32, #tpu.memory_space<vmem>>
    %dma_start3A_44 = arith.constant 0 : i32
    %dma_start3A_45 = arith.constant 0 : i32
    %dma_start3A_46 = tpu.memref_slice %arg2[%add3A, %dma_start3A_30, %dma_start3A_44, %dma_start3A_45] : memref<32x125x8x80xi32, #tpu.memory_space<hbm>> -> memref<1x1x8x80xi32, #tpu.memory_space<hbm>>
    %dma_start3A_47 = tpu.memref_squeeze %dma_start3A_46 : memref<1x1x8x80xi32, #tpu.memory_space<hbm>> -> memref<8x80xi32, #tpu.memory_space<hbm>>
    tpu.enqueue_dma source(%dma_start3A_47 : memref<8x80xi32, #tpu.memory_space<hbm>>) target(%dma_start3A_43 : memref<8x80xi32, #tpu.memory_space<vmem>>) target_semaphore(%dma_start3A_40 : memref<!tpu.dma_semaphore, #tpu.memory_space<semaphore_mem>>)
    %dma_start3A_48 = arith.constant 2 : i32
    %dma_start3A_49 = arith.constant 2 : i32
    %dma_start3A_50 = arith.constant 16 : i32
    %dma_start3A_51 = arith.constant 0 : i32
    %dma_start3A_52 = tpu.memref_slice %arg4[%dma_start3A_50, %dma_start3A_51] : memref<32x80xi32, #tpu.memory_space<vmem>> -> memref<8x80xi32, #tpu.memory_space<vmem>>
    %dma_start3A_53 = arith.constant 0 : i32
    %dma_start3A_54 = arith.constant 0 : i32
    %dma_start3A_55 = tpu.memref_slice %arg2[%add3A, %dma_start3A_48, %dma_start3A_53, %dma_start3A_54] : memref<32x125x8x80xi32, #tpu.memory_space<hbm>> -> memref<1x1x8x80xi32, #tpu.memory_space<hbm>>
    %dma_start3A_56 = tpu.memref_squeeze %dma_start3A_55 : memref<1x1x8x80xi32, #tpu.memory_space<hbm>> -> memref<8x80xi32, #tpu.memory_space<hbm>>
    %dma_start3A_57 = tpu.memref_slice %arg9[%dma_start3A_49] : memref<4x!tpu.dma_semaphore, #tpu.memory_space<semaphore_mem>> -> memref<1x!tpu.dma_semaphore, #tpu.memory_space<semaphore_mem>>
    %dma_start3A_58 = tpu.memref_squeeze %dma_start3A_57 : memref<1x!tpu.dma_semaphore, #tpu.memory_space<semaphore_mem>> -> memref<!tpu.dma_semaphore, #tpu.memory_space<semaphore_mem>>
    %dma_start3A_59 = arith.constant 16 : i32
    %dma_start3A_60 = arith.constant 0 : i32
    %dma_start3A_61 = tpu.memref_slice %arg4[%dma_start3A_59, %dma_start3A_60] : memref<32x80xi32, #tpu.memory_space<vmem>> -> memref<8x80xi32, #tpu.memory_space<vmem>>
    %dma_start3A_62 = arith.constant 0 : i32
    %dma_start3A_63 = arith.constant 0 : i32
    %dma_start3A_64 = tpu.memref_slice %arg2[%add3A, %dma_start3A_48, %dma_start3A_62, %dma_start3A_63] : memref<32x125x8x80xi32, #tpu.memory_space<hbm>> -> memref<1x1x8x80xi32, #tpu.memory_space<hbm>>
    %dma_start3A_65 = tpu.memref_squeeze %dma_start3A_64 : memref<1x1x8x80xi32, #tpu.memory_space<hbm>> -> memref<8x80xi32, #tpu.memory_space<hbm>>
    tpu.enqueue_dma source(%dma_start3A_65 : memref<8x80xi32, #tpu.memory_space<hbm>>) target(%dma_start3A_61 : memref<8x80xi32, #tpu.memory_space<vmem>>) target_semaphore(%dma_start3A_58 : memref<!tpu.dma_semaphore, #tpu.memory_space<semaphore_mem>>)
    %dma_start3A_66 = arith.constant 3 : i32
    %dma_start3A_67 = arith.constant 3 : i32
    %dma_start3A_68 = arith.constant 24 : i32
    %dma_start3A_69 = arith.constant 0 : i32
    %dma_start3A_70 = tpu.memref_slice %arg4[%dma_start3A_68, %dma_start3A_69] : memref<32x80xi32, #tpu.memory_space<vmem>> -> memref<8x80xi32, #tpu.memory_space<vmem>>
    %dma_start3A_71 = arith.constant 0 : i32
    %dma_start3A_72 = arith.constant 0 : i32
    %dma_start3A_73 = tpu.memref_slice %arg2[%add3A, %dma_start3A_66, %dma_start3A_71, %dma_start3A_72] : memref<32x125x8x80xi32, #tpu.memory_space<hbm>> -> memref<1x1x8x80xi32, #tpu.memory_space<hbm>>
    %dma_start3A_74 = tpu.memref_squeeze %dma_start3A_73 : memref<1x1x8x80xi32, #tpu.memory_space<hbm>> -> memref<8x80xi32, #tpu.memory_space<hbm>>
    %dma_start3A_75 = tpu.memref_slice %arg9[%dma_start3A_67] : memref<4x!tpu.dma_semaphore, #tpu.memory_space<semaphore_mem>> -> memref<1x!tpu.dma_semaphore, #tpu.memory_space<semaphore_mem>>
    %dma_start3A_76 = tpu.memref_squeeze %dma_start3A_75 : memref<1x!tpu.dma_semaphore, #tpu.memory_space<semaphore_mem>> -> memref<!tpu.dma_semaphore, #tpu.memory_space<semaphore_mem>>
    %dma_start3A_77 = arith.constant 24 : i32
    %dma_start3A_78 = arith.constant 0 : i32
    %dma_start3A_79 = tpu.memref_slice %arg4[%dma_start3A_77, %dma_start3A_78] : memref<32x80xi32, #tpu.memory_space<vmem>> -> memref<8x80xi32, #tpu.memory_space<vmem>>
    %dma_start3A_80 = arith.constant 0 : i32
    %dma_start3A_81 = arith.constant 0 : i32
    %dma_start3A_82 = tpu.memref_slice %arg2[%add3A, %dma_start3A_66, %dma_start3A_80, %dma_start3A_81] : memref<32x125x8x80xi32, #tpu.memory_space<hbm>> -> memref<1x1x8x80xi32, #tpu.memory_space<hbm>>
    %dma_start3A_83 = tpu.memref_squeeze %dma_start3A_82 : memref<1x1x8x80xi32, #tpu.memory_space<hbm>> -> memref<8x80xi32, #tpu.memory_space<hbm>>
    tpu.enqueue_dma source(%dma_start3A_83 : memref<8x80xi32, #tpu.memory_space<hbm>>) target(%dma_start3A_79 : memref<8x80xi32, #tpu.memory_space<vmem>>) target_semaphore(%dma_start3A_76 : memref<!tpu.dma_semaphore, #tpu.memory_space<semaphore_mem>>)
    %dma_wait3A = arith.constant 0 : i32
    %dma_wait3A_84 = arith.constant 0 : i32
    %dma_wait3A_85 = arith.constant 0 : i32
    %dma_wait3A_86 = arith.constant 0 : i32
    %dma_wait3A_87 = tpu.memref_slice %arg4[%dma_wait3A_85, %dma_wait3A_86] : memref<32x80xi32, #tpu.memory_space<vmem>> -> memref<8x80xi32, #tpu.memory_space<vmem>>
    %dma_wait3A_88 = arith.constant 0 : i32
    %dma_wait3A_89 = arith.constant 0 : i32
    %dma_wait3A_90 = tpu.memref_slice %arg2[%add3A, %dma_wait3A, %dma_wait3A_88, %dma_wait3A_89] : memref<32x125x8x80xi32, #tpu.memory_space<hbm>> -> memref<1x1x8x80xi32, #tpu.memory_space<hbm>>
    %dma_wait3A_91 = tpu.memref_squeeze %dma_wait3A_90 : memref<1x1x8x80xi32, #tpu.memory_space<hbm>> -> memref<8x80xi32, #tpu.memory_space<hbm>>
    %dma_wait3A_92 = tpu.memref_slice %arg9[%dma_wait3A_84] : memref<4x!tpu.dma_semaphore, #tpu.memory_space<semaphore_mem>> -> memref<1x!tpu.dma_semaphore, #tpu.memory_space<semaphore_mem>>
    %dma_wait3A_93 = tpu.memref_squeeze %dma_wait3A_92 : memref<1x!tpu.dma_semaphore, #tpu.memory_space<semaphore_mem>> -> memref<!tpu.dma_semaphore, #tpu.memory_space<semaphore_mem>>
    %dma_wait3A_94 = arith.constant 0 : i32
    %dma_wait3A_95 = arith.constant 0 : i32
    %dma_wait3A_96 = tpu.memref_slice %arg4[%dma_wait3A_94, %dma_wait3A_95] : memref<32x80xi32, #tpu.memory_space<vmem>> -> memref<8x80xi32, #tpu.memory_space<vmem>>
    %dma_wait3A_97 = arith.constant 0 : i32
    %dma_wait3A_98 = arith.constant 0 : i32
    %dma_wait3A_99 = tpu.memref_slice %arg2[%add3A, %dma_wait3A, %dma_wait3A_97, %dma_wait3A_98] : memref<32x125x8x80xi32, #tpu.memory_space<hbm>> -> memref<1x1x8x80xi32, #tpu.memory_space<hbm>>
    %dma_wait3A_100 = tpu.memref_squeeze %dma_wait3A_99 : memref<1x1x8x80xi32, #tpu.memory_space<hbm>> -> memref<8x80xi32, #tpu.memory_space<hbm>>
    tpu.wait_dma2 semaphore(%dma_wait3A_93 : memref<!tpu.dma_semaphore, #tpu.memory_space<semaphore_mem>>) src(%dma_wait3A_100 : memref<8x80xi32, #tpu.memory_space<hbm>>) dst(%dma_wait3A_96 : memref<8x80xi32, #tpu.memory_space<vmem>>)
    %dma_start3A_101 = arith.constant 1 : i32
    %dma_start3A_102 = arith.constant 0 : i32
    %dma_start3A_103 = arith.constant 0 : i32
    %dma_start3A_104 = tpu.memref_slice %arg5[%dma_start3A_103] : memref<160xf32, #tpu.memory_space<vmem>> -> memref<80xf32, #tpu.memory_space<vmem>>
    %dma_start3A_105 = arith.constant 0 : i32
    %dma_start3A_106 = tpu.memref_slice %arg4[%dma_start3A_101, %dma_start3A_105] : memref<32x80xi32, #tpu.memory_space<vmem>> -> memref<1x80xi32, #tpu.memory_space<vmem>>
    %dma_start3A_107 = tpu.memref_squeeze %dma_start3A_106 : memref<1x80xi32, #tpu.memory_space<vmem>> -> memref<80xi32, #tpu.memory_space<vmem>>
    %dma_start3A_108 = arith.constant 0 : i32
    %dma_start3A_109 = tpu.memref_slice %arg7[%dma_start3A_108] : memref<10240xf32, #tpu.memory_space<vmem_shared>> -> memref<10240xf32, #tpu.memory_space<vmem_shared>>
    %dma_start3A_110 = tpu.memref_slice %arg8[%dma_start3A_102] : memref<2x!tpu.dma_semaphore, #tpu.memory_space<semaphore_mem>> -> memref<1x!tpu.dma_semaphore, #tpu.memory_space<semaphore_mem>>
    %dma_start3A_111 = tpu.memref_squeeze %dma_start3A_110 : memref<1x!tpu.dma_semaphore, #tpu.memory_space<semaphore_mem>> -> memref<!tpu.dma_semaphore, #tpu.memory_space<semaphore_mem>>
    tpu.enqueue_indirect_dma source(%dma_start3A_104 : memref<80xf32, #tpu.memory_space<vmem>>) target(%dma_start3A_109 : memref<10240xf32, #tpu.memory_space<vmem_shared>>) offsets(%dma_start3A_107 : memref<80xi32, #tpu.memory_space<vmem>>) semaphore(%dma_start3A_111 : memref<!tpu.dma_semaphore, #tpu.memory_space<semaphore_mem>>) {add = true}
    %dma_wait3A_112 = arith.constant 1 : i32
    %dma_wait3A_113 = arith.constant 1 : i32
    %dma_wait3A_114 = arith.constant 8 : i32
    %dma_wait3A_115 = arith.constant 0 : i32
    %dma_wait3A_116 = tpu.memref_slice %arg4[%dma_wait3A_114, %dma_wait3A_115] : memref<32x80xi32, #tpu.memory_space<vmem>> -> memref<8x80xi32, #tpu.memory_space<vmem>>
    %dma_wait3A_117 = arith.constant 0 : i32
    %dma_wait3A_118 = arith.constant 0 : i32
    %dma_wait3A_119 = tpu.memref_slice %arg2[%add3A, %dma_wait3A_112, %dma_wait3A_117, %dma_wait3A_118] : memref<32x125x8x80xi32, #tpu.memory_space<hbm>> -> memref<1x1x8x80xi32, #tpu.memory_space<hbm>>
    %dma_wait3A_120 = tpu.memref_squeeze %dma_wait3A_119 : memref<1x1x8x80xi32, #tpu.memory_space<hbm>> -> memref<8x80xi32, #tpu.memory_space<hbm>>
    %dma_wait3A_121 = tpu.memref_slice %arg9[%dma_wait3A_113] : memref<4x!tpu.dma_semaphore, #tpu.memory_space<semaphore_mem>> -> memref<1x!tpu.dma_semaphore, #tpu.memory_space<semaphore_mem>>
    %dma_wait3A_122 = tpu.memref_squeeze %dma_wait3A_121 : memref<1x!tpu.dma_semaphore, #tpu.memory_space<semaphore_mem>> -> memref<!tpu.dma_semaphore, #tpu.memory_space<semaphore_mem>>
    %dma_wait3A_123 = arith.constant 8 : i32
    %dma_wait3A_124 = arith.constant 0 : i32
    %dma_wait3A_125 = tpu.memref_slice %arg4[%dma_wait3A_123, %dma_wait3A_124] : memref<32x80xi32, #tpu.memory_space<vmem>> -> memref<8x80xi32, #tpu.memory_space<vmem>>
    %dma_wait3A_126 = arith.constant 0 : i32
    %dma_wait3A_127 = arith.constant 0 : i32
    %dma_wait3A_128 = tpu.memref_slice %arg2[%add3A, %dma_wait3A_112, %dma_wait3A_126, %dma_wait3A_127] : memref<32x125x8x80xi32, #tpu.memory_space<hbm>> -> memref<1x1x8x80xi32, #tpu.memory_space<hbm>>
    %dma_wait3A_129 = tpu.memref_squeeze %dma_wait3A_128 : memref<1x1x8x80xi32, #tpu.memory_space<hbm>> -> memref<8x80xi32, #tpu.memory_space<hbm>>
    tpu.wait_dma2 semaphore(%dma_wait3A_122 : memref<!tpu.dma_semaphore, #tpu.memory_space<semaphore_mem>>) src(%dma_wait3A_129 : memref<8x80xi32, #tpu.memory_space<hbm>>) dst(%dma_wait3A_125 : memref<8x80xi32, #tpu.memory_space<vmem>>)
    %dma_start3A_130 = arith.constant 9 : i32
    %dma_start3A_131 = arith.constant 1 : i32
    %dma_start3A_132 = arith.constant 80 : i32
    %dma_start3A_133 = tpu.memref_slice %arg5[%dma_start3A_132] : memref<160xf32, #tpu.memory_space<vmem>> -> memref<80xf32, #tpu.memory_space<vmem>>
    %dma_start3A_134 = arith.constant 0 : i32
    %dma_start3A_135 = tpu.memref_slice %arg4[%dma_start3A_130, %dma_start3A_134] : memref<32x80xi32, #tpu.memory_space<vmem>> -> memref<1x80xi32, #tpu.memory_space<vmem>>
    %dma_start3A_136 = tpu.memref_squeeze %dma_start3A_135 : memref<1x80xi32, #tpu.memory_space<vmem>> -> memref<80xi32, #tpu.memory_space<vmem>>
    %dma_start3A_137 = arith.constant 0 : i32
    %dma_start3A_138 = tpu.memref_slice %arg7[%dma_start3A_137] : memref<10240xf32, #tpu.memory_space<vmem_shared>> -> memref<10240xf32, #tpu.memory_space<vmem_shared>>
    %dma_start3A_139 = tpu.memref_slice %arg8[%dma_start3A_131] : memref<2x!tpu.dma_semaphore, #tpu.memory_space<semaphore_mem>> -> memref<1x!tpu.dma_semaphore, #tpu.memory_space<semaphore_mem>>
    %dma_start3A_140 = tpu.memref_squeeze %dma_start3A_139 : memref<1x!tpu.dma_semaphore, #tpu.memory_space<semaphore_mem>> -> memref<!tpu.dma_semaphore, #tpu.memory_space<semaphore_mem>>
    tpu.enqueue_indirect_dma source(%dma_start3A_133 : memref<80xf32, #tpu.memory_space<vmem>>) target(%dma_start3A_138 : memref<10240xf32, #tpu.memory_space<vmem_shared>>) offsets(%dma_start3A_136 : memref<80xi32, #tpu.memory_space<vmem>>) semaphore(%dma_start3A_140 : memref<!tpu.dma_semaphore, #tpu.memory_space<semaphore_mem>>) {add = true}
    %scan3A_141 = arith.constant 0 : i32
    %scan3A_142 = arith.constant 125 : i32
    %scan3A_143 = arith.addi %scan3A_141, %scan3A_142 : i32
    %scan3A_144 = arith.constant 1 : i32
    scf.for %scan3A_169 = %scan3A_141 to %scan3A_143 step %scan3A_144  : i32 {
      %mul3A_170 = arith.constant 1 : i32
      %mul3A_171 = arith.muli %scan3A_169, %mul3A_170 : i32
      %add3A_172 = arith.constant 0 : i32
      %add3A_173 = arith.addi %add3A_172, %mul3A_171 : i32
      %jit3A = arith.constant 4 : i32
      %eq3A = arith.constant 0 : i32
      %eq3A_174 = arith.cmpi eq, %jit3A, %eq3A : i32
      %jit3A_175 = arith.constant 1 : i32
      %select_n3A = arith.select %eq3A_174, %jit3A_175, %jit3A : i32
      %rem3A = arith.remsi %add3A_173, %select_n3A : i32
      %ne3A = arith.constant 0 : i32
      %ne3A_176 = arith.cmpi ne, %rem3A, %ne3A : i32
      %lt3A = arith.constant 0 : i32
      %lt3A_177 = arith.cmpi slt, %rem3A, %lt3A : i32
      %lt3A_178 = arith.constant 0 : i32
      %lt3A_179 = arith.cmpi slt, %select_n3A, %lt3A_178 : i32
      %ne3A_180 = arith.xori %lt3A_177, %lt3A_179 : i1
      %and3A = arith.andi %ne3A_180, %ne3A_176 : i1
      %add3A_181 = arith.addi %rem3A, %select_n3A : i32
      %select_n3A_182 = arith.select %and3A, %add3A_181, %rem3A : i32
      %jit3A_183 = arith.constant 2 : i32
      %eq3A_184 = arith.constant 0 : i32
      %eq3A_185 = arith.cmpi eq, %jit3A_183, %eq3A_184 : i32
      %jit3A_186 = arith.constant 1 : i32
      %select_n3A_187 = arith.select %eq3A_185, %jit3A_186, %jit3A_183 : i32
      %rem3A_188 = arith.remsi %add3A_173, %select_n3A_187 : i32
      %ne3A_189 = arith.constant 0 : i32
      %ne3A_190 = arith.cmpi ne, %rem3A_188, %ne3A_189 : i32
      %lt3A_191 = arith.constant 0 : i32
      %lt3A_192 = arith.cmpi slt, %rem3A_188, %lt3A_191 : i32
      %lt3A_193 = arith.constant 0 : i32
      %lt3A_194 = arith.cmpi slt, %select_n3A_187, %lt3A_193 : i32
      %ne3A_195 = arith.xori %lt3A_192, %lt3A_194 : i1
      %and3A_196 = arith.andi %ne3A_195, %ne3A_190 : i1
      %add3A_197 = arith.addi %rem3A_188, %select_n3A_187 : i32
      %select_n3A_198 = arith.select %and3A_196, %add3A_197, %rem3A_188 : i32
      %mul3A_199 = arith.constant 8 : i32
      %mul3A_200 = arith.muli %select_n3A_182, %mul3A_199 : i32
      %mul3A_201 = arith.constant 80 : i32
      %mul3A_202 = arith.muli %select_n3A_198, %mul3A_201 : i32
      %ge3A = arith.constant 2 : i32
      %ge3A_203 = arith.cmpi sge, %add3A_173, %ge3A : i32
      %convert_element_type3A = arith.extui %ge3A_203 : i1 to i32
      %cond3A = arith.constant 0 : i32
      %cond3A_204 = arith.cmpi ne, %convert_element_type3A, %cond3A : i32
      scf.if %cond3A_204 {
        %mul3A_237 = arith.constant 8 : i32
        %mul3A_238 = arith.muli %select_n3A_182, %mul3A_237 : i32
        %dma_wait3A_239 = arith.constant 0 : i32
        %dma_wait3A_240 = arith.constant 0 : i32
        %dma_wait3A_241 = tpu.memref_slice %arg4[%mul3A_238, %dma_wait3A_240] : memref<32x80xi32, #tpu.memory_space<vmem>> -> memref<8x80xi32, #tpu.memory_space<vmem>>
        %dma_wait3A_242 = arith.constant 0 : i32
        %dma_wait3A_243 = arith.constant 0 : i32
        %dma_wait3A_244 = tpu.memref_slice %arg2[%add3A, %dma_wait3A_239, %dma_wait3A_242, %dma_wait3A_243] : memref<32x125x8x80xi32, #tpu.memory_space<hbm>> -> memref<1x1x8x80xi32, #tpu.memory_space<hbm>>
        %dma_wait3A_245 = tpu.memref_squeeze %dma_wait3A_244 : memref<1x1x8x80xi32, #tpu.memory_space<hbm>> -> memref<8x80xi32, #tpu.memory_space<hbm>>
        %dma_wait3A_246 = tpu.memref_slice %arg9[%select_n3A_182] : memref<4x!tpu.dma_semaphore, #tpu.memory_space<semaphore_mem>> -> memref<1x!tpu.dma_semaphore, #tpu.memory_space<semaphore_mem>>
        %dma_wait3A_247 = tpu.memref_squeeze %dma_wait3A_246 : memref<1x!tpu.dma_semaphore, #tpu.memory_space<semaphore_mem>> -> memref<!tpu.dma_semaphore, #tpu.memory_space<semaphore_mem>>
        %dma_wait3A_248 = arith.constant 0 : i32
        %dma_wait3A_249 = tpu.memref_slice %arg4[%mul3A_238, %dma_wait3A_248] : memref<32x80xi32, #tpu.memory_space<vmem>> -> memref<8x80xi32, #tpu.memory_space<vmem>>
        %dma_wait3A_250 = arith.constant 0 : i32
        %dma_wait3A_251 = arith.constant 0 : i32
        %dma_wait3A_252 = tpu.memref_slice %arg2[%add3A, %dma_wait3A_239, %dma_wait3A_250, %dma_wait3A_251] : memref<32x125x8x80xi32, #tpu.memory_space<hbm>> -> memref<1x1x8x80xi32, #tpu.memory_space<hbm>>
        %dma_wait3A_253 = tpu.memref_squeeze %dma_wait3A_252 : memref<1x1x8x80xi32, #tpu.memory_space<hbm>> -> memref<8x80xi32, #tpu.memory_space<hbm>>
        tpu.wait_dma2 semaphore(%dma_wait3A_247 : memref<!tpu.dma_semaphore, #tpu.memory_space<semaphore_mem>>) src(%dma_wait3A_253 : memref<8x80xi32, #tpu.memory_space<hbm>>) dst(%dma_wait3A_249 : memref<8x80xi32, #tpu.memory_space<vmem>>)
      } else {
      }
      %add3A_205 = arith.constant 1 : i32
      %add3A_206 = arith.addi %mul3A_200, %add3A_205 : i32
      %dma_wait3A_207 = tpu.memref_slice %arg5[%mul3A_202] : memref<160xf32, #tpu.memory_space<vmem>> -> memref<80xf32, #tpu.memory_space<vmem>>
      %dma_wait3A_208 = arith.constant 0 : i32
      %dma_wait3A_209 = tpu.memref_slice %arg4[%add3A_206, %dma_wait3A_208] : memref<32x80xi32, #tpu.memory_space<vmem>> -> memref<1x80xi32, #tpu.memory_space<vmem>>
      %dma_wait3A_210 = tpu.memref_squeeze %dma_wait3A_209 : memref<1x80xi32, #tpu.memory_space<vmem>> -> memref<80xi32, #tpu.memory_space<vmem>>
      %dma_wait3A_211 = arith.constant 0 : i32
      %dma_wait3A_212 = tpu.memref_slice %arg7[%dma_wait3A_211] : memref<10240xf32, #tpu.memory_space<vmem_shared>> -> memref<10240xf32, #tpu.memory_space<vmem_shared>>
      %dma_wait3A_213 = tpu.memref_slice %arg8[%select_n3A_198] : memref<2x!tpu.dma_semaphore, #tpu.memory_space<semaphore_mem>> -> memref<1x!tpu.dma_semaphore, #tpu.memory_space<semaphore_mem>>
      %dma_wait3A_214 = tpu.memref_squeeze %dma_wait3A_213 : memref<1x!tpu.dma_semaphore, #tpu.memory_space<semaphore_mem>> -> memref<!tpu.dma_semaphore, #tpu.memory_space<semaphore_mem>>
      tpu.wait_indirect_dma semaphore(%dma_wait3A_214 : memref<!tpu.dma_semaphore, #tpu.memory_space<semaphore_mem>>) src(%dma_wait3A_207 : memref<80xf32, #tpu.memory_space<vmem>>) dst(%dma_wait3A_212 : memref<10240xf32, #tpu.memory_space<vmem_shared>>)
      %scan3A_215 = arith.constant 0 : i32
      %scan3A_216 = arith.constant 5 : i32
      %scan3A_217 = arith.addi %scan3A_215, %scan3A_216 : i32
      %scan3A_218 = arith.constant 1 : i32
      scf.for %scan3A_237 = %scan3A_215 to %scan3A_217 step %scan3A_218  : i32 {
        %mul3A_238 = arith.constant 1 : i32
        %mul3A_239 = arith.muli %scan3A_237, %mul3A_238 : i32
        %add3A_240 = arith.constant 0 : i32
        %add3A_241 = arith.addi %add3A_240, %mul3A_239 : i32
        %mul3A_242 = arith.constant 16 : i32
        %mul3A_243 = arith.muli %add3A_241, %mul3A_242 : i32
        %multiple_of3A_244 = tpu.assume_multiple %mul3A_243, 16 : i32
        %add3A_245 = arith.constant 2 : i32
        %add3A_246 = arith.addi %mul3A_200, %add3A_245 : i32
        %get3A = arith.index_cast %add3A_246 : i32 to index
        %get3A_247 = arith.index_cast %multiple_of3A_244 : i32 to index
        %get3A_248 = tpu.vector_load %arg4[%get3A, %get3A_247] {strides = array<i32>} : memref<32x80xi32, #tpu.memory_space<vmem>>, vector<16xi32>,
        %bitcast3A = vector.bitcast %get3A_248 : vector<16xi32> to vector<16xf32>
        %swap3A = tpu.memref_slice %arg5[%mul3A_202] : memref<160xf32, #tpu.memory_space<vmem>> -> memref<80xf32, #tpu.memory_space<vmem>>
        %swap3A_249 = arith.index_cast %multiple_of3A_244 : i32 to index
        %swap3A_250 = tpu.vector_load %swap3A[%swap3A_249] {strides = array<i32>} : memref<80xf32, #tpu.memory_space<vmem>>, vector<16xf32>,
        tpu.vector_store %swap3A[%swap3A_249], %bitcast3A {strides = array<i32>} : memref<80xf32, #tpu.memory_space<vmem>>, vector<16xf32>,
      }
      %scan3A_219 = arith.constant 5 : i32
      %add3A_220 = arith.constant 1 : i32
      %add3A_221 = arith.addi %mul3A_200, %add3A_220 : i32
      %dma_start3A_222 = tpu.memref_slice %arg5[%mul3A_202] : memref<160xf32, #tpu.memory_space<vmem>> -> memref<80xf32, #tpu.memory_space<vmem>>
      %dma_start3A_223 = arith.constant 0 : i32
      %dma_start3A_224 = tpu.memref_slice %arg4[%add3A_221, %dma_start3A_223] : memref<32x80xi32, #tpu.memory_space<vmem>> -> memref<1x80xi32, #tpu.memory_space<vmem>>
      %dma_start3A_225 = tpu.memref_squeeze %dma_start3A_224 : memref<1x80xi32, #tpu.memory_space<vmem>> -> memref<80xi32, #tpu.memory_space<vmem>>
      %dma_start3A_226 = arith.constant 0 : i32
      %dma_start3A_227 = tpu.memref_slice %arg7[%dma_start3A_226] : memref<10240xf32, #tpu.memory_space<vmem_shared>> -> memref<10240xf32, #tpu.memory_space<vmem_shared>>
      %dma_start3A_228 = tpu.memref_slice %arg8[%select_n3A_198] : memref<2x!tpu.dma_semaphore, #tpu.memory_space<semaphore_mem>> -> memref<1x!tpu.dma_semaphore, #tpu.memory_space<semaphore_mem>>
      %dma_start3A_229 = tpu.memref_squeeze %dma_start3A_228 : memref<1x!tpu.dma_semaphore, #tpu.memory_space<semaphore_mem>> -> memref<!tpu.dma_semaphore, #tpu.memory_space<semaphore_mem>>
      tpu.enqueue_indirect_dma source(%dma_start3A_222 : memref<80xf32, #tpu.memory_space<vmem>>) target(%dma_start3A_227 : memref<10240xf32, #tpu.memory_space<vmem_shared>>) offsets(%dma_start3A_225 : memref<80xi32, #tpu.memory_space<vmem>>) semaphore(%dma_start3A_229 : memref<!tpu.dma_semaphore, #tpu.memory_space<semaphore_mem>>) {add = true}
      %add3A_230 = arith.constant 4 : i32
      %add3A_231 = arith.addi %add3A_173, %add3A_230 : i32
      %lt3A_232 = arith.constant 125 : i32
      %lt3A_233 = arith.cmpi slt, %add3A_231, %lt3A_232 : i32
      %convert_element_type3A_234 = arith.extui %lt3A_233 : i1 to i32
      %cond3A_235 = arith.constant 0 : i32
      %cond3A_236 = arith.cmpi ne, %convert_element_type3A_234, %cond3A_235 : i32
      scf.if %cond3A_236 {
        %add3A_237 = arith.constant 4 : i32
        %add3A_238 = arith.addi %add3A_173, %add3A_237 : i32
        %mul3A_239 = arith.constant 8 : i32
        %mul3A_240 = arith.muli %select_n3A_182, %mul3A_239 : i32
        %dma_start3A_241 = arith.constant 0 : i32
        %dma_start3A_242 = tpu.memref_slice %arg4[%mul3A_240, %dma_start3A_241] : memref<32x80xi32, #tpu.memory_space<vmem>> -> memref<8x80xi32, #tpu.memory_space<vmem>>
        %dma_start3A_243 = arith.constant 0 : i32
        %dma_start3A_244 = arith.constant 0 : i32
        %dma_start3A_245 = tpu.memref_slice %arg2[%add3A, %add3A_238, %dma_start3A_243, %dma_start3A_244] : memref<32x125x8x80xi32, #tpu.memory_space<hbm>> -> memref<1x1x8x80xi32, #tpu.memory_space<hbm>>
        %dma_start3A_246 = tpu.memref_squeeze %dma_start3A_245 : memref<1x1x8x80xi32, #tpu.memory_space<hbm>> -> memref<8x80xi32, #tpu.memory_space<hbm>>
        %dma_start3A_247 = tpu.memref_slice %arg9[%select_n3A_182] : memref<4x!tpu.dma_semaphore, #tpu.memory_space<semaphore_mem>> -> memref<1x!tpu.dma_semaphore, #tpu.memory_space<semaphore_mem>>
        %dma_start3A_248 = tpu.memref_squeeze %dma_start3A_247 : memref<1x!tpu.dma_semaphore, #tpu.memory_space<semaphore_mem>> -> memref<!tpu.dma_semaphore, #tpu.memory_space<semaphore_mem>>
        %dma_start3A_249 = arith.constant 0 : i32
        %dma_start3A_250 = tpu.memref_slice %arg4[%mul3A_240, %dma_start3A_249] : memref<32x80xi32, #tpu.memory_space<vmem>> -> memref<8x80xi32, #tpu.memory_space<vmem>>
        %dma_start3A_251 = arith.constant 0 : i32
        %dma_start3A_252 = arith.constant 0 : i32
        %dma_start3A_253 = tpu.memref_slice %arg2[%add3A, %add3A_238, %dma_start3A_251, %dma_start3A_252] : memref<32x125x8x80xi32, #tpu.memory_space<hbm>> -> memref<1x1x8x80xi32, #tpu.memory_space<hbm>>
        %dma_start3A_254 = tpu.memref_squeeze %dma_start3A_253 : memref<1x1x8x80xi32, #tpu.memory_space<hbm>> -> memref<8x80xi32, #tpu.memory_space<hbm>>
        tpu.enqueue_dma source(%dma_start3A_254 : memref<8x80xi32, #tpu.memory_space<hbm>>) target(%dma_start3A_250 : memref<8x80xi32, #tpu.memory_space<vmem>>) target_semaphore(%dma_start3A_248 : memref<!tpu.dma_semaphore, #tpu.memory_space<semaphore_mem>>)
      } else {
      }
    }
    %scan3A_145 = arith.constant 125 : i32
    %dma_wait3A_146 = arith.constant 1 : i32
    %dma_wait3A_147 = arith.constant 0 : i32
    %dma_wait3A_148 = arith.constant 0 : i32
    %dma_wait3A_149 = tpu.memref_slice %arg5[%dma_wait3A_148] : memref<160xf32, #tpu.memory_space<vmem>> -> memref<80xf32, #tpu.memory_space<vmem>>
    %dma_wait3A_150 = arith.constant 0 : i32
    %dma_wait3A_151 = tpu.memref_slice %arg4[%dma_wait3A_146, %dma_wait3A_150] : memref<32x80xi32, #tpu.memory_space<vmem>> -> memref<1x80xi32, #tpu.memory_space<vmem>>
    %dma_wait3A_152 = tpu.memref_squeeze %dma_wait3A_151 : memref<1x80xi32, #tpu.memory_space<vmem>> -> memref<80xi32, #tpu.memory_space<vmem>>
    %dma_wait3A_153 = arith.constant 0 : i32
    %dma_wait3A_154 = tpu.memref_slice %arg7[%dma_wait3A_153] : memref<10240xf32, #tpu.memory_space<vmem_shared>> -> memref<10240xf32, #tpu.memory_space<vmem_shared>>
    %dma_wait3A_155 = tpu.memref_slice %arg8[%dma_wait3A_147] : memref<2x!tpu.dma_semaphore, #tpu.memory_space<semaphore_mem>> -> memref<1x!tpu.dma_semaphore, #tpu.memory_space<semaphore_mem>>
    %dma_wait3A_156 = tpu.memref_squeeze %dma_wait3A_155 : memref<1x!tpu.dma_semaphore, #tpu.memory_space<semaphore_mem>> -> memref<!tpu.dma_semaphore, #tpu.memory_space<semaphore_mem>>
    tpu.wait_indirect_dma semaphore(%dma_wait3A_156 : memref<!tpu.dma_semaphore, #tpu.memory_space<semaphore_mem>>) src(%dma_wait3A_149 : memref<80xf32, #tpu.memory_space<vmem>>) dst(%dma_wait3A_154 : memref<10240xf32, #tpu.memory_space<vmem_shared>>)
    %dma_wait3A_157 = arith.constant 9 : i32
    %dma_wait3A_158 = arith.constant 1 : i32
    %dma_wait3A_159 = arith.constant 80 : i32
    %dma_wait3A_160 = tpu.memref_slice %arg5[%dma_wait3A_159] : memref<160xf32, #tpu.memory_space<vmem>> -> memref<80xf32, #tpu.memory_space<vmem>>
    %dma_wait3A_161 = arith.constant 0 : i32
    %dma_wait3A_162 = tpu.memref_slice %arg4[%dma_wait3A_157, %dma_wait3A_161] : memref<32x80xi32, #tpu.memory_space<vmem>> -> memref<1x80xi32, #tpu.memory_space<vmem>>
    %dma_wait3A_163 = tpu.memref_squeeze %dma_wait3A_162 : memref<1x80xi32, #tpu.memory_space<vmem>> -> memref<80xi32, #tpu.memory_space<vmem>>
    %dma_wait3A_164 = arith.constant 0 : i32
    %dma_wait3A_165 = tpu.memref_slice %arg7[%dma_wait3A_164] : memref<10240xf32, #tpu.memory_space<vmem_shared>> -> memref<10240xf32, #tpu.memory_space<vmem_shared>>
    %dma_wait3A_166 = tpu.memref_slice %arg8[%dma_wait3A_158] : memref<2x!tpu.dma_semaphore, #tpu.memory_space<semaphore_mem>> -> memref<1x!tpu.dma_semaphore, #tpu.memory_space<semaphore_mem>>
    %dma_wait3A_167 = tpu.memref_squeeze %dma_wait3A_166 : memref<1x!tpu.dma_semaphore, #tpu.memory_space<semaphore_mem>> -> memref<!tpu.dma_semaphore, #tpu.memory_space<semaphore_mem>>
    tpu.wait_indirect_dma semaphore(%dma_wait3A_167 : memref<!tpu.dma_semaphore, #tpu.memory_space<semaphore_mem>>) src(%dma_wait3A_160 : memref<80xf32, #tpu.memory_space<vmem>>) dst(%dma_wait3A_165 : memref<10240xf32, #tpu.memory_space<vmem_shared>>)
    %barrier3A_168 = arith.constant 0 : index
    tpu.barrier barrier_id(%barrier3A_168)
    "tpu.region"() ({
      %run_scoped3A = tpu.sem_alloc : memref<!tpu.dma_semaphore, #tpu.memory_space<semaphore_mem>>
      %dma_start3A_169 = tpu.memref_slice %arg7[%multiple_of3A] : memref<10240xf32, #tpu.memory_space<vmem_shared>> -> memref<640xf32, #tpu.memory_space<vmem_shared>>
      %dma_start3A_170 = tpu.memref_slice %arg7[%multiple_of3A] : memref<10240xf32, #tpu.memory_space<vmem_shared>> -> memref<640xf32, #tpu.memory_space<vmem_shared>>
      tpu.enqueue_dma source(%dma_start3A_170 : memref<640xf32, #tpu.memory_space<vmem_shared>>) target(%arg6 : memref<640xf32, #tpu.memory_space<vmem>>) target_semaphore(%run_scoped3A : memref<!tpu.dma_semaphore, #tpu.memory_space<semaphore_mem>>)
      %dma_wait3A_171 = tpu.memref_slice %arg7[%multiple_of3A] : memref<10240xf32, #tpu.memory_space<vmem_shared>> -> memref<640xf32, #tpu.memory_space<vmem_shared>>
      %dma_wait3A_172 = tpu.memref_slice %arg7[%multiple_of3A] : memref<10240xf32, #tpu.memory_space<vmem_shared>> -> memref<640xf32, #tpu.memory_space<vmem_shared>>
      tpu.wait_dma2 semaphore(%run_scoped3A : memref<!tpu.dma_semaphore, #tpu.memory_space<semaphore_mem>>) src(%dma_wait3A_172 : memref<640xf32, #tpu.memory_space<vmem_shared>>) dst(%arg6 : memref<640xf32, #tpu.memory_space<vmem>>)
      tpu.yield
    }) : () -> ()
    "tpu.region"() ({
      %run_scoped3A = tpu.sem_alloc : memref<!tpu.dma_semaphore, #tpu.memory_space<semaphore_mem>>
      %dma_start3A_169 = tpu.memref_slice %arg3[%arg0, %multiple_of3A] : memref<2x10240xf32, #tpu.memory_space<hbm>> -> memref<1x640xf32, #tpu.memory_space<hbm>>
      %dma_start3A_170 = tpu.memref_squeeze %dma_start3A_169 : memref<1x640xf32, #tpu.memory_space<hbm>> -> memref<640xf32, #tpu.memory_space<hbm>>
      %dma_start3A_171 = tpu.memref_slice %arg3[%arg0, %multiple_of3A] : memref<2x10240xf32, #tpu.memory_space<hbm>> -> memref<1x640xf32, #tpu.memory_space<hbm>>
      %dma_start3A_172 = tpu.memref_squeeze %dma_start3A_171 : memref<1x640xf32, #tpu.memory_space<hbm>> -> memref<640xf32, #tpu.memory_space<hbm>>
      tpu.enqueue_dma source(%arg6 : memref<640xf32, #tpu.memory_space<vmem>>) target(%dma_start3A_172 : memref<640xf32, #tpu.memory_space<hbm>>) target_semaphore(%run_scoped3A : memref<!tpu.dma_semaphore, #tpu.memory_space<semaphore_mem>>)
      %dma_wait3A_173 = tpu.memref_slice %arg3[%arg0, %multiple_of3A] : memref<2x10240xf32, #tpu.memory_space<hbm>> -> memref<1x640xf32, #tpu.memory_space<hbm>>
      %dma_wait3A_174 = tpu.memref_squeeze %dma_wait3A_173 : memref<1x640xf32, #tpu.memory_space<hbm>> -> memref<640xf32, #tpu.memory_space<hbm>>
      %dma_wait3A_175 = tpu.memref_slice %arg3[%arg0, %multiple_of3A] : memref<2x10240xf32, #tpu.memory_space<hbm>> -> memref<1x640xf32, #tpu.memory_space<hbm>>
      %dma_wait3A_176 = tpu.memref_squeeze %dma_wait3A_175 : memref<1x640xf32, #tpu.memory_space<hbm>> -> memref<640xf32, #tpu.memory_space<hbm>>
      tpu.wait_dma2 semaphore(%run_scoped3A : memref<!tpu.dma_semaphore, #tpu.memory_space<semaphore_mem>>) src(%arg6 : memref<640xf32, #tpu.memory_space<vmem>>) dst(%dma_wait3A_176 : memref<640xf32, #tpu.memory_space<hbm>>)
      tpu.yield
    }) : () -> ()
    return
  }
}

#map = affine_map<(d0, d1) -> (0, 0)>
#map1 = affine_map<(d0, d1) -> (0, 0, 0, 0)>
#map2 = affine_map<(d0, d1) -> (0, 0, 0)>
module attributes {stable_mosaic.version = 14 : i64} {
  func.func @_agg_kernel(%arg0: i32, %arg1: i32, %arg2: memref<10240x128xf32, #tpu.memory_space<hbm>>, %arg3: memref<32x125x8x80xi32, #tpu.memory_space<hbm>>, %arg4: memref<2x10240x128xf32, #tpu.memory_space<hbm>>, %arg5: memref<48x80xi32, #tpu.memory_space<vmem>>, %arg6: memref<160x128xf32, #tpu.memory_space<vmem>>, %arg7: memref<160x128xf32, #tpu.memory_space<vmem>>, %arg8: memref<10240x128xf32, #tpu.memory_space<vmem_shared>>, %arg9: memref<2x!tpu.dma_semaphore, #tpu.memory_space<semaphore_mem>>, %arg10: memref<2x!tpu.dma_semaphore, #tpu.memory_space<semaphore_mem>>, %arg11: memref<6x!tpu.dma_semaphore, #tpu.memory_space<semaphore_mem>>) attributes {dimension_semantics = [#tpu.dimension_semantics<core_parallel>, #tpu.dimension_semantics<subcore_parallel>], iteration_bounds = array<i64: 2, 16>, scalar_prefetch = 0 : i64, scratch_operands = 7 : i64, tpu.core_type = #tpu.core_type<sc_vector_subcore>, window_params = [{transform_indices = #map}, {transform_indices = #map1}, {transform_indices = #map2}]} {
    %mul3A = arith.constant 2 : i32
    %mul3A_0 = arith.muli %arg1, %mul3A : i32
    %add3A = arith.addi %mul3A_0, %arg0 : i32
    %broadcast_in_dim3A = arith.constant 0.000000e+00 : f32
    %broadcast_in_dim3A_1 = vector.broadcast %broadcast_in_dim3A : f32 to vector<16xf32>
    %dma_start3A = arith.constant 0 : i32
    %dma_start3A_2 = arith.constant 0 : i32
    %dma_start3A_3 = arith.constant 0 : i32
    %dma_start3A_4 = arith.constant 0 : i32
    %dma_start3A_5 = tpu.memref_slice %arg5[%dma_start3A_3, %dma_start3A_4] : memref<48x80xi32, #tpu.memory_space<vmem>> -> memref<8x80xi32, #tpu.memory_space<vmem>>
    %dma_start3A_6 = arith.constant 0 : i32
    %dma_start3A_7 = arith.constant 0 : i32
    %dma_start3A_8 = tpu.memref_slice %arg3[%add3A, %dma_start3A, %dma_start3A_6, %dma_start3A_7] : memref<32x125x8x80xi32, #tpu.memory_space<hbm>> -> memref<1x1x8x80xi32, #tpu.memory_space<hbm>>
    %dma_start3A_9 = tpu.memref_squeeze %dma_start3A_8 : memref<1x1x8x80xi32, #tpu.memory_space<hbm>> -> memref<8x80xi32, #tpu.memory_space<hbm>>
    %dma_start3A_10 = tpu.memref_slice %arg11[%dma_start3A_2] : memref<6x!tpu.dma_semaphore, #tpu.memory_space<semaphore_mem>> -> memref<1x!tpu.dma_semaphore, #tpu.memory_space<semaphore_mem>>
    %dma_start3A_11 = tpu.memref_squeeze %dma_start3A_10 : memref<1x!tpu.dma_semaphore, #tpu.memory_space<semaphore_mem>> -> memref<!tpu.dma_semaphore, #tpu.memory_space<semaphore_mem>>
    %dma_start3A_12 = arith.constant 0 : i32
    %dma_start3A_13 = arith.constant 0 : i32
    %dma_start3A_14 = tpu.memref_slice %arg5[%dma_start3A_12, %dma_start3A_13] : memref<48x80xi32, #tpu.memory_space<vmem>> -> memref<8x80xi32, #tpu.memory_space<vmem>>
    %dma_start3A_15 = arith.constant 0 : i32
    %dma_start3A_16 = arith.constant 0 : i32
    %dma_start3A_17 = tpu.memref_slice %arg3[%add3A, %dma_start3A, %dma_start3A_15, %dma_start3A_16] : memref<32x125x8x80xi32, #tpu.memory_space<hbm>> -> memref<1x1x8x80xi32, #tpu.memory_space<hbm>>
    %dma_start3A_18 = tpu.memref_squeeze %dma_start3A_17 : memref<1x1x8x80xi32, #tpu.memory_space<hbm>> -> memref<8x80xi32, #tpu.memory_space<hbm>>
    tpu.enqueue_dma source(%dma_start3A_18 : memref<8x80xi32, #tpu.memory_space<hbm>>) target(%dma_start3A_14 : memref<8x80xi32, #tpu.memory_space<vmem>>) target_semaphore(%dma_start3A_11 : memref<!tpu.dma_semaphore, #tpu.memory_space<semaphore_mem>>)
    %dma_start3A_19 = arith.constant 1 : i32
    %dma_start3A_20 = arith.constant 1 : i32
    %dma_start3A_21 = arith.constant 8 : i32
    %dma_start3A_22 = arith.constant 0 : i32
    %dma_start3A_23 = tpu.memref_slice %arg5[%dma_start3A_21, %dma_start3A_22] : memref<48x80xi32, #tpu.memory_space<vmem>> -> memref<8x80xi32, #tpu.memory_space<vmem>>
    %dma_start3A_24 = arith.constant 0 : i32
    %dma_start3A_25 = arith.constant 0 : i32
    %dma_start3A_26 = tpu.memref_slice %arg3[%add3A, %dma_start3A_19, %dma_start3A_24, %dma_start3A_25] : memref<32x125x8x80xi32, #tpu.memory_space<hbm>> -> memref<1x1x8x80xi32, #tpu.memory_space<hbm>>
    %dma_start3A_27 = tpu.memref_squeeze %dma_start3A_26 : memref<1x1x8x80xi32, #tpu.memory_space<hbm>> -> memref<8x80xi32, #tpu.memory_space<hbm>>
    %dma_start3A_28 = tpu.memref_slice %arg11[%dma_start3A_20] : memref<6x!tpu.dma_semaphore, #tpu.memory_space<semaphore_mem>> -> memref<1x!tpu.dma_semaphore, #tpu.memory_space<semaphore_mem>>
    %dma_start3A_29 = tpu.memref_squeeze %dma_start3A_28 : memref<1x!tpu.dma_semaphore, #tpu.memory_space<semaphore_mem>> -> memref<!tpu.dma_semaphore, #tpu.memory_space<semaphore_mem>>
    %dma_start3A_30 = arith.constant 8 : i32
    %dma_start3A_31 = arith.constant 0 : i32
    %dma_start3A_32 = tpu.memref_slice %arg5[%dma_start3A_30, %dma_start3A_31] : memref<48x80xi32, #tpu.memory_space<vmem>> -> memref<8x80xi32, #tpu.memory_space<vmem>>
    %dma_start3A_33 = arith.constant 0 : i32
    %dma_start3A_34 = arith.constant 0 : i32
    %dma_start3A_35 = tpu.memref_slice %arg3[%add3A, %dma_start3A_19, %dma_start3A_33, %dma_start3A_34] : memref<32x125x8x80xi32, #tpu.memory_space<hbm>> -> memref<1x1x8x80xi32, #tpu.memory_space<hbm>>
    %dma_start3A_36 = tpu.memref_squeeze %dma_start3A_35 : memref<1x1x8x80xi32, #tpu.memory_space<hbm>> -> memref<8x80xi32, #tpu.memory_space<hbm>>
    tpu.enqueue_dma source(%dma_start3A_36 : memref<8x80xi32, #tpu.memory_space<hbm>>) target(%dma_start3A_32 : memref<8x80xi32, #tpu.memory_space<vmem>>) target_semaphore(%dma_start3A_29 : memref<!tpu.dma_semaphore, #tpu.memory_space<semaphore_mem>>)
    %dma_start3A_37 = arith.constant 2 : i32
    %dma_start3A_38 = arith.constant 2 : i32
    %dma_start3A_39 = arith.constant 16 : i32
    %dma_start3A_40 = arith.constant 0 : i32
    %dma_start3A_41 = tpu.memref_slice %arg5[%dma_start3A_39, %dma_start3A_40] : memref<48x80xi32, #tpu.memory_space<vmem>> -> memref<8x80xi32, #tpu.memory_space<vmem>>
    %dma_start3A_42 = arith.constant 0 : i32
    %dma_start3A_43 = arith.constant 0 : i32
    %dma_start3A_44 = tpu.memref_slice %arg3[%add3A, %dma_start3A_37, %dma_start3A_42, %dma_start3A_43] : memref<32x125x8x80xi32, #tpu.memory_space<hbm>> -> memref<1x1x8x80xi32, #tpu.memory_space<hbm>>
    %dma_start3A_45 = tpu.memref_squeeze %dma_start3A_44 : memref<1x1x8x80xi32, #tpu.memory_space<hbm>> -> memref<8x80xi32, #tpu.memory_space<hbm>>
    %dma_start3A_46 = tpu.memref_slice %arg11[%dma_start3A_38] : memref<6x!tpu.dma_semaphore, #tpu.memory_space<semaphore_mem>> -> memref<1x!tpu.dma_semaphore, #tpu.memory_space<semaphore_mem>>
    %dma_start3A_47 = tpu.memref_squeeze %dma_start3A_46 : memref<1x!tpu.dma_semaphore, #tpu.memory_space<semaphore_mem>> -> memref<!tpu.dma_semaphore, #tpu.memory_space<semaphore_mem>>
    %dma_start3A_48 = arith.constant 16 : i32
    %dma_start3A_49 = arith.constant 0 : i32
    %dma_start3A_50 = tpu.memref_slice %arg5[%dma_start3A_48, %dma_start3A_49] : memref<48x80xi32, #tpu.memory_space<vmem>> -> memref<8x80xi32, #tpu.memory_space<vmem>>
    %dma_start3A_51 = arith.constant 0 : i32
    %dma_start3A_52 = arith.constant 0 : i32
    %dma_start3A_53 = tpu.memref_slice %arg3[%add3A, %dma_start3A_37, %dma_start3A_51, %dma_start3A_52] : memref<32x125x8x80xi32, #tpu.memory_space<hbm>> -> memref<1x1x8x80xi32, #tpu.memory_space<hbm>>
    %dma_start3A_54 = tpu.memref_squeeze %dma_start3A_53 : memref<1x1x8x80xi32, #tpu.memory_space<hbm>> -> memref<8x80xi32, #tpu.memory_space<hbm>>
    tpu.enqueue_dma source(%dma_start3A_54 : memref<8x80xi32, #tpu.memory_space<hbm>>) target(%dma_start3A_50 : memref<8x80xi32, #tpu.memory_space<vmem>>) target_semaphore(%dma_start3A_47 : memref<!tpu.dma_semaphore, #tpu.memory_space<semaphore_mem>>)
    %dma_start3A_55 = arith.constant 3 : i32
    %dma_start3A_56 = arith.constant 3 : i32
    %dma_start3A_57 = arith.constant 24 : i32
    %dma_start3A_58 = arith.constant 0 : i32
    %dma_start3A_59 = tpu.memref_slice %arg5[%dma_start3A_57, %dma_start3A_58] : memref<48x80xi32, #tpu.memory_space<vmem>> -> memref<8x80xi32, #tpu.memory_space<vmem>>
    %dma_start3A_60 = arith.constant 0 : i32
    %dma_start3A_61 = arith.constant 0 : i32
    %dma_start3A_62 = tpu.memref_slice %arg3[%add3A, %dma_start3A_55, %dma_start3A_60, %dma_start3A_61] : memref<32x125x8x80xi32, #tpu.memory_space<hbm>> -> memref<1x1x8x80xi32, #tpu.memory_space<hbm>>
    %dma_start3A_63 = tpu.memref_squeeze %dma_start3A_62 : memref<1x1x8x80xi32, #tpu.memory_space<hbm>> -> memref<8x80xi32, #tpu.memory_space<hbm>>
    %dma_start3A_64 = tpu.memref_slice %arg11[%dma_start3A_56] : memref<6x!tpu.dma_semaphore, #tpu.memory_space<semaphore_mem>> -> memref<1x!tpu.dma_semaphore, #tpu.memory_space<semaphore_mem>>
    %dma_start3A_65 = tpu.memref_squeeze %dma_start3A_64 : memref<1x!tpu.dma_semaphore, #tpu.memory_space<semaphore_mem>> -> memref<!tpu.dma_semaphore, #tpu.memory_space<semaphore_mem>>
    %dma_start3A_66 = arith.constant 24 : i32
    %dma_start3A_67 = arith.constant 0 : i32
    %dma_start3A_68 = tpu.memref_slice %arg5[%dma_start3A_66, %dma_start3A_67] : memref<48x80xi32, #tpu.memory_space<vmem>> -> memref<8x80xi32, #tpu.memory_space<vmem>>
    %dma_start3A_69 = arith.constant 0 : i32
    %dma_start3A_70 = arith.constant 0 : i32
    %dma_start3A_71 = tpu.memref_slice %arg3[%add3A, %dma_start3A_55, %dma_start3A_69, %dma_start3A_70] : memref<32x125x8x80xi32, #tpu.memory_space<hbm>> -> memref<1x1x8x80xi32, #tpu.memory_space<hbm>>
    %dma_start3A_72 = tpu.memref_squeeze %dma_start3A_71 : memref<1x1x8x80xi32, #tpu.memory_space<hbm>> -> memref<8x80xi32, #tpu.memory_space<hbm>>
    tpu.enqueue_dma source(%dma_start3A_72 : memref<8x80xi32, #tpu.memory_space<hbm>>) target(%dma_start3A_68 : memref<8x80xi32, #tpu.memory_space<vmem>>) target_semaphore(%dma_start3A_65 : memref<!tpu.dma_semaphore, #tpu.memory_space<semaphore_mem>>)
    %scan3A = arith.constant 0 : i32
    %scan3A_73 = arith.constant 160 : i32
    %scan3A_74 = arith.addi %scan3A, %scan3A_73 : i32
    %scan3A_75 = arith.constant 1 : i32
    scf.for %scan3A_208 = %scan3A to %scan3A_74 step %scan3A_75  : i32 {
      %mul3A_209 = arith.constant 1 : i32
      %mul3A_210 = arith.muli %scan3A_208, %mul3A_209 : i32
      %add3A_211 = arith.constant 0 : i32
      %add3A_212 = arith.addi %add3A_211, %mul3A_210 : i32
      %swap3A = arith.index_cast %add3A_212 : i32 to index
      %swap3A_213 = arith.constant 0 : index
      %swap3A_214 = tpu.vector_load %arg7[%swap3A, %swap3A_213] {strides = array<i32>} : memref<160x128xf32, #tpu.memory_space<vmem>>, vector<16xf32>,
      tpu.vector_store %arg7[%swap3A, %swap3A_213], %broadcast_in_dim3A_1 {strides = array<i32>} : memref<160x128xf32, #tpu.memory_space<vmem>>, vector<16xf32>,
      %swap3A_215 = arith.index_cast %add3A_212 : i32 to index
      %swap3A_216 = arith.constant 16 : index
      %swap3A_217 = tpu.vector_load %arg7[%swap3A_215, %swap3A_216] {strides = array<i32>} : memref<160x128xf32, #tpu.memory_space<vmem>>, vector<16xf32>,
      tpu.vector_store %arg7[%swap3A_215, %swap3A_216], %broadcast_in_dim3A_1 {strides = array<i32>} : memref<160x128xf32, #tpu.memory_space<vmem>>, vector<16xf32>,
      %swap3A_218 = arith.index_cast %add3A_212 : i32 to index
      %swap3A_219 = arith.constant 32 : index
      %swap3A_220 = tpu.vector_load %arg7[%swap3A_218, %swap3A_219] {strides = array<i32>} : memref<160x128xf32, #tpu.memory_space<vmem>>, vector<16xf32>,
      tpu.vector_store %arg7[%swap3A_218, %swap3A_219], %broadcast_in_dim3A_1 {strides = array<i32>} : memref<160x128xf32, #tpu.memory_space<vmem>>, vector<16xf32>,
      %swap3A_221 = arith.index_cast %add3A_212 : i32 to index
      %swap3A_222 = arith.constant 48 : index
      %swap3A_223 = tpu.vector_load %arg7[%swap3A_221, %swap3A_222] {strides = array<i32>} : memref<160x128xf32, #tpu.memory_space<vmem>>, vector<16xf32>,
      tpu.vector_store %arg7[%swap3A_221, %swap3A_222], %broadcast_in_dim3A_1 {strides = array<i32>} : memref<160x128xf32, #tpu.memory_space<vmem>>, vector<16xf32>,
      %swap3A_224 = arith.index_cast %add3A_212 : i32 to index
      %swap3A_225 = arith.constant 64 : index
      %swap3A_226 = tpu.vector_load %arg7[%swap3A_224, %swap3A_225] {strides = array<i32>} : memref<160x128xf32, #tpu.memory_space<vmem>>, vector<16xf32>,
      tpu.vector_store %arg7[%swap3A_224, %swap3A_225], %broadcast_in_dim3A_1 {strides = array<i32>} : memref<160x128xf32, #tpu.memory_space<vmem>>, vector<16xf32>,
      %swap3A_227 = arith.index_cast %add3A_212 : i32 to index
      %swap3A_228 = arith.constant 80 : index
      %swap3A_229 = tpu.vector_load %arg7[%swap3A_227, %swap3A_228] {strides = array<i32>} : memref<160x128xf32, #tpu.memory_space<vmem>>, vector<16xf32>,
      tpu.vector_store %arg7[%swap3A_227, %swap3A_228], %broadcast_in_dim3A_1 {strides = array<i32>} : memref<160x128xf32, #tpu.memory_space<vmem>>, vector<16xf32>,
      %swap3A_230 = arith.index_cast %add3A_212 : i32 to index
      %swap3A_231 = arith.constant 96 : index
      %swap3A_232 = tpu.vector_load %arg7[%swap3A_230, %swap3A_231] {strides = array<i32>} : memref<160x128xf32, #tpu.memory_space<vmem>>, vector<16xf32>,
      tpu.vector_store %arg7[%swap3A_230, %swap3A_231], %broadcast_in_dim3A_1 {strides = array<i32>} : memref<160x128xf32, #tpu.memory_space<vmem>>, vector<16xf32>,
      %swap3A_233 = arith.index_cast %add3A_212 : i32 to index
      %swap3A_234 = arith.constant 112 : index
      %swap3A_235 = tpu.vector_load %arg7[%swap3A_233, %swap3A_234] {strides = array<i32>} : memref<160x128xf32, #tpu.memory_space<vmem>>, vector<16xf32>,
      tpu.vector_store %arg7[%swap3A_233, %swap3A_234], %broadcast_in_dim3A_1 {strides = array<i32>} : memref<160x128xf32, #tpu.memory_space<vmem>>, vector<16xf32>,
    }
    %scan3A_76 = arith.constant 160 : i32
    %scan3A_77 = arith.constant 0 : i32
    %scan3A_78 = arith.constant 8 : i32
    %scan3A_79 = arith.addi %scan3A_77, %scan3A_78 : i32
    %scan3A_80 = arith.constant 1 : i32
    scf.for %scan3A_208 = %scan3A_77 to %scan3A_79 step %scan3A_80  : i32 {
      %mul3A_209 = arith.constant 1 : i32
      %mul3A_210 = arith.muli %scan3A_208, %mul3A_209 : i32
      %add3A_211 = arith.constant 0 : i32
      %add3A_212 = arith.addi %add3A_211, %mul3A_210 : i32
      %mul3A_213 = arith.constant 640 : i32
      %mul3A_214 = arith.muli %arg1, %mul3A_213 : i32
      %mul3A_215 = arith.constant 80 : i32
      %mul3A_216 = arith.muli %add3A_212, %mul3A_215 : i32
      %add3A_217 = arith.addi %mul3A_214, %mul3A_216 : i32
      %multiple_of3A_218 = tpu.assume_multiple %add3A_217, 80 : i32
      %dma_start3A_219 = arith.constant 0 : i32
      %dma_start3A_220 = arith.constant 0 : i32
      %dma_start3A_221 = arith.constant 0 : i32
      %dma_start3A_222 = tpu.memref_slice %arg7[%dma_start3A_220, %dma_start3A_221] : memref<160x128xf32, #tpu.memory_space<vmem>> -> memref<80x128xf32, #tpu.memory_space<vmem>>
      %dma_start3A_223 = arith.constant 0 : i32
      %dma_start3A_224 = tpu.memref_slice %arg8[%multiple_of3A_218, %dma_start3A_223] : memref<10240x128xf32, #tpu.memory_space<vmem_shared>> -> memref<80x128xf32, #tpu.memory_space<vmem_shared>>
      %dma_start3A_225 = tpu.memref_slice %arg9[%dma_start3A_219] : memref<2x!tpu.dma_semaphore, #tpu.memory_space<semaphore_mem>> -> memref<1x!tpu.dma_semaphore, #tpu.memory_space<semaphore_mem>>
      %dma_start3A_226 = tpu.memref_squeeze %dma_start3A_225 : memref<1x!tpu.dma_semaphore, #tpu.memory_space<semaphore_mem>> -> memref<!tpu.dma_semaphore, #tpu.memory_space<semaphore_mem>>
      %dma_start3A_227 = arith.constant 0 : i32
      %dma_start3A_228 = tpu.memref_slice %arg8[%multiple_of3A_218, %dma_start3A_227] : memref<10240x128xf32, #tpu.memory_space<vmem_shared>> -> memref<80x128xf32, #tpu.memory_space<vmem_shared>>
      %dma_start3A_229 = arith.constant 0 : i32
      %dma_start3A_230 = arith.constant 0 : i32
      %dma_start3A_231 = tpu.memref_slice %arg7[%dma_start3A_229, %dma_start3A_230] : memref<160x128xf32, #tpu.memory_space<vmem>> -> memref<80x128xf32, #tpu.memory_space<vmem>>
      tpu.enqueue_dma source(%dma_start3A_231 : memref<80x128xf32, #tpu.memory_space<vmem>>) target(%dma_start3A_228 : memref<80x128xf32, #tpu.memory_space<vmem_shared>>) target_semaphore(%dma_start3A_226 : memref<!tpu.dma_semaphore, #tpu.memory_space<semaphore_mem>>)
    }
    %scan3A_81 = arith.constant 8 : i32
    %scan3A_82 = arith.constant 0 : i32
    %scan3A_83 = arith.constant 8 : i32
    %scan3A_84 = arith.addi %scan3A_82, %scan3A_83 : i32
    %scan3A_85 = arith.constant 1 : i32
    scf.for %scan3A_208 = %scan3A_82 to %scan3A_84 step %scan3A_85  : i32 {
      %mul3A_209 = arith.constant 1 : i32
      %mul3A_210 = arith.muli %scan3A_208, %mul3A_209 : i32
      %add3A_211 = arith.constant 0 : i32
      %add3A_212 = arith.addi %add3A_211, %mul3A_210 : i32
      %mul3A_213 = arith.constant 640 : i32
      %mul3A_214 = arith.muli %arg1, %mul3A_213 : i32
      %mul3A_215 = arith.constant 80 : i32
      %mul3A_216 = arith.muli %add3A_212, %mul3A_215 : i32
      %add3A_217 = arith.addi %mul3A_214, %mul3A_216 : i32
      %multiple_of3A_218 = tpu.assume_multiple %add3A_217, 80 : i32
      %dma_wait3A_219 = arith.constant 0 : i32
      %dma_wait3A_220 = arith.constant 0 : i32
      %dma_wait3A_221 = arith.constant 0 : i32
      %dma_wait3A_222 = tpu.memref_slice %arg7[%dma_wait3A_220, %dma_wait3A_221] : memref<160x128xf32, #tpu.memory_space<vmem>> -> memref<80x128xf32, #tpu.memory_space<vmem>>
      %dma_wait3A_223 = arith.constant 0 : i32
      %dma_wait3A_224 = tpu.memref_slice %arg8[%multiple_of3A_218, %dma_wait3A_223] : memref<10240x128xf32, #tpu.memory_space<vmem_shared>> -> memref<80x128xf32, #tpu.memory_space<vmem_shared>>
      %dma_wait3A_225 = tpu.memref_slice %arg9[%dma_wait3A_219] : memref<2x!tpu.dma_semaphore, #tpu.memory_space<semaphore_mem>> -> memref<1x!tpu.dma_semaphore, #tpu.memory_space<semaphore_mem>>
      %dma_wait3A_226 = tpu.memref_squeeze %dma_wait3A_225 : memref<1x!tpu.dma_semaphore, #tpu.memory_space<semaphore_mem>> -> memref<!tpu.dma_semaphore, #tpu.memory_space<semaphore_mem>>
      %dma_wait3A_227 = arith.constant 0 : i32
      %dma_wait3A_228 = tpu.memref_slice %arg8[%multiple_of3A_218, %dma_wait3A_227] : memref<10240x128xf32, #tpu.memory_space<vmem_shared>> -> memref<80x128xf32, #tpu.memory_space<vmem_shared>>
      %dma_wait3A_229 = arith.constant 0 : i32
      %dma_wait3A_230 = arith.constant 0 : i32
      %dma_wait3A_231 = tpu.memref_slice %arg7[%dma_wait3A_229, %dma_wait3A_230] : memref<160x128xf32, #tpu.memory_space<vmem>> -> memref<80x128xf32, #tpu.memory_space<vmem>>
      tpu.wait_dma2 semaphore(%dma_wait3A_226 : memref<!tpu.dma_semaphore, #tpu.memory_space<semaphore_mem>>) src(%dma_wait3A_231 : memref<80x128xf32, #tpu.memory_space<vmem>>) dst(%dma_wait3A_228 : memref<80x128xf32, #tpu.memory_space<vmem_shared>>)
    }
    %scan3A_86 = arith.constant 8 : i32
    %barrier3A = arith.constant 0 : index
    tpu.barrier barrier_id(%barrier3A)
    %dma_wait3A = arith.constant 0 : i32
    %dma_wait3A_87 = arith.constant 0 : i32
    %dma_wait3A_88 = arith.constant 0 : i32
    %dma_wait3A_89 = arith.constant 0 : i32
    %dma_wait3A_90 = tpu.memref_slice %arg5[%dma_wait3A_88, %dma_wait3A_89] : memref<48x80xi32, #tpu.memory_space<vmem>> -> memref<8x80xi32, #tpu.memory_space<vmem>>
    %dma_wait3A_91 = arith.constant 0 : i32
    %dma_wait3A_92 = arith.constant 0 : i32
    %dma_wait3A_93 = tpu.memref_slice %arg3[%add3A, %dma_wait3A, %dma_wait3A_91, %dma_wait3A_92] : memref<32x125x8x80xi32, #tpu.memory_space<hbm>> -> memref<1x1x8x80xi32, #tpu.memory_space<hbm>>
    %dma_wait3A_94 = tpu.memref_squeeze %dma_wait3A_93 : memref<1x1x8x80xi32, #tpu.memory_space<hbm>> -> memref<8x80xi32, #tpu.memory_space<hbm>>
    %dma_wait3A_95 = tpu.memref_slice %arg11[%dma_wait3A_87] : memref<6x!tpu.dma_semaphore, #tpu.memory_space<semaphore_mem>> -> memref<1x!tpu.dma_semaphore, #tpu.memory_space<semaphore_mem>>
    %dma_wait3A_96 = tpu.memref_squeeze %dma_wait3A_95 : memref<1x!tpu.dma_semaphore, #tpu.memory_space<semaphore_mem>> -> memref<!tpu.dma_semaphore, #tpu.memory_space<semaphore_mem>>
    %dma_wait3A_97 = arith.constant 0 : i32
    %dma_wait3A_98 = arith.constant 0 : i32
    %dma_wait3A_99 = tpu.memref_slice %arg5[%dma_wait3A_97, %dma_wait3A_98] : memref<48x80xi32, #tpu.memory_space<vmem>> -> memref<8x80xi32, #tpu.memory_space<vmem>>
    %dma_wait3A_100 = arith.constant 0 : i32
    %dma_wait3A_101 = arith.constant 0 : i32
    %dma_wait3A_102 = tpu.memref_slice %arg3[%add3A, %dma_wait3A, %dma_wait3A_100, %dma_wait3A_101] : memref<32x125x8x80xi32, #tpu.memory_space<hbm>> -> memref<1x1x8x80xi32, #tpu.memory_space<hbm>>
    %dma_wait3A_103 = tpu.memref_squeeze %dma_wait3A_102 : memref<1x1x8x80xi32, #tpu.memory_space<hbm>> -> memref<8x80xi32, #tpu.memory_space<hbm>>
    tpu.wait_dma2 semaphore(%dma_wait3A_96 : memref<!tpu.dma_semaphore, #tpu.memory_space<semaphore_mem>>) src(%dma_wait3A_103 : memref<8x80xi32, #tpu.memory_space<hbm>>) dst(%dma_wait3A_99 : memref<8x80xi32, #tpu.memory_space<vmem>>)
    %dma_start3A_104 = arith.constant 0 : i32
    %dma_start3A_105 = arith.constant 0 : i32
    %dma_start3A_106 = arith.constant 0 : i32
    %dma_start3A_107 = arith.constant 0 : i32
    %dma_start3A_108 = tpu.memref_slice %arg6[%dma_start3A_106, %dma_start3A_107] : memref<160x128xf32, #tpu.memory_space<vmem>> -> memref<80x128xf32, #tpu.memory_space<vmem>>
    %dma_start3A_109 = arith.constant 0 : i32
    %dma_start3A_110 = tpu.memref_slice %arg5[%dma_start3A_104, %dma_start3A_109] : memref<48x80xi32, #tpu.memory_space<vmem>> -> memref<1x80xi32, #tpu.memory_space<vmem>>
    %dma_start3A_111 = tpu.memref_squeeze %dma_start3A_110 : memref<1x80xi32, #tpu.memory_space<vmem>> -> memref<80xi32, #tpu.memory_space<vmem>>
    %dma_start3A_112 = arith.constant 0 : i32
    %dma_start3A_113 = arith.constant 0 : i32
    %dma_start3A_114 = tpu.memref_slice %arg2[%dma_start3A_112, %dma_start3A_113] : memref<10240x128xf32, #tpu.memory_space<hbm>> -> memref<10240x128xf32, #tpu.memory_space<hbm>>
    %dma_start3A_115 = tpu.memref_slice %arg9[%dma_start3A_105] : memref<2x!tpu.dma_semaphore, #tpu.memory_space<semaphore_mem>> -> memref<1x!tpu.dma_semaphore, #tpu.memory_space<semaphore_mem>>
    %dma_start3A_116 = tpu.memref_squeeze %dma_start3A_115 : memref<1x!tpu.dma_semaphore, #tpu.memory_space<semaphore_mem>> -> memref<!tpu.dma_semaphore, #tpu.memory_space<semaphore_mem>>
    tpu.enqueue_indirect_dma source(%dma_start3A_114 : memref<10240x128xf32, #tpu.memory_space<hbm>>) target(%dma_start3A_108 : memref<80x128xf32, #tpu.memory_space<vmem>>) offsets(%dma_start3A_111 : memref<80xi32, #tpu.memory_space<vmem>>) semaphore(%dma_start3A_116 : memref<!tpu.dma_semaphore, #tpu.memory_space<semaphore_mem>>)
    %dma_start3A_117 = arith.constant 1 : i32
    %dma_start3A_118 = arith.constant 0 : i32
    %dma_start3A_119 = arith.constant 0 : i32
    %dma_start3A_120 = arith.constant 0 : i32
    %dma_start3A_121 = tpu.memref_slice %arg7[%dma_start3A_119, %dma_start3A_120] : memref<160x128xf32, #tpu.memory_space<vmem>> -> memref<80x128xf32, #tpu.memory_space<vmem>>
    %dma_start3A_122 = arith.constant 0 : i32
    %dma_start3A_123 = tpu.memref_slice %arg5[%dma_start3A_117, %dma_start3A_122] : memref<48x80xi32, #tpu.memory_space<vmem>> -> memref<1x80xi32, #tpu.memory_space<vmem>>
    %dma_start3A_124 = tpu.memref_squeeze %dma_start3A_123 : memref<1x80xi32, #tpu.memory_space<vmem>> -> memref<80xi32, #tpu.memory_space<vmem>>
    %dma_start3A_125 = arith.constant 0 : i32
    %dma_start3A_126 = arith.constant 0 : i32
    %dma_start3A_127 = tpu.memref_slice %arg8[%dma_start3A_125, %dma_start3A_126] : memref<10240x128xf32, #tpu.memory_space<vmem_shared>> -> memref<10240x128xf32, #tpu.memory_space<vmem_shared>>
    %dma_start3A_128 = tpu.memref_slice %arg10[%dma_start3A_118] : memref<2x!tpu.dma_semaphore, #tpu.memory_space<semaphore_mem>> -> memref<1x!tpu.dma_semaphore, #tpu.memory_space<semaphore_mem>>
    %dma_start3A_129 = tpu.memref_squeeze %dma_start3A_128 : memref<1x!tpu.dma_semaphore, #tpu.memory_space<semaphore_mem>> -> memref<!tpu.dma_semaphore, #tpu.memory_space<semaphore_mem>>
    tpu.enqueue_indirect_dma source(%dma_start3A_121 : memref<80x128xf32, #tpu.memory_space<vmem>>) target(%dma_start3A_127 : memref<10240x128xf32, #tpu.memory_space<vmem_shared>>) offsets(%dma_start3A_124 : memref<80xi32, #tpu.memory_space<vmem>>) semaphore(%dma_start3A_129 : memref<!tpu.dma_semaphore, #tpu.memory_space<semaphore_mem>>) {add = true}
    %dma_wait3A_130 = arith.constant 1 : i32
    %dma_wait3A_131 = arith.constant 1 : i32
    %dma_wait3A_132 = arith.constant 8 : i32
    %dma_wait3A_133 = arith.constant 0 : i32
    %dma_wait3A_134 = tpu.memref_slice %arg5[%dma_wait3A_132, %dma_wait3A_133] : memref<48x80xi32, #tpu.memory_space<vmem>> -> memref<8x80xi32, #tpu.memory_space<vmem>>
    %dma_wait3A_135 = arith.constant 0 : i32
    %dma_wait3A_136 = arith.constant 0 : i32
    %dma_wait3A_137 = tpu.memref_slice %arg3[%add3A, %dma_wait3A_130, %dma_wait3A_135, %dma_wait3A_136] : memref<32x125x8x80xi32, #tpu.memory_space<hbm>> -> memref<1x1x8x80xi32, #tpu.memory_space<hbm>>
    %dma_wait3A_138 = tpu.memref_squeeze %dma_wait3A_137 : memref<1x1x8x80xi32, #tpu.memory_space<hbm>> -> memref<8x80xi32, #tpu.memory_space<hbm>>
    %dma_wait3A_139 = tpu.memref_slice %arg11[%dma_wait3A_131] : memref<6x!tpu.dma_semaphore, #tpu.memory_space<semaphore_mem>> -> memref<1x!tpu.dma_semaphore, #tpu.memory_space<semaphore_mem>>
    %dma_wait3A_140 = tpu.memref_squeeze %dma_wait3A_139 : memref<1x!tpu.dma_semaphore, #tpu.memory_space<semaphore_mem>> -> memref<!tpu.dma_semaphore, #tpu.memory_space<semaphore_mem>>
    %dma_wait3A_141 = arith.constant 8 : i32
    %dma_wait3A_142 = arith.constant 0 : i32
    %dma_wait3A_143 = tpu.memref_slice %arg5[%dma_wait3A_141, %dma_wait3A_142] : memref<48x80xi32, #tpu.memory_space<vmem>> -> memref<8x80xi32, #tpu.memory_space<vmem>>
    %dma_wait3A_144 = arith.constant 0 : i32
    %dma_wait3A_145 = arith.constant 0 : i32
    %dma_wait3A_146 = tpu.memref_slice %arg3[%add3A, %dma_wait3A_130, %dma_wait3A_144, %dma_wait3A_145] : memref<32x125x8x80xi32, #tpu.memory_space<hbm>> -> memref<1x1x8x80xi32, #tpu.memory_space<hbm>>
    %dma_wait3A_147 = tpu.memref_squeeze %dma_wait3A_146 : memref<1x1x8x80xi32, #tpu.memory_space<hbm>> -> memref<8x80xi32, #tpu.memory_space<hbm>>
    tpu.wait_dma2 semaphore(%dma_wait3A_140 : memref<!tpu.dma_semaphore, #tpu.memory_space<semaphore_mem>>) src(%dma_wait3A_147 : memref<8x80xi32, #tpu.memory_space<hbm>>) dst(%dma_wait3A_143 : memref<8x80xi32, #tpu.memory_space<vmem>>)
    %dma_start3A_148 = arith.constant 8 : i32
    %dma_start3A_149 = arith.constant 1 : i32
    %dma_start3A_150 = arith.constant 80 : i32
    %dma_start3A_151 = arith.constant 0 : i32
    %dma_start3A_152 = tpu.memref_slice %arg6[%dma_start3A_150, %dma_start3A_151] : memref<160x128xf32, #tpu.memory_space<vmem>> -> memref<80x128xf32, #tpu.memory_space<vmem>>
    %dma_start3A_153 = arith.constant 0 : i32
    %dma_start3A_154 = tpu.memref_slice %arg5[%dma_start3A_148, %dma_start3A_153] : memref<48x80xi32, #tpu.memory_space<vmem>> -> memref<1x80xi32, #tpu.memory_space<vmem>>
    %dma_start3A_155 = tpu.memref_squeeze %dma_start3A_154 : memref<1x80xi32, #tpu.memory_space<vmem>> -> memref<80xi32, #tpu.memory_space<vmem>>
    %dma_start3A_156 = arith.constant 0 : i32
    %dma_start3A_157 = arith.constant 0 : i32
    %dma_start3A_158 = tpu.memref_slice %arg2[%dma_start3A_156, %dma_start3A_157] : memref<10240x128xf32, #tpu.memory_space<hbm>> -> memref<10240x128xf32, #tpu.memory_space<hbm>>
    %dma_start3A_159 = tpu.memref_slice %arg9[%dma_start3A_149] : memref<2x!tpu.dma_semaphore, #tpu.memory_space<semaphore_mem>> -> memref<1x!tpu.dma_semaphore, #tpu.memory_space<semaphore_mem>>
    %dma_start3A_160 = tpu.memref_squeeze %dma_start3A_159 : memref<1x!tpu.dma_semaphore, #tpu.memory_space<semaphore_mem>> -> memref<!tpu.dma_semaphore, #tpu.memory_space<semaphore_mem>>
    tpu.enqueue_indirect_dma source(%dma_start3A_158 : memref<10240x128xf32, #tpu.memory_space<hbm>>) target(%dma_start3A_152 : memref<80x128xf32, #tpu.memory_space<vmem>>) offsets(%dma_start3A_155 : memref<80xi32, #tpu.memory_space<vmem>>) semaphore(%dma_start3A_160 : memref<!tpu.dma_semaphore, #tpu.memory_space<semaphore_mem>>)
    %dma_start3A_161 = arith.constant 9 : i32
    %dma_start3A_162 = arith.constant 1 : i32
    %dma_start3A_163 = arith.constant 80 : i32
    %dma_start3A_164 = arith.constant 0 : i32
    %dma_start3A_165 = tpu.memref_slice %arg7[%dma_start3A_163, %dma_start3A_164] : memref<160x128xf32, #tpu.memory_space<vmem>> -> memref<80x128xf32, #tpu.memory_space<vmem>>
    %dma_start3A_166 = arith.constant 0 : i32
    %dma_start3A_167 = tpu.memref_slice %arg5[%dma_start3A_161, %dma_start3A_166] : memref<48x80xi32, #tpu.memory_space<vmem>> -> memref<1x80xi32, #tpu.memory_space<vmem>>
    %dma_start3A_168 = tpu.memref_squeeze %dma_start3A_167 : memref<1x80xi32, #tpu.memory_space<vmem>> -> memref<80xi32, #tpu.memory_space<vmem>>
    %dma_start3A_169 = arith.constant 0 : i32
    %dma_start3A_170 = arith.constant 0 : i32
    %dma_start3A_171 = tpu.memref_slice %arg8[%dma_start3A_169, %dma_start3A_170] : memref<10240x128xf32, #tpu.memory_space<vmem_shared>> -> memref<10240x128xf32, #tpu.memory_space<vmem_shared>>
    %dma_start3A_172 = tpu.memref_slice %arg10[%dma_start3A_162] : memref<2x!tpu.dma_semaphore, #tpu.memory_space<semaphore_mem>> -> memref<1x!tpu.dma_semaphore, #tpu.memory_space<semaphore_mem>>
    %dma_start3A_173 = tpu.memref_squeeze %dma_start3A_172 : memref<1x!tpu.dma_semaphore, #tpu.memory_space<semaphore_mem>> -> memref<!tpu.dma_semaphore, #tpu.memory_space<semaphore_mem>>
    tpu.enqueue_indirect_dma source(%dma_start3A_165 : memref<80x128xf32, #tpu.memory_space<vmem>>) target(%dma_start3A_171 : memref<10240x128xf32, #tpu.memory_space<vmem_shared>>) offsets(%dma_start3A_168 : memref<80xi32, #tpu.memory_space<vmem>>) semaphore(%dma_start3A_173 : memref<!tpu.dma_semaphore, #tpu.memory_space<semaphore_mem>>) {add = true}
    %scan3A_174 = arith.constant 0 : i32
    %scan3A_175 = arith.constant 125 : i32
    %scan3A_176 = arith.addi %scan3A_174, %scan3A_175 : i32
    %scan3A_177 = arith.constant 1 : i32
    scf.for %scan3A_208 = %scan3A_174 to %scan3A_176 step %scan3A_177  : i32 {
      %mul3A_209 = arith.constant 1 : i32
      %mul3A_210 = arith.muli %scan3A_208, %mul3A_209 : i32
      %add3A_211 = arith.constant 0 : i32
      %add3A_212 = arith.addi %add3A_211, %mul3A_210 : i32
      %jit3A = arith.constant 6 : i32
      %eq3A = arith.constant 0 : i32
      %eq3A_213 = arith.cmpi eq, %jit3A, %eq3A : i32
      %jit3A_214 = arith.constant 1 : i32
      %select_n3A = arith.select %eq3A_213, %jit3A_214, %jit3A : i32
      %rem3A = arith.remsi %add3A_212, %select_n3A : i32
      %ne3A = arith.constant 0 : i32
      %ne3A_215 = arith.cmpi ne, %rem3A, %ne3A : i32
      %lt3A = arith.constant 0 : i32
      %lt3A_216 = arith.cmpi slt, %rem3A, %lt3A : i32
      %lt3A_217 = arith.constant 0 : i32
      %lt3A_218 = arith.cmpi slt, %select_n3A, %lt3A_217 : i32
      %ne3A_219 = arith.xori %lt3A_216, %lt3A_218 : i1
      %and3A = arith.andi %ne3A_219, %ne3A_215 : i1
      %add3A_220 = arith.addi %rem3A, %select_n3A : i32
      %select_n3A_221 = arith.select %and3A, %add3A_220, %rem3A : i32
      %jit3A_222 = arith.constant 2 : i32
      %eq3A_223 = arith.constant 0 : i32
      %eq3A_224 = arith.cmpi eq, %jit3A_222, %eq3A_223 : i32
      %jit3A_225 = arith.constant 1 : i32
      %select_n3A_226 = arith.select %eq3A_224, %jit3A_225, %jit3A_222 : i32
      %rem3A_227 = arith.remsi %add3A_212, %select_n3A_226 : i32
      %ne3A_228 = arith.constant 0 : i32
      %ne3A_229 = arith.cmpi ne, %rem3A_227, %ne3A_228 : i32
      %lt3A_230 = arith.constant 0 : i32
      %lt3A_231 = arith.cmpi slt, %rem3A_227, %lt3A_230 : i32
      %lt3A_232 = arith.constant 0 : i32
      %lt3A_233 = arith.cmpi slt, %select_n3A_226, %lt3A_232 : i32
      %ne3A_234 = arith.xori %lt3A_231, %lt3A_233 : i1
      %and3A_235 = arith.andi %ne3A_234, %ne3A_229 : i1
      %add3A_236 = arith.addi %rem3A_227, %select_n3A_226 : i32
      %select_n3A_237 = arith.select %and3A_235, %add3A_236, %rem3A_227 : i32
      %mul3A_238 = arith.constant 80 : i32
      %mul3A_239 = arith.muli %select_n3A_237, %mul3A_238 : i32
      %mul3A_240 = arith.constant 80 : i32
      %mul3A_241 = arith.muli %select_n3A_237, %mul3A_240 : i32
      %mul3A_242 = arith.constant 8 : i32
      %mul3A_243 = arith.muli %select_n3A_221, %mul3A_242 : i32
      %dma_wait3A_244 = arith.constant 0 : i32
      %dma_wait3A_245 = tpu.memref_slice %arg6[%mul3A_239, %dma_wait3A_244] : memref<160x128xf32, #tpu.memory_space<vmem>> -> memref<80x128xf32, #tpu.memory_space<vmem>>
      %dma_wait3A_246 = arith.constant 0 : i32
      %dma_wait3A_247 = tpu.memref_slice %arg5[%mul3A_243, %dma_wait3A_246] : memref<48x80xi32, #tpu.memory_space<vmem>> -> memref<1x80xi32, #tpu.memory_space<vmem>>
      %dma_wait3A_248 = tpu.memref_squeeze %dma_wait3A_247 : memref<1x80xi32, #tpu.memory_space<vmem>> -> memref<80xi32, #tpu.memory_space<vmem>>
      %dma_wait3A_249 = arith.constant 0 : i32
      %dma_wait3A_250 = arith.constant 0 : i32
      %dma_wait3A_251 = tpu.memref_slice %arg2[%dma_wait3A_249, %dma_wait3A_250] : memref<10240x128xf32, #tpu.memory_space<hbm>> -> memref<10240x128xf32, #tpu.memory_space<hbm>>
      %dma_wait3A_252 = tpu.memref_slice %arg9[%select_n3A_237] : memref<2x!tpu.dma_semaphore, #tpu.memory_space<semaphore_mem>> -> memref<1x!tpu.dma_semaphore, #tpu.memory_space<semaphore_mem>>
      %dma_wait3A_253 = tpu.memref_squeeze %dma_wait3A_252 : memref<1x!tpu.dma_semaphore, #tpu.memory_space<semaphore_mem>> -> memref<!tpu.dma_semaphore, #tpu.memory_space<semaphore_mem>>
      tpu.wait_indirect_dma semaphore(%dma_wait3A_253 : memref<!tpu.dma_semaphore, #tpu.memory_space<semaphore_mem>>) src(%dma_wait3A_251 : memref<10240x128xf32, #tpu.memory_space<hbm>>) dst(%dma_wait3A_245 : memref<80x128xf32, #tpu.memory_space<vmem>>)
      %add3A_254 = arith.constant 1 : i32
      %add3A_255 = arith.addi %mul3A_243, %add3A_254 : i32
      %dma_wait3A_256 = arith.constant 0 : i32
      %dma_wait3A_257 = tpu.memref_slice %arg7[%mul3A_241, %dma_wait3A_256] : memref<160x128xf32, #tpu.memory_space<vmem>> -> memref<80x128xf32, #tpu.memory_space<vmem>>
      %dma_wait3A_258 = arith.constant 0 : i32
      %dma_wait3A_259 = tpu.memref_slice %arg5[%add3A_255, %dma_wait3A_258] : memref<48x80xi32, #tpu.memory_space<vmem>> -> memref<1x80xi32, #tpu.memory_space<vmem>>
      %dma_wait3A_260 = tpu.memref_squeeze %dma_wait3A_259 : memref<1x80xi32, #tpu.memory_space<vmem>> -> memref<80xi32, #tpu.memory_space<vmem>>
      %dma_wait3A_261 = arith.constant 0 : i32
      %dma_wait3A_262 = arith.constant 0 : i32
      %dma_wait3A_263 = tpu.memref_slice %arg8[%dma_wait3A_261, %dma_wait3A_262] : memref<10240x128xf32, #tpu.memory_space<vmem_shared>> -> memref<10240x128xf32, #tpu.memory_space<vmem_shared>>
      %dma_wait3A_264 = tpu.memref_slice %arg10[%select_n3A_237] : memref<2x!tpu.dma_semaphore, #tpu.memory_space<semaphore_mem>> -> memref<1x!tpu.dma_semaphore, #tpu.memory_space<semaphore_mem>>
      %dma_wait3A_265 = tpu.memref_squeeze %dma_wait3A_264 : memref<1x!tpu.dma_semaphore, #tpu.memory_space<semaphore_mem>> -> memref<!tpu.dma_semaphore, #tpu.memory_space<semaphore_mem>>
      tpu.wait_indirect_dma semaphore(%dma_wait3A_265 : memref<!tpu.dma_semaphore, #tpu.memory_space<semaphore_mem>>) src(%dma_wait3A_257 : memref<80x128xf32, #tpu.memory_space<vmem>>) dst(%dma_wait3A_263 : memref<10240x128xf32, #tpu.memory_space<vmem_shared>>)
      %add3A_266 = arith.constant 4 : i32
      %add3A_267 = arith.addi %add3A_212, %add3A_266 : i32
      %lt3A_268 = arith.constant 125 : i32
      %lt3A_269 = arith.cmpi slt, %add3A_267, %lt3A_268 : i32
      %convert_element_type3A = arith.extui %lt3A_269 : i1 to i32
      %cond3A = arith.constant 0 : i32
      %cond3A_270 = arith.cmpi ne, %convert_element_type3A, %cond3A : i32
      scf.if %cond3A_270 {
        %add3A_292 = arith.constant 4 : i32
        %add3A_293 = arith.addi %select_n3A_221, %add3A_292 : i32
        %jit3A_294 = arith.constant 6 : i32
        %eq3A_295 = arith.constant 0 : i32
        %eq3A_296 = arith.cmpi eq, %jit3A_294, %eq3A_295 : i32
        %jit3A_297 = arith.constant 1 : i32
        %select_n3A_298 = arith.select %eq3A_296, %jit3A_297, %jit3A_294 : i32
        %rem3A_299 = arith.remsi %add3A_293, %select_n3A_298 : i32
        %ne3A_300 = arith.constant 0 : i32
        %ne3A_301 = arith.cmpi ne, %rem3A_299, %ne3A_300 : i32
        %lt3A_302 = arith.constant 0 : i32
        %lt3A_303 = arith.cmpi slt, %rem3A_299, %lt3A_302 : i32
        %lt3A_304 = arith.constant 0 : i32
        %lt3A_305 = arith.cmpi slt, %select_n3A_298, %lt3A_304 : i32
        %ne3A_306 = arith.xori %lt3A_303, %lt3A_305 : i1
        %and3A_307 = arith.andi %ne3A_306, %ne3A_301 : i1
        %add3A_308 = arith.addi %rem3A_299, %select_n3A_298 : i32
        %select_n3A_309 = arith.select %and3A_307, %add3A_308, %rem3A_299 : i32
        %add3A_310 = arith.constant 4 : i32
        %add3A_311 = arith.addi %add3A_212, %add3A_310 : i32
        %mul3A_312 = arith.constant 8 : i32
        %mul3A_313 = arith.muli %select_n3A_309, %mul3A_312 : i32
        %dma_start3A_314 = arith.constant 0 : i32
        %dma_start3A_315 = tpu.memref_slice %arg5[%mul3A_313, %dma_start3A_314] : memref<48x80xi32, #tpu.memory_space<vmem>> -> memref<8x80xi32, #tpu.memory_space<vmem>>
        %dma_start3A_316 = arith.constant 0 : i32
        %dma_start3A_317 = arith.constant 0 : i32
        %dma_start3A_318 = tpu.memref_slice %arg3[%add3A, %add3A_311, %dma_start3A_316, %dma_start3A_317] : memref<32x125x8x80xi32, #tpu.memory_space<hbm>> -> memref<1x1x8x80xi32, #tpu.memory_space<hbm>>
        %dma_start3A_319 = tpu.memref_squeeze %dma_start3A_318 : memref<1x1x8x80xi32, #tpu.memory_space<hbm>> -> memref<8x80xi32, #tpu.memory_space<hbm>>
        %dma_start3A_320 = tpu.memref_slice %arg11[%select_n3A_309] : memref<6x!tpu.dma_semaphore, #tpu.memory_space<semaphore_mem>> -> memref<1x!tpu.dma_semaphore, #tpu.memory_space<semaphore_mem>>
        %dma_start3A_321 = tpu.memref_squeeze %dma_start3A_320 : memref<1x!tpu.dma_semaphore, #tpu.memory_space<semaphore_mem>> -> memref<!tpu.dma_semaphore, #tpu.memory_space<semaphore_mem>>
        %dma_start3A_322 = arith.constant 0 : i32
        %dma_start3A_323 = tpu.memref_slice %arg5[%mul3A_313, %dma_start3A_322] : memref<48x80xi32, #tpu.memory_space<vmem>> -> memref<8x80xi32, #tpu.memory_space<vmem>>
        %dma_start3A_324 = arith.constant 0 : i32
        %dma_start3A_325 = arith.constant 0 : i32
        %dma_start3A_326 = tpu.memref_slice %arg3[%add3A, %add3A_311, %dma_start3A_324, %dma_start3A_325] : memref<32x125x8x80xi32, #tpu.memory_space<hbm>> -> memref<1x1x8x80xi32, #tpu.memory_space<hbm>>
        %dma_start3A_327 = tpu.memref_squeeze %dma_start3A_326 : memref<1x1x8x80xi32, #tpu.memory_space<hbm>> -> memref<8x80xi32, #tpu.memory_space<hbm>>
        tpu.enqueue_dma source(%dma_start3A_327 : memref<8x80xi32, #tpu.memory_space<hbm>>) target(%dma_start3A_323 : memref<8x80xi32, #tpu.memory_space<vmem>>) target_semaphore(%dma_start3A_321 : memref<!tpu.dma_semaphore, #tpu.memory_space<semaphore_mem>>)
      } else {
      }
      %parallel_loop3A = arith.constant 0 : i32
      %parallel_loop3A_271 = arith.constant 5 : i32
      %parallel_loop3A_272 = arith.constant 1 : i32
      scf.for %parallel_loop3A_292 = %parallel_loop3A to %parallel_loop3A_271 step %parallel_loop3A_272  : i32 {
        %parallel_loop3A_293 = arith.constant 16 : i32
        %parallel_loop3A_294 = arith.muli %parallel_loop3A_292, %parallel_loop3A_293 : i32
        %parallel_loop3A_295 = tpu.assume_multiple %parallel_loop3A_294, 16 : i32
        %parallel_loop3A_296 = arith.constant 2 : i32
        %parallel_loop3A_297 = arith.addi %mul3A_243, %parallel_loop3A_296 : i32
        %parallel_loop3A_298 = arith.index_cast %parallel_loop3A_297 : i32 to index
        %parallel_loop3A_299 = arith.index_cast %parallel_loop3A_295 : i32 to index
        %parallel_loop3A_300 = tpu.vector_load %arg5[%parallel_loop3A_298, %parallel_loop3A_299] {strides = array<i32>} : memref<48x80xi32, #tpu.memory_space<vmem>>, vector<16xi32>,
        %parallel_loop3A_301 = vector.bitcast %parallel_loop3A_300 : vector<16xi32> to vector<16xf32>
        %parallel_loop3A_302 = vector.extract_strided_slice %parallel_loop3A_301 {offsets = [0], sizes = [1], strides = [1]} : vector<16xf32> to vector<1xf32>
        %parallel_loop3A_303 = vector.extract %parallel_loop3A_302[0] : f32 from vector<1xf32>
        %parallel_loop3A_304 = arith.constant 16 : i32
        %parallel_loop3A_305 = arith.muli %parallel_loop3A_292, %parallel_loop3A_304 : i32
        %parallel_loop3A_306 = arith.constant 0 : i32
        %parallel_loop3A_307 = arith.addi %parallel_loop3A_305, %parallel_loop3A_306 : i32
        %parallel_loop3A_308 = arith.constant 0 : i32
        %parallel_loop3A_309 = tpu.memref_slice %arg6[%mul3A_239, %parallel_loop3A_308] : memref<160x128xf32, #tpu.memory_space<vmem>> -> memref<80x128xf32, #tpu.memory_space<vmem>>
        %parallel_loop3A_310 = arith.index_cast %parallel_loop3A_307 : i32 to index
        %parallel_loop3A_311 = arith.constant 0 : index
        %parallel_loop3A_312 = tpu.vector_load %parallel_loop3A_309[%parallel_loop3A_310, %parallel_loop3A_311] {strides = array<i32>} : memref<80x128xf32, #tpu.memory_space<vmem>>, vector<16xf32>,
        %parallel_loop3A_313 = vector.broadcast %parallel_loop3A_303 : f32 to vector<16xf32>
        %parallel_loop3A_314 = arith.mulf %parallel_loop3A_312, %parallel_loop3A_313 : vector<16xf32>
        %parallel_loop3A_315 = arith.constant 0 : i32
        %parallel_loop3A_316 = tpu.memref_slice %arg7[%mul3A_241, %parallel_loop3A_315] : memref<160x128xf32, #tpu.memory_space<vmem>> -> memref<80x128xf32, #tpu.memory_space<vmem>>
        %parallel_loop3A_317 = arith.index_cast %parallel_loop3A_307 : i32 to index
        %parallel_loop3A_318 = arith.constant 0 : index
        %parallel_loop3A_319 = tpu.vector_load %parallel_loop3A_316[%parallel_loop3A_317, %parallel_loop3A_318] {strides = array<i32>} : memref<80x128xf32, #tpu.memory_space<vmem>>, vector<16xf32>,
        tpu.vector_store %parallel_loop3A_316[%parallel_loop3A_317, %parallel_loop3A_318], %parallel_loop3A_314 {strides = array<i32>} : memref<80x128xf32, #tpu.memory_space<vmem>>, vector<16xf32>,
        %parallel_loop3A_320 = arith.constant 0 : i32
        %parallel_loop3A_321 = tpu.memref_slice %arg6[%mul3A_239, %parallel_loop3A_320] : memref<160x128xf32, #tpu.memory_space<vmem>> -> memref<80x128xf32, #tpu.memory_space<vmem>>
        %parallel_loop3A_322 = arith.index_cast %parallel_loop3A_307 : i32 to index
        %parallel_loop3A_323 = arith.constant 16 : index
        %parallel_loop3A_324 = tpu.vector_load %parallel_loop3A_321[%parallel_loop3A_322, %parallel_loop3A_323] {strides = array<i32>} : memref<80x128xf32, #tpu.memory_space<vmem>>, vector<16xf32>,
        %parallel_loop3A_325 = vector.broadcast %parallel_loop3A_303 : f32 to vector<16xf32>
        %parallel_loop3A_326 = arith.mulf %parallel_loop3A_324, %parallel_loop3A_325 : vector<16xf32>
        %parallel_loop3A_327 = arith.constant 0 : i32
        %parallel_loop3A_328 = tpu.memref_slice %arg7[%mul3A_241, %parallel_loop3A_327] : memref<160x128xf32, #tpu.memory_space<vmem>> -> memref<80x128xf32, #tpu.memory_space<vmem>>
        %parallel_loop3A_329 = arith.index_cast %parallel_loop3A_307 : i32 to index
        %parallel_loop3A_330 = arith.constant 16 : index
        %parallel_loop3A_331 = tpu.vector_load %parallel_loop3A_328[%parallel_loop3A_329, %parallel_loop3A_330] {strides = array<i32>} : memref<80x128xf32, #tpu.memory_space<vmem>>, vector<16xf32>,
        tpu.vector_store %parallel_loop3A_328[%parallel_loop3A_329, %parallel_loop3A_330], %parallel_loop3A_326 {strides = array<i32>} : memref<80x128xf32, #tpu.memory_space<vmem>>, vector<16xf32>,
        %parallel_loop3A_332 = arith.constant 0 : i32
        %parallel_loop3A_333 = tpu.memref_slice %arg6[%mul3A_239, %parallel_loop3A_332] : memref<160x128xf32, #tpu.memory_space<vmem>> -> memref<80x128xf32, #tpu.memory_space<vmem>>
        %parallel_loop3A_334 = arith.index_cast %parallel_loop3A_307 : i32 to index
        %parallel_loop3A_335 = arith.constant 32 : index
        %parallel_loop3A_336 = tpu.vector_load %parallel_loop3A_333[%parallel_loop3A_334, %parallel_loop3A_335] {strides = array<i32>} : memref<80x128xf32, #tpu.memory_space<vmem>>, vector<16xf32>,
        %parallel_loop3A_337 = vector.broadcast %parallel_loop3A_303 : f32 to vector<16xf32>
        %parallel_loop3A_338 = arith.mulf %parallel_loop3A_336, %parallel_loop3A_337 : vector<16xf32>
        %parallel_loop3A_339 = arith.constant 0 : i32
        %parallel_loop3A_340 = tpu.memref_slice %arg7[%mul3A_241, %parallel_loop3A_339] : memref<160x128xf32, #tpu.memory_space<vmem>> -> memref<80x128xf32, #tpu.memory_space<vmem>>
        %parallel_loop3A_341 = arith.index_cast %parallel_loop3A_307 : i32 to index
        %parallel_loop3A_342 = arith.constant 32 : index
        %parallel_loop3A_343 = tpu.vector_load %parallel_loop3A_340[%parallel_loop3A_341, %parallel_loop3A_342] {strides = array<i32>} : memref<80x128xf32, #tpu.memory_space<vmem>>, vector<16xf32>,
        tpu.vector_store %parallel_loop3A_340[%parallel_loop3A_341, %parallel_loop3A_342], %parallel_loop3A_338 {strides = array<i32>} : memref<80x128xf32, #tpu.memory_space<vmem>>, vector<16xf32>,
        %parallel_loop3A_344 = arith.constant 0 : i32
        %parallel_loop3A_345 = tpu.memref_slice %arg6[%mul3A_239, %parallel_loop3A_344] : memref<160x128xf32, #tpu.memory_space<vmem>> -> memref<80x128xf32, #tpu.memory_space<vmem>>
        %parallel_loop3A_346 = arith.index_cast %parallel_loop3A_307 : i32 to index
        %parallel_loop3A_347 = arith.constant 48 : index
        %parallel_loop3A_348 = tpu.vector_load %parallel_loop3A_345[%parallel_loop3A_346, %parallel_loop3A_347] {strides = array<i32>} : memref<80x128xf32, #tpu.memory_space<vmem>>, vector<16xf32>,
        %parallel_loop3A_349 = vector.broadcast %parallel_loop3A_303 : f32 to vector<16xf32>
        %parallel_loop3A_350 = arith.mulf %parallel_loop3A_348, %parallel_loop3A_349 : vector<16xf32>
        %parallel_loop3A_351 = arith.constant 0 : i32
        %parallel_loop3A_352 = tpu.memref_slice %arg7[%mul3A_241, %parallel_loop3A_351] : memref<160x128xf32, #tpu.memory_space<vmem>> -> memref<80x128xf32, #tpu.memory_space<vmem>>
        %parallel_loop3A_353 = arith.index_cast %parallel_loop3A_307 : i32 to index
        %parallel_loop3A_354 = arith.constant 48 : index
        %parallel_loop3A_355 = tpu.vector_load %parallel_loop3A_352[%parallel_loop3A_353, %parallel_loop3A_354] {strides = array<i32>} : memref<80x128xf32, #tpu.memory_space<vmem>>, vector<16xf32>,
        tpu.vector_store %parallel_loop3A_352[%parallel_loop3A_353, %parallel_loop3A_354], %parallel_loop3A_350 {strides = array<i32>} : memref<80x128xf32, #tpu.memory_space<vmem>>, vector<16xf32>,
        %parallel_loop3A_356 = arith.constant 0 : i32
        %parallel_loop3A_357 = tpu.memref_slice %arg6[%mul3A_239, %parallel_loop3A_356] : memref<160x128xf32, #tpu.memory_space<vmem>> -> memref<80x128xf32, #tpu.memory_space<vmem>>
        %parallel_loop3A_358 = arith.index_cast %parallel_loop3A_307 : i32 to index
        %parallel_loop3A_359 = arith.constant 64 : index
        %parallel_loop3A_360 = tpu.vector_load %parallel_loop3A_357[%parallel_loop3A_358, %parallel_loop3A_359] {strides = array<i32>} : memref<80x128xf32, #tpu.memory_space<vmem>>, vector<16xf32>,
        %parallel_loop3A_361 = vector.broadcast %parallel_loop3A_303 : f32 to vector<16xf32>
        %parallel_loop3A_362 = arith.mulf %parallel_loop3A_360, %parallel_loop3A_361 : vector<16xf32>
        %parallel_loop3A_363 = arith.constant 0 : i32
        %parallel_loop3A_364 = tpu.memref_slice %arg7[%mul3A_241, %parallel_loop3A_363] : memref<160x128xf32, #tpu.memory_space<vmem>> -> memref<80x128xf32, #tpu.memory_space<vmem>>
        %parallel_loop3A_365 = arith.index_cast %parallel_loop3A_307 : i32 to index
        %parallel_loop3A_366 = arith.constant 64 : index
        %parallel_loop3A_367 = tpu.vector_load %parallel_loop3A_364[%parallel_loop3A_365, %parallel_loop3A_366] {strides = array<i32>} : memref<80x128xf32, #tpu.memory_space<vmem>>, vector<16xf32>,
        tpu.vector_store %parallel_loop3A_364[%parallel_loop3A_365, %parallel_loop3A_366], %parallel_loop3A_362 {strides = array<i32>} : memref<80x128xf32, #tpu.memory_space<vmem>>, vector<16xf32>,
        %parallel_loop3A_368 = arith.constant 0 : i32
        %parallel_loop3A_369 = tpu.memref_slice %arg6[%mul3A_239, %parallel_loop3A_368] : memref<160x128xf32, #tpu.memory_space<vmem>> -> memref<80x128xf32, #tpu.memory_space<vmem>>
        %parallel_loop3A_370 = arith.index_cast %parallel_loop3A_307 : i32 to index
        %parallel_loop3A_371 = arith.constant 80 : index
        %parallel_loop3A_372 = tpu.vector_load %parallel_loop3A_369[%parallel_loop3A_370, %parallel_loop3A_371] {strides = array<i32>} : memref<80x128xf32, #tpu.memory_space<vmem>>, vector<16xf32>,
        %parallel_loop3A_373 = vector.broadcast %parallel_loop3A_303 : f32 to vector<16xf32>
        %parallel_loop3A_374 = arith.mulf %parallel_loop3A_372, %parallel_loop3A_373 : vector<16xf32>
        %parallel_loop3A_375 = arith.constant 0 : i32
        %parallel_loop3A_376 = tpu.memref_slice %arg7[%mul3A_241, %parallel_loop3A_375] : memref<160x128xf32, #tpu.memory_space<vmem>> -> memref<80x128xf32, #tpu.memory_space<vmem>>
        %parallel_loop3A_377 = arith.index_cast %parallel_loop3A_307 : i32 to index
        %parallel_loop3A_378 = arith.constant 80 : index
        %parallel_loop3A_379 = tpu.vector_load %parallel_loop3A_376[%parallel_loop3A_377, %parallel_loop3A_378] {strides = array<i32>} : memref<80x128xf32, #tpu.memory_space<vmem>>, vector<16xf32>,
        tpu.vector_store %parallel_loop3A_376[%parallel_loop3A_377, %parallel_loop3A_378], %parallel_loop3A_374 {strides = array<i32>} : memref<80x128xf32, #tpu.memory_space<vmem>>, vector<16xf32>,
        %parallel_loop3A_380 = arith.constant 0 : i32
        %parallel_loop3A_381 = tpu.memref_slice %arg6[%mul3A_239, %parallel_loop3A_380] : memref<160x128xf32, #tpu.memory_space<vmem>> -> memref<80x128xf32, #tpu.memory_space<vmem>>
        %parallel_loop3A_382 = arith.index_cast %parallel_loop3A_307 : i32 to index
        %parallel_loop3A_383 = arith.constant 96 : index
        %parallel_loop3A_384 = tpu.vector_load %parallel_loop3A_381[%parallel_loop3A_382, %parallel_loop3A_383] {strides = array<i32>} : memref<80x128xf32, #tpu.memory_space<vmem>>, vector<16xf32>,
        %parallel_loop3A_385 = vector.broadcast %parallel_loop3A_303 : f32 to vector<16xf32>
        %parallel_loop3A_386 = arith.mulf %parallel_loop3A_384, %parallel_loop3A_385 : vector<16xf32>
        %parallel_loop3A_387 = arith.constant 0 : i32
        %parallel_loop3A_388 = tpu.memref_slice %arg7[%mul3A_241, %parallel_loop3A_387] : memref<160x128xf32, #tpu.memory_space<vmem>> -> memref<80x128xf32, #tpu.memory_space<vmem>>
        %parallel_loop3A_389 = arith.index_cast %parallel_loop3A_307 : i32 to index
        %parallel_loop3A_390 = arith.constant 96 : index
        %parallel_loop3A_391 = tpu.vector_load %parallel_loop3A_388[%parallel_loop3A_389, %parallel_loop3A_390] {strides = array<i32>} : memref<80x128xf32, #tpu.memory_space<vmem>>, vector<16xf32>,
        tpu.vector_store %parallel_loop3A_388[%parallel_loop3A_389, %parallel_loop3A_390], %parallel_loop3A_386 {strides = array<i32>} : memref<80x128xf32, #tpu.memory_space<vmem>>, vector<16xf32>,
        %parallel_loop3A_392 = arith.constant 0 : i32
        %parallel_loop3A_393 = tpu.memref_slice %arg6[%mul3A_239, %parallel_loop3A_392] : memref<160x128xf32, #tpu.memory_space<vmem>> -> memref<80x128xf32, #tpu.memory_space<vmem>>
        %parallel_loop3A_394 = arith.index_cast %parallel_loop3A_307 : i32 to index
        %parallel_loop3A_395 = arith.constant 112 : index
        %parallel_loop3A_396 = tpu.vector_load %parallel_loop3A_393[%parallel_loop3A_394, %parallel_loop3A_395] {strides = array<i32>} : memref<80x128xf32, #tpu.memory_space<vmem>>, vector<16xf32>,
        %parallel_loop3A_397 = vector.broadcast %parallel_loop3A_303 : f32 to vector<16xf32>
        %parallel_loop3A_398 = arith.mulf %parallel_loop3A_396, %parallel_loop3A_397 : vector<16xf32>
        %parallel_loop3A_399 = arith.constant 0 : i32
        %parallel_loop3A_400 = tpu.memref_slice %arg7[%mul3A_241, %parallel_loop3A_399] : memref<160x128xf32, #tpu.memory_space<vmem>> -> memref<80x128xf32, #tpu.memory_space<vmem>>
        %parallel_loop3A_401 = arith.index_cast %parallel_loop3A_307 : i32 to index
        %parallel_loop3A_402 = arith.constant 112 : index
        %parallel_loop3A_403 = tpu.vector_load %parallel_loop3A_400[%parallel_loop3A_401, %parallel_loop3A_402] {strides = array<i32>} : memref<80x128xf32, #tpu.memory_space<vmem>>, vector<16xf32>,
        tpu.vector_store %parallel_loop3A_400[%parallel_loop3A_401, %parallel_loop3A_402], %parallel_loop3A_398 {strides = array<i32>} : memref<80x128xf32, #tpu.memory_space<vmem>>, vector<16xf32>,
        %parallel_loop3A_404 = vector.extract_strided_slice %parallel_loop3A_301 {offsets = [1], sizes = [1], strides = [1]} : vector<16xf32> to vector<1xf32>
        %parallel_loop3A_405 = vector.extract %parallel_loop3A_404[0] : f32 from vector<1xf32>
        %parallel_loop3A_406 = arith.constant 16 : i32
        %parallel_loop3A_407 = arith.muli %parallel_loop3A_292, %parallel_loop3A_406 : i32
        %parallel_loop3A_408 = arith.constant 1 : i32
        %parallel_loop3A_409 = arith.addi %parallel_loop3A_407, %parallel_loop3A_408 : i32
        %parallel_loop3A_410 = arith.constant 0 : i32
        %parallel_loop3A_411 = tpu.memref_slice %arg6[%mul3A_239, %parallel_loop3A_410] : memref<160x128xf32, #tpu.memory_space<vmem>> -> memref<80x128xf32, #tpu.memory_space<vmem>>
        %parallel_loop3A_412 = arith.index_cast %parallel_loop3A_409 : i32 to index
        %parallel_loop3A_413 = arith.constant 0 : index
        %parallel_loop3A_414 = tpu.vector_load %parallel_loop3A_411[%parallel_loop3A_412, %parallel_loop3A_413] {strides = array<i32>} : memref<80x128xf32, #tpu.memory_space<vmem>>, vector<16xf32>,
        %parallel_loop3A_415 = vector.broadcast %parallel_loop3A_405 : f32 to vector<16xf32>
        %parallel_loop3A_416 = arith.mulf %parallel_loop3A_414, %parallel_loop3A_415 : vector<16xf32>
        %parallel_loop3A_417 = arith.constant 0 : i32
        %parallel_loop3A_418 = tpu.memref_slice %arg7[%mul3A_241, %parallel_loop3A_417] : memref<160x128xf32, #tpu.memory_space<vmem>> -> memref<80x128xf32, #tpu.memory_space<vmem>>
        %parallel_loop3A_419 = arith.index_cast %parallel_loop3A_409 : i32 to index
        %parallel_loop3A_420 = arith.constant 0 : index
        %parallel_loop3A_421 = tpu.vector_load %parallel_loop3A_418[%parallel_loop3A_419, %parallel_loop3A_420] {strides = array<i32>} : memref<80x128xf32, #tpu.memory_space<vmem>>, vector<16xf32>,
        tpu.vector_store %parallel_loop3A_418[%parallel_loop3A_419, %parallel_loop3A_420], %parallel_loop3A_416 {strides = array<i32>} : memref<80x128xf32, #tpu.memory_space<vmem>>, vector<16xf32>,
        %parallel_loop3A_422 = arith.constant 0 : i32
        %parallel_loop3A_423 = tpu.memref_slice %arg6[%mul3A_239, %parallel_loop3A_422] : memref<160x128xf32, #tpu.memory_space<vmem>> -> memref<80x128xf32, #tpu.memory_space<vmem>>
        %parallel_loop3A_424 = arith.index_cast %parallel_loop3A_409 : i32 to index
        %parallel_loop3A_425 = arith.constant 16 : index
        %parallel_loop3A_426 = tpu.vector_load %parallel_loop3A_423[%parallel_loop3A_424, %parallel_loop3A_425] {strides = array<i32>} : memref<80x128xf32, #tpu.memory_space<vmem>>, vector<16xf32>,
        %parallel_loop3A_427 = vector.broadcast %parallel_loop3A_405 : f32 to vector<16xf32>
        %parallel_loop3A_428 = arith.mulf %parallel_loop3A_426, %parallel_loop3A_427 : vector<16xf32>
        %parallel_loop3A_429 = arith.constant 0 : i32
        %parallel_loop3A_430 = tpu.memref_slice %arg7[%mul3A_241, %parallel_loop3A_429] : memref<160x128xf32, #tpu.memory_space<vmem>> -> memref<80x128xf32, #tpu.memory_space<vmem>>
        %parallel_loop3A_431 = arith.index_cast %parallel_loop3A_409 : i32 to index
        %parallel_loop3A_432 = arith.constant 16 : index
        %parallel_loop3A_433 = tpu.vector_load %parallel_loop3A_430[%parallel_loop3A_431, %parallel_loop3A_432] {strides = array<i32>} : memref<80x128xf32, #tpu.memory_space<vmem>>, vector<16xf32>,
        tpu.vector_store %parallel_loop3A_430[%parallel_loop3A_431, %parallel_loop3A_432], %parallel_loop3A_428 {strides = array<i32>} : memref<80x128xf32, #tpu.memory_space<vmem>>, vector<16xf32>,
        %parallel_loop3A_434 = arith.constant 0 : i32
        %parallel_loop3A_435 = tpu.memref_slice %arg6[%mul3A_239, %parallel_loop3A_434] : memref<160x128xf32, #tpu.memory_space<vmem>> -> memref<80x128xf32, #tpu.memory_space<vmem>>
        %parallel_loop3A_436 = arith.index_cast %parallel_loop3A_409 : i32 to index
        %parallel_loop3A_437 = arith.constant 32 : index
        %parallel_loop3A_438 = tpu.vector_load %parallel_loop3A_435[%parallel_loop3A_436, %parallel_loop3A_437] {strides = array<i32>} : memref<80x128xf32, #tpu.memory_space<vmem>>, vector<16xf32>,
        %parallel_loop3A_439 = vector.broadcast %parallel_loop3A_405 : f32 to vector<16xf32>
        %parallel_loop3A_440 = arith.mulf %parallel_loop3A_438, %parallel_loop3A_439 : vector<16xf32>
        %parallel_loop3A_441 = arith.constant 0 : i32
        %parallel_loop3A_442 = tpu.memref_slice %arg7[%mul3A_241, %parallel_loop3A_441] : memref<160x128xf32, #tpu.memory_space<vmem>> -> memref<80x128xf32, #tpu.memory_space<vmem>>
        %parallel_loop3A_443 = arith.index_cast %parallel_loop3A_409 : i32 to index
        %parallel_loop3A_444 = arith.constant 32 : index
        %parallel_loop3A_445 = tpu.vector_load %parallel_loop3A_442[%parallel_loop3A_443, %parallel_loop3A_444] {strides = array<i32>} : memref<80x128xf32, #tpu.memory_space<vmem>>, vector<16xf32>,
        tpu.vector_store %parallel_loop3A_442[%parallel_loop3A_443, %parallel_loop3A_444], %parallel_loop3A_440 {strides = array<i32>} : memref<80x128xf32, #tpu.memory_space<vmem>>, vector<16xf32>,
        %parallel_loop3A_446 = arith.constant 0 : i32
        %parallel_loop3A_447 = tpu.memref_slice %arg6[%mul3A_239, %parallel_loop3A_446] : memref<160x128xf32, #tpu.memory_space<vmem>> -> memref<80x128xf32, #tpu.memory_space<vmem>>
        %parallel_loop3A_448 = arith.index_cast %parallel_loop3A_409 : i32 to index
        %parallel_loop3A_449 = arith.constant 48 : index
        %parallel_loop3A_450 = tpu.vector_load %parallel_loop3A_447[%parallel_loop3A_448, %parallel_loop3A_449] {strides = array<i32>} : memref<80x128xf32, #tpu.memory_space<vmem>>, vector<16xf32>,
        %parallel_loop3A_451 = vector.broadcast %parallel_loop3A_405 : f32 to vector<16xf32>
        %parallel_loop3A_452 = arith.mulf %parallel_loop3A_450, %parallel_loop3A_451 : vector<16xf32>
        %parallel_loop3A_453 = arith.constant 0 : i32
        %parallel_loop3A_454 = tpu.memref_slice %arg7[%mul3A_241, %parallel_loop3A_453] : memref<160x128xf32, #tpu.memory_space<vmem>> -> memref<80x128xf32, #tpu.memory_space<vmem>>
        %parallel_loop3A_455 = arith.index_cast %parallel_loop3A_409 : i32 to index
        %parallel_loop3A_456 = arith.constant 48 : index
        %parallel_loop3A_457 = tpu.vector_load %parallel_loop3A_454[%parallel_loop3A_455, %parallel_loop3A_456] {strides = array<i32>} : memref<80x128xf32, #tpu.memory_space<vmem>>, vector<16xf32>,
        tpu.vector_store %parallel_loop3A_454[%parallel_loop3A_455, %parallel_loop3A_456], %parallel_loop3A_452 {strides = array<i32>} : memref<80x128xf32, #tpu.memory_space<vmem>>, vector<16xf32>,
        %parallel_loop3A_458 = arith.constant 0 : i32
        %parallel_loop3A_459 = tpu.memref_slice %arg6[%mul3A_239, %parallel_loop3A_458] : memref<160x128xf32, #tpu.memory_space<vmem>> -> memref<80x128xf32, #tpu.memory_space<vmem>>
        %parallel_loop3A_460 = arith.index_cast %parallel_loop3A_409 : i32 to index
        %parallel_loop3A_461 = arith.constant 64 : index
        %parallel_loop3A_462 = tpu.vector_load %parallel_loop3A_459[%parallel_loop3A_460, %parallel_loop3A_461] {strides = array<i32>} : memref<80x128xf32, #tpu.memory_space<vmem>>, vector<16xf32>,
        %parallel_loop3A_463 = vector.broadcast %parallel_loop3A_405 : f32 to vector<16xf32>
        %parallel_loop3A_464 = arith.mulf %parallel_loop3A_462, %parallel_loop3A_463 : vector<16xf32>
        %parallel_loop3A_465 = arith.constant 0 : i32
        %parallel_loop3A_466 = tpu.memref_slice %arg7[%mul3A_241, %parallel_loop3A_465] : memref<160x128xf32, #tpu.memory_space<vmem>> -> memref<80x128xf32, #tpu.memory_space<vmem>>
        %parallel_loop3A_467 = arith.index_cast %parallel_loop3A_409 : i32 to index
        %parallel_loop3A_468 = arith.constant 64 : index
        %parallel_loop3A_469 = tpu.vector_load %parallel_loop3A_466[%parallel_loop3A_467, %parallel_loop3A_468] {strides = array<i32>} : memref<80x128xf32, #tpu.memory_space<vmem>>, vector<16xf32>,
        tpu.vector_store %parallel_loop3A_466[%parallel_loop3A_467, %parallel_loop3A_468], %parallel_loop3A_464 {strides = array<i32>} : memref<80x128xf32, #tpu.memory_space<vmem>>, vector<16xf32>,
        %parallel_loop3A_470 = arith.constant 0 : i32
        %parallel_loop3A_471 = tpu.memref_slice %arg6[%mul3A_239, %parallel_loop3A_470] : memref<160x128xf32, #tpu.memory_space<vmem>> -> memref<80x128xf32, #tpu.memory_space<vmem>>
        %parallel_loop3A_472 = arith.index_cast %parallel_loop3A_409 : i32 to index
        %parallel_loop3A_473 = arith.constant 80 : index
        %parallel_loop3A_474 = tpu.vector_load %parallel_loop3A_471[%parallel_loop3A_472, %parallel_loop3A_473] {strides = array<i32>} : memref<80x128xf32, #tpu.memory_space<vmem>>, vector<16xf32>,
        %parallel_loop3A_475 = vector.broadcast %parallel_loop3A_405 : f32 to vector<16xf32>
        %parallel_loop3A_476 = arith.mulf %parallel_loop3A_474, %parallel_loop3A_475 : vector<16xf32>
        %parallel_loop3A_477 = arith.constant 0 : i32
        %parallel_loop3A_478 = tpu.memref_slice %arg7[%mul3A_241, %parallel_loop3A_477] : memref<160x128xf32, #tpu.memory_space<vmem>> -> memref<80x128xf32, #tpu.memory_space<vmem>>
        %parallel_loop3A_479 = arith.index_cast %parallel_loop3A_409 : i32 to index
        %parallel_loop3A_480 = arith.constant 80 : index
        %parallel_loop3A_481 = tpu.vector_load %parallel_loop3A_478[%parallel_loop3A_479, %parallel_loop3A_480] {strides = array<i32>} : memref<80x128xf32, #tpu.memory_space<vmem>>, vector<16xf32>,
        tpu.vector_store %parallel_loop3A_478[%parallel_loop3A_479, %parallel_loop3A_480], %parallel_loop3A_476 {strides = array<i32>} : memref<80x128xf32, #tpu.memory_space<vmem>>, vector<16xf32>,
        %parallel_loop3A_482 = arith.constant 0 : i32
        %parallel_loop3A_483 = tpu.memref_slice %arg6[%mul3A_239, %parallel_loop3A_482] : memref<160x128xf32, #tpu.memory_space<vmem>> -> memref<80x128xf32, #tpu.memory_space<vmem>>
        %parallel_loop3A_484 = arith.index_cast %parallel_loop3A_409 : i32 to index
        %parallel_loop3A_485 = arith.constant 96 : index
        %parallel_loop3A_486 = tpu.vector_load %parallel_loop3A_483[%parallel_loop3A_484, %parallel_loop3A_485] {strides = array<i32>} : memref<80x128xf32, #tpu.memory_space<vmem>>, vector<16xf32>,
        %parallel_loop3A_487 = vector.broadcast %parallel_loop3A_405 : f32 to vector<16xf32>
        %parallel_loop3A_488 = arith.mulf %parallel_loop3A_486, %parallel_loop3A_487 : vector<16xf32>
        %parallel_loop3A_489 = arith.constant 0 : i32
        %parallel_loop3A_490 = tpu.memref_slice %arg7[%mul3A_241, %parallel_loop3A_489] : memref<160x128xf32, #tpu.memory_space<vmem>> -> memref<80x128xf32, #tpu.memory_space<vmem>>
        %parallel_loop3A_491 = arith.index_cast %parallel_loop3A_409 : i32 to index
        %parallel_loop3A_492 = arith.constant 96 : index
        %parallel_loop3A_493 = tpu.vector_load %parallel_loop3A_490[%parallel_loop3A_491, %parallel_loop3A_492] {strides = array<i32>} : memref<80x128xf32, #tpu.memory_space<vmem>>, vector<16xf32>,
        tpu.vector_store %parallel_loop3A_490[%parallel_loop3A_491, %parallel_loop3A_492], %parallel_loop3A_488 {strides = array<i32>} : memref<80x128xf32, #tpu.memory_space<vmem>>, vector<16xf32>,
        %parallel_loop3A_494 = arith.constant 0 : i32
        %parallel_loop3A_495 = tpu.memref_slice %arg6[%mul3A_239, %parallel_loop3A_494] : memref<160x128xf32, #tpu.memory_space<vmem>> -> memref<80x128xf32, #tpu.memory_space<vmem>>
        %parallel_loop3A_496 = arith.index_cast %parallel_loop3A_409 : i32 to index
        %parallel_loop3A_497 = arith.constant 112 : index
        %parallel_loop3A_498 = tpu.vector_load %parallel_loop3A_495[%parallel_loop3A_496, %parallel_loop3A_497] {strides = array<i32>} : memref<80x128xf32, #tpu.memory_space<vmem>>, vector<16xf32>,
        %parallel_loop3A_499 = vector.broadcast %parallel_loop3A_405 : f32 to vector<16xf32>
        %parallel_loop3A_500 = arith.mulf %parallel_loop3A_498, %parallel_loop3A_499 : vector<16xf32>
        %parallel_loop3A_501 = arith.constant 0 : i32
        %parallel_loop3A_502 = tpu.memref_slice %arg7[%mul3A_241, %parallel_loop3A_501] : memref<160x128xf32, #tpu.memory_space<vmem>> -> memref<80x128xf32, #tpu.memory_space<vmem>>
        %parallel_loop3A_503 = arith.index_cast %parallel_loop3A_409 : i32 to index
        %parallel_loop3A_504 = arith.constant 112 : index
        %parallel_loop3A_505 = tpu.vector_load %parallel_loop3A_502[%parallel_loop3A_503, %parallel_loop3A_504] {strides = array<i32>} : memref<80x128xf32, #tpu.memory_space<vmem>>, vector<16xf32>,
        tpu.vector_store %parallel_loop3A_502[%parallel_loop3A_503, %parallel_loop3A_504], %parallel_loop3A_500 {strides = array<i32>} : memref<80x128xf32, #tpu.memory_space<vmem>>, vector<16xf32>,
        %parallel_loop3A_506 = vector.extract_strided_slice %parallel_loop3A_301 {offsets = [2], sizes = [1], strides = [1]} : vector<16xf32> to vector<1xf32>
        %parallel_loop3A_507 = vector.extract %parallel_loop3A_506[0] : f32 from vector<1xf32>
        %parallel_loop3A_508 = arith.constant 16 : i32
        %parallel_loop3A_509 = arith.muli %parallel_loop3A_292, %parallel_loop3A_508 : i32
        %parallel_loop3A_510 = arith.constant 2 : i32
        %parallel_loop3A_511 = arith.addi %parallel_loop3A_509, %parallel_loop3A_510 : i32
        %parallel_loop3A_512 = arith.constant 0 : i32
        %parallel_loop3A_513 = tpu.memref_slice %arg6[%mul3A_239, %parallel_loop3A_512] : memref<160x128xf32, #tpu.memory_space<vmem>> -> memref<80x128xf32, #tpu.memory_space<vmem>>
        %parallel_loop3A_514 = arith.index_cast %parallel_loop3A_511 : i32 to index
        %parallel_loop3A_515 = arith.constant 0 : index
        %parallel_loop3A_516 = tpu.vector_load %parallel_loop3A_513[%parallel_loop3A_514, %parallel_loop3A_515] {strides = array<i32>} : memref<80x128xf32, #tpu.memory_space<vmem>>, vector<16xf32>,
        %parallel_loop3A_517 = vector.broadcast %parallel_loop3A_507 : f32 to vector<16xf32>
        %parallel_loop3A_518 = arith.mulf %parallel_loop3A_516, %parallel_loop3A_517 : vector<16xf32>
        %parallel_loop3A_519 = arith.constant 0 : i32
        %parallel_loop3A_520 = tpu.memref_slice %arg7[%mul3A_241, %parallel_loop3A_519] : memref<160x128xf32, #tpu.memory_space<vmem>> -> memref<80x128xf32, #tpu.memory_space<vmem>>
        %parallel_loop3A_521 = arith.index_cast %parallel_loop3A_511 : i32 to index
        %parallel_loop3A_522 = arith.constant 0 : index
        %parallel_loop3A_523 = tpu.vector_load %parallel_loop3A_520[%parallel_loop3A_521, %parallel_loop3A_522] {strides = array<i32>} : memref<80x128xf32, #tpu.memory_space<vmem>>, vector<16xf32>,
        tpu.vector_store %parallel_loop3A_520[%parallel_loop3A_521, %parallel_loop3A_522], %parallel_loop3A_518 {strides = array<i32>} : memref<80x128xf32, #tpu.memory_space<vmem>>, vector<16xf32>,
        %parallel_loop3A_524 = arith.constant 0 : i32
        %parallel_loop3A_525 = tpu.memref_slice %arg6[%mul3A_239, %parallel_loop3A_524] : memref<160x128xf32, #tpu.memory_space<vmem>> -> memref<80x128xf32, #tpu.memory_space<vmem>>
        %parallel_loop3A_526 = arith.index_cast %parallel_loop3A_511 : i32 to index
        %parallel_loop3A_527 = arith.constant 16 : index
        %parallel_loop3A_528 = tpu.vector_load %parallel_loop3A_525[%parallel_loop3A_526, %parallel_loop3A_527] {strides = array<i32>} : memref<80x128xf32, #tpu.memory_space<vmem>>, vector<16xf32>,
        %parallel_loop3A_529 = vector.broadcast %parallel_loop3A_507 : f32 to vector<16xf32>
        %parallel_loop3A_530 = arith.mulf %parallel_loop3A_528, %parallel_loop3A_529 : vector<16xf32>
        %parallel_loop3A_531 = arith.constant 0 : i32
        %parallel_loop3A_532 = tpu.memref_slice %arg7[%mul3A_241, %parallel_loop3A_531] : memref<160x128xf32, #tpu.memory_space<vmem>> -> memref<80x128xf32, #tpu.memory_space<vmem>>
        %parallel_loop3A_533 = arith.index_cast %parallel_loop3A_511 : i32 to index
        %parallel_loop3A_534 = arith.constant 16 : index
        %parallel_loop3A_535 = tpu.vector_load %parallel_loop3A_532[%parallel_loop3A_533, %parallel_loop3A_534] {strides = array<i32>} : memref<80x128xf32, #tpu.memory_space<vmem>>, vector<16xf32>,
        tpu.vector_store %parallel_loop3A_532[%parallel_loop3A_533, %parallel_loop3A_534], %parallel_loop3A_530 {strides = array<i32>} : memref<80x128xf32, #tpu.memory_space<vmem>>, vector<16xf32>,
        %parallel_loop3A_536 = arith.constant 0 : i32
        %parallel_loop3A_537 = tpu.memref_slice %arg6[%mul3A_239, %parallel_loop3A_536] : memref<160x128xf32, #tpu.memory_space<vmem>> -> memref<80x128xf32, #tpu.memory_space<vmem>>
        %parallel_loop3A_538 = arith.index_cast %parallel_loop3A_511 : i32 to index
        %parallel_loop3A_539 = arith.constant 32 : index
        %parallel_loop3A_540 = tpu.vector_load %parallel_loop3A_537[%parallel_loop3A_538, %parallel_loop3A_539] {strides = array<i32>} : memref<80x128xf32, #tpu.memory_space<vmem>>, vector<16xf32>,
        %parallel_loop3A_541 = vector.broadcast %parallel_loop3A_507 : f32 to vector<16xf32>
        %parallel_loop3A_542 = arith.mulf %parallel_loop3A_540, %parallel_loop3A_541 : vector<16xf32>
        %parallel_loop3A_543 = arith.constant 0 : i32
        %parallel_loop3A_544 = tpu.memref_slice %arg7[%mul3A_241, %parallel_loop3A_543] : memref<160x128xf32, #tpu.memory_space<vmem>> -> memref<80x128xf32, #tpu.memory_space<vmem>>
        %parallel_loop3A_545 = arith.index_cast %parallel_loop3A_511 : i32 to index
        %parallel_loop3A_546 = arith.constant 32 : index
        %parallel_loop3A_547 = tpu.vector_load %parallel_loop3A_544[%parallel_loop3A_545, %parallel_loop3A_546] {strides = array<i32>} : memref<80x128xf32, #tpu.memory_space<vmem>>, vector<16xf32>,
        tpu.vector_store %parallel_loop3A_544[%parallel_loop3A_545, %parallel_loop3A_546], %parallel_loop3A_542 {strides = array<i32>} : memref<80x128xf32, #tpu.memory_space<vmem>>, vector<16xf32>,
        %parallel_loop3A_548 = arith.constant 0 : i32
        %parallel_loop3A_549 = tpu.memref_slice %arg6[%mul3A_239, %parallel_loop3A_548] : memref<160x128xf32, #tpu.memory_space<vmem>> -> memref<80x128xf32, #tpu.memory_space<vmem>>
        %parallel_loop3A_550 = arith.index_cast %parallel_loop3A_511 : i32 to index
        %parallel_loop3A_551 = arith.constant 48 : index
        %parallel_loop3A_552 = tpu.vector_load %parallel_loop3A_549[%parallel_loop3A_550, %parallel_loop3A_551] {strides = array<i32>} : memref<80x128xf32, #tpu.memory_space<vmem>>, vector<16xf32>,
        %parallel_loop3A_553 = vector.broadcast %parallel_loop3A_507 : f32 to vector<16xf32>
        %parallel_loop3A_554 = arith.mulf %parallel_loop3A_552, %parallel_loop3A_553 : vector<16xf32>
        %parallel_loop3A_555 = arith.constant 0 : i32
        %parallel_loop3A_556 = tpu.memref_slice %arg7[%mul3A_241, %parallel_loop3A_555] : memref<160x128xf32, #tpu.memory_space<vmem>> -> memref<80x128xf32, #tpu.memory_space<vmem>>
        %parallel_loop3A_557 = arith.index_cast %parallel_loop3A_511 : i32 to index
        %parallel_loop3A_558 = arith.constant 48 : index
        %parallel_loop3A_559 = tpu.vector_load %parallel_loop3A_556[%parallel_loop3A_557, %parallel_loop3A_558] {strides = array<i32>} : memref<80x128xf32, #tpu.memory_space<vmem>>, vector<16xf32>,
        tpu.vector_store %parallel_loop3A_556[%parallel_loop3A_557, %parallel_loop3A_558], %parallel_loop3A_554 {strides = array<i32>} : memref<80x128xf32, #tpu.memory_space<vmem>>, vector<16xf32>,
        %parallel_loop3A_560 = arith.constant 0 : i32
        %parallel_loop3A_561 = tpu.memref_slice %arg6[%mul3A_239, %parallel_loop3A_560] : memref<160x128xf32, #tpu.memory_space<vmem>> -> memref<80x128xf32, #tpu.memory_space<vmem>>
        %parallel_loop3A_562 = arith.index_cast %parallel_loop3A_511 : i32 to index
        %parallel_loop3A_563 = arith.constant 64 : index
        %parallel_loop3A_564 = tpu.vector_load %parallel_loop3A_561[%parallel_loop3A_562, %parallel_loop3A_563] {strides = array<i32>} : memref<80x128xf32, #tpu.memory_space<vmem>>, vector<16xf32>,
        %parallel_loop3A_565 = vector.broadcast %parallel_loop3A_507 : f32 to vector<16xf32>
        %parallel_loop3A_566 = arith.mulf %parallel_loop3A_564, %parallel_loop3A_565 : vector<16xf32>
        %parallel_loop3A_567 = arith.constant 0 : i32
        %parallel_loop3A_568 = tpu.memref_slice %arg7[%mul3A_241, %parallel_loop3A_567] : memref<160x128xf32, #tpu.memory_space<vmem>> -> memref<80x128xf32, #tpu.memory_space<vmem>>
        %parallel_loop3A_569 = arith.index_cast %parallel_loop3A_511 : i32 to index
        %parallel_loop3A_570 = arith.constant 64 : index
        %parallel_loop3A_571 = tpu.vector_load %parallel_loop3A_568[%parallel_loop3A_569, %parallel_loop3A_570] {strides = array<i32>} : memref<80x128xf32, #tpu.memory_space<vmem>>, vector<16xf32>,
        tpu.vector_store %parallel_loop3A_568[%parallel_loop3A_569, %parallel_loop3A_570], %parallel_loop3A_566 {strides = array<i32>} : memref<80x128xf32, #tpu.memory_space<vmem>>, vector<16xf32>,
        %parallel_loop3A_572 = arith.constant 0 : i32
        %parallel_loop3A_573 = tpu.memref_slice %arg6[%mul3A_239, %parallel_loop3A_572] : memref<160x128xf32, #tpu.memory_space<vmem>> -> memref<80x128xf32, #tpu.memory_space<vmem>>
        %parallel_loop3A_574 = arith.index_cast %parallel_loop3A_511 : i32 to index
        %parallel_loop3A_575 = arith.constant 80 : index
        %parallel_loop3A_576 = tpu.vector_load %parallel_loop3A_573[%parallel_loop3A_574, %parallel_loop3A_575] {strides = array<i32>} : memref<80x128xf32, #tpu.memory_space<vmem>>, vector<16xf32>,
        %parallel_loop3A_577 = vector.broadcast %parallel_loop3A_507 : f32 to vector<16xf32>
        %parallel_loop3A_578 = arith.mulf %parallel_loop3A_576, %parallel_loop3A_577 : vector<16xf32>
        %parallel_loop3A_579 = arith.constant 0 : i32
        %parallel_loop3A_580 = tpu.memref_slice %arg7[%mul3A_241, %parallel_loop3A_579] : memref<160x128xf32, #tpu.memory_space<vmem>> -> memref<80x128xf32, #tpu.memory_space<vmem>>
        %parallel_loop3A_581 = arith.index_cast %parallel_loop3A_511 : i32 to index
        %parallel_loop3A_582 = arith.constant 80 : index
        %parallel_loop3A_583 = tpu.vector_load %parallel_loop3A_580[%parallel_loop3A_581, %parallel_loop3A_582] {strides = array<i32>} : memref<80x128xf32, #tpu.memory_space<vmem>>, vector<16xf32>,
        tpu.vector_store %parallel_loop3A_580[%parallel_loop3A_581, %parallel_loop3A_582], %parallel_loop3A_578 {strides = array<i32>} : memref<80x128xf32, #tpu.memory_space<vmem>>, vector<16xf32>,
        %parallel_loop3A_584 = arith.constant 0 : i32
        %parallel_loop3A_585 = tpu.memref_slice %arg6[%mul3A_239, %parallel_loop3A_584] : memref<160x128xf32, #tpu.memory_space<vmem>> -> memref<80x128xf32, #tpu.memory_space<vmem>>
        %parallel_loop3A_586 = arith.index_cast %parallel_loop3A_511 : i32 to index
        %parallel_loop3A_587 = arith.constant 96 : index
        %parallel_loop3A_588 = tpu.vector_load %parallel_loop3A_585[%parallel_loop3A_586, %parallel_loop3A_587] {strides = array<i32>} : memref<80x128xf32, #tpu.memory_space<vmem>>, vector<16xf32>,
        %parallel_loop3A_589 = vector.broadcast %parallel_loop3A_507 : f32 to vector<16xf32>
        %parallel_loop3A_590 = arith.mulf %parallel_loop3A_588, %parallel_loop3A_589 : vector<16xf32>
        %parallel_loop3A_591 = arith.constant 0 : i32
        %parallel_loop3A_592 = tpu.memref_slice %arg7[%mul3A_241, %parallel_loop3A_591] : memref<160x128xf32, #tpu.memory_space<vmem>> -> memref<80x128xf32, #tpu.memory_space<vmem>>
        %parallel_loop3A_593 = arith.index_cast %parallel_loop3A_511 : i32 to index
        %parallel_loop3A_594 = arith.constant 96 : index
        %parallel_loop3A_595 = tpu.vector_load %parallel_loop3A_592[%parallel_loop3A_593, %parallel_loop3A_594] {strides = array<i32>} : memref<80x128xf32, #tpu.memory_space<vmem>>, vector<16xf32>,
        tpu.vector_store %parallel_loop3A_592[%parallel_loop3A_593, %parallel_loop3A_594], %parallel_loop3A_590 {strides = array<i32>} : memref<80x128xf32, #tpu.memory_space<vmem>>, vector<16xf32>,
        %parallel_loop3A_596 = arith.constant 0 : i32
        %parallel_loop3A_597 = tpu.memref_slice %arg6[%mul3A_239, %parallel_loop3A_596] : memref<160x128xf32, #tpu.memory_space<vmem>> -> memref<80x128xf32, #tpu.memory_space<vmem>>
        %parallel_loop3A_598 = arith.index_cast %parallel_loop3A_511 : i32 to index
        %parallel_loop3A_599 = arith.constant 112 : index
        %parallel_loop3A_600 = tpu.vector_load %parallel_loop3A_597[%parallel_loop3A_598, %parallel_loop3A_599] {strides = array<i32>} : memref<80x128xf32, #tpu.memory_space<vmem>>, vector<16xf32>,
        %parallel_loop3A_601 = vector.broadcast %parallel_loop3A_507 : f32 to vector<16xf32>
        %parallel_loop3A_602 = arith.mulf %parallel_loop3A_600, %parallel_loop3A_601 : vector<16xf32>
        %parallel_loop3A_603 = arith.constant 0 : i32
        %parallel_loop3A_604 = tpu.memref_slice %arg7[%mul3A_241, %parallel_loop3A_603] : memref<160x128xf32, #tpu.memory_space<vmem>> -> memref<80x128xf32, #tpu.memory_space<vmem>>
        %parallel_loop3A_605 = arith.index_cast %parallel_loop3A_511 : i32 to index
        %parallel_loop3A_606 = arith.constant 112 : index
        %parallel_loop3A_607 = tpu.vector_load %parallel_loop3A_604[%parallel_loop3A_605, %parallel_loop3A_606] {strides = array<i32>} : memref<80x128xf32, #tpu.memory_space<vmem>>, vector<16xf32>,
        tpu.vector_store %parallel_loop3A_604[%parallel_loop3A_605, %parallel_loop3A_606], %parallel_loop3A_602 {strides = array<i32>} : memref<80x128xf32, #tpu.memory_space<vmem>>, vector<16xf32>,
        %parallel_loop3A_608 = vector.extract_strided_slice %parallel_loop3A_301 {offsets = [3], sizes = [1], strides = [1]} : vector<16xf32> to vector<1xf32>
        %parallel_loop3A_609 = vector.extract %parallel_loop3A_608[0] : f32 from vector<1xf32>
        %parallel_loop3A_610 = arith.constant 16 : i32
        %parallel_loop3A_611 = arith.muli %parallel_loop3A_292, %parallel_loop3A_610 : i32
        %parallel_loop3A_612 = arith.constant 3 : i32
        %parallel_loop3A_613 = arith.addi %parallel_loop3A_611, %parallel_loop3A_612 : i32
        %parallel_loop3A_614 = arith.constant 0 : i32
        %parallel_loop3A_615 = tpu.memref_slice %arg6[%mul3A_239, %parallel_loop3A_614] : memref<160x128xf32, #tpu.memory_space<vmem>> -> memref<80x128xf32, #tpu.memory_space<vmem>>
        %parallel_loop3A_616 = arith.index_cast %parallel_loop3A_613 : i32 to index
        %parallel_loop3A_617 = arith.constant 0 : index
        %parallel_loop3A_618 = tpu.vector_load %parallel_loop3A_615[%parallel_loop3A_616, %parallel_loop3A_617] {strides = array<i32>} : memref<80x128xf32, #tpu.memory_space<vmem>>, vector<16xf32>,
        %parallel_loop3A_619 = vector.broadcast %parallel_loop3A_609 : f32 to vector<16xf32>
        %parallel_loop3A_620 = arith.mulf %parallel_loop3A_618, %parallel_loop3A_619 : vector<16xf32>
        %parallel_loop3A_621 = arith.constant 0 : i32
        %parallel_loop3A_622 = tpu.memref_slice %arg7[%mul3A_241, %parallel_loop3A_621] : memref<160x128xf32, #tpu.memory_space<vmem>> -> memref<80x128xf32, #tpu.memory_space<vmem>>
        %parallel_loop3A_623 = arith.index_cast %parallel_loop3A_613 : i32 to index
        %parallel_loop3A_624 = arith.constant 0 : index
        %parallel_loop3A_625 = tpu.vector_load %parallel_loop3A_622[%parallel_loop3A_623, %parallel_loop3A_624] {strides = array<i32>} : memref<80x128xf32, #tpu.memory_space<vmem>>, vector<16xf32>,
        tpu.vector_store %parallel_loop3A_622[%parallel_loop3A_623, %parallel_loop3A_624], %parallel_loop3A_620 {strides = array<i32>} : memref<80x128xf32, #tpu.memory_space<vmem>>, vector<16xf32>,
        %parallel_loop3A_626 = arith.constant 0 : i32
        %parallel_loop3A_627 = tpu.memref_slice %arg6[%mul3A_239, %parallel_loop3A_626] : memref<160x128xf32, #tpu.memory_space<vmem>> -> memref<80x128xf32, #tpu.memory_space<vmem>>
        %parallel_loop3A_628 = arith.index_cast %parallel_loop3A_613 : i32 to index
        %parallel_loop3A_629 = arith.constant 16 : index
        %parallel_loop3A_630 = tpu.vector_load %parallel_loop3A_627[%parallel_loop3A_628, %parallel_loop3A_629] {strides = array<i32>} : memref<80x128xf32, #tpu.memory_space<vmem>>, vector<16xf32>,
        %parallel_loop3A_631 = vector.broadcast %parallel_loop3A_609 : f32 to vector<16xf32>
        %parallel_loop3A_632 = arith.mulf %parallel_loop3A_630, %parallel_loop3A_631 : vector<16xf32>
        %parallel_loop3A_633 = arith.constant 0 : i32
        %parallel_loop3A_634 = tpu.memref_slice %arg7[%mul3A_241, %parallel_loop3A_633] : memref<160x128xf32, #tpu.memory_space<vmem>> -> memref<80x128xf32, #tpu.memory_space<vmem>>
        %parallel_loop3A_635 = arith.index_cast %parallel_loop3A_613 : i32 to index
        %parallel_loop3A_636 = arith.constant 16 : index
        %parallel_loop3A_637 = tpu.vector_load %parallel_loop3A_634[%parallel_loop3A_635, %parallel_loop3A_636] {strides = array<i32>} : memref<80x128xf32, #tpu.memory_space<vmem>>, vector<16xf32>,
        tpu.vector_store %parallel_loop3A_634[%parallel_loop3A_635, %parallel_loop3A_636], %parallel_loop3A_632 {strides = array<i32>} : memref<80x128xf32, #tpu.memory_space<vmem>>, vector<16xf32>,
        %parallel_loop3A_638 = arith.constant 0 : i32
        %parallel_loop3A_639 = tpu.memref_slice %arg6[%mul3A_239, %parallel_loop3A_638] : memref<160x128xf32, #tpu.memory_space<vmem>> -> memref<80x128xf32, #tpu.memory_space<vmem>>
        %parallel_loop3A_640 = arith.index_cast %parallel_loop3A_613 : i32 to index
        %parallel_loop3A_641 = arith.constant 32 : index
        %parallel_loop3A_642 = tpu.vector_load %parallel_loop3A_639[%parallel_loop3A_640, %parallel_loop3A_641] {strides = array<i32>} : memref<80x128xf32, #tpu.memory_space<vmem>>, vector<16xf32>,
        %parallel_loop3A_643 = vector.broadcast %parallel_loop3A_609 : f32 to vector<16xf32>
        %parallel_loop3A_644 = arith.mulf %parallel_loop3A_642, %parallel_loop3A_643 : vector<16xf32>
        %parallel_loop3A_645 = arith.constant 0 : i32
        %parallel_loop3A_646 = tpu.memref_slice %arg7[%mul3A_241, %parallel_loop3A_645] : memref<160x128xf32, #tpu.memory_space<vmem>> -> memref<80x128xf32, #tpu.memory_space<vmem>>
        %parallel_loop3A_647 = arith.index_cast %parallel_loop3A_613 : i32 to index
        %parallel_loop3A_648 = arith.constant 32 : index
        %parallel_loop3A_649 = tpu.vector_load %parallel_loop3A_646[%parallel_loop3A_647, %parallel_loop3A_648] {strides = array<i32>} : memref<80x128xf32, #tpu.memory_space<vmem>>, vector<16xf32>,
        tpu.vector_store %parallel_loop3A_646[%parallel_loop3A_647, %parallel_loop3A_648], %parallel_loop3A_644 {strides = array<i32>} : memref<80x128xf32, #tpu.memory_space<vmem>>, vector<16xf32>,
        %parallel_loop3A_650 = arith.constant 0 : i32
        %parallel_loop3A_651 = tpu.memref_slice %arg6[%mul3A_239, %parallel_loop3A_650] : memref<160x128xf32, #tpu.memory_space<vmem>> -> memref<80x128xf32, #tpu.memory_space<vmem>>
        %parallel_loop3A_652 = arith.index_cast %parallel_loop3A_613 : i32 to index
        %parallel_loop3A_653 = arith.constant 48 : index
        %parallel_loop3A_654 = tpu.vector_load %parallel_loop3A_651[%parallel_loop3A_652, %parallel_loop3A_653] {strides = array<i32>} : memref<80x128xf32, #tpu.memory_space<vmem>>, vector<16xf32>,
        %parallel_loop3A_655 = vector.broadcast %parallel_loop3A_609 : f32 to vector<16xf32>
        %parallel_loop3A_656 = arith.mulf %parallel_loop3A_654, %parallel_loop3A_655 : vector<16xf32>
        %parallel_loop3A_657 = arith.constant 0 : i32
        %parallel_loop3A_658 = tpu.memref_slice %arg7[%mul3A_241, %parallel_loop3A_657] : memref<160x128xf32, #tpu.memory_space<vmem>> -> memref<80x128xf32, #tpu.memory_space<vmem>>
        %parallel_loop3A_659 = arith.index_cast %parallel_loop3A_613 : i32 to index
        %parallel_loop3A_660 = arith.constant 48 : index
        %parallel_loop3A_661 = tpu.vector_load %parallel_loop3A_658[%parallel_loop3A_659, %parallel_loop3A_660] {strides = array<i32>} : memref<80x128xf32, #tpu.memory_space<vmem>>, vector<16xf32>,
        tpu.vector_store %parallel_loop3A_658[%parallel_loop3A_659, %parallel_loop3A_660], %parallel_loop3A_656 {strides = array<i32>} : memref<80x128xf32, #tpu.memory_space<vmem>>, vector<16xf32>,
        %parallel_loop3A_662 = arith.constant 0 : i32
        %parallel_loop3A_663 = tpu.memref_slice %arg6[%mul3A_239, %parallel_loop3A_662] : memref<160x128xf32, #tpu.memory_space<vmem>> -> memref<80x128xf32, #tpu.memory_space<vmem>>
        %parallel_loop3A_664 = arith.index_cast %parallel_loop3A_613 : i32 to index
        %parallel_loop3A_665 = arith.constant 64 : index
        %parallel_loop3A_666 = tpu.vector_load %parallel_loop3A_663[%parallel_loop3A_664, %parallel_loop3A_665] {strides = array<i32>} : memref<80x128xf32, #tpu.memory_space<vmem>>, vector<16xf32>,
        %parallel_loop3A_667 = vector.broadcast %parallel_loop3A_609 : f32 to vector<16xf32>
        %parallel_loop3A_668 = arith.mulf %parallel_loop3A_666, %parallel_loop3A_667 : vector<16xf32>
        %parallel_loop3A_669 = arith.constant 0 : i32
        %parallel_loop3A_670 = tpu.memref_slice %arg7[%mul3A_241, %parallel_loop3A_669] : memref<160x128xf32, #tpu.memory_space<vmem>> -> memref<80x128xf32, #tpu.memory_space<vmem>>
        %parallel_loop3A_671 = arith.index_cast %parallel_loop3A_613 : i32 to index
        %parallel_loop3A_672 = arith.constant 64 : index
        %parallel_loop3A_673 = tpu.vector_load %parallel_loop3A_670[%parallel_loop3A_671, %parallel_loop3A_672] {strides = array<i32>} : memref<80x128xf32, #tpu.memory_space<vmem>>, vector<16xf32>,
        tpu.vector_store %parallel_loop3A_670[%parallel_loop3A_671, %parallel_loop3A_672], %parallel_loop3A_668 {strides = array<i32>} : memref<80x128xf32, #tpu.memory_space<vmem>>, vector<16xf32>,
        %parallel_loop3A_674 = arith.constant 0 : i32
        %parallel_loop3A_675 = tpu.memref_slice %arg6[%mul3A_239, %parallel_loop3A_674] : memref<160x128xf32, #tpu.memory_space<vmem>> -> memref<80x128xf32, #tpu.memory_space<vmem>>
        %parallel_loop3A_676 = arith.index_cast %parallel_loop3A_613 : i32 to index
        %parallel_loop3A_677 = arith.constant 80 : index
        %parallel_loop3A_678 = tpu.vector_load %parallel_loop3A_675[%parallel_loop3A_676, %parallel_loop3A_677] {strides = array<i32>} : memref<80x128xf32, #tpu.memory_space<vmem>>, vector<16xf32>,
        %parallel_loop3A_679 = vector.broadcast %parallel_loop3A_609 : f32 to vector<16xf32>
        %parallel_loop3A_680 = arith.mulf %parallel_loop3A_678, %parallel_loop3A_679 : vector<16xf32>
        %parallel_loop3A_681 = arith.constant 0 : i32
        %parallel_loop3A_682 = tpu.memref_slice %arg7[%mul3A_241, %parallel_loop3A_681] : memref<160x128xf32, #tpu.memory_space<vmem>> -> memref<80x128xf32, #tpu.memory_space<vmem>>
        %parallel_loop3A_683 = arith.index_cast %parallel_loop3A_613 : i32 to index
        %parallel_loop3A_684 = arith.constant 80 : index
        %parallel_loop3A_685 = tpu.vector_load %parallel_loop3A_682[%parallel_loop3A_683, %parallel_loop3A_684] {strides = array<i32>} : memref<80x128xf32, #tpu.memory_space<vmem>>, vector<16xf32>,
        tpu.vector_store %parallel_loop3A_682[%parallel_loop3A_683, %parallel_loop3A_684], %parallel_loop3A_680 {strides = array<i32>} : memref<80x128xf32, #tpu.memory_space<vmem>>, vector<16xf32>,
        %parallel_loop3A_686 = arith.constant 0 : i32
        %parallel_loop3A_687 = tpu.memref_slice %arg6[%mul3A_239, %parallel_loop3A_686] : memref<160x128xf32, #tpu.memory_space<vmem>> -> memref<80x128xf32, #tpu.memory_space<vmem>>
        %parallel_loop3A_688 = arith.index_cast %parallel_loop3A_613 : i32 to index
        %parallel_loop3A_689 = arith.constant 96 : index
        %parallel_loop3A_690 = tpu.vector_load %parallel_loop3A_687[%parallel_loop3A_688, %parallel_loop3A_689] {strides = array<i32>} : memref<80x128xf32, #tpu.memory_space<vmem>>, vector<16xf32>,
        %parallel_loop3A_691 = vector.broadcast %parallel_loop3A_609 : f32 to vector<16xf32>
        %parallel_loop3A_692 = arith.mulf %parallel_loop3A_690, %parallel_loop3A_691 : vector<16xf32>
        %parallel_loop3A_693 = arith.constant 0 : i32
        %parallel_loop3A_694 = tpu.memref_slice %arg7[%mul3A_241, %parallel_loop3A_693] : memref<160x128xf32, #tpu.memory_space<vmem>> -> memref<80x128xf32, #tpu.memory_space<vmem>>
        %parallel_loop3A_695 = arith.index_cast %parallel_loop3A_613 : i32 to index
        %parallel_loop3A_696 = arith.constant 96 : index
        %parallel_loop3A_697 = tpu.vector_load %parallel_loop3A_694[%parallel_loop3A_695, %parallel_loop3A_696] {strides = array<i32>} : memref<80x128xf32, #tpu.memory_space<vmem>>, vector<16xf32>,
        tpu.vector_store %parallel_loop3A_694[%parallel_loop3A_695, %parallel_loop3A_696], %parallel_loop3A_692 {strides = array<i32>} : memref<80x128xf32, #tpu.memory_space<vmem>>, vector<16xf32>,
        %parallel_loop3A_698 = arith.constant 0 : i32
        %parallel_loop3A_699 = tpu.memref_slice %arg6[%mul3A_239, %parallel_loop3A_698] : memref<160x128xf32, #tpu.memory_space<vmem>> -> memref<80x128xf32, #tpu.memory_space<vmem>>
        %parallel_loop3A_700 = arith.index_cast %parallel_loop3A_613 : i32 to index
        %parallel_loop3A_701 = arith.constant 112 : index
        %parallel_loop3A_702 = tpu.vector_load %parallel_loop3A_699[%parallel_loop3A_700, %parallel_loop3A_701] {strides = array<i32>} : memref<80x128xf32, #tpu.memory_space<vmem>>, vector<16xf32>,
        %parallel_loop3A_703 = vector.broadcast %parallel_loop3A_609 : f32 to vector<16xf32>
        %parallel_loop3A_704 = arith.mulf %parallel_loop3A_702, %parallel_loop3A_703 : vector<16xf32>
        %parallel_loop3A_705 = arith.constant 0 : i32
        %parallel_loop3A_706 = tpu.memref_slice %arg7[%mul3A_241, %parallel_loop3A_705] : memref<160x128xf32, #tpu.memory_space<vmem>> -> memref<80x128xf32, #tpu.memory_space<vmem>>
        %parallel_loop3A_707 = arith.index_cast %parallel_loop3A_613 : i32 to index
        %parallel_loop3A_708 = arith.constant 112 : index
        %parallel_loop3A_709 = tpu.vector_load %parallel_loop3A_706[%parallel_loop3A_707, %parallel_loop3A_708] {strides = array<i32>} : memref<80x128xf32, #tpu.memory_space<vmem>>, vector<16xf32>,
        tpu.vector_store %parallel_loop3A_706[%parallel_loop3A_707, %parallel_loop3A_708], %parallel_loop3A_704 {strides = array<i32>} : memref<80x128xf32, #tpu.memory_space<vmem>>, vector<16xf32>,
        %parallel_loop3A_710 = vector.extract_strided_slice %parallel_loop3A_301 {offsets = [4], sizes = [1], strides = [1]} : vector<16xf32> to vector<1xf32>
        %parallel_loop3A_711 = vector.extract %parallel_loop3A_710[0] : f32 from vector<1xf32>
        %parallel_loop3A_712 = arith.constant 16 : i32
        %parallel_loop3A_713 = arith.muli %parallel_loop3A_292, %parallel_loop3A_712 : i32
        %parallel_loop3A_714 = arith.constant 4 : i32
        %parallel_loop3A_715 = arith.addi %parallel_loop3A_713, %parallel_loop3A_714 : i32
        %parallel_loop3A_716 = arith.constant 0 : i32
        %parallel_loop3A_717 = tpu.memref_slice %arg6[%mul3A_239, %parallel_loop3A_716] : memref<160x128xf32, #tpu.memory_space<vmem>> -> memref<80x128xf32, #tpu.memory_space<vmem>>
        %parallel_loop3A_718 = arith.index_cast %parallel_loop3A_715 : i32 to index
        %parallel_loop3A_719 = arith.constant 0 : index
        %parallel_loop3A_720 = tpu.vector_load %parallel_loop3A_717[%parallel_loop3A_718, %parallel_loop3A_719] {strides = array<i32>} : memref<80x128xf32, #tpu.memory_space<vmem>>, vector<16xf32>,
        %parallel_loop3A_721 = vector.broadcast %parallel_loop3A_711 : f32 to vector<16xf32>
        %parallel_loop3A_722 = arith.mulf %parallel_loop3A_720, %parallel_loop3A_721 : vector<16xf32>
        %parallel_loop3A_723 = arith.constant 0 : i32
        %parallel_loop3A_724 = tpu.memref_slice %arg7[%mul3A_241, %parallel_loop3A_723] : memref<160x128xf32, #tpu.memory_space<vmem>> -> memref<80x128xf32, #tpu.memory_space<vmem>>
        %parallel_loop3A_725 = arith.index_cast %parallel_loop3A_715 : i32 to index
        %parallel_loop3A_726 = arith.constant 0 : index
        %parallel_loop3A_727 = tpu.vector_load %parallel_loop3A_724[%parallel_loop3A_725, %parallel_loop3A_726] {strides = array<i32>} : memref<80x128xf32, #tpu.memory_space<vmem>>, vector<16xf32>,
        tpu.vector_store %parallel_loop3A_724[%parallel_loop3A_725, %parallel_loop3A_726], %parallel_loop3A_722 {strides = array<i32>} : memref<80x128xf32, #tpu.memory_space<vmem>>, vector<16xf32>,
        %parallel_loop3A_728 = arith.constant 0 : i32
        %parallel_loop3A_729 = tpu.memref_slice %arg6[%mul3A_239, %parallel_loop3A_728] : memref<160x128xf32, #tpu.memory_space<vmem>> -> memref<80x128xf32, #tpu.memory_space<vmem>>
        %parallel_loop3A_730 = arith.index_cast %parallel_loop3A_715 : i32 to index
        %parallel_loop3A_731 = arith.constant 16 : index
        %parallel_loop3A_732 = tpu.vector_load %parallel_loop3A_729[%parallel_loop3A_730, %parallel_loop3A_731] {strides = array<i32>} : memref<80x128xf32, #tpu.memory_space<vmem>>, vector<16xf32>,
        %parallel_loop3A_733 = vector.broadcast %parallel_loop3A_711 : f32 to vector<16xf32>
        %parallel_loop3A_734 = arith.mulf %parallel_loop3A_732, %parallel_loop3A_733 : vector<16xf32>
        %parallel_loop3A_735 = arith.constant 0 : i32
        %parallel_loop3A_736 = tpu.memref_slice %arg7[%mul3A_241, %parallel_loop3A_735] : memref<160x128xf32, #tpu.memory_space<vmem>> -> memref<80x128xf32, #tpu.memory_space<vmem>>
        %parallel_loop3A_737 = arith.index_cast %parallel_loop3A_715 : i32 to index
        %parallel_loop3A_738 = arith.constant 16 : index
        %parallel_loop3A_739 = tpu.vector_load %parallel_loop3A_736[%parallel_loop3A_737, %parallel_loop3A_738] {strides = array<i32>} : memref<80x128xf32, #tpu.memory_space<vmem>>, vector<16xf32>,
        tpu.vector_store %parallel_loop3A_736[%parallel_loop3A_737, %parallel_loop3A_738], %parallel_loop3A_734 {strides = array<i32>} : memref<80x128xf32, #tpu.memory_space<vmem>>, vector<16xf32>,
        %parallel_loop3A_740 = arith.constant 0 : i32
        %parallel_loop3A_741 = tpu.memref_slice %arg6[%mul3A_239, %parallel_loop3A_740] : memref<160x128xf32, #tpu.memory_space<vmem>> -> memref<80x128xf32, #tpu.memory_space<vmem>>
        %parallel_loop3A_742 = arith.index_cast %parallel_loop3A_715 : i32 to index
        %parallel_loop3A_743 = arith.constant 32 : index
        %parallel_loop3A_744 = tpu.vector_load %parallel_loop3A_741[%parallel_loop3A_742, %parallel_loop3A_743] {strides = array<i32>} : memref<80x128xf32, #tpu.memory_space<vmem>>, vector<16xf32>,
        %parallel_loop3A_745 = vector.broadcast %parallel_loop3A_711 : f32 to vector<16xf32>
        %parallel_loop3A_746 = arith.mulf %parallel_loop3A_744, %parallel_loop3A_745 : vector<16xf32>
        %parallel_loop3A_747 = arith.constant 0 : i32
        %parallel_loop3A_748 = tpu.memref_slice %arg7[%mul3A_241, %parallel_loop3A_747] : memref<160x128xf32, #tpu.memory_space<vmem>> -> memref<80x128xf32, #tpu.memory_space<vmem>>
        %parallel_loop3A_749 = arith.index_cast %parallel_loop3A_715 : i32 to index
        %parallel_loop3A_750 = arith.constant 32 : index
        %parallel_loop3A_751 = tpu.vector_load %parallel_loop3A_748[%parallel_loop3A_749, %parallel_loop3A_750] {strides = array<i32>} : memref<80x128xf32, #tpu.memory_space<vmem>>, vector<16xf32>,
        tpu.vector_store %parallel_loop3A_748[%parallel_loop3A_749, %parallel_loop3A_750], %parallel_loop3A_746 {strides = array<i32>} : memref<80x128xf32, #tpu.memory_space<vmem>>, vector<16xf32>,
        %parallel_loop3A_752 = arith.constant 0 : i32
        %parallel_loop3A_753 = tpu.memref_slice %arg6[%mul3A_239, %parallel_loop3A_752] : memref<160x128xf32, #tpu.memory_space<vmem>> -> memref<80x128xf32, #tpu.memory_space<vmem>>
        %parallel_loop3A_754 = arith.index_cast %parallel_loop3A_715 : i32 to index
        %parallel_loop3A_755 = arith.constant 48 : index
        %parallel_loop3A_756 = tpu.vector_load %parallel_loop3A_753[%parallel_loop3A_754, %parallel_loop3A_755] {strides = array<i32>} : memref<80x128xf32, #tpu.memory_space<vmem>>, vector<16xf32>,
        %parallel_loop3A_757 = vector.broadcast %parallel_loop3A_711 : f32 to vector<16xf32>
        %parallel_loop3A_758 = arith.mulf %parallel_loop3A_756, %parallel_loop3A_757 : vector<16xf32>
        %parallel_loop3A_759 = arith.constant 0 : i32
        %parallel_loop3A_760 = tpu.memref_slice %arg7[%mul3A_241, %parallel_loop3A_759] : memref<160x128xf32, #tpu.memory_space<vmem>> -> memref<80x128xf32, #tpu.memory_space<vmem>>
        %parallel_loop3A_761 = arith.index_cast %parallel_loop3A_715 : i32 to index
        %parallel_loop3A_762 = arith.constant 48 : index
        %parallel_loop3A_763 = tpu.vector_load %parallel_loop3A_760[%parallel_loop3A_761, %parallel_loop3A_762] {strides = array<i32>} : memref<80x128xf32, #tpu.memory_space<vmem>>, vector<16xf32>,
        tpu.vector_store %parallel_loop3A_760[%parallel_loop3A_761, %parallel_loop3A_762], %parallel_loop3A_758 {strides = array<i32>} : memref<80x128xf32, #tpu.memory_space<vmem>>, vector<16xf32>,
        %parallel_loop3A_764 = arith.constant 0 : i32
        %parallel_loop3A_765 = tpu.memref_slice %arg6[%mul3A_239, %parallel_loop3A_764] : memref<160x128xf32, #tpu.memory_space<vmem>> -> memref<80x128xf32, #tpu.memory_space<vmem>>
        %parallel_loop3A_766 = arith.index_cast %parallel_loop3A_715 : i32 to index
        %parallel_loop3A_767 = arith.constant 64 : index
        %parallel_loop3A_768 = tpu.vector_load %parallel_loop3A_765[%parallel_loop3A_766, %parallel_loop3A_767] {strides = array<i32>} : memref<80x128xf32, #tpu.memory_space<vmem>>, vector<16xf32>,
        %parallel_loop3A_769 = vector.broadcast %parallel_loop3A_711 : f32 to vector<16xf32>
        %parallel_loop3A_770 = arith.mulf %parallel_loop3A_768, %parallel_loop3A_769 : vector<16xf32>
        %parallel_loop3A_771 = arith.constant 0 : i32
        %parallel_loop3A_772 = tpu.memref_slice %arg7[%mul3A_241, %parallel_loop3A_771] : memref<160x128xf32, #tpu.memory_space<vmem>> -> memref<80x128xf32, #tpu.memory_space<vmem>>
        %parallel_loop3A_773 = arith.index_cast %parallel_loop3A_715 : i32 to index
        %parallel_loop3A_774 = arith.constant 64 : index
        %parallel_loop3A_775 = tpu.vector_load %parallel_loop3A_772[%parallel_loop3A_773, %parallel_loop3A_774] {strides = array<i32>} : memref<80x128xf32, #tpu.memory_space<vmem>>, vector<16xf32>,
        tpu.vector_store %parallel_loop3A_772[%parallel_loop3A_773, %parallel_loop3A_774], %parallel_loop3A_770 {strides = array<i32>} : memref<80x128xf32, #tpu.memory_space<vmem>>, vector<16xf32>,
        %parallel_loop3A_776 = arith.constant 0 : i32
        %parallel_loop3A_777 = tpu.memref_slice %arg6[%mul3A_239, %parallel_loop3A_776] : memref<160x128xf32, #tpu.memory_space<vmem>> -> memref<80x128xf32, #tpu.memory_space<vmem>>
        %parallel_loop3A_778 = arith.index_cast %parallel_loop3A_715 : i32 to index
        %parallel_loop3A_779 = arith.constant 80 : index
        %parallel_loop3A_780 = tpu.vector_load %parallel_loop3A_777[%parallel_loop3A_778, %parallel_loop3A_779] {strides = array<i32>} : memref<80x128xf32, #tpu.memory_space<vmem>>, vector<16xf32>,
        %parallel_loop3A_781 = vector.broadcast %parallel_loop3A_711 : f32 to vector<16xf32>
        %parallel_loop3A_782 = arith.mulf %parallel_loop3A_780, %parallel_loop3A_781 : vector<16xf32>
        %parallel_loop3A_783 = arith.constant 0 : i32
        %parallel_loop3A_784 = tpu.memref_slice %arg7[%mul3A_241, %parallel_loop3A_783] : memref<160x128xf32, #tpu.memory_space<vmem>> -> memref<80x128xf32, #tpu.memory_space<vmem>>
        %parallel_loop3A_785 = arith.index_cast %parallel_loop3A_715 : i32 to index
        %parallel_loop3A_786 = arith.constant 80 : index
        %parallel_loop3A_787 = tpu.vector_load %parallel_loop3A_784[%parallel_loop3A_785, %parallel_loop3A_786] {strides = array<i32>} : memref<80x128xf32, #tpu.memory_space<vmem>>, vector<16xf32>,
        tpu.vector_store %parallel_loop3A_784[%parallel_loop3A_785, %parallel_loop3A_786], %parallel_loop3A_782 {strides = array<i32>} : memref<80x128xf32, #tpu.memory_space<vmem>>, vector<16xf32>,
        %parallel_loop3A_788 = arith.constant 0 : i32
        %parallel_loop3A_789 = tpu.memref_slice %arg6[%mul3A_239, %parallel_loop3A_788] : memref<160x128xf32, #tpu.memory_space<vmem>> -> memref<80x128xf32, #tpu.memory_space<vmem>>
        %parallel_loop3A_790 = arith.index_cast %parallel_loop3A_715 : i32 to index
        %parallel_loop3A_791 = arith.constant 96 : index
        %parallel_loop3A_792 = tpu.vector_load %parallel_loop3A_789[%parallel_loop3A_790, %parallel_loop3A_791] {strides = array<i32>} : memref<80x128xf32, #tpu.memory_space<vmem>>, vector<16xf32>,
        %parallel_loop3A_793 = vector.broadcast %parallel_loop3A_711 : f32 to vector<16xf32>
        %parallel_loop3A_794 = arith.mulf %parallel_loop3A_792, %parallel_loop3A_793 : vector<16xf32>
        %parallel_loop3A_795 = arith.constant 0 : i32
        %parallel_loop3A_796 = tpu.memref_slice %arg7[%mul3A_241, %parallel_loop3A_795] : memref<160x128xf32, #tpu.memory_space<vmem>> -> memref<80x128xf32, #tpu.memory_space<vmem>>
        %parallel_loop3A_797 = arith.index_cast %parallel_loop3A_715 : i32 to index
        %parallel_loop3A_798 = arith.constant 96 : index
        %parallel_loop3A_799 = tpu.vector_load %parallel_loop3A_796[%parallel_loop3A_797, %parallel_loop3A_798] {strides = array<i32>} : memref<80x128xf32, #tpu.memory_space<vmem>>, vector<16xf32>,
        tpu.vector_store %parallel_loop3A_796[%parallel_loop3A_797, %parallel_loop3A_798], %parallel_loop3A_794 {strides = array<i32>} : memref<80x128xf32, #tpu.memory_space<vmem>>, vector<16xf32>,
        %parallel_loop3A_800 = arith.constant 0 : i32
        %parallel_loop3A_801 = tpu.memref_slice %arg6[%mul3A_239, %parallel_loop3A_800] : memref<160x128xf32, #tpu.memory_space<vmem>> -> memref<80x128xf32, #tpu.memory_space<vmem>>
        %parallel_loop3A_802 = arith.index_cast %parallel_loop3A_715 : i32 to index
        %parallel_loop3A_803 = arith.constant 112 : index
        %parallel_loop3A_804 = tpu.vector_load %parallel_loop3A_801[%parallel_loop3A_802, %parallel_loop3A_803] {strides = array<i32>} : memref<80x128xf32, #tpu.memory_space<vmem>>, vector<16xf32>,
        %parallel_loop3A_805 = vector.broadcast %parallel_loop3A_711 : f32 to vector<16xf32>
        %parallel_loop3A_806 = arith.mulf %parallel_loop3A_804, %parallel_loop3A_805 : vector<16xf32>
        %parallel_loop3A_807 = arith.constant 0 : i32
        %parallel_loop3A_808 = tpu.memref_slice %arg7[%mul3A_241, %parallel_loop3A_807] : memref<160x128xf32, #tpu.memory_space<vmem>> -> memref<80x128xf32, #tpu.memory_space<vmem>>
        %parallel_loop3A_809 = arith.index_cast %parallel_loop3A_715 : i32 to index
        %parallel_loop3A_810 = arith.constant 112 : index
        %parallel_loop3A_811 = tpu.vector_load %parallel_loop3A_808[%parallel_loop3A_809, %parallel_loop3A_810] {strides = array<i32>} : memref<80x128xf32, #tpu.memory_space<vmem>>, vector<16xf32>,
        tpu.vector_store %parallel_loop3A_808[%parallel_loop3A_809, %parallel_loop3A_810], %parallel_loop3A_806 {strides = array<i32>} : memref<80x128xf32, #tpu.memory_space<vmem>>, vector<16xf32>,
        %parallel_loop3A_812 = vector.extract_strided_slice %parallel_loop3A_301 {offsets = [5], sizes = [1], strides = [1]} : vector<16xf32> to vector<1xf32>
        %parallel_loop3A_813 = vector.extract %parallel_loop3A_812[0] : f32 from vector<1xf32>
        %parallel_loop3A_814 = arith.constant 16 : i32
        %parallel_loop3A_815 = arith.muli %parallel_loop3A_292, %parallel_loop3A_814 : i32
        %parallel_loop3A_816 = arith.constant 5 : i32
        %parallel_loop3A_817 = arith.addi %parallel_loop3A_815, %parallel_loop3A_816 : i32
        %parallel_loop3A_818 = arith.constant 0 : i32
        %parallel_loop3A_819 = tpu.memref_slice %arg6[%mul3A_239, %parallel_loop3A_818] : memref<160x128xf32, #tpu.memory_space<vmem>> -> memref<80x128xf32, #tpu.memory_space<vmem>>
        %parallel_loop3A_820 = arith.index_cast %parallel_loop3A_817 : i32 to index
        %parallel_loop3A_821 = arith.constant 0 : index
        %parallel_loop3A_822 = tpu.vector_load %parallel_loop3A_819[%parallel_loop3A_820, %parallel_loop3A_821] {strides = array<i32>} : memref<80x128xf32, #tpu.memory_space<vmem>>, vector<16xf32>,
        %parallel_loop3A_823 = vector.broadcast %parallel_loop3A_813 : f32 to vector<16xf32>
        %parallel_loop3A_824 = arith.mulf %parallel_loop3A_822, %parallel_loop3A_823 : vector<16xf32>
        %parallel_loop3A_825 = arith.constant 0 : i32
        %parallel_loop3A_826 = tpu.memref_slice %arg7[%mul3A_241, %parallel_loop3A_825] : memref<160x128xf32, #tpu.memory_space<vmem>> -> memref<80x128xf32, #tpu.memory_space<vmem>>
        %parallel_loop3A_827 = arith.index_cast %parallel_loop3A_817 : i32 to index
        %parallel_loop3A_828 = arith.constant 0 : index
        %parallel_loop3A_829 = tpu.vector_load %parallel_loop3A_826[%parallel_loop3A_827, %parallel_loop3A_828] {strides = array<i32>} : memref<80x128xf32, #tpu.memory_space<vmem>>, vector<16xf32>,
        tpu.vector_store %parallel_loop3A_826[%parallel_loop3A_827, %parallel_loop3A_828], %parallel_loop3A_824 {strides = array<i32>} : memref<80x128xf32, #tpu.memory_space<vmem>>, vector<16xf32>,
        %parallel_loop3A_830 = arith.constant 0 : i32
        %parallel_loop3A_831 = tpu.memref_slice %arg6[%mul3A_239, %parallel_loop3A_830] : memref<160x128xf32, #tpu.memory_space<vmem>> -> memref<80x128xf32, #tpu.memory_space<vmem>>
        %parallel_loop3A_832 = arith.index_cast %parallel_loop3A_817 : i32 to index
        %parallel_loop3A_833 = arith.constant 16 : index
        %parallel_loop3A_834 = tpu.vector_load %parallel_loop3A_831[%parallel_loop3A_832, %parallel_loop3A_833] {strides = array<i32>} : memref<80x128xf32, #tpu.memory_space<vmem>>, vector<16xf32>,
        %parallel_loop3A_835 = vector.broadcast %parallel_loop3A_813 : f32 to vector<16xf32>
        %parallel_loop3A_836 = arith.mulf %parallel_loop3A_834, %parallel_loop3A_835 : vector<16xf32>
        %parallel_loop3A_837 = arith.constant 0 : i32
        %parallel_loop3A_838 = tpu.memref_slice %arg7[%mul3A_241, %parallel_loop3A_837] : memref<160x128xf32, #tpu.memory_space<vmem>> -> memref<80x128xf32, #tpu.memory_space<vmem>>
        %parallel_loop3A_839 = arith.index_cast %parallel_loop3A_817 : i32 to index
        %parallel_loop3A_840 = arith.constant 16 : index
        %parallel_loop3A_841 = tpu.vector_load %parallel_loop3A_838[%parallel_loop3A_839, %parallel_loop3A_840] {strides = array<i32>} : memref<80x128xf32, #tpu.memory_space<vmem>>, vector<16xf32>,
        tpu.vector_store %parallel_loop3A_838[%parallel_loop3A_839, %parallel_loop3A_840], %parallel_loop3A_836 {strides = array<i32>} : memref<80x128xf32, #tpu.memory_space<vmem>>, vector<16xf32>,
        %parallel_loop3A_842 = arith.constant 0 : i32
        %parallel_loop3A_843 = tpu.memref_slice %arg6[%mul3A_239, %parallel_loop3A_842] : memref<160x128xf32, #tpu.memory_space<vmem>> -> memref<80x128xf32, #tpu.memory_space<vmem>>
        %parallel_loop3A_844 = arith.index_cast %parallel_loop3A_817 : i32 to index
        %parallel_loop3A_845 = arith.constant 32 : index
        %parallel_loop3A_846 = tpu.vector_load %parallel_loop3A_843[%parallel_loop3A_844, %parallel_loop3A_845] {strides = array<i32>} : memref<80x128xf32, #tpu.memory_space<vmem>>, vector<16xf32>,
        %parallel_loop3A_847 = vector.broadcast %parallel_loop3A_813 : f32 to vector<16xf32>
        %parallel_loop3A_848 = arith.mulf %parallel_loop3A_846, %parallel_loop3A_847 : vector<16xf32>
        %parallel_loop3A_849 = arith.constant 0 : i32
        %parallel_loop3A_850 = tpu.memref_slice %arg7[%mul3A_241, %parallel_loop3A_849] : memref<160x128xf32, #tpu.memory_space<vmem>> -> memref<80x128xf32, #tpu.memory_space<vmem>>
        %parallel_loop3A_851 = arith.index_cast %parallel_loop3A_817 : i32 to index
        %parallel_loop3A_852 = arith.constant 32 : index
        %parallel_loop3A_853 = tpu.vector_load %parallel_loop3A_850[%parallel_loop3A_851, %parallel_loop3A_852] {strides = array<i32>} : memref<80x128xf32, #tpu.memory_space<vmem>>, vector<16xf32>,
        tpu.vector_store %parallel_loop3A_850[%parallel_loop3A_851, %parallel_loop3A_852], %parallel_loop3A_848 {strides = array<i32>} : memref<80x128xf32, #tpu.memory_space<vmem>>, vector<16xf32>,
        %parallel_loop3A_854 = arith.constant 0 : i32
        %parallel_loop3A_855 = tpu.memref_slice %arg6[%mul3A_239, %parallel_loop3A_854] : memref<160x128xf32, #tpu.memory_space<vmem>> -> memref<80x128xf32, #tpu.memory_space<vmem>>
        %parallel_loop3A_856 = arith.index_cast %parallel_loop3A_817 : i32 to index
        %parallel_loop3A_857 = arith.constant 48 : index
        %parallel_loop3A_858 = tpu.vector_load %parallel_loop3A_855[%parallel_loop3A_856, %parallel_loop3A_857] {strides = array<i32>} : memref<80x128xf32, #tpu.memory_space<vmem>>, vector<16xf32>,
        %parallel_loop3A_859 = vector.broadcast %parallel_loop3A_813 : f32 to vector<16xf32>
        %parallel_loop3A_860 = arith.mulf %parallel_loop3A_858, %parallel_loop3A_859 : vector<16xf32>
        %parallel_loop3A_861 = arith.constant 0 : i32
        %parallel_loop3A_862 = tpu.memref_slice %arg7[%mul3A_241, %parallel_loop3A_861] : memref<160x128xf32, #tpu.memory_space<vmem>> -> memref<80x128xf32, #tpu.memory_space<vmem>>
        %parallel_loop3A_863 = arith.index_cast %parallel_loop3A_817 : i32 to index
        %parallel_loop3A_864 = arith.constant 48 : index
        %parallel_loop3A_865 = tpu.vector_load %parallel_loop3A_862[%parallel_loop3A_863, %parallel_loop3A_864] {strides = array<i32>} : memref<80x128xf32, #tpu.memory_space<vmem>>, vector<16xf32>,
        tpu.vector_store %parallel_loop3A_862[%parallel_loop3A_863, %parallel_loop3A_864], %parallel_loop3A_860 {strides = array<i32>} : memref<80x128xf32, #tpu.memory_space<vmem>>, vector<16xf32>,
        %parallel_loop3A_866 = arith.constant 0 : i32
        %parallel_loop3A_867 = tpu.memref_slice %arg6[%mul3A_239, %parallel_loop3A_866] : memref<160x128xf32, #tpu.memory_space<vmem>> -> memref<80x128xf32, #tpu.memory_space<vmem>>
        %parallel_loop3A_868 = arith.index_cast %parallel_loop3A_817 : i32 to index
        %parallel_loop3A_869 = arith.constant 64 : index
        %parallel_loop3A_870 = tpu.vector_load %parallel_loop3A_867[%parallel_loop3A_868, %parallel_loop3A_869] {strides = array<i32>} : memref<80x128xf32, #tpu.memory_space<vmem>>, vector<16xf32>,
        %parallel_loop3A_871 = vector.broadcast %parallel_loop3A_813 : f32 to vector<16xf32>
        %parallel_loop3A_872 = arith.mulf %parallel_loop3A_870, %parallel_loop3A_871 : vector<16xf32>
        %parallel_loop3A_873 = arith.constant 0 : i32
        %parallel_loop3A_874 = tpu.memref_slice %arg7[%mul3A_241, %parallel_loop3A_873] : memref<160x128xf32, #tpu.memory_space<vmem>> -> memref<80x128xf32, #tpu.memory_space<vmem>>
        %parallel_loop3A_875 = arith.index_cast %parallel_loop3A_817 : i32 to index
        %parallel_loop3A_876 = arith.constant 64 : index
        %parallel_loop3A_877 = tpu.vector_load %parallel_loop3A_874[%parallel_loop3A_875, %parallel_loop3A_876] {strides = array<i32>} : memref<80x128xf32, #tpu.memory_space<vmem>>, vector<16xf32>,
        tpu.vector_store %parallel_loop3A_874[%parallel_loop3A_875, %parallel_loop3A_876], %parallel_loop3A_872 {strides = array<i32>} : memref<80x128xf32, #tpu.memory_space<vmem>>, vector<16xf32>,
        %parallel_loop3A_878 = arith.constant 0 : i32
        %parallel_loop3A_879 = tpu.memref_slice %arg6[%mul3A_239, %parallel_loop3A_878] : memref<160x128xf32, #tpu.memory_space<vmem>> -> memref<80x128xf32, #tpu.memory_space<vmem>>
        %parallel_loop3A_880 = arith.index_cast %parallel_loop3A_817 : i32 to index
        %parallel_loop3A_881 = arith.constant 80 : index
        %parallel_loop3A_882 = tpu.vector_load %parallel_loop3A_879[%parallel_loop3A_880, %parallel_loop3A_881] {strides = array<i32>} : memref<80x128xf32, #tpu.memory_space<vmem>>, vector<16xf32>,
        %parallel_loop3A_883 = vector.broadcast %parallel_loop3A_813 : f32 to vector<16xf32>
        %parallel_loop3A_884 = arith.mulf %parallel_loop3A_882, %parallel_loop3A_883 : vector<16xf32>
        %parallel_loop3A_885 = arith.constant 0 : i32
        %parallel_loop3A_886 = tpu.memref_slice %arg7[%mul3A_241, %parallel_loop3A_885] : memref<160x128xf32, #tpu.memory_space<vmem>> -> memref<80x128xf32, #tpu.memory_space<vmem>>
        %parallel_loop3A_887 = arith.index_cast %parallel_loop3A_817 : i32 to index
        %parallel_loop3A_888 = arith.constant 80 : index
        %parallel_loop3A_889 = tpu.vector_load %parallel_loop3A_886[%parallel_loop3A_887, %parallel_loop3A_888] {strides = array<i32>} : memref<80x128xf32, #tpu.memory_space<vmem>>, vector<16xf32>,
        tpu.vector_store %parallel_loop3A_886[%parallel_loop3A_887, %parallel_loop3A_888], %parallel_loop3A_884 {strides = array<i32>} : memref<80x128xf32, #tpu.memory_space<vmem>>, vector<16xf32>,
        %parallel_loop3A_890 = arith.constant 0 : i32
        %parallel_loop3A_891 = tpu.memref_slice %arg6[%mul3A_239, %parallel_loop3A_890] : memref<160x128xf32, #tpu.memory_space<vmem>> -> memref<80x128xf32, #tpu.memory_space<vmem>>
        %parallel_loop3A_892 = arith.index_cast %parallel_loop3A_817 : i32 to index
        %parallel_loop3A_893 = arith.constant 96 : index
        %parallel_loop3A_894 = tpu.vector_load %parallel_loop3A_891[%parallel_loop3A_892, %parallel_loop3A_893] {strides = array<i32>} : memref<80x128xf32, #tpu.memory_space<vmem>>, vector<16xf32>,
        %parallel_loop3A_895 = vector.broadcast %parallel_loop3A_813 : f32 to vector<16xf32>
        %parallel_loop3A_896 = arith.mulf %parallel_loop3A_894, %parallel_loop3A_895 : vector<16xf32>
        %parallel_loop3A_897 = arith.constant 0 : i32
        %parallel_loop3A_898 = tpu.memref_slice %arg7[%mul3A_241, %parallel_loop3A_897] : memref<160x128xf32, #tpu.memory_space<vmem>> -> memref<80x128xf32, #tpu.memory_space<vmem>>
        %parallel_loop3A_899 = arith.index_cast %parallel_loop3A_817 : i32 to index
        %parallel_loop3A_900 = arith.constant 96 : index
        %parallel_loop3A_901 = tpu.vector_load %parallel_loop3A_898[%parallel_loop3A_899, %parallel_loop3A_900] {strides = array<i32>} : memref<80x128xf32, #tpu.memory_space<vmem>>, vector<16xf32>,
        tpu.vector_store %parallel_loop3A_898[%parallel_loop3A_899, %parallel_loop3A_900], %parallel_loop3A_896 {strides = array<i32>} : memref<80x128xf32, #tpu.memory_space<vmem>>, vector<16xf32>,
        %parallel_loop3A_902 = arith.constant 0 : i32
        %parallel_loop3A_903 = tpu.memref_slice %arg6[%mul3A_239, %parallel_loop3A_902] : memref<160x128xf32, #tpu.memory_space<vmem>> -> memref<80x128xf32, #tpu.memory_space<vmem>>
        %parallel_loop3A_904 = arith.index_cast %parallel_loop3A_817 : i32 to index
        %parallel_loop3A_905 = arith.constant 112 : index
        %parallel_loop3A_906 = tpu.vector_load %parallel_loop3A_903[%parallel_loop3A_904, %parallel_loop3A_905] {strides = array<i32>} : memref<80x128xf32, #tpu.memory_space<vmem>>, vector<16xf32>,
        %parallel_loop3A_907 = vector.broadcast %parallel_loop3A_813 : f32 to vector<16xf32>
        %parallel_loop3A_908 = arith.mulf %parallel_loop3A_906, %parallel_loop3A_907 : vector<16xf32>
        %parallel_loop3A_909 = arith.constant 0 : i32
        %parallel_loop3A_910 = tpu.memref_slice %arg7[%mul3A_241, %parallel_loop3A_909] : memref<160x128xf32, #tpu.memory_space<vmem>> -> memref<80x128xf32, #tpu.memory_space<vmem>>
        %parallel_loop3A_911 = arith.index_cast %parallel_loop3A_817 : i32 to index
        %parallel_loop3A_912 = arith.constant 112 : index
        %parallel_loop3A_913 = tpu.vector_load %parallel_loop3A_910[%parallel_loop3A_911, %parallel_loop3A_912] {strides = array<i32>} : memref<80x128xf32, #tpu.memory_space<vmem>>, vector<16xf32>,
        tpu.vector_store %parallel_loop3A_910[%parallel_loop3A_911, %parallel_loop3A_912], %parallel_loop3A_908 {strides = array<i32>} : memref<80x128xf32, #tpu.memory_space<vmem>>, vector<16xf32>,
        %parallel_loop3A_914 = vector.extract_strided_slice %parallel_loop3A_301 {offsets = [6], sizes = [1], strides = [1]} : vector<16xf32> to vector<1xf32>
        %parallel_loop3A_915 = vector.extract %parallel_loop3A_914[0] : f32 from vector<1xf32>
        %parallel_loop3A_916 = arith.constant 16 : i32
        %parallel_loop3A_917 = arith.muli %parallel_loop3A_292, %parallel_loop3A_916 : i32
        %parallel_loop3A_918 = arith.constant 6 : i32
        %parallel_loop3A_919 = arith.addi %parallel_loop3A_917, %parallel_loop3A_918 : i32
        %parallel_loop3A_920 = arith.constant 0 : i32
        %parallel_loop3A_921 = tpu.memref_slice %arg6[%mul3A_239, %parallel_loop3A_920] : memref<160x128xf32, #tpu.memory_space<vmem>> -> memref<80x128xf32, #tpu.memory_space<vmem>>
        %parallel_loop3A_922 = arith.index_cast %parallel_loop3A_919 : i32 to index
        %parallel_loop3A_923 = arith.constant 0 : index
        %parallel_loop3A_924 = tpu.vector_load %parallel_loop3A_921[%parallel_loop3A_922, %parallel_loop3A_923] {strides = array<i32>} : memref<80x128xf32, #tpu.memory_space<vmem>>, vector<16xf32>,
        %parallel_loop3A_925 = vector.broadcast %parallel_loop3A_915 : f32 to vector<16xf32>
        %parallel_loop3A_926 = arith.mulf %parallel_loop3A_924, %parallel_loop3A_925 : vector<16xf32>
        %parallel_loop3A_927 = arith.constant 0 : i32
        %parallel_loop3A_928 = tpu.memref_slice %arg7[%mul3A_241, %parallel_loop3A_927] : memref<160x128xf32, #tpu.memory_space<vmem>> -> memref<80x128xf32, #tpu.memory_space<vmem>>
        %parallel_loop3A_929 = arith.index_cast %parallel_loop3A_919 : i32 to index
        %parallel_loop3A_930 = arith.constant 0 : index
        %parallel_loop3A_931 = tpu.vector_load %parallel_loop3A_928[%parallel_loop3A_929, %parallel_loop3A_930] {strides = array<i32>} : memref<80x128xf32, #tpu.memory_space<vmem>>, vector<16xf32>,
        tpu.vector_store %parallel_loop3A_928[%parallel_loop3A_929, %parallel_loop3A_930], %parallel_loop3A_926 {strides = array<i32>} : memref<80x128xf32, #tpu.memory_space<vmem>>, vector<16xf32>,
        %parallel_loop3A_932 = arith.constant 0 : i32
        %parallel_loop3A_933 = tpu.memref_slice %arg6[%mul3A_239, %parallel_loop3A_932] : memref<160x128xf32, #tpu.memory_space<vmem>> -> memref<80x128xf32, #tpu.memory_space<vmem>>
        %parallel_loop3A_934 = arith.index_cast %parallel_loop3A_919 : i32 to index
        %parallel_loop3A_935 = arith.constant 16 : index
        %parallel_loop3A_936 = tpu.vector_load %parallel_loop3A_933[%parallel_loop3A_934, %parallel_loop3A_935] {strides = array<i32>} : memref<80x128xf32, #tpu.memory_space<vmem>>, vector<16xf32>,
        %parallel_loop3A_937 = vector.broadcast %parallel_loop3A_915 : f32 to vector<16xf32>
        %parallel_loop3A_938 = arith.mulf %parallel_loop3A_936, %parallel_loop3A_937 : vector<16xf32>
        %parallel_loop3A_939 = arith.constant 0 : i32
        %parallel_loop3A_940 = tpu.memref_slice %arg7[%mul3A_241, %parallel_loop3A_939] : memref<160x128xf32, #tpu.memory_space<vmem>> -> memref<80x128xf32, #tpu.memory_space<vmem>>
        %parallel_loop3A_941 = arith.index_cast %parallel_loop3A_919 : i32 to index
        %parallel_loop3A_942 = arith.constant 16 : index
        %parallel_loop3A_943 = tpu.vector_load %parallel_loop3A_940[%parallel_loop3A_941, %parallel_loop3A_942] {strides = array<i32>} : memref<80x128xf32, #tpu.memory_space<vmem>>, vector<16xf32>,
        tpu.vector_store %parallel_loop3A_940[%parallel_loop3A_941, %parallel_loop3A_942], %parallel_loop3A_938 {strides = array<i32>} : memref<80x128xf32, #tpu.memory_space<vmem>>, vector<16xf32>,
        %parallel_loop3A_944 = arith.constant 0 : i32
        %parallel_loop3A_945 = tpu.memref_slice %arg6[%mul3A_239, %parallel_loop3A_944] : memref<160x128xf32, #tpu.memory_space<vmem>> -> memref<80x128xf32, #tpu.memory_space<vmem>>
        %parallel_loop3A_946 = arith.index_cast %parallel_loop3A_919 : i32 to index
        %parallel_loop3A_947 = arith.constant 32 : index
        %parallel_loop3A_948 = tpu.vector_load %parallel_loop3A_945[%parallel_loop3A_946, %parallel_loop3A_947] {strides = array<i32>} : memref<80x128xf32, #tpu.memory_space<vmem>>, vector<16xf32>,
        %parallel_loop3A_949 = vector.broadcast %parallel_loop3A_915 : f32 to vector<16xf32>
        %parallel_loop3A_950 = arith.mulf %parallel_loop3A_948, %parallel_loop3A_949 : vector<16xf32>
        %parallel_loop3A_951 = arith.constant 0 : i32
        %parallel_loop3A_952 = tpu.memref_slice %arg7[%mul3A_241, %parallel_loop3A_951] : memref<160x128xf32, #tpu.memory_space<vmem>> -> memref<80x128xf32, #tpu.memory_space<vmem>>
        %parallel_loop3A_953 = arith.index_cast %parallel_loop3A_919 : i32 to index
        %parallel_loop3A_954 = arith.constant 32 : index
        %parallel_loop3A_955 = tpu.vector_load %parallel_loop3A_952[%parallel_loop3A_953, %parallel_loop3A_954] {strides = array<i32>} : memref<80x128xf32, #tpu.memory_space<vmem>>, vector<16xf32>,
        tpu.vector_store %parallel_loop3A_952[%parallel_loop3A_953, %parallel_loop3A_954], %parallel_loop3A_950 {strides = array<i32>} : memref<80x128xf32, #tpu.memory_space<vmem>>, vector<16xf32>,
        %parallel_loop3A_956 = arith.constant 0 : i32
        %parallel_loop3A_957 = tpu.memref_slice %arg6[%mul3A_239, %parallel_loop3A_956] : memref<160x128xf32, #tpu.memory_space<vmem>> -> memref<80x128xf32, #tpu.memory_space<vmem>>
        %parallel_loop3A_958 = arith.index_cast %parallel_loop3A_919 : i32 to index
        %parallel_loop3A_959 = arith.constant 48 : index
        %parallel_loop3A_960 = tpu.vector_load %parallel_loop3A_957[%parallel_loop3A_958, %parallel_loop3A_959] {strides = array<i32>} : memref<80x128xf32, #tpu.memory_space<vmem>>, vector<16xf32>,
        %parallel_loop3A_961 = vector.broadcast %parallel_loop3A_915 : f32 to vector<16xf32>
        %parallel_loop3A_962 = arith.mulf %parallel_loop3A_960, %parallel_loop3A_961 : vector<16xf32>
        %parallel_loop3A_963 = arith.constant 0 : i32
        %parallel_loop3A_964 = tpu.memref_slice %arg7[%mul3A_241, %parallel_loop3A_963] : memref<160x128xf32, #tpu.memory_space<vmem>> -> memref<80x128xf32, #tpu.memory_space<vmem>>
        %parallel_loop3A_965 = arith.index_cast %parallel_loop3A_919 : i32 to index
        %parallel_loop3A_966 = arith.constant 48 : index
        %parallel_loop3A_967 = tpu.vector_load %parallel_loop3A_964[%parallel_loop3A_965, %parallel_loop3A_966] {strides = array<i32>} : memref<80x128xf32, #tpu.memory_space<vmem>>, vector<16xf32>,
        tpu.vector_store %parallel_loop3A_964[%parallel_loop3A_965, %parallel_loop3A_966], %parallel_loop3A_962 {strides = array<i32>} : memref<80x128xf32, #tpu.memory_space<vmem>>, vector<16xf32>,
        %parallel_loop3A_968 = arith.constant 0 : i32
        %parallel_loop3A_969 = tpu.memref_slice %arg6[%mul3A_239, %parallel_loop3A_968] : memref<160x128xf32, #tpu.memory_space<vmem>> -> memref<80x128xf32, #tpu.memory_space<vmem>>
        %parallel_loop3A_970 = arith.index_cast %parallel_loop3A_919 : i32 to index
        %parallel_loop3A_971 = arith.constant 64 : index
        %parallel_loop3A_972 = tpu.vector_load %parallel_loop3A_969[%parallel_loop3A_970, %parallel_loop3A_971] {strides = array<i32>} : memref<80x128xf32, #tpu.memory_space<vmem>>, vector<16xf32>,
        %parallel_loop3A_973 = vector.broadcast %parallel_loop3A_915 : f32 to vector<16xf32>
        %parallel_loop3A_974 = arith.mulf %parallel_loop3A_972, %parallel_loop3A_973 : vector<16xf32>
        %parallel_loop3A_975 = arith.constant 0 : i32
        %parallel_loop3A_976 = tpu.memref_slice %arg7[%mul3A_241, %parallel_loop3A_975] : memref<160x128xf32, #tpu.memory_space<vmem>> -> memref<80x128xf32, #tpu.memory_space<vmem>>
        %parallel_loop3A_977 = arith.index_cast %parallel_loop3A_919 : i32 to index
        %parallel_loop3A_978 = arith.constant 64 : index
        %parallel_loop3A_979 = tpu.vector_load %parallel_loop3A_976[%parallel_loop3A_977, %parallel_loop3A_978] {strides = array<i32>} : memref<80x128xf32, #tpu.memory_space<vmem>>, vector<16xf32>,
        tpu.vector_store %parallel_loop3A_976[%parallel_loop3A_977, %parallel_loop3A_978], %parallel_loop3A_974 {strides = array<i32>} : memref<80x128xf32, #tpu.memory_space<vmem>>, vector<16xf32>,
        %parallel_loop3A_980 = arith.constant 0 : i32
        %parallel_loop3A_981 = tpu.memref_slice %arg6[%mul3A_239, %parallel_loop3A_980] : memref<160x128xf32, #tpu.memory_space<vmem>> -> memref<80x128xf32, #tpu.memory_space<vmem>>
        %parallel_loop3A_982 = arith.index_cast %parallel_loop3A_919 : i32 to index
        %parallel_loop3A_983 = arith.constant 80 : index
        %parallel_loop3A_984 = tpu.vector_load %parallel_loop3A_981[%parallel_loop3A_982, %parallel_loop3A_983] {strides = array<i32>} : memref<80x128xf32, #tpu.memory_space<vmem>>, vector<16xf32>,
        %parallel_loop3A_985 = vector.broadcast %parallel_loop3A_915 : f32 to vector<16xf32>
        %parallel_loop3A_986 = arith.mulf %parallel_loop3A_984, %parallel_loop3A_985 : vector<16xf32>
        %parallel_loop3A_987 = arith.constant 0 : i32
        %parallel_loop3A_988 = tpu.memref_slice %arg7[%mul3A_241, %parallel_loop3A_987] : memref<160x128xf32, #tpu.memory_space<vmem>> -> memref<80x128xf32, #tpu.memory_space<vmem>>
        %parallel_loop3A_989 = arith.index_cast %parallel_loop3A_919 : i32 to index
        %parallel_loop3A_990 = arith.constant 80 : index
        %parallel_loop3A_991 = tpu.vector_load %parallel_loop3A_988[%parallel_loop3A_989, %parallel_loop3A_990] {strides = array<i32>} : memref<80x128xf32, #tpu.memory_space<vmem>>, vector<16xf32>,
        tpu.vector_store %parallel_loop3A_988[%parallel_loop3A_989, %parallel_loop3A_990], %parallel_loop3A_986 {strides = array<i32>} : memref<80x128xf32, #tpu.memory_space<vmem>>, vector<16xf32>,
        %parallel_loop3A_992 = arith.constant 0 : i32
        %parallel_loop3A_993 = tpu.memref_slice %arg6[%mul3A_239, %parallel_loop3A_992] : memref<160x128xf32, #tpu.memory_space<vmem>> -> memref<80x128xf32, #tpu.memory_space<vmem>>
        %parallel_loop3A_994 = arith.index_cast %parallel_loop3A_919 : i32 to index
        %parallel_loop3A_995 = arith.constant 96 : index
        %parallel_loop3A_996 = tpu.vector_load %parallel_loop3A_993[%parallel_loop3A_994, %parallel_loop3A_995] {strides = array<i32>} : memref<80x128xf32, #tpu.memory_space<vmem>>, vector<16xf32>,
        %parallel_loop3A_997 = vector.broadcast %parallel_loop3A_915 : f32 to vector<16xf32>
        %parallel_loop3A_998 = arith.mulf %parallel_loop3A_996, %parallel_loop3A_997 : vector<16xf32>
        %parallel_loop3A_999 = arith.constant 0 : i32
        %parallel_loop3A_1000 = tpu.memref_slice %arg7[%mul3A_241, %parallel_loop3A_999] : memref<160x128xf32, #tpu.memory_space<vmem>> -> memref<80x128xf32, #tpu.memory_space<vmem>>
        %parallel_loop3A_1001 = arith.index_cast %parallel_loop3A_919 : i32 to index
        %parallel_loop3A_1002 = arith.constant 96 : index
        %parallel_loop3A_1003 = tpu.vector_load %parallel_loop3A_1000[%parallel_loop3A_1001, %parallel_loop3A_1002] {strides = array<i32>} : memref<80x128xf32, #tpu.memory_space<vmem>>, vector<16xf32>,
        tpu.vector_store %parallel_loop3A_1000[%parallel_loop3A_1001, %parallel_loop3A_1002], %parallel_loop3A_998 {strides = array<i32>} : memref<80x128xf32, #tpu.memory_space<vmem>>, vector<16xf32>,
        %parallel_loop3A_1004 = arith.constant 0 : i32
        %parallel_loop3A_1005 = tpu.memref_slice %arg6[%mul3A_239, %parallel_loop3A_1004] : memref<160x128xf32, #tpu.memory_space<vmem>> -> memref<80x128xf32, #tpu.memory_space<vmem>>
        %parallel_loop3A_1006 = arith.index_cast %parallel_loop3A_919 : i32 to index
        %parallel_loop3A_1007 = arith.constant 112 : index
        %parallel_loop3A_1008 = tpu.vector_load %parallel_loop3A_1005[%parallel_loop3A_1006, %parallel_loop3A_1007] {strides = array<i32>} : memref<80x128xf32, #tpu.memory_space<vmem>>, vector<16xf32>,
        %parallel_loop3A_1009 = vector.broadcast %parallel_loop3A_915 : f32 to vector<16xf32>
        %parallel_loop3A_1010 = arith.mulf %parallel_loop3A_1008, %parallel_loop3A_1009 : vector<16xf32>
        %parallel_loop3A_1011 = arith.constant 0 : i32
        %parallel_loop3A_1012 = tpu.memref_slice %arg7[%mul3A_241, %parallel_loop3A_1011] : memref<160x128xf32, #tpu.memory_space<vmem>> -> memref<80x128xf32, #tpu.memory_space<vmem>>
        %parallel_loop3A_1013 = arith.index_cast %parallel_loop3A_919 : i32 to index
        %parallel_loop3A_1014 = arith.constant 112 : index
        %parallel_loop3A_1015 = tpu.vector_load %parallel_loop3A_1012[%parallel_loop3A_1013, %parallel_loop3A_1014] {strides = array<i32>} : memref<80x128xf32, #tpu.memory_space<vmem>>, vector<16xf32>,
        tpu.vector_store %parallel_loop3A_1012[%parallel_loop3A_1013, %parallel_loop3A_1014], %parallel_loop3A_1010 {strides = array<i32>} : memref<80x128xf32, #tpu.memory_space<vmem>>, vector<16xf32>,
        %parallel_loop3A_1016 = vector.extract_strided_slice %parallel_loop3A_301 {offsets = [7], sizes = [1], strides = [1]} : vector<16xf32> to vector<1xf32>
        %parallel_loop3A_1017 = vector.extract %parallel_loop3A_1016[0] : f32 from vector<1xf32>
        %parallel_loop3A_1018 = arith.constant 16 : i32
        %parallel_loop3A_1019 = arith.muli %parallel_loop3A_292, %parallel_loop3A_1018 : i32
        %parallel_loop3A_1020 = arith.constant 7 : i32
        %parallel_loop3A_1021 = arith.addi %parallel_loop3A_1019, %parallel_loop3A_1020 : i32
        %parallel_loop3A_1022 = arith.constant 0 : i32
        %parallel_loop3A_1023 = tpu.memref_slice %arg6[%mul3A_239, %parallel_loop3A_1022] : memref<160x128xf32, #tpu.memory_space<vmem>> -> memref<80x128xf32, #tpu.memory_space<vmem>>
        %parallel_loop3A_1024 = arith.index_cast %parallel_loop3A_1021 : i32 to index
        %parallel_loop3A_1025 = arith.constant 0 : index
        %parallel_loop3A_1026 = tpu.vector_load %parallel_loop3A_1023[%parallel_loop3A_1024, %parallel_loop3A_1025] {strides = array<i32>} : memref<80x128xf32, #tpu.memory_space<vmem>>, vector<16xf32>,
        %parallel_loop3A_1027 = vector.broadcast %parallel_loop3A_1017 : f32 to vector<16xf32>
        %parallel_loop3A_1028 = arith.mulf %parallel_loop3A_1026, %parallel_loop3A_1027 : vector<16xf32>
        %parallel_loop3A_1029 = arith.constant 0 : i32
        %parallel_loop3A_1030 = tpu.memref_slice %arg7[%mul3A_241, %parallel_loop3A_1029] : memref<160x128xf32, #tpu.memory_space<vmem>> -> memref<80x128xf32, #tpu.memory_space<vmem>>
        %parallel_loop3A_1031 = arith.index_cast %parallel_loop3A_1021 : i32 to index
        %parallel_loop3A_1032 = arith.constant 0 : index
        %parallel_loop3A_1033 = tpu.vector_load %parallel_loop3A_1030[%parallel_loop3A_1031, %parallel_loop3A_1032] {strides = array<i32>} : memref<80x128xf32, #tpu.memory_space<vmem>>, vector<16xf32>,
        tpu.vector_store %parallel_loop3A_1030[%parallel_loop3A_1031, %parallel_loop3A_1032], %parallel_loop3A_1028 {strides = array<i32>} : memref<80x128xf32, #tpu.memory_space<vmem>>, vector<16xf32>,
        %parallel_loop3A_1034 = arith.constant 0 : i32
        %parallel_loop3A_1035 = tpu.memref_slice %arg6[%mul3A_239, %parallel_loop3A_1034] : memref<160x128xf32, #tpu.memory_space<vmem>> -> memref<80x128xf32, #tpu.memory_space<vmem>>
        %parallel_loop3A_1036 = arith.index_cast %parallel_loop3A_1021 : i32 to index
        %parallel_loop3A_1037 = arith.constant 16 : index
        %parallel_loop3A_1038 = tpu.vector_load %parallel_loop3A_1035[%parallel_loop3A_1036, %parallel_loop3A_1037] {strides = array<i32>} : memref<80x128xf32, #tpu.memory_space<vmem>>, vector<16xf32>,
        %parallel_loop3A_1039 = vector.broadcast %parallel_loop3A_1017 : f32 to vector<16xf32>
        %parallel_loop3A_1040 = arith.mulf %parallel_loop3A_1038, %parallel_loop3A_1039 : vector<16xf32>
        %parallel_loop3A_1041 = arith.constant 0 : i32
        %parallel_loop3A_1042 = tpu.memref_slice %arg7[%mul3A_241, %parallel_loop3A_1041] : memref<160x128xf32, #tpu.memory_space<vmem>> -> memref<80x128xf32, #tpu.memory_space<vmem>>
        %parallel_loop3A_1043 = arith.index_cast %parallel_loop3A_1021 : i32 to index
        %parallel_loop3A_1044 = arith.constant 16 : index
        %parallel_loop3A_1045 = tpu.vector_load %parallel_loop3A_1042[%parallel_loop3A_1043, %parallel_loop3A_1044] {strides = array<i32>} : memref<80x128xf32, #tpu.memory_space<vmem>>, vector<16xf32>,
        tpu.vector_store %parallel_loop3A_1042[%parallel_loop3A_1043, %parallel_loop3A_1044], %parallel_loop3A_1040 {strides = array<i32>} : memref<80x128xf32, #tpu.memory_space<vmem>>, vector<16xf32>,
        %parallel_loop3A_1046 = arith.constant 0 : i32
        %parallel_loop3A_1047 = tpu.memref_slice %arg6[%mul3A_239, %parallel_loop3A_1046] : memref<160x128xf32, #tpu.memory_space<vmem>> -> memref<80x128xf32, #tpu.memory_space<vmem>>
        %parallel_loop3A_1048 = arith.index_cast %parallel_loop3A_1021 : i32 to index
        %parallel_loop3A_1049 = arith.constant 32 : index
        %parallel_loop3A_1050 = tpu.vector_load %parallel_loop3A_1047[%parallel_loop3A_1048, %parallel_loop3A_1049] {strides = array<i32>} : memref<80x128xf32, #tpu.memory_space<vmem>>, vector<16xf32>,
        %parallel_loop3A_1051 = vector.broadcast %parallel_loop3A_1017 : f32 to vector<16xf32>
        %parallel_loop3A_1052 = arith.mulf %parallel_loop3A_1050, %parallel_loop3A_1051 : vector<16xf32>
        %parallel_loop3A_1053 = arith.constant 0 : i32
        %parallel_loop3A_1054 = tpu.memref_slice %arg7[%mul3A_241, %parallel_loop3A_1053] : memref<160x128xf32, #tpu.memory_space<vmem>> -> memref<80x128xf32, #tpu.memory_space<vmem>>
        %parallel_loop3A_1055 = arith.index_cast %parallel_loop3A_1021 : i32 to index
        %parallel_loop3A_1056 = arith.constant 32 : index
        %parallel_loop3A_1057 = tpu.vector_load %parallel_loop3A_1054[%parallel_loop3A_1055, %parallel_loop3A_1056] {strides = array<i32>} : memref<80x128xf32, #tpu.memory_space<vmem>>, vector<16xf32>,
        tpu.vector_store %parallel_loop3A_1054[%parallel_loop3A_1055, %parallel_loop3A_1056], %parallel_loop3A_1052 {strides = array<i32>} : memref<80x128xf32, #tpu.memory_space<vmem>>, vector<16xf32>,
        %parallel_loop3A_1058 = arith.constant 0 : i32
        %parallel_loop3A_1059 = tpu.memref_slice %arg6[%mul3A_239, %parallel_loop3A_1058] : memref<160x128xf32, #tpu.memory_space<vmem>> -> memref<80x128xf32, #tpu.memory_space<vmem>>
        %parallel_loop3A_1060 = arith.index_cast %parallel_loop3A_1021 : i32 to index
        %parallel_loop3A_1061 = arith.constant 48 : index
        %parallel_loop3A_1062 = tpu.vector_load %parallel_loop3A_1059[%parallel_loop3A_1060, %parallel_loop3A_1061] {strides = array<i32>} : memref<80x128xf32, #tpu.memory_space<vmem>>, vector<16xf32>,
        %parallel_loop3A_1063 = vector.broadcast %parallel_loop3A_1017 : f32 to vector<16xf32>
        %parallel_loop3A_1064 = arith.mulf %parallel_loop3A_1062, %parallel_loop3A_1063 : vector<16xf32>
        %parallel_loop3A_1065 = arith.constant 0 : i32
        %parallel_loop3A_1066 = tpu.memref_slice %arg7[%mul3A_241, %parallel_loop3A_1065] : memref<160x128xf32, #tpu.memory_space<vmem>> -> memref<80x128xf32, #tpu.memory_space<vmem>>
        %parallel_loop3A_1067 = arith.index_cast %parallel_loop3A_1021 : i32 to index
        %parallel_loop3A_1068 = arith.constant 48 : index
        %parallel_loop3A_1069 = tpu.vector_load %parallel_loop3A_1066[%parallel_loop3A_1067, %parallel_loop3A_1068] {strides = array<i32>} : memref<80x128xf32, #tpu.memory_space<vmem>>, vector<16xf32>,
        tpu.vector_store %parallel_loop3A_1066[%parallel_loop3A_1067, %parallel_loop3A_1068], %parallel_loop3A_1064 {strides = array<i32>} : memref<80x128xf32, #tpu.memory_space<vmem>>, vector<16xf32>,
        %parallel_loop3A_1070 = arith.constant 0 : i32
        %parallel_loop3A_1071 = tpu.memref_slice %arg6[%mul3A_239, %parallel_loop3A_1070] : memref<160x128xf32, #tpu.memory_space<vmem>> -> memref<80x128xf32, #tpu.memory_space<vmem>>
        %parallel_loop3A_1072 = arith.index_cast %parallel_loop3A_1021 : i32 to index
        %parallel_loop3A_1073 = arith.constant 64 : index
        %parallel_loop3A_1074 = tpu.vector_load %parallel_loop3A_1071[%parallel_loop3A_1072, %parallel_loop3A_1073] {strides = array<i32>} : memref<80x128xf32, #tpu.memory_space<vmem>>, vector<16xf32>,
        %parallel_loop3A_1075 = vector.broadcast %parallel_loop3A_1017 : f32 to vector<16xf32>
        %parallel_loop3A_1076 = arith.mulf %parallel_loop3A_1074, %parallel_loop3A_1075 : vector<16xf32>
        %parallel_loop3A_1077 = arith.constant 0 : i32
        %parallel_loop3A_1078 = tpu.memref_slice %arg7[%mul3A_241, %parallel_loop3A_1077] : memref<160x128xf32, #tpu.memory_space<vmem>> -> memref<80x128xf32, #tpu.memory_space<vmem>>
        %parallel_loop3A_1079 = arith.index_cast %parallel_loop3A_1021 : i32 to index
        %parallel_loop3A_1080 = arith.constant 64 : index
        %parallel_loop3A_1081 = tpu.vector_load %parallel_loop3A_1078[%parallel_loop3A_1079, %parallel_loop3A_1080] {strides = array<i32>} : memref<80x128xf32, #tpu.memory_space<vmem>>, vector<16xf32>,
        tpu.vector_store %parallel_loop3A_1078[%parallel_loop3A_1079, %parallel_loop3A_1080], %parallel_loop3A_1076 {strides = array<i32>} : memref<80x128xf32, #tpu.memory_space<vmem>>, vector<16xf32>,
        %parallel_loop3A_1082 = arith.constant 0 : i32
        %parallel_loop3A_1083 = tpu.memref_slice %arg6[%mul3A_239, %parallel_loop3A_1082] : memref<160x128xf32, #tpu.memory_space<vmem>> -> memref<80x128xf32, #tpu.memory_space<vmem>>
        %parallel_loop3A_1084 = arith.index_cast %parallel_loop3A_1021 : i32 to index
        %parallel_loop3A_1085 = arith.constant 80 : index
        %parallel_loop3A_1086 = tpu.vector_load %parallel_loop3A_1083[%parallel_loop3A_1084, %parallel_loop3A_1085] {strides = array<i32>} : memref<80x128xf32, #tpu.memory_space<vmem>>, vector<16xf32>,
        %parallel_loop3A_1087 = vector.broadcast %parallel_loop3A_1017 : f32 to vector<16xf32>
        %parallel_loop3A_1088 = arith.mulf %parallel_loop3A_1086, %parallel_loop3A_1087 : vector<16xf32>
        %parallel_loop3A_1089 = arith.constant 0 : i32
        %parallel_loop3A_1090 = tpu.memref_slice %arg7[%mul3A_241, %parallel_loop3A_1089] : memref<160x128xf32, #tpu.memory_space<vmem>> -> memref<80x128xf32, #tpu.memory_space<vmem>>
        %parallel_loop3A_1091 = arith.index_cast %parallel_loop3A_1021 : i32 to index
        %parallel_loop3A_1092 = arith.constant 80 : index
        %parallel_loop3A_1093 = tpu.vector_load %parallel_loop3A_1090[%parallel_loop3A_1091, %parallel_loop3A_1092] {strides = array<i32>} : memref<80x128xf32, #tpu.memory_space<vmem>>, vector<16xf32>,
        tpu.vector_store %parallel_loop3A_1090[%parallel_loop3A_1091, %parallel_loop3A_1092], %parallel_loop3A_1088 {strides = array<i32>} : memref<80x128xf32, #tpu.memory_space<vmem>>, vector<16xf32>,
        %parallel_loop3A_1094 = arith.constant 0 : i32
        %parallel_loop3A_1095 = tpu.memref_slice %arg6[%mul3A_239, %parallel_loop3A_1094] : memref<160x128xf32, #tpu.memory_space<vmem>> -> memref<80x128xf32, #tpu.memory_space<vmem>>
        %parallel_loop3A_1096 = arith.index_cast %parallel_loop3A_1021 : i32 to index
        %parallel_loop3A_1097 = arith.constant 96 : index
        %parallel_loop3A_1098 = tpu.vector_load %parallel_loop3A_1095[%parallel_loop3A_1096, %parallel_loop3A_1097] {strides = array<i32>} : memref<80x128xf32, #tpu.memory_space<vmem>>, vector<16xf32>,
        %parallel_loop3A_1099 = vector.broadcast %parallel_loop3A_1017 : f32 to vector<16xf32>
        %parallel_loop3A_1100 = arith.mulf %parallel_loop3A_1098, %parallel_loop3A_1099 : vector<16xf32>
        %parallel_loop3A_1101 = arith.constant 0 : i32
        %parallel_loop3A_1102 = tpu.memref_slice %arg7[%mul3A_241, %parallel_loop3A_1101] : memref<160x128xf32, #tpu.memory_space<vmem>> -> memref<80x128xf32, #tpu.memory_space<vmem>>
        %parallel_loop3A_1103 = arith.index_cast %parallel_loop3A_1021 : i32 to index
        %parallel_loop3A_1104 = arith.constant 96 : index
        %parallel_loop3A_1105 = tpu.vector_load %parallel_loop3A_1102[%parallel_loop3A_1103, %parallel_loop3A_1104] {strides = array<i32>} : memref<80x128xf32, #tpu.memory_space<vmem>>, vector<16xf32>,
        tpu.vector_store %parallel_loop3A_1102[%parallel_loop3A_1103, %parallel_loop3A_1104], %parallel_loop3A_1100 {strides = array<i32>} : memref<80x128xf32, #tpu.memory_space<vmem>>, vector<16xf32>,
        %parallel_loop3A_1106 = arith.constant 0 : i32
        %parallel_loop3A_1107 = tpu.memref_slice %arg6[%mul3A_239, %parallel_loop3A_1106] : memref<160x128xf32, #tpu.memory_space<vmem>> -> memref<80x128xf32, #tpu.memory_space<vmem>>
        %parallel_loop3A_1108 = arith.index_cast %parallel_loop3A_1021 : i32 to index
        %parallel_loop3A_1109 = arith.constant 112 : index
        %parallel_loop3A_1110 = tpu.vector_load %parallel_loop3A_1107[%parallel_loop3A_1108, %parallel_loop3A_1109] {strides = array<i32>} : memref<80x128xf32, #tpu.memory_space<vmem>>, vector<16xf32>,
        %parallel_loop3A_1111 = vector.broadcast %parallel_loop3A_1017 : f32 to vector<16xf32>
        %parallel_loop3A_1112 = arith.mulf %parallel_loop3A_1110, %parallel_loop3A_1111 : vector<16xf32>
        %parallel_loop3A_1113 = arith.constant 0 : i32
        %parallel_loop3A_1114 = tpu.memref_slice %arg7[%mul3A_241, %parallel_loop3A_1113] : memref<160x128xf32, #tpu.memory_space<vmem>> -> memref<80x128xf32, #tpu.memory_space<vmem>>
        %parallel_loop3A_1115 = arith.index_cast %parallel_loop3A_1021 : i32 to index
        %parallel_loop3A_1116 = arith.constant 112 : index
        %parallel_loop3A_1117 = tpu.vector_load %parallel_loop3A_1114[%parallel_loop3A_1115, %parallel_loop3A_1116] {strides = array<i32>} : memref<80x128xf32, #tpu.memory_space<vmem>>, vector<16xf32>,
        tpu.vector_store %parallel_loop3A_1114[%parallel_loop3A_1115, %parallel_loop3A_1116], %parallel_loop3A_1112 {strides = array<i32>} : memref<80x128xf32, #tpu.memory_space<vmem>>, vector<16xf32>,
        %parallel_loop3A_1118 = vector.extract_strided_slice %parallel_loop3A_301 {offsets = [8], sizes = [1], strides = [1]} : vector<16xf32> to vector<1xf32>
        %parallel_loop3A_1119 = vector.extract %parallel_loop3A_1118[0] : f32 from vector<1xf32>
        %parallel_loop3A_1120 = arith.constant 16 : i32
        %parallel_loop3A_1121 = arith.muli %parallel_loop3A_292, %parallel_loop3A_1120 : i32
        %parallel_loop3A_1122 = arith.constant 8 : i32
        %parallel_loop3A_1123 = arith.addi %parallel_loop3A_1121, %parallel_loop3A_1122 : i32
        %parallel_loop3A_1124 = arith.constant 0 : i32
        %parallel_loop3A_1125 = tpu.memref_slice %arg6[%mul3A_239, %parallel_loop3A_1124] : memref<160x128xf32, #tpu.memory_space<vmem>> -> memref<80x128xf32, #tpu.memory_space<vmem>>
        %parallel_loop3A_1126 = arith.index_cast %parallel_loop3A_1123 : i32 to index
        %parallel_loop3A_1127 = arith.constant 0 : index
        %parallel_loop3A_1128 = tpu.vector_load %parallel_loop3A_1125[%parallel_loop3A_1126, %parallel_loop3A_1127] {strides = array<i32>} : memref<80x128xf32, #tpu.memory_space<vmem>>, vector<16xf32>,
        %parallel_loop3A_1129 = vector.broadcast %parallel_loop3A_1119 : f32 to vector<16xf32>
        %parallel_loop3A_1130 = arith.mulf %parallel_loop3A_1128, %parallel_loop3A_1129 : vector<16xf32>
        %parallel_loop3A_1131 = arith.constant 0 : i32
        %parallel_loop3A_1132 = tpu.memref_slice %arg7[%mul3A_241, %parallel_loop3A_1131] : memref<160x128xf32, #tpu.memory_space<vmem>> -> memref<80x128xf32, #tpu.memory_space<vmem>>
        %parallel_loop3A_1133 = arith.index_cast %parallel_loop3A_1123 : i32 to index
        %parallel_loop3A_1134 = arith.constant 0 : index
        %parallel_loop3A_1135 = tpu.vector_load %parallel_loop3A_1132[%parallel_loop3A_1133, %parallel_loop3A_1134] {strides = array<i32>} : memref<80x128xf32, #tpu.memory_space<vmem>>, vector<16xf32>,
        tpu.vector_store %parallel_loop3A_1132[%parallel_loop3A_1133, %parallel_loop3A_1134], %parallel_loop3A_1130 {strides = array<i32>} : memref<80x128xf32, #tpu.memory_space<vmem>>, vector<16xf32>,
        %parallel_loop3A_1136 = arith.constant 0 : i32
        %parallel_loop3A_1137 = tpu.memref_slice %arg6[%mul3A_239, %parallel_loop3A_1136] : memref<160x128xf32, #tpu.memory_space<vmem>> -> memref<80x128xf32, #tpu.memory_space<vmem>>
        %parallel_loop3A_1138 = arith.index_cast %parallel_loop3A_1123 : i32 to index
        %parallel_loop3A_1139 = arith.constant 16 : index
        %parallel_loop3A_1140 = tpu.vector_load %parallel_loop3A_1137[%parallel_loop3A_1138, %parallel_loop3A_1139] {strides = array<i32>} : memref<80x128xf32, #tpu.memory_space<vmem>>, vector<16xf32>,
        %parallel_loop3A_1141 = vector.broadcast %parallel_loop3A_1119 : f32 to vector<16xf32>
        %parallel_loop3A_1142 = arith.mulf %parallel_loop3A_1140, %parallel_loop3A_1141 : vector<16xf32>
        %parallel_loop3A_1143 = arith.constant 0 : i32
        %parallel_loop3A_1144 = tpu.memref_slice %arg7[%mul3A_241, %parallel_loop3A_1143] : memref<160x128xf32, #tpu.memory_space<vmem>> -> memref<80x128xf32, #tpu.memory_space<vmem>>
        %parallel_loop3A_1145 = arith.index_cast %parallel_loop3A_1123 : i32 to index
        %parallel_loop3A_1146 = arith.constant 16 : index
        %parallel_loop3A_1147 = tpu.vector_load %parallel_loop3A_1144[%parallel_loop3A_1145, %parallel_loop3A_1146] {strides = array<i32>} : memref<80x128xf32, #tpu.memory_space<vmem>>, vector<16xf32>,
        tpu.vector_store %parallel_loop3A_1144[%parallel_loop3A_1145, %parallel_loop3A_1146], %parallel_loop3A_1142 {strides = array<i32>} : memref<80x128xf32, #tpu.memory_space<vmem>>, vector<16xf32>,
        %parallel_loop3A_1148 = arith.constant 0 : i32
        %parallel_loop3A_1149 = tpu.memref_slice %arg6[%mul3A_239, %parallel_loop3A_1148] : memref<160x128xf32, #tpu.memory_space<vmem>> -> memref<80x128xf32, #tpu.memory_space<vmem>>
        %parallel_loop3A_1150 = arith.index_cast %parallel_loop3A_1123 : i32 to index
        %parallel_loop3A_1151 = arith.constant 32 : index
        %parallel_loop3A_1152 = tpu.vector_load %parallel_loop3A_1149[%parallel_loop3A_1150, %parallel_loop3A_1151] {strides = array<i32>} : memref<80x128xf32, #tpu.memory_space<vmem>>, vector<16xf32>,
        %parallel_loop3A_1153 = vector.broadcast %parallel_loop3A_1119 : f32 to vector<16xf32>
        %parallel_loop3A_1154 = arith.mulf %parallel_loop3A_1152, %parallel_loop3A_1153 : vector<16xf32>
        %parallel_loop3A_1155 = arith.constant 0 : i32
        %parallel_loop3A_1156 = tpu.memref_slice %arg7[%mul3A_241, %parallel_loop3A_1155] : memref<160x128xf32, #tpu.memory_space<vmem>> -> memref<80x128xf32, #tpu.memory_space<vmem>>
        %parallel_loop3A_1157 = arith.index_cast %parallel_loop3A_1123 : i32 to index
        %parallel_loop3A_1158 = arith.constant 32 : index
        %parallel_loop3A_1159 = tpu.vector_load %parallel_loop3A_1156[%parallel_loop3A_1157, %parallel_loop3A_1158] {strides = array<i32>} : memref<80x128xf32, #tpu.memory_space<vmem>>, vector<16xf32>,
        tpu.vector_store %parallel_loop3A_1156[%parallel_loop3A_1157, %parallel_loop3A_1158], %parallel_loop3A_1154 {strides = array<i32>} : memref<80x128xf32, #tpu.memory_space<vmem>>, vector<16xf32>,
        %parallel_loop3A_1160 = arith.constant 0 : i32
        %parallel_loop3A_1161 = tpu.memref_slice %arg6[%mul3A_239, %parallel_loop3A_1160] : memref<160x128xf32, #tpu.memory_space<vmem>> -> memref<80x128xf32, #tpu.memory_space<vmem>>
        %parallel_loop3A_1162 = arith.index_cast %parallel_loop3A_1123 : i32 to index
        %parallel_loop3A_1163 = arith.constant 48 : index
        %parallel_loop3A_1164 = tpu.vector_load %parallel_loop3A_1161[%parallel_loop3A_1162, %parallel_loop3A_1163] {strides = array<i32>} : memref<80x128xf32, #tpu.memory_space<vmem>>, vector<16xf32>,
        %parallel_loop3A_1165 = vector.broadcast %parallel_loop3A_1119 : f32 to vector<16xf32>
        %parallel_loop3A_1166 = arith.mulf %parallel_loop3A_1164, %parallel_loop3A_1165 : vector<16xf32>
        %parallel_loop3A_1167 = arith.constant 0 : i32
        %parallel_loop3A_1168 = tpu.memref_slice %arg7[%mul3A_241, %parallel_loop3A_1167] : memref<160x128xf32, #tpu.memory_space<vmem>> -> memref<80x128xf32, #tpu.memory_space<vmem>>
        %parallel_loop3A_1169 = arith.index_cast %parallel_loop3A_1123 : i32 to index
        %parallel_loop3A_1170 = arith.constant 48 : index
        %parallel_loop3A_1171 = tpu.vector_load %parallel_loop3A_1168[%parallel_loop3A_1169, %parallel_loop3A_1170] {strides = array<i32>} : memref<80x128xf32, #tpu.memory_space<vmem>>, vector<16xf32>,
        tpu.vector_store %parallel_loop3A_1168[%parallel_loop3A_1169, %parallel_loop3A_1170], %parallel_loop3A_1166 {strides = array<i32>} : memref<80x128xf32, #tpu.memory_space<vmem>>, vector<16xf32>,
        %parallel_loop3A_1172 = arith.constant 0 : i32
        %parallel_loop3A_1173 = tpu.memref_slice %arg6[%mul3A_239, %parallel_loop3A_1172] : memref<160x128xf32, #tpu.memory_space<vmem>> -> memref<80x128xf32, #tpu.memory_space<vmem>>
        %parallel_loop3A_1174 = arith.index_cast %parallel_loop3A_1123 : i32 to index
        %parallel_loop3A_1175 = arith.constant 64 : index
        %parallel_loop3A_1176 = tpu.vector_load %parallel_loop3A_1173[%parallel_loop3A_1174, %parallel_loop3A_1175] {strides = array<i32>} : memref<80x128xf32, #tpu.memory_space<vmem>>, vector<16xf32>,
        %parallel_loop3A_1177 = vector.broadcast %parallel_loop3A_1119 : f32 to vector<16xf32>
        %parallel_loop3A_1178 = arith.mulf %parallel_loop3A_1176, %parallel_loop3A_1177 : vector<16xf32>
        %parallel_loop3A_1179 = arith.constant 0 : i32
        %parallel_loop3A_1180 = tpu.memref_slice %arg7[%mul3A_241, %parallel_loop3A_1179] : memref<160x128xf32, #tpu.memory_space<vmem>> -> memref<80x128xf32, #tpu.memory_space<vmem>>
        %parallel_loop3A_1181 = arith.index_cast %parallel_loop3A_1123 : i32 to index
        %parallel_loop3A_1182 = arith.constant 64 : index
        %parallel_loop3A_1183 = tpu.vector_load %parallel_loop3A_1180[%parallel_loop3A_1181, %parallel_loop3A_1182] {strides = array<i32>} : memref<80x128xf32, #tpu.memory_space<vmem>>, vector<16xf32>,
        tpu.vector_store %parallel_loop3A_1180[%parallel_loop3A_1181, %parallel_loop3A_1182], %parallel_loop3A_1178 {strides = array<i32>} : memref<80x128xf32, #tpu.memory_space<vmem>>, vector<16xf32>,
        %parallel_loop3A_1184 = arith.constant 0 : i32
        %parallel_loop3A_1185 = tpu.memref_slice %arg6[%mul3A_239, %parallel_loop3A_1184] : memref<160x128xf32, #tpu.memory_space<vmem>> -> memref<80x128xf32, #tpu.memory_space<vmem>>
        %parallel_loop3A_1186 = arith.index_cast %parallel_loop3A_1123 : i32 to index
        %parallel_loop3A_1187 = arith.constant 80 : index
        %parallel_loop3A_1188 = tpu.vector_load %parallel_loop3A_1185[%parallel_loop3A_1186, %parallel_loop3A_1187] {strides = array<i32>} : memref<80x128xf32, #tpu.memory_space<vmem>>, vector<16xf32>,
        %parallel_loop3A_1189 = vector.broadcast %parallel_loop3A_1119 : f32 to vector<16xf32>
        %parallel_loop3A_1190 = arith.mulf %parallel_loop3A_1188, %parallel_loop3A_1189 : vector<16xf32>
        %parallel_loop3A_1191 = arith.constant 0 : i32
        %parallel_loop3A_1192 = tpu.memref_slice %arg7[%mul3A_241, %parallel_loop3A_1191] : memref<160x128xf32, #tpu.memory_space<vmem>> -> memref<80x128xf32, #tpu.memory_space<vmem>>
        %parallel_loop3A_1193 = arith.index_cast %parallel_loop3A_1123 : i32 to index
        %parallel_loop3A_1194 = arith.constant 80 : index
        %parallel_loop3A_1195 = tpu.vector_load %parallel_loop3A_1192[%parallel_loop3A_1193, %parallel_loop3A_1194] {strides = array<i32>} : memref<80x128xf32, #tpu.memory_space<vmem>>, vector<16xf32>,
        tpu.vector_store %parallel_loop3A_1192[%parallel_loop3A_1193, %parallel_loop3A_1194], %parallel_loop3A_1190 {strides = array<i32>} : memref<80x128xf32, #tpu.memory_space<vmem>>, vector<16xf32>,
        %parallel_loop3A_1196 = arith.constant 0 : i32
        %parallel_loop3A_1197 = tpu.memref_slice %arg6[%mul3A_239, %parallel_loop3A_1196] : memref<160x128xf32, #tpu.memory_space<vmem>> -> memref<80x128xf32, #tpu.memory_space<vmem>>
        %parallel_loop3A_1198 = arith.index_cast %parallel_loop3A_1123 : i32 to index
        %parallel_loop3A_1199 = arith.constant 96 : index
        %parallel_loop3A_1200 = tpu.vector_load %parallel_loop3A_1197[%parallel_loop3A_1198, %parallel_loop3A_1199] {strides = array<i32>} : memref<80x128xf32, #tpu.memory_space<vmem>>, vector<16xf32>,
        %parallel_loop3A_1201 = vector.broadcast %parallel_loop3A_1119 : f32 to vector<16xf32>
        %parallel_loop3A_1202 = arith.mulf %parallel_loop3A_1200, %parallel_loop3A_1201 : vector<16xf32>
        %parallel_loop3A_1203 = arith.constant 0 : i32
        %parallel_loop3A_1204 = tpu.memref_slice %arg7[%mul3A_241, %parallel_loop3A_1203] : memref<160x128xf32, #tpu.memory_space<vmem>> -> memref<80x128xf32, #tpu.memory_space<vmem>>
        %parallel_loop3A_1205 = arith.index_cast %parallel_loop3A_1123 : i32 to index
        %parallel_loop3A_1206 = arith.constant 96 : index
        %parallel_loop3A_1207 = tpu.vector_load %parallel_loop3A_1204[%parallel_loop3A_1205, %parallel_loop3A_1206] {strides = array<i32>} : memref<80x128xf32, #tpu.memory_space<vmem>>, vector<16xf32>,
        tpu.vector_store %parallel_loop3A_1204[%parallel_loop3A_1205, %parallel_loop3A_1206], %parallel_loop3A_1202 {strides = array<i32>} : memref<80x128xf32, #tpu.memory_space<vmem>>, vector<16xf32>,
        %parallel_loop3A_1208 = arith.constant 0 : i32
        %parallel_loop3A_1209 = tpu.memref_slice %arg6[%mul3A_239, %parallel_loop3A_1208] : memref<160x128xf32, #tpu.memory_space<vmem>> -> memref<80x128xf32, #tpu.memory_space<vmem>>
        %parallel_loop3A_1210 = arith.index_cast %parallel_loop3A_1123 : i32 to index
        %parallel_loop3A_1211 = arith.constant 112 : index
        %parallel_loop3A_1212 = tpu.vector_load %parallel_loop3A_1209[%parallel_loop3A_1210, %parallel_loop3A_1211] {strides = array<i32>} : memref<80x128xf32, #tpu.memory_space<vmem>>, vector<16xf32>,
        %parallel_loop3A_1213 = vector.broadcast %parallel_loop3A_1119 : f32 to vector<16xf32>
        %parallel_loop3A_1214 = arith.mulf %parallel_loop3A_1212, %parallel_loop3A_1213 : vector<16xf32>
        %parallel_loop3A_1215 = arith.constant 0 : i32
        %parallel_loop3A_1216 = tpu.memref_slice %arg7[%mul3A_241, %parallel_loop3A_1215] : memref<160x128xf32, #tpu.memory_space<vmem>> -> memref<80x128xf32, #tpu.memory_space<vmem>>
        %parallel_loop3A_1217 = arith.index_cast %parallel_loop3A_1123 : i32 to index
        %parallel_loop3A_1218 = arith.constant 112 : index
        %parallel_loop3A_1219 = tpu.vector_load %parallel_loop3A_1216[%parallel_loop3A_1217, %parallel_loop3A_1218] {strides = array<i32>} : memref<80x128xf32, #tpu.memory_space<vmem>>, vector<16xf32>,
        tpu.vector_store %parallel_loop3A_1216[%parallel_loop3A_1217, %parallel_loop3A_1218], %parallel_loop3A_1214 {strides = array<i32>} : memref<80x128xf32, #tpu.memory_space<vmem>>, vector<16xf32>,
        %parallel_loop3A_1220 = vector.extract_strided_slice %parallel_loop3A_301 {offsets = [9], sizes = [1], strides = [1]} : vector<16xf32> to vector<1xf32>
        %parallel_loop3A_1221 = vector.extract %parallel_loop3A_1220[0] : f32 from vector<1xf32>
        %parallel_loop3A_1222 = arith.constant 16 : i32
        %parallel_loop3A_1223 = arith.muli %parallel_loop3A_292, %parallel_loop3A_1222 : i32
        %parallel_loop3A_1224 = arith.constant 9 : i32
        %parallel_loop3A_1225 = arith.addi %parallel_loop3A_1223, %parallel_loop3A_1224 : i32
        %parallel_loop3A_1226 = arith.constant 0 : i32
        %parallel_loop3A_1227 = tpu.memref_slice %arg6[%mul3A_239, %parallel_loop3A_1226] : memref<160x128xf32, #tpu.memory_space<vmem>> -> memref<80x128xf32, #tpu.memory_space<vmem>>
        %parallel_loop3A_1228 = arith.index_cast %parallel_loop3A_1225 : i32 to index
        %parallel_loop3A_1229 = arith.constant 0 : index
        %parallel_loop3A_1230 = tpu.vector_load %parallel_loop3A_1227[%parallel_loop3A_1228, %parallel_loop3A_1229] {strides = array<i32>} : memref<80x128xf32, #tpu.memory_space<vmem>>, vector<16xf32>,
        %parallel_loop3A_1231 = vector.broadcast %parallel_loop3A_1221 : f32 to vector<16xf32>
        %parallel_loop3A_1232 = arith.mulf %parallel_loop3A_1230, %parallel_loop3A_1231 : vector<16xf32>
        %parallel_loop3A_1233 = arith.constant 0 : i32
        %parallel_loop3A_1234 = tpu.memref_slice %arg7[%mul3A_241, %parallel_loop3A_1233] : memref<160x128xf32, #tpu.memory_space<vmem>> -> memref<80x128xf32, #tpu.memory_space<vmem>>
        %parallel_loop3A_1235 = arith.index_cast %parallel_loop3A_1225 : i32 to index
        %parallel_loop3A_1236 = arith.constant 0 : index
        %parallel_loop3A_1237 = tpu.vector_load %parallel_loop3A_1234[%parallel_loop3A_1235, %parallel_loop3A_1236] {strides = array<i32>} : memref<80x128xf32, #tpu.memory_space<vmem>>, vector<16xf32>,
        tpu.vector_store %parallel_loop3A_1234[%parallel_loop3A_1235, %parallel_loop3A_1236], %parallel_loop3A_1232 {strides = array<i32>} : memref<80x128xf32, #tpu.memory_space<vmem>>, vector<16xf32>,
        %parallel_loop3A_1238 = arith.constant 0 : i32
        %parallel_loop3A_1239 = tpu.memref_slice %arg6[%mul3A_239, %parallel_loop3A_1238] : memref<160x128xf32, #tpu.memory_space<vmem>> -> memref<80x128xf32, #tpu.memory_space<vmem>>
        %parallel_loop3A_1240 = arith.index_cast %parallel_loop3A_1225 : i32 to index
        %parallel_loop3A_1241 = arith.constant 16 : index
        %parallel_loop3A_1242 = tpu.vector_load %parallel_loop3A_1239[%parallel_loop3A_1240, %parallel_loop3A_1241] {strides = array<i32>} : memref<80x128xf32, #tpu.memory_space<vmem>>, vector<16xf32>,
        %parallel_loop3A_1243 = vector.broadcast %parallel_loop3A_1221 : f32 to vector<16xf32>
        %parallel_loop3A_1244 = arith.mulf %parallel_loop3A_1242, %parallel_loop3A_1243 : vector<16xf32>
        %parallel_loop3A_1245 = arith.constant 0 : i32
        %parallel_loop3A_1246 = tpu.memref_slice %arg7[%mul3A_241, %parallel_loop3A_1245] : memref<160x128xf32, #tpu.memory_space<vmem>> -> memref<80x128xf32, #tpu.memory_space<vmem>>
        %parallel_loop3A_1247 = arith.index_cast %parallel_loop3A_1225 : i32 to index
        %parallel_loop3A_1248 = arith.constant 16 : index
        %parallel_loop3A_1249 = tpu.vector_load %parallel_loop3A_1246[%parallel_loop3A_1247, %parallel_loop3A_1248] {strides = array<i32>} : memref<80x128xf32, #tpu.memory_space<vmem>>, vector<16xf32>,
        tpu.vector_store %parallel_loop3A_1246[%parallel_loop3A_1247, %parallel_loop3A_1248], %parallel_loop3A_1244 {strides = array<i32>} : memref<80x128xf32, #tpu.memory_space<vmem>>, vector<16xf32>,
        %parallel_loop3A_1250 = arith.constant 0 : i32
        %parallel_loop3A_1251 = tpu.memref_slice %arg6[%mul3A_239, %parallel_loop3A_1250] : memref<160x128xf32, #tpu.memory_space<vmem>> -> memref<80x128xf32, #tpu.memory_space<vmem>>
        %parallel_loop3A_1252 = arith.index_cast %parallel_loop3A_1225 : i32 to index
        %parallel_loop3A_1253 = arith.constant 32 : index
        %parallel_loop3A_1254 = tpu.vector_load %parallel_loop3A_1251[%parallel_loop3A_1252, %parallel_loop3A_1253] {strides = array<i32>} : memref<80x128xf32, #tpu.memory_space<vmem>>, vector<16xf32>,
        %parallel_loop3A_1255 = vector.broadcast %parallel_loop3A_1221 : f32 to vector<16xf32>
        %parallel_loop3A_1256 = arith.mulf %parallel_loop3A_1254, %parallel_loop3A_1255 : vector<16xf32>
        %parallel_loop3A_1257 = arith.constant 0 : i32
        %parallel_loop3A_1258 = tpu.memref_slice %arg7[%mul3A_241, %parallel_loop3A_1257] : memref<160x128xf32, #tpu.memory_space<vmem>> -> memref<80x128xf32, #tpu.memory_space<vmem>>
        %parallel_loop3A_1259 = arith.index_cast %parallel_loop3A_1225 : i32 to index
        %parallel_loop3A_1260 = arith.constant 32 : index
        %parallel_loop3A_1261 = tpu.vector_load %parallel_loop3A_1258[%parallel_loop3A_1259, %parallel_loop3A_1260] {strides = array<i32>} : memref<80x128xf32, #tpu.memory_space<vmem>>, vector<16xf32>,
        tpu.vector_store %parallel_loop3A_1258[%parallel_loop3A_1259, %parallel_loop3A_1260], %parallel_loop3A_1256 {strides = array<i32>} : memref<80x128xf32, #tpu.memory_space<vmem>>, vector<16xf32>,
        %parallel_loop3A_1262 = arith.constant 0 : i32
        %parallel_loop3A_1263 = tpu.memref_slice %arg6[%mul3A_239, %parallel_loop3A_1262] : memref<160x128xf32, #tpu.memory_space<vmem>> -> memref<80x128xf32, #tpu.memory_space<vmem>>
        %parallel_loop3A_1264 = arith.index_cast %parallel_loop3A_1225 : i32 to index
        %parallel_loop3A_1265 = arith.constant 48 : index
        %parallel_loop3A_1266 = tpu.vector_load %parallel_loop3A_1263[%parallel_loop3A_1264, %parallel_loop3A_1265] {strides = array<i32>} : memref<80x128xf32, #tpu.memory_space<vmem>>, vector<16xf32>,
        %parallel_loop3A_1267 = vector.broadcast %parallel_loop3A_1221 : f32 to vector<16xf32>
        %parallel_loop3A_1268 = arith.mulf %parallel_loop3A_1266, %parallel_loop3A_1267 : vector<16xf32>
        %parallel_loop3A_1269 = arith.constant 0 : i32
        %parallel_loop3A_1270 = tpu.memref_slice %arg7[%mul3A_241, %parallel_loop3A_1269] : memref<160x128xf32, #tpu.memory_space<vmem>> -> memref<80x128xf32, #tpu.memory_space<vmem>>
        %parallel_loop3A_1271 = arith.index_cast %parallel_loop3A_1225 : i32 to index
        %parallel_loop3A_1272 = arith.constant 48 : index
        %parallel_loop3A_1273 = tpu.vector_load %parallel_loop3A_1270[%parallel_loop3A_1271, %parallel_loop3A_1272] {strides = array<i32>} : memref<80x128xf32, #tpu.memory_space<vmem>>, vector<16xf32>,
        tpu.vector_store %parallel_loop3A_1270[%parallel_loop3A_1271, %parallel_loop3A_1272], %parallel_loop3A_1268 {strides = array<i32>} : memref<80x128xf32, #tpu.memory_space<vmem>>, vector<16xf32>,
        %parallel_loop3A_1274 = arith.constant 0 : i32
        %parallel_loop3A_1275 = tpu.memref_slice %arg6[%mul3A_239, %parallel_loop3A_1274] : memref<160x128xf32, #tpu.memory_space<vmem>> -> memref<80x128xf32, #tpu.memory_space<vmem>>
        %parallel_loop3A_1276 = arith.index_cast %parallel_loop3A_1225 : i32 to index
        %parallel_loop3A_1277 = arith.constant 64 : index
        %parallel_loop3A_1278 = tpu.vector_load %parallel_loop3A_1275[%parallel_loop3A_1276, %parallel_loop3A_1277] {strides = array<i32>} : memref<80x128xf32, #tpu.memory_space<vmem>>, vector<16xf32>,
        %parallel_loop3A_1279 = vector.broadcast %parallel_loop3A_1221 : f32 to vector<16xf32>
        %parallel_loop3A_1280 = arith.mulf %parallel_loop3A_1278, %parallel_loop3A_1279 : vector<16xf32>
        %parallel_loop3A_1281 = arith.constant 0 : i32
        %parallel_loop3A_1282 = tpu.memref_slice %arg7[%mul3A_241, %parallel_loop3A_1281] : memref<160x128xf32, #tpu.memory_space<vmem>> -> memref<80x128xf32, #tpu.memory_space<vmem>>
        %parallel_loop3A_1283 = arith.index_cast %parallel_loop3A_1225 : i32 to index
        %parallel_loop3A_1284 = arith.constant 64 : index
        %parallel_loop3A_1285 = tpu.vector_load %parallel_loop3A_1282[%parallel_loop3A_1283, %parallel_loop3A_1284] {strides = array<i32>} : memref<80x128xf32, #tpu.memory_space<vmem>>, vector<16xf32>,
        tpu.vector_store %parallel_loop3A_1282[%parallel_loop3A_1283, %parallel_loop3A_1284], %parallel_loop3A_1280 {strides = array<i32>} : memref<80x128xf32, #tpu.memory_space<vmem>>, vector<16xf32>,
        %parallel_loop3A_1286 = arith.constant 0 : i32
        %parallel_loop3A_1287 = tpu.memref_slice %arg6[%mul3A_239, %parallel_loop3A_1286] : memref<160x128xf32, #tpu.memory_space<vmem>> -> memref<80x128xf32, #tpu.memory_space<vmem>>
        %parallel_loop3A_1288 = arith.index_cast %parallel_loop3A_1225 : i32 to index
        %parallel_loop3A_1289 = arith.constant 80 : index
        %parallel_loop3A_1290 = tpu.vector_load %parallel_loop3A_1287[%parallel_loop3A_1288, %parallel_loop3A_1289] {strides = array<i32>} : memref<80x128xf32, #tpu.memory_space<vmem>>, vector<16xf32>,
        %parallel_loop3A_1291 = vector.broadcast %parallel_loop3A_1221 : f32 to vector<16xf32>
        %parallel_loop3A_1292 = arith.mulf %parallel_loop3A_1290, %parallel_loop3A_1291 : vector<16xf32>
        %parallel_loop3A_1293 = arith.constant 0 : i32
        %parallel_loop3A_1294 = tpu.memref_slice %arg7[%mul3A_241, %parallel_loop3A_1293] : memref<160x128xf32, #tpu.memory_space<vmem>> -> memref<80x128xf32, #tpu.memory_space<vmem>>
        %parallel_loop3A_1295 = arith.index_cast %parallel_loop3A_1225 : i32 to index
        %parallel_loop3A_1296 = arith.constant 80 : index
        %parallel_loop3A_1297 = tpu.vector_load %parallel_loop3A_1294[%parallel_loop3A_1295, %parallel_loop3A_1296] {strides = array<i32>} : memref<80x128xf32, #tpu.memory_space<vmem>>, vector<16xf32>,
        tpu.vector_store %parallel_loop3A_1294[%parallel_loop3A_1295, %parallel_loop3A_1296], %parallel_loop3A_1292 {strides = array<i32>} : memref<80x128xf32, #tpu.memory_space<vmem>>, vector<16xf32>,
        %parallel_loop3A_1298 = arith.constant 0 : i32
        %parallel_loop3A_1299 = tpu.memref_slice %arg6[%mul3A_239, %parallel_loop3A_1298] : memref<160x128xf32, #tpu.memory_space<vmem>> -> memref<80x128xf32, #tpu.memory_space<vmem>>
        %parallel_loop3A_1300 = arith.index_cast %parallel_loop3A_1225 : i32 to index
        %parallel_loop3A_1301 = arith.constant 96 : index
        %parallel_loop3A_1302 = tpu.vector_load %parallel_loop3A_1299[%parallel_loop3A_1300, %parallel_loop3A_1301] {strides = array<i32>} : memref<80x128xf32, #tpu.memory_space<vmem>>, vector<16xf32>,
        %parallel_loop3A_1303 = vector.broadcast %parallel_loop3A_1221 : f32 to vector<16xf32>
        %parallel_loop3A_1304 = arith.mulf %parallel_loop3A_1302, %parallel_loop3A_1303 : vector<16xf32>
        %parallel_loop3A_1305 = arith.constant 0 : i32
        %parallel_loop3A_1306 = tpu.memref_slice %arg7[%mul3A_241, %parallel_loop3A_1305] : memref<160x128xf32, #tpu.memory_space<vmem>> -> memref<80x128xf32, #tpu.memory_space<vmem>>
        %parallel_loop3A_1307 = arith.index_cast %parallel_loop3A_1225 : i32 to index
        %parallel_loop3A_1308 = arith.constant 96 : index
        %parallel_loop3A_1309 = tpu.vector_load %parallel_loop3A_1306[%parallel_loop3A_1307, %parallel_loop3A_1308] {strides = array<i32>} : memref<80x128xf32, #tpu.memory_space<vmem>>, vector<16xf32>,
        tpu.vector_store %parallel_loop3A_1306[%parallel_loop3A_1307, %parallel_loop3A_1308], %parallel_loop3A_1304 {strides = array<i32>} : memref<80x128xf32, #tpu.memory_space<vmem>>, vector<16xf32>,
        %parallel_loop3A_1310 = arith.constant 0 : i32
        %parallel_loop3A_1311 = tpu.memref_slice %arg6[%mul3A_239, %parallel_loop3A_1310] : memref<160x128xf32, #tpu.memory_space<vmem>> -> memref<80x128xf32, #tpu.memory_space<vmem>>
        %parallel_loop3A_1312 = arith.index_cast %parallel_loop3A_1225 : i32 to index
        %parallel_loop3A_1313 = arith.constant 112 : index
        %parallel_loop3A_1314 = tpu.vector_load %parallel_loop3A_1311[%parallel_loop3A_1312, %parallel_loop3A_1313] {strides = array<i32>} : memref<80x128xf32, #tpu.memory_space<vmem>>, vector<16xf32>,
        %parallel_loop3A_1315 = vector.broadcast %parallel_loop3A_1221 : f32 to vector<16xf32>
        %parallel_loop3A_1316 = arith.mulf %parallel_loop3A_1314, %parallel_loop3A_1315 : vector<16xf32>
        %parallel_loop3A_1317 = arith.constant 0 : i32
        %parallel_loop3A_1318 = tpu.memref_slice %arg7[%mul3A_241, %parallel_loop3A_1317] : memref<160x128xf32, #tpu.memory_space<vmem>> -> memref<80x128xf32, #tpu.memory_space<vmem>>
        %parallel_loop3A_1319 = arith.index_cast %parallel_loop3A_1225 : i32 to index
        %parallel_loop3A_1320 = arith.constant 112 : index
        %parallel_loop3A_1321 = tpu.vector_load %parallel_loop3A_1318[%parallel_loop3A_1319, %parallel_loop3A_1320] {strides = array<i32>} : memref<80x128xf32, #tpu.memory_space<vmem>>, vector<16xf32>,
        tpu.vector_store %parallel_loop3A_1318[%parallel_loop3A_1319, %parallel_loop3A_1320], %parallel_loop3A_1316 {strides = array<i32>} : memref<80x128xf32, #tpu.memory_space<vmem>>, vector<16xf32>,
        %parallel_loop3A_1322 = vector.extract_strided_slice %parallel_loop3A_301 {offsets = [10], sizes = [1], strides = [1]} : vector<16xf32> to vector<1xf32>
        %parallel_loop3A_1323 = vector.extract %parallel_loop3A_1322[0] : f32 from vector<1xf32>
        %parallel_loop3A_1324 = arith.constant 16 : i32
        %parallel_loop3A_1325 = arith.muli %parallel_loop3A_292, %parallel_loop3A_1324 : i32
        %parallel_loop3A_1326 = arith.constant 10 : i32
        %parallel_loop3A_1327 = arith.addi %parallel_loop3A_1325, %parallel_loop3A_1326 : i32
        %parallel_loop3A_1328 = arith.constant 0 : i32
        %parallel_loop3A_1329 = tpu.memref_slice %arg6[%mul3A_239, %parallel_loop3A_1328] : memref<160x128xf32, #tpu.memory_space<vmem>> -> memref<80x128xf32, #tpu.memory_space<vmem>>
        %parallel_loop3A_1330 = arith.index_cast %parallel_loop3A_1327 : i32 to index
        %parallel_loop3A_1331 = arith.constant 0 : index
        %parallel_loop3A_1332 = tpu.vector_load %parallel_loop3A_1329[%parallel_loop3A_1330, %parallel_loop3A_1331] {strides = array<i32>} : memref<80x128xf32, #tpu.memory_space<vmem>>, vector<16xf32>,
        %parallel_loop3A_1333 = vector.broadcast %parallel_loop3A_1323 : f32 to vector<16xf32>
        %parallel_loop3A_1334 = arith.mulf %parallel_loop3A_1332, %parallel_loop3A_1333 : vector<16xf32>
        %parallel_loop3A_1335 = arith.constant 0 : i32
        %parallel_loop3A_1336 = tpu.memref_slice %arg7[%mul3A_241, %parallel_loop3A_1335] : memref<160x128xf32, #tpu.memory_space<vmem>> -> memref<80x128xf32, #tpu.memory_space<vmem>>
        %parallel_loop3A_1337 = arith.index_cast %parallel_loop3A_1327 : i32 to index
        %parallel_loop3A_1338 = arith.constant 0 : index
        %parallel_loop3A_1339 = tpu.vector_load %parallel_loop3A_1336[%parallel_loop3A_1337, %parallel_loop3A_1338] {strides = array<i32>} : memref<80x128xf32, #tpu.memory_space<vmem>>, vector<16xf32>,
        tpu.vector_store %parallel_loop3A_1336[%parallel_loop3A_1337, %parallel_loop3A_1338], %parallel_loop3A_1334 {strides = array<i32>} : memref<80x128xf32, #tpu.memory_space<vmem>>, vector<16xf32>,
        %parallel_loop3A_1340 = arith.constant 0 : i32
        %parallel_loop3A_1341 = tpu.memref_slice %arg6[%mul3A_239, %parallel_loop3A_1340] : memref<160x128xf32, #tpu.memory_space<vmem>> -> memref<80x128xf32, #tpu.memory_space<vmem>>
        %parallel_loop3A_1342 = arith.index_cast %parallel_loop3A_1327 : i32 to index
        %parallel_loop3A_1343 = arith.constant 16 : index
        %parallel_loop3A_1344 = tpu.vector_load %parallel_loop3A_1341[%parallel_loop3A_1342, %parallel_loop3A_1343] {strides = array<i32>} : memref<80x128xf32, #tpu.memory_space<vmem>>, vector<16xf32>,
        %parallel_loop3A_1345 = vector.broadcast %parallel_loop3A_1323 : f32 to vector<16xf32>
        %parallel_loop3A_1346 = arith.mulf %parallel_loop3A_1344, %parallel_loop3A_1345 : vector<16xf32>
        %parallel_loop3A_1347 = arith.constant 0 : i32
        %parallel_loop3A_1348 = tpu.memref_slice %arg7[%mul3A_241, %parallel_loop3A_1347] : memref<160x128xf32, #tpu.memory_space<vmem>> -> memref<80x128xf32, #tpu.memory_space<vmem>>
        %parallel_loop3A_1349 = arith.index_cast %parallel_loop3A_1327 : i32 to index
        %parallel_loop3A_1350 = arith.constant 16 : index
        %parallel_loop3A_1351 = tpu.vector_load %parallel_loop3A_1348[%parallel_loop3A_1349, %parallel_loop3A_1350] {strides = array<i32>} : memref<80x128xf32, #tpu.memory_space<vmem>>, vector<16xf32>,
        tpu.vector_store %parallel_loop3A_1348[%parallel_loop3A_1349, %parallel_loop3A_1350], %parallel_loop3A_1346 {strides = array<i32>} : memref<80x128xf32, #tpu.memory_space<vmem>>, vector<16xf32>,
        %parallel_loop3A_1352 = arith.constant 0 : i32
        %parallel_loop3A_1353 = tpu.memref_slice %arg6[%mul3A_239, %parallel_loop3A_1352] : memref<160x128xf32, #tpu.memory_space<vmem>> -> memref<80x128xf32, #tpu.memory_space<vmem>>
        %parallel_loop3A_1354 = arith.index_cast %parallel_loop3A_1327 : i32 to index
        %parallel_loop3A_1355 = arith.constant 32 : index
        %parallel_loop3A_1356 = tpu.vector_load %parallel_loop3A_1353[%parallel_loop3A_1354, %parallel_loop3A_1355] {strides = array<i32>} : memref<80x128xf32, #tpu.memory_space<vmem>>, vector<16xf32>,
        %parallel_loop3A_1357 = vector.broadcast %parallel_loop3A_1323 : f32 to vector<16xf32>
        %parallel_loop3A_1358 = arith.mulf %parallel_loop3A_1356, %parallel_loop3A_1357 : vector<16xf32>
        %parallel_loop3A_1359 = arith.constant 0 : i32
        %parallel_loop3A_1360 = tpu.memref_slice %arg7[%mul3A_241, %parallel_loop3A_1359] : memref<160x128xf32, #tpu.memory_space<vmem>> -> memref<80x128xf32, #tpu.memory_space<vmem>>
        %parallel_loop3A_1361 = arith.index_cast %parallel_loop3A_1327 : i32 to index
        %parallel_loop3A_1362 = arith.constant 32 : index
        %parallel_loop3A_1363 = tpu.vector_load %parallel_loop3A_1360[%parallel_loop3A_1361, %parallel_loop3A_1362] {strides = array<i32>} : memref<80x128xf32, #tpu.memory_space<vmem>>, vector<16xf32>,
        tpu.vector_store %parallel_loop3A_1360[%parallel_loop3A_1361, %parallel_loop3A_1362], %parallel_loop3A_1358 {strides = array<i32>} : memref<80x128xf32, #tpu.memory_space<vmem>>, vector<16xf32>,
        %parallel_loop3A_1364 = arith.constant 0 : i32
        %parallel_loop3A_1365 = tpu.memref_slice %arg6[%mul3A_239, %parallel_loop3A_1364] : memref<160x128xf32, #tpu.memory_space<vmem>> -> memref<80x128xf32, #tpu.memory_space<vmem>>
        %parallel_loop3A_1366 = arith.index_cast %parallel_loop3A_1327 : i32 to index
        %parallel_loop3A_1367 = arith.constant 48 : index
        %parallel_loop3A_1368 = tpu.vector_load %parallel_loop3A_1365[%parallel_loop3A_1366, %parallel_loop3A_1367] {strides = array<i32>} : memref<80x128xf32, #tpu.memory_space<vmem>>, vector<16xf32>,
        %parallel_loop3A_1369 = vector.broadcast %parallel_loop3A_1323 : f32 to vector<16xf32>
        %parallel_loop3A_1370 = arith.mulf %parallel_loop3A_1368, %parallel_loop3A_1369 : vector<16xf32>
        %parallel_loop3A_1371 = arith.constant 0 : i32
        %parallel_loop3A_1372 = tpu.memref_slice %arg7[%mul3A_241, %parallel_loop3A_1371] : memref<160x128xf32, #tpu.memory_space<vmem>> -> memref<80x128xf32, #tpu.memory_space<vmem>>
        %parallel_loop3A_1373 = arith.index_cast %parallel_loop3A_1327 : i32 to index
        %parallel_loop3A_1374 = arith.constant 48 : index
        %parallel_loop3A_1375 = tpu.vector_load %parallel_loop3A_1372[%parallel_loop3A_1373, %parallel_loop3A_1374] {strides = array<i32>} : memref<80x128xf32, #tpu.memory_space<vmem>>, vector<16xf32>,
        tpu.vector_store %parallel_loop3A_1372[%parallel_loop3A_1373, %parallel_loop3A_1374], %parallel_loop3A_1370 {strides = array<i32>} : memref<80x128xf32, #tpu.memory_space<vmem>>, vector<16xf32>,
        %parallel_loop3A_1376 = arith.constant 0 : i32
        %parallel_loop3A_1377 = tpu.memref_slice %arg6[%mul3A_239, %parallel_loop3A_1376] : memref<160x128xf32, #tpu.memory_space<vmem>> -> memref<80x128xf32, #tpu.memory_space<vmem>>
        %parallel_loop3A_1378 = arith.index_cast %parallel_loop3A_1327 : i32 to index
        %parallel_loop3A_1379 = arith.constant 64 : index
        %parallel_loop3A_1380 = tpu.vector_load %parallel_loop3A_1377[%parallel_loop3A_1378, %parallel_loop3A_1379] {strides = array<i32>} : memref<80x128xf32, #tpu.memory_space<vmem>>, vector<16xf32>,
        %parallel_loop3A_1381 = vector.broadcast %parallel_loop3A_1323 : f32 to vector<16xf32>
        %parallel_loop3A_1382 = arith.mulf %parallel_loop3A_1380, %parallel_loop3A_1381 : vector<16xf32>
        %parallel_loop3A_1383 = arith.constant 0 : i32
        %parallel_loop3A_1384 = tpu.memref_slice %arg7[%mul3A_241, %parallel_loop3A_1383] : memref<160x128xf32, #tpu.memory_space<vmem>> -> memref<80x128xf32, #tpu.memory_space<vmem>>
        %parallel_loop3A_1385 = arith.index_cast %parallel_loop3A_1327 : i32 to index
        %parallel_loop3A_1386 = arith.constant 64 : index
        %parallel_loop3A_1387 = tpu.vector_load %parallel_loop3A_1384[%parallel_loop3A_1385, %parallel_loop3A_1386] {strides = array<i32>} : memref<80x128xf32, #tpu.memory_space<vmem>>, vector<16xf32>,
        tpu.vector_store %parallel_loop3A_1384[%parallel_loop3A_1385, %parallel_loop3A_1386], %parallel_loop3A_1382 {strides = array<i32>} : memref<80x128xf32, #tpu.memory_space<vmem>>, vector<16xf32>,
        %parallel_loop3A_1388 = arith.constant 0 : i32
        %parallel_loop3A_1389 = tpu.memref_slice %arg6[%mul3A_239, %parallel_loop3A_1388] : memref<160x128xf32, #tpu.memory_space<vmem>> -> memref<80x128xf32, #tpu.memory_space<vmem>>
        %parallel_loop3A_1390 = arith.index_cast %parallel_loop3A_1327 : i32 to index
        %parallel_loop3A_1391 = arith.constant 80 : index
        %parallel_loop3A_1392 = tpu.vector_load %parallel_loop3A_1389[%parallel_loop3A_1390, %parallel_loop3A_1391] {strides = array<i32>} : memref<80x128xf32, #tpu.memory_space<vmem>>, vector<16xf32>,
        %parallel_loop3A_1393 = vector.broadcast %parallel_loop3A_1323 : f32 to vector<16xf32>
        %parallel_loop3A_1394 = arith.mulf %parallel_loop3A_1392, %parallel_loop3A_1393 : vector<16xf32>
        %parallel_loop3A_1395 = arith.constant 0 : i32
        %parallel_loop3A_1396 = tpu.memref_slice %arg7[%mul3A_241, %parallel_loop3A_1395] : memref<160x128xf32, #tpu.memory_space<vmem>> -> memref<80x128xf32, #tpu.memory_space<vmem>>
        %parallel_loop3A_1397 = arith.index_cast %parallel_loop3A_1327 : i32 to index
        %parallel_loop3A_1398 = arith.constant 80 : index
        %parallel_loop3A_1399 = tpu.vector_load %parallel_loop3A_1396[%parallel_loop3A_1397, %parallel_loop3A_1398] {strides = array<i32>} : memref<80x128xf32, #tpu.memory_space<vmem>>, vector<16xf32>,
        tpu.vector_store %parallel_loop3A_1396[%parallel_loop3A_1397, %parallel_loop3A_1398], %parallel_loop3A_1394 {strides = array<i32>} : memref<80x128xf32, #tpu.memory_space<vmem>>, vector<16xf32>,
        %parallel_loop3A_1400 = arith.constant 0 : i32
        %parallel_loop3A_1401 = tpu.memref_slice %arg6[%mul3A_239, %parallel_loop3A_1400] : memref<160x128xf32, #tpu.memory_space<vmem>> -> memref<80x128xf32, #tpu.memory_space<vmem>>
        %parallel_loop3A_1402 = arith.index_cast %parallel_loop3A_1327 : i32 to index
        %parallel_loop3A_1403 = arith.constant 96 : index
        %parallel_loop3A_1404 = tpu.vector_load %parallel_loop3A_1401[%parallel_loop3A_1402, %parallel_loop3A_1403] {strides = array<i32>} : memref<80x128xf32, #tpu.memory_space<vmem>>, vector<16xf32>,
        %parallel_loop3A_1405 = vector.broadcast %parallel_loop3A_1323 : f32 to vector<16xf32>
        %parallel_loop3A_1406 = arith.mulf %parallel_loop3A_1404, %parallel_loop3A_1405 : vector<16xf32>
        %parallel_loop3A_1407 = arith.constant 0 : i32
        %parallel_loop3A_1408 = tpu.memref_slice %arg7[%mul3A_241, %parallel_loop3A_1407] : memref<160x128xf32, #tpu.memory_space<vmem>> -> memref<80x128xf32, #tpu.memory_space<vmem>>
        %parallel_loop3A_1409 = arith.index_cast %parallel_loop3A_1327 : i32 to index
        %parallel_loop3A_1410 = arith.constant 96 : index
        %parallel_loop3A_1411 = tpu.vector_load %parallel_loop3A_1408[%parallel_loop3A_1409, %parallel_loop3A_1410] {strides = array<i32>} : memref<80x128xf32, #tpu.memory_space<vmem>>, vector<16xf32>,
        tpu.vector_store %parallel_loop3A_1408[%parallel_loop3A_1409, %parallel_loop3A_1410], %parallel_loop3A_1406 {strides = array<i32>} : memref<80x128xf32, #tpu.memory_space<vmem>>, vector<16xf32>,
        %parallel_loop3A_1412 = arith.constant 0 : i32
        %parallel_loop3A_1413 = tpu.memref_slice %arg6[%mul3A_239, %parallel_loop3A_1412] : memref<160x128xf32, #tpu.memory_space<vmem>> -> memref<80x128xf32, #tpu.memory_space<vmem>>
        %parallel_loop3A_1414 = arith.index_cast %parallel_loop3A_1327 : i32 to index
        %parallel_loop3A_1415 = arith.constant 112 : index
        %parallel_loop3A_1416 = tpu.vector_load %parallel_loop3A_1413[%parallel_loop3A_1414, %parallel_loop3A_1415] {strides = array<i32>} : memref<80x128xf32, #tpu.memory_space<vmem>>, vector<16xf32>,
        %parallel_loop3A_1417 = vector.broadcast %parallel_loop3A_1323 : f32 to vector<16xf32>
        %parallel_loop3A_1418 = arith.mulf %parallel_loop3A_1416, %parallel_loop3A_1417 : vector<16xf32>
        %parallel_loop3A_1419 = arith.constant 0 : i32
        %parallel_loop3A_1420 = tpu.memref_slice %arg7[%mul3A_241, %parallel_loop3A_1419] : memref<160x128xf32, #tpu.memory_space<vmem>> -> memref<80x128xf32, #tpu.memory_space<vmem>>
        %parallel_loop3A_1421 = arith.index_cast %parallel_loop3A_1327 : i32 to index
        %parallel_loop3A_1422 = arith.constant 112 : index
        %parallel_loop3A_1423 = tpu.vector_load %parallel_loop3A_1420[%parallel_loop3A_1421, %parallel_loop3A_1422] {strides = array<i32>} : memref<80x128xf32, #tpu.memory_space<vmem>>, vector<16xf32>,
        tpu.vector_store %parallel_loop3A_1420[%parallel_loop3A_1421, %parallel_loop3A_1422], %parallel_loop3A_1418 {strides = array<i32>} : memref<80x128xf32, #tpu.memory_space<vmem>>, vector<16xf32>,
        %parallel_loop3A_1424 = vector.extract_strided_slice %parallel_loop3A_301 {offsets = [11], sizes = [1], strides = [1]} : vector<16xf32> to vector<1xf32>
        %parallel_loop3A_1425 = vector.extract %parallel_loop3A_1424[0] : f32 from vector<1xf32>
        %parallel_loop3A_1426 = arith.constant 16 : i32
        %parallel_loop3A_1427 = arith.muli %parallel_loop3A_292, %parallel_loop3A_1426 : i32
        %parallel_loop3A_1428 = arith.constant 11 : i32
        %parallel_loop3A_1429 = arith.addi %parallel_loop3A_1427, %parallel_loop3A_1428 : i32
        %parallel_loop3A_1430 = arith.constant 0 : i32
        %parallel_loop3A_1431 = tpu.memref_slice %arg6[%mul3A_239, %parallel_loop3A_1430] : memref<160x128xf32, #tpu.memory_space<vmem>> -> memref<80x128xf32, #tpu.memory_space<vmem>>
        %parallel_loop3A_1432 = arith.index_cast %parallel_loop3A_1429 : i32 to index
        %parallel_loop3A_1433 = arith.constant 0 : index
        %parallel_loop3A_1434 = tpu.vector_load %parallel_loop3A_1431[%parallel_loop3A_1432, %parallel_loop3A_1433] {strides = array<i32>} : memref<80x128xf32, #tpu.memory_space<vmem>>, vector<16xf32>,
        %parallel_loop3A_1435 = vector.broadcast %parallel_loop3A_1425 : f32 to vector<16xf32>
        %parallel_loop3A_1436 = arith.mulf %parallel_loop3A_1434, %parallel_loop3A_1435 : vector<16xf32>
        %parallel_loop3A_1437 = arith.constant 0 : i32
        %parallel_loop3A_1438 = tpu.memref_slice %arg7[%mul3A_241, %parallel_loop3A_1437] : memref<160x128xf32, #tpu.memory_space<vmem>> -> memref<80x128xf32, #tpu.memory_space<vmem>>
        %parallel_loop3A_1439 = arith.index_cast %parallel_loop3A_1429 : i32 to index
        %parallel_loop3A_1440 = arith.constant 0 : index
        %parallel_loop3A_1441 = tpu.vector_load %parallel_loop3A_1438[%parallel_loop3A_1439, %parallel_loop3A_1440] {strides = array<i32>} : memref<80x128xf32, #tpu.memory_space<vmem>>, vector<16xf32>,
        tpu.vector_store %parallel_loop3A_1438[%parallel_loop3A_1439, %parallel_loop3A_1440], %parallel_loop3A_1436 {strides = array<i32>} : memref<80x128xf32, #tpu.memory_space<vmem>>, vector<16xf32>,
        %parallel_loop3A_1442 = arith.constant 0 : i32
        %parallel_loop3A_1443 = tpu.memref_slice %arg6[%mul3A_239, %parallel_loop3A_1442] : memref<160x128xf32, #tpu.memory_space<vmem>> -> memref<80x128xf32, #tpu.memory_space<vmem>>
        %parallel_loop3A_1444 = arith.index_cast %parallel_loop3A_1429 : i32 to index
        %parallel_loop3A_1445 = arith.constant 16 : index
        %parallel_loop3A_1446 = tpu.vector_load %parallel_loop3A_1443[%parallel_loop3A_1444, %parallel_loop3A_1445] {strides = array<i32>} : memref<80x128xf32, #tpu.memory_space<vmem>>, vector<16xf32>,
        %parallel_loop3A_1447 = vector.broadcast %parallel_loop3A_1425 : f32 to vector<16xf32>
        %parallel_loop3A_1448 = arith.mulf %parallel_loop3A_1446, %parallel_loop3A_1447 : vector<16xf32>
        %parallel_loop3A_1449 = arith.constant 0 : i32
        %parallel_loop3A_1450 = tpu.memref_slice %arg7[%mul3A_241, %parallel_loop3A_1449] : memref<160x128xf32, #tpu.memory_space<vmem>> -> memref<80x128xf32, #tpu.memory_space<vmem>>
        %parallel_loop3A_1451 = arith.index_cast %parallel_loop3A_1429 : i32 to index
        %parallel_loop3A_1452 = arith.constant 16 : index
        %parallel_loop3A_1453 = tpu.vector_load %parallel_loop3A_1450[%parallel_loop3A_1451, %parallel_loop3A_1452] {strides = array<i32>} : memref<80x128xf32, #tpu.memory_space<vmem>>, vector<16xf32>,
        tpu.vector_store %parallel_loop3A_1450[%parallel_loop3A_1451, %parallel_loop3A_1452], %parallel_loop3A_1448 {strides = array<i32>} : memref<80x128xf32, #tpu.memory_space<vmem>>, vector<16xf32>,
        %parallel_loop3A_1454 = arith.constant 0 : i32
        %parallel_loop3A_1455 = tpu.memref_slice %arg6[%mul3A_239, %parallel_loop3A_1454] : memref<160x128xf32, #tpu.memory_space<vmem>> -> memref<80x128xf32, #tpu.memory_space<vmem>>
        %parallel_loop3A_1456 = arith.index_cast %parallel_loop3A_1429 : i32 to index
        %parallel_loop3A_1457 = arith.constant 32 : index
        %parallel_loop3A_1458 = tpu.vector_load %parallel_loop3A_1455[%parallel_loop3A_1456, %parallel_loop3A_1457] {strides = array<i32>} : memref<80x128xf32, #tpu.memory_space<vmem>>, vector<16xf32>,
        %parallel_loop3A_1459 = vector.broadcast %parallel_loop3A_1425 : f32 to vector<16xf32>
        %parallel_loop3A_1460 = arith.mulf %parallel_loop3A_1458, %parallel_loop3A_1459 : vector<16xf32>
        %parallel_loop3A_1461 = arith.constant 0 : i32
        %parallel_loop3A_1462 = tpu.memref_slice %arg7[%mul3A_241, %parallel_loop3A_1461] : memref<160x128xf32, #tpu.memory_space<vmem>> -> memref<80x128xf32, #tpu.memory_space<vmem>>
        %parallel_loop3A_1463 = arith.index_cast %parallel_loop3A_1429 : i32 to index
        %parallel_loop3A_1464 = arith.constant 32 : index
        %parallel_loop3A_1465 = tpu.vector_load %parallel_loop3A_1462[%parallel_loop3A_1463, %parallel_loop3A_1464] {strides = array<i32>} : memref<80x128xf32, #tpu.memory_space<vmem>>, vector<16xf32>,
        tpu.vector_store %parallel_loop3A_1462[%parallel_loop3A_1463, %parallel_loop3A_1464], %parallel_loop3A_1460 {strides = array<i32>} : memref<80x128xf32, #tpu.memory_space<vmem>>, vector<16xf32>,
        %parallel_loop3A_1466 = arith.constant 0 : i32
        %parallel_loop3A_1467 = tpu.memref_slice %arg6[%mul3A_239, %parallel_loop3A_1466] : memref<160x128xf32, #tpu.memory_space<vmem>> -> memref<80x128xf32, #tpu.memory_space<vmem>>
        %parallel_loop3A_1468 = arith.index_cast %parallel_loop3A_1429 : i32 to index
        %parallel_loop3A_1469 = arith.constant 48 : index
        %parallel_loop3A_1470 = tpu.vector_load %parallel_loop3A_1467[%parallel_loop3A_1468, %parallel_loop3A_1469] {strides = array<i32>} : memref<80x128xf32, #tpu.memory_space<vmem>>, vector<16xf32>,
        %parallel_loop3A_1471 = vector.broadcast %parallel_loop3A_1425 : f32 to vector<16xf32>
        %parallel_loop3A_1472 = arith.mulf %parallel_loop3A_1470, %parallel_loop3A_1471 : vector<16xf32>
        %parallel_loop3A_1473 = arith.constant 0 : i32
        %parallel_loop3A_1474 = tpu.memref_slice %arg7[%mul3A_241, %parallel_loop3A_1473] : memref<160x128xf32, #tpu.memory_space<vmem>> -> memref<80x128xf32, #tpu.memory_space<vmem>>
        %parallel_loop3A_1475 = arith.index_cast %parallel_loop3A_1429 : i32 to index
        %parallel_loop3A_1476 = arith.constant 48 : index
        %parallel_loop3A_1477 = tpu.vector_load %parallel_loop3A_1474[%parallel_loop3A_1475, %parallel_loop3A_1476] {strides = array<i32>} : memref<80x128xf32, #tpu.memory_space<vmem>>, vector<16xf32>,
        tpu.vector_store %parallel_loop3A_1474[%parallel_loop3A_1475, %parallel_loop3A_1476], %parallel_loop3A_1472 {strides = array<i32>} : memref<80x128xf32, #tpu.memory_space<vmem>>, vector<16xf32>,
        %parallel_loop3A_1478 = arith.constant 0 : i32
        %parallel_loop3A_1479 = tpu.memref_slice %arg6[%mul3A_239, %parallel_loop3A_1478] : memref<160x128xf32, #tpu.memory_space<vmem>> -> memref<80x128xf32, #tpu.memory_space<vmem>>
        %parallel_loop3A_1480 = arith.index_cast %parallel_loop3A_1429 : i32 to index
        %parallel_loop3A_1481 = arith.constant 64 : index
        %parallel_loop3A_1482 = tpu.vector_load %parallel_loop3A_1479[%parallel_loop3A_1480, %parallel_loop3A_1481] {strides = array<i32>} : memref<80x128xf32, #tpu.memory_space<vmem>>, vector<16xf32>,
        %parallel_loop3A_1483 = vector.broadcast %parallel_loop3A_1425 : f32 to vector<16xf32>
        %parallel_loop3A_1484 = arith.mulf %parallel_loop3A_1482, %parallel_loop3A_1483 : vector<16xf32>
        %parallel_loop3A_1485 = arith.constant 0 : i32
        %parallel_loop3A_1486 = tpu.memref_slice %arg7[%mul3A_241, %parallel_loop3A_1485] : memref<160x128xf32, #tpu.memory_space<vmem>> -> memref<80x128xf32, #tpu.memory_space<vmem>>
        %parallel_loop3A_1487 = arith.index_cast %parallel_loop3A_1429 : i32 to index
        %parallel_loop3A_1488 = arith.constant 64 : index
        %parallel_loop3A_1489 = tpu.vector_load %parallel_loop3A_1486[%parallel_loop3A_1487, %parallel_loop3A_1488] {strides = array<i32>} : memref<80x128xf32, #tpu.memory_space<vmem>>, vector<16xf32>,
        tpu.vector_store %parallel_loop3A_1486[%parallel_loop3A_1487, %parallel_loop3A_1488], %parallel_loop3A_1484 {strides = array<i32>} : memref<80x128xf32, #tpu.memory_space<vmem>>, vector<16xf32>,
        %parallel_loop3A_1490 = arith.constant 0 : i32
        %parallel_loop3A_1491 = tpu.memref_slice %arg6[%mul3A_239, %parallel_loop3A_1490] : memref<160x128xf32, #tpu.memory_space<vmem>> -> memref<80x128xf32, #tpu.memory_space<vmem>>
        %parallel_loop3A_1492 = arith.index_cast %parallel_loop3A_1429 : i32 to index
        %parallel_loop3A_1493 = arith.constant 80 : index
        %parallel_loop3A_1494 = tpu.vector_load %parallel_loop3A_1491[%parallel_loop3A_1492, %parallel_loop3A_1493] {strides = array<i32>} : memref<80x128xf32, #tpu.memory_space<vmem>>, vector<16xf32>,
        %parallel_loop3A_1495 = vector.broadcast %parallel_loop3A_1425 : f32 to vector<16xf32>
        %parallel_loop3A_1496 = arith.mulf %parallel_loop3A_1494, %parallel_loop3A_1495 : vector<16xf32>
        %parallel_loop3A_1497 = arith.constant 0 : i32
        %parallel_loop3A_1498 = tpu.memref_slice %arg7[%mul3A_241, %parallel_loop3A_1497] : memref<160x128xf32, #tpu.memory_space<vmem>> -> memref<80x128xf32, #tpu.memory_space<vmem>>
        %parallel_loop3A_1499 = arith.index_cast %parallel_loop3A_1429 : i32 to index
        %parallel_loop3A_1500 = arith.constant 80 : index
        %parallel_loop3A_1501 = tpu.vector_load %parallel_loop3A_1498[%parallel_loop3A_1499, %parallel_loop3A_1500] {strides = array<i32>} : memref<80x128xf32, #tpu.memory_space<vmem>>, vector<16xf32>,
        tpu.vector_store %parallel_loop3A_1498[%parallel_loop3A_1499, %parallel_loop3A_1500], %parallel_loop3A_1496 {strides = array<i32>} : memref<80x128xf32, #tpu.memory_space<vmem>>, vector<16xf32>,
        %parallel_loop3A_1502 = arith.constant 0 : i32
        %parallel_loop3A_1503 = tpu.memref_slice %arg6[%mul3A_239, %parallel_loop3A_1502] : memref<160x128xf32, #tpu.memory_space<vmem>> -> memref<80x128xf32, #tpu.memory_space<vmem>>
        %parallel_loop3A_1504 = arith.index_cast %parallel_loop3A_1429 : i32 to index
        %parallel_loop3A_1505 = arith.constant 96 : index
        %parallel_loop3A_1506 = tpu.vector_load %parallel_loop3A_1503[%parallel_loop3A_1504, %parallel_loop3A_1505] {strides = array<i32>} : memref<80x128xf32, #tpu.memory_space<vmem>>, vector<16xf32>,
        %parallel_loop3A_1507 = vector.broadcast %parallel_loop3A_1425 : f32 to vector<16xf32>
        %parallel_loop3A_1508 = arith.mulf %parallel_loop3A_1506, %parallel_loop3A_1507 : vector<16xf32>
        %parallel_loop3A_1509 = arith.constant 0 : i32
        %parallel_loop3A_1510 = tpu.memref_slice %arg7[%mul3A_241, %parallel_loop3A_1509] : memref<160x128xf32, #tpu.memory_space<vmem>> -> memref<80x128xf32, #tpu.memory_space<vmem>>
        %parallel_loop3A_1511 = arith.index_cast %parallel_loop3A_1429 : i32 to index
        %parallel_loop3A_1512 = arith.constant 96 : index
        %parallel_loop3A_1513 = tpu.vector_load %parallel_loop3A_1510[%parallel_loop3A_1511, %parallel_loop3A_1512] {strides = array<i32>} : memref<80x128xf32, #tpu.memory_space<vmem>>, vector<16xf32>,
        tpu.vector_store %parallel_loop3A_1510[%parallel_loop3A_1511, %parallel_loop3A_1512], %parallel_loop3A_1508 {strides = array<i32>} : memref<80x128xf32, #tpu.memory_space<vmem>>, vector<16xf32>,
        %parallel_loop3A_1514 = arith.constant 0 : i32
        %parallel_loop3A_1515 = tpu.memref_slice %arg6[%mul3A_239, %parallel_loop3A_1514] : memref<160x128xf32, #tpu.memory_space<vmem>> -> memref<80x128xf32, #tpu.memory_space<vmem>>
        %parallel_loop3A_1516 = arith.index_cast %parallel_loop3A_1429 : i32 to index
        %parallel_loop3A_1517 = arith.constant 112 : index
        %parallel_loop3A_1518 = tpu.vector_load %parallel_loop3A_1515[%parallel_loop3A_1516, %parallel_loop3A_1517] {strides = array<i32>} : memref<80x128xf32, #tpu.memory_space<vmem>>, vector<16xf32>,
        %parallel_loop3A_1519 = vector.broadcast %parallel_loop3A_1425 : f32 to vector<16xf32>
        %parallel_loop3A_1520 = arith.mulf %parallel_loop3A_1518, %parallel_loop3A_1519 : vector<16xf32>
        %parallel_loop3A_1521 = arith.constant 0 : i32
        %parallel_loop3A_1522 = tpu.memref_slice %arg7[%mul3A_241, %parallel_loop3A_1521] : memref<160x128xf32, #tpu.memory_space<vmem>> -> memref<80x128xf32, #tpu.memory_space<vmem>>
        %parallel_loop3A_1523 = arith.index_cast %parallel_loop3A_1429 : i32 to index
        %parallel_loop3A_1524 = arith.constant 112 : index
        %parallel_loop3A_1525 = tpu.vector_load %parallel_loop3A_1522[%parallel_loop3A_1523, %parallel_loop3A_1524] {strides = array<i32>} : memref<80x128xf32, #tpu.memory_space<vmem>>, vector<16xf32>,
        tpu.vector_store %parallel_loop3A_1522[%parallel_loop3A_1523, %parallel_loop3A_1524], %parallel_loop3A_1520 {strides = array<i32>} : memref<80x128xf32, #tpu.memory_space<vmem>>, vector<16xf32>,
        %parallel_loop3A_1526 = vector.extract_strided_slice %parallel_loop3A_301 {offsets = [12], sizes = [1], strides = [1]} : vector<16xf32> to vector<1xf32>
        %parallel_loop3A_1527 = vector.extract %parallel_loop3A_1526[0] : f32 from vector<1xf32>
        %parallel_loop3A_1528 = arith.constant 16 : i32
        %parallel_loop3A_1529 = arith.muli %parallel_loop3A_292, %parallel_loop3A_1528 : i32
        %parallel_loop3A_1530 = arith.constant 12 : i32
        %parallel_loop3A_1531 = arith.addi %parallel_loop3A_1529, %parallel_loop3A_1530 : i32
        %parallel_loop3A_1532 = arith.constant 0 : i32
        %parallel_loop3A_1533 = tpu.memref_slice %arg6[%mul3A_239, %parallel_loop3A_1532] : memref<160x128xf32, #tpu.memory_space<vmem>> -> memref<80x128xf32, #tpu.memory_space<vmem>>
        %parallel_loop3A_1534 = arith.index_cast %parallel_loop3A_1531 : i32 to index
        %parallel_loop3A_1535 = arith.constant 0 : index
        %parallel_loop3A_1536 = tpu.vector_load %parallel_loop3A_1533[%parallel_loop3A_1534, %parallel_loop3A_1535] {strides = array<i32>} : memref<80x128xf32, #tpu.memory_space<vmem>>, vector<16xf32>,
        %parallel_loop3A_1537 = vector.broadcast %parallel_loop3A_1527 : f32 to vector<16xf32>
        %parallel_loop3A_1538 = arith.mulf %parallel_loop3A_1536, %parallel_loop3A_1537 : vector<16xf32>
        %parallel_loop3A_1539 = arith.constant 0 : i32
        %parallel_loop3A_1540 = tpu.memref_slice %arg7[%mul3A_241, %parallel_loop3A_1539] : memref<160x128xf32, #tpu.memory_space<vmem>> -> memref<80x128xf32, #tpu.memory_space<vmem>>
        %parallel_loop3A_1541 = arith.index_cast %parallel_loop3A_1531 : i32 to index
        %parallel_loop3A_1542 = arith.constant 0 : index
        %parallel_loop3A_1543 = tpu.vector_load %parallel_loop3A_1540[%parallel_loop3A_1541, %parallel_loop3A_1542] {strides = array<i32>} : memref<80x128xf32, #tpu.memory_space<vmem>>, vector<16xf32>,
        tpu.vector_store %parallel_loop3A_1540[%parallel_loop3A_1541, %parallel_loop3A_1542], %parallel_loop3A_1538 {strides = array<i32>} : memref<80x128xf32, #tpu.memory_space<vmem>>, vector<16xf32>,
        %parallel_loop3A_1544 = arith.constant 0 : i32
        %parallel_loop3A_1545 = tpu.memref_slice %arg6[%mul3A_239, %parallel_loop3A_1544] : memref<160x128xf32, #tpu.memory_space<vmem>> -> memref<80x128xf32, #tpu.memory_space<vmem>>
        %parallel_loop3A_1546 = arith.index_cast %parallel_loop3A_1531 : i32 to index
        %parallel_loop3A_1547 = arith.constant 16 : index
        %parallel_loop3A_1548 = tpu.vector_load %parallel_loop3A_1545[%parallel_loop3A_1546, %parallel_loop3A_1547] {strides = array<i32>} : memref<80x128xf32, #tpu.memory_space<vmem>>, vector<16xf32>,
        %parallel_loop3A_1549 = vector.broadcast %parallel_loop3A_1527 : f32 to vector<16xf32>
        %parallel_loop3A_1550 = arith.mulf %parallel_loop3A_1548, %parallel_loop3A_1549 : vector<16xf32>
        %parallel_loop3A_1551 = arith.constant 0 : i32
        %parallel_loop3A_1552 = tpu.memref_slice %arg7[%mul3A_241, %parallel_loop3A_1551] : memref<160x128xf32, #tpu.memory_space<vmem>> -> memref<80x128xf32, #tpu.memory_space<vmem>>
        %parallel_loop3A_1553 = arith.index_cast %parallel_loop3A_1531 : i32 to index
        %parallel_loop3A_1554 = arith.constant 16 : index
        %parallel_loop3A_1555 = tpu.vector_load %parallel_loop3A_1552[%parallel_loop3A_1553, %parallel_loop3A_1554] {strides = array<i32>} : memref<80x128xf32, #tpu.memory_space<vmem>>, vector<16xf32>,
        tpu.vector_store %parallel_loop3A_1552[%parallel_loop3A_1553, %parallel_loop3A_1554], %parallel_loop3A_1550 {strides = array<i32>} : memref<80x128xf32, #tpu.memory_space<vmem>>, vector<16xf32>,
        %parallel_loop3A_1556 = arith.constant 0 : i32
        %parallel_loop3A_1557 = tpu.memref_slice %arg6[%mul3A_239, %parallel_loop3A_1556] : memref<160x128xf32, #tpu.memory_space<vmem>> -> memref<80x128xf32, #tpu.memory_space<vmem>>
        %parallel_loop3A_1558 = arith.index_cast %parallel_loop3A_1531 : i32 to index
        %parallel_loop3A_1559 = arith.constant 32 : index
        %parallel_loop3A_1560 = tpu.vector_load %parallel_loop3A_1557[%parallel_loop3A_1558, %parallel_loop3A_1559] {strides = array<i32>} : memref<80x128xf32, #tpu.memory_space<vmem>>, vector<16xf32>,
        %parallel_loop3A_1561 = vector.broadcast %parallel_loop3A_1527 : f32 to vector<16xf32>
        %parallel_loop3A_1562 = arith.mulf %parallel_loop3A_1560, %parallel_loop3A_1561 : vector<16xf32>
        %parallel_loop3A_1563 = arith.constant 0 : i32
        %parallel_loop3A_1564 = tpu.memref_slice %arg7[%mul3A_241, %parallel_loop3A_1563] : memref<160x128xf32, #tpu.memory_space<vmem>> -> memref<80x128xf32, #tpu.memory_space<vmem>>
        %parallel_loop3A_1565 = arith.index_cast %parallel_loop3A_1531 : i32 to index
        %parallel_loop3A_1566 = arith.constant 32 : index
        %parallel_loop3A_1567 = tpu.vector_load %parallel_loop3A_1564[%parallel_loop3A_1565, %parallel_loop3A_1566] {strides = array<i32>} : memref<80x128xf32, #tpu.memory_space<vmem>>, vector<16xf32>,
        tpu.vector_store %parallel_loop3A_1564[%parallel_loop3A_1565, %parallel_loop3A_1566], %parallel_loop3A_1562 {strides = array<i32>} : memref<80x128xf32, #tpu.memory_space<vmem>>, vector<16xf32>,
        %parallel_loop3A_1568 = arith.constant 0 : i32
        %parallel_loop3A_1569 = tpu.memref_slice %arg6[%mul3A_239, %parallel_loop3A_1568] : memref<160x128xf32, #tpu.memory_space<vmem>> -> memref<80x128xf32, #tpu.memory_space<vmem>>
        %parallel_loop3A_1570 = arith.index_cast %parallel_loop3A_1531 : i32 to index
        %parallel_loop3A_1571 = arith.constant 48 : index
        %parallel_loop3A_1572 = tpu.vector_load %parallel_loop3A_1569[%parallel_loop3A_1570, %parallel_loop3A_1571] {strides = array<i32>} : memref<80x128xf32, #tpu.memory_space<vmem>>, vector<16xf32>,
        %parallel_loop3A_1573 = vector.broadcast %parallel_loop3A_1527 : f32 to vector<16xf32>
        %parallel_loop3A_1574 = arith.mulf %parallel_loop3A_1572, %parallel_loop3A_1573 : vector<16xf32>
        %parallel_loop3A_1575 = arith.constant 0 : i32
        %parallel_loop3A_1576 = tpu.memref_slice %arg7[%mul3A_241, %parallel_loop3A_1575] : memref<160x128xf32, #tpu.memory_space<vmem>> -> memref<80x128xf32, #tpu.memory_space<vmem>>
        %parallel_loop3A_1577 = arith.index_cast %parallel_loop3A_1531 : i32 to index
        %parallel_loop3A_1578 = arith.constant 48 : index
        %parallel_loop3A_1579 = tpu.vector_load %parallel_loop3A_1576[%parallel_loop3A_1577, %parallel_loop3A_1578] {strides = array<i32>} : memref<80x128xf32, #tpu.memory_space<vmem>>, vector<16xf32>,
        tpu.vector_store %parallel_loop3A_1576[%parallel_loop3A_1577, %parallel_loop3A_1578], %parallel_loop3A_1574 {strides = array<i32>} : memref<80x128xf32, #tpu.memory_space<vmem>>, vector<16xf32>,
        %parallel_loop3A_1580 = arith.constant 0 : i32
        %parallel_loop3A_1581 = tpu.memref_slice %arg6[%mul3A_239, %parallel_loop3A_1580] : memref<160x128xf32, #tpu.memory_space<vmem>> -> memref<80x128xf32, #tpu.memory_space<vmem>>
        %parallel_loop3A_1582 = arith.index_cast %parallel_loop3A_1531 : i32 to index
        %parallel_loop3A_1583 = arith.constant 64 : index
        %parallel_loop3A_1584 = tpu.vector_load %parallel_loop3A_1581[%parallel_loop3A_1582, %parallel_loop3A_1583] {strides = array<i32>} : memref<80x128xf32, #tpu.memory_space<vmem>>, vector<16xf32>,
        %parallel_loop3A_1585 = vector.broadcast %parallel_loop3A_1527 : f32 to vector<16xf32>
        %parallel_loop3A_1586 = arith.mulf %parallel_loop3A_1584, %parallel_loop3A_1585 : vector<16xf32>
        %parallel_loop3A_1587 = arith.constant 0 : i32
        %parallel_loop3A_1588 = tpu.memref_slice %arg7[%mul3A_241, %parallel_loop3A_1587] : memref<160x128xf32, #tpu.memory_space<vmem>> -> memref<80x128xf32, #tpu.memory_space<vmem>>
        %parallel_loop3A_1589 = arith.index_cast %parallel_loop3A_1531 : i32 to index
        %parallel_loop3A_1590 = arith.constant 64 : index
        %parallel_loop3A_1591 = tpu.vector_load %parallel_loop3A_1588[%parallel_loop3A_1589, %parallel_loop3A_1590] {strides = array<i32>} : memref<80x128xf32, #tpu.memory_space<vmem>>, vector<16xf32>,
        tpu.vector_store %parallel_loop3A_1588[%parallel_loop3A_1589, %parallel_loop3A_1590], %parallel_loop3A_1586 {strides = array<i32>} : memref<80x128xf32, #tpu.memory_space<vmem>>, vector<16xf32>,
        %parallel_loop3A_1592 = arith.constant 0 : i32
        %parallel_loop3A_1593 = tpu.memref_slice %arg6[%mul3A_239, %parallel_loop3A_1592] : memref<160x128xf32, #tpu.memory_space<vmem>> -> memref<80x128xf32, #tpu.memory_space<vmem>>
        %parallel_loop3A_1594 = arith.index_cast %parallel_loop3A_1531 : i32 to index
        %parallel_loop3A_1595 = arith.constant 80 : index
        %parallel_loop3A_1596 = tpu.vector_load %parallel_loop3A_1593[%parallel_loop3A_1594, %parallel_loop3A_1595] {strides = array<i32>} : memref<80x128xf32, #tpu.memory_space<vmem>>, vector<16xf32>,
        %parallel_loop3A_1597 = vector.broadcast %parallel_loop3A_1527 : f32 to vector<16xf32>
        %parallel_loop3A_1598 = arith.mulf %parallel_loop3A_1596, %parallel_loop3A_1597 : vector<16xf32>
        %parallel_loop3A_1599 = arith.constant 0 : i32
        %parallel_loop3A_1600 = tpu.memref_slice %arg7[%mul3A_241, %parallel_loop3A_1599] : memref<160x128xf32, #tpu.memory_space<vmem>> -> memref<80x128xf32, #tpu.memory_space<vmem>>
        %parallel_loop3A_1601 = arith.index_cast %parallel_loop3A_1531 : i32 to index
        %parallel_loop3A_1602 = arith.constant 80 : index
        %parallel_loop3A_1603 = tpu.vector_load %parallel_loop3A_1600[%parallel_loop3A_1601, %parallel_loop3A_1602] {strides = array<i32>} : memref<80x128xf32, #tpu.memory_space<vmem>>, vector<16xf32>,
        tpu.vector_store %parallel_loop3A_1600[%parallel_loop3A_1601, %parallel_loop3A_1602], %parallel_loop3A_1598 {strides = array<i32>} : memref<80x128xf32, #tpu.memory_space<vmem>>, vector<16xf32>,
        %parallel_loop3A_1604 = arith.constant 0 : i32
        %parallel_loop3A_1605 = tpu.memref_slice %arg6[%mul3A_239, %parallel_loop3A_1604] : memref<160x128xf32, #tpu.memory_space<vmem>> -> memref<80x128xf32, #tpu.memory_space<vmem>>
        %parallel_loop3A_1606 = arith.index_cast %parallel_loop3A_1531 : i32 to index
        %parallel_loop3A_1607 = arith.constant 96 : index
        %parallel_loop3A_1608 = tpu.vector_load %parallel_loop3A_1605[%parallel_loop3A_1606, %parallel_loop3A_1607] {strides = array<i32>} : memref<80x128xf32, #tpu.memory_space<vmem>>, vector<16xf32>,
        %parallel_loop3A_1609 = vector.broadcast %parallel_loop3A_1527 : f32 to vector<16xf32>
        %parallel_loop3A_1610 = arith.mulf %parallel_loop3A_1608, %parallel_loop3A_1609 : vector<16xf32>
        %parallel_loop3A_1611 = arith.constant 0 : i32
        %parallel_loop3A_1612 = tpu.memref_slice %arg7[%mul3A_241, %parallel_loop3A_1611] : memref<160x128xf32, #tpu.memory_space<vmem>> -> memref<80x128xf32, #tpu.memory_space<vmem>>
        %parallel_loop3A_1613 = arith.index_cast %parallel_loop3A_1531 : i32 to index
        %parallel_loop3A_1614 = arith.constant 96 : index
        %parallel_loop3A_1615 = tpu.vector_load %parallel_loop3A_1612[%parallel_loop3A_1613, %parallel_loop3A_1614] {strides = array<i32>} : memref<80x128xf32, #tpu.memory_space<vmem>>, vector<16xf32>,
        tpu.vector_store %parallel_loop3A_1612[%parallel_loop3A_1613, %parallel_loop3A_1614], %parallel_loop3A_1610 {strides = array<i32>} : memref<80x128xf32, #tpu.memory_space<vmem>>, vector<16xf32>,
        %parallel_loop3A_1616 = arith.constant 0 : i32
        %parallel_loop3A_1617 = tpu.memref_slice %arg6[%mul3A_239, %parallel_loop3A_1616] : memref<160x128xf32, #tpu.memory_space<vmem>> -> memref<80x128xf32, #tpu.memory_space<vmem>>
        %parallel_loop3A_1618 = arith.index_cast %parallel_loop3A_1531 : i32 to index
        %parallel_loop3A_1619 = arith.constant 112 : index
        %parallel_loop3A_1620 = tpu.vector_load %parallel_loop3A_1617[%parallel_loop3A_1618, %parallel_loop3A_1619] {strides = array<i32>} : memref<80x128xf32, #tpu.memory_space<vmem>>, vector<16xf32>,
        %parallel_loop3A_1621 = vector.broadcast %parallel_loop3A_1527 : f32 to vector<16xf32>
        %parallel_loop3A_1622 = arith.mulf %parallel_loop3A_1620, %parallel_loop3A_1621 : vector<16xf32>
        %parallel_loop3A_1623 = arith.constant 0 : i32
        %parallel_loop3A_1624 = tpu.memref_slice %arg7[%mul3A_241, %parallel_loop3A_1623] : memref<160x128xf32, #tpu.memory_space<vmem>> -> memref<80x128xf32, #tpu.memory_space<vmem>>
        %parallel_loop3A_1625 = arith.index_cast %parallel_loop3A_1531 : i32 to index
        %parallel_loop3A_1626 = arith.constant 112 : index
        %parallel_loop3A_1627 = tpu.vector_load %parallel_loop3A_1624[%parallel_loop3A_1625, %parallel_loop3A_1626] {strides = array<i32>} : memref<80x128xf32, #tpu.memory_space<vmem>>, vector<16xf32>,
        tpu.vector_store %parallel_loop3A_1624[%parallel_loop3A_1625, %parallel_loop3A_1626], %parallel_loop3A_1622 {strides = array<i32>} : memref<80x128xf32, #tpu.memory_space<vmem>>, vector<16xf32>,
        %parallel_loop3A_1628 = vector.extract_strided_slice %parallel_loop3A_301 {offsets = [13], sizes = [1], strides = [1]} : vector<16xf32> to vector<1xf32>
        %parallel_loop3A_1629 = vector.extract %parallel_loop3A_1628[0] : f32 from vector<1xf32>
        %parallel_loop3A_1630 = arith.constant 16 : i32
        %parallel_loop3A_1631 = arith.muli %parallel_loop3A_292, %parallel_loop3A_1630 : i32
        %parallel_loop3A_1632 = arith.constant 13 : i32
        %parallel_loop3A_1633 = arith.addi %parallel_loop3A_1631, %parallel_loop3A_1632 : i32
        %parallel_loop3A_1634 = arith.constant 0 : i32
        %parallel_loop3A_1635 = tpu.memref_slice %arg6[%mul3A_239, %parallel_loop3A_1634] : memref<160x128xf32, #tpu.memory_space<vmem>> -> memref<80x128xf32, #tpu.memory_space<vmem>>
        %parallel_loop3A_1636 = arith.index_cast %parallel_loop3A_1633 : i32 to index
        %parallel_loop3A_1637 = arith.constant 0 : index
        %parallel_loop3A_1638 = tpu.vector_load %parallel_loop3A_1635[%parallel_loop3A_1636, %parallel_loop3A_1637] {strides = array<i32>} : memref<80x128xf32, #tpu.memory_space<vmem>>, vector<16xf32>,
        %parallel_loop3A_1639 = vector.broadcast %parallel_loop3A_1629 : f32 to vector<16xf32>
        %parallel_loop3A_1640 = arith.mulf %parallel_loop3A_1638, %parallel_loop3A_1639 : vector<16xf32>
        %parallel_loop3A_1641 = arith.constant 0 : i32
        %parallel_loop3A_1642 = tpu.memref_slice %arg7[%mul3A_241, %parallel_loop3A_1641] : memref<160x128xf32, #tpu.memory_space<vmem>> -> memref<80x128xf32, #tpu.memory_space<vmem>>
        %parallel_loop3A_1643 = arith.index_cast %parallel_loop3A_1633 : i32 to index
        %parallel_loop3A_1644 = arith.constant 0 : index
        %parallel_loop3A_1645 = tpu.vector_load %parallel_loop3A_1642[%parallel_loop3A_1643, %parallel_loop3A_1644] {strides = array<i32>} : memref<80x128xf32, #tpu.memory_space<vmem>>, vector<16xf32>,
        tpu.vector_store %parallel_loop3A_1642[%parallel_loop3A_1643, %parallel_loop3A_1644], %parallel_loop3A_1640 {strides = array<i32>} : memref<80x128xf32, #tpu.memory_space<vmem>>, vector<16xf32>,
        %parallel_loop3A_1646 = arith.constant 0 : i32
        %parallel_loop3A_1647 = tpu.memref_slice %arg6[%mul3A_239, %parallel_loop3A_1646] : memref<160x128xf32, #tpu.memory_space<vmem>> -> memref<80x128xf32, #tpu.memory_space<vmem>>
        %parallel_loop3A_1648 = arith.index_cast %parallel_loop3A_1633 : i32 to index
        %parallel_loop3A_1649 = arith.constant 16 : index
        %parallel_loop3A_1650 = tpu.vector_load %parallel_loop3A_1647[%parallel_loop3A_1648, %parallel_loop3A_1649] {strides = array<i32>} : memref<80x128xf32, #tpu.memory_space<vmem>>, vector<16xf32>,
        %parallel_loop3A_1651 = vector.broadcast %parallel_loop3A_1629 : f32 to vector<16xf32>
        %parallel_loop3A_1652 = arith.mulf %parallel_loop3A_1650, %parallel_loop3A_1651 : vector<16xf32>
        %parallel_loop3A_1653 = arith.constant 0 : i32
        %parallel_loop3A_1654 = tpu.memref_slice %arg7[%mul3A_241, %parallel_loop3A_1653] : memref<160x128xf32, #tpu.memory_space<vmem>> -> memref<80x128xf32, #tpu.memory_space<vmem>>
        %parallel_loop3A_1655 = arith.index_cast %parallel_loop3A_1633 : i32 to index
        %parallel_loop3A_1656 = arith.constant 16 : index
        %parallel_loop3A_1657 = tpu.vector_load %parallel_loop3A_1654[%parallel_loop3A_1655, %parallel_loop3A_1656] {strides = array<i32>} : memref<80x128xf32, #tpu.memory_space<vmem>>, vector<16xf32>,
        tpu.vector_store %parallel_loop3A_1654[%parallel_loop3A_1655, %parallel_loop3A_1656], %parallel_loop3A_1652 {strides = array<i32>} : memref<80x128xf32, #tpu.memory_space<vmem>>, vector<16xf32>,
        %parallel_loop3A_1658 = arith.constant 0 : i32
        %parallel_loop3A_1659 = tpu.memref_slice %arg6[%mul3A_239, %parallel_loop3A_1658] : memref<160x128xf32, #tpu.memory_space<vmem>> -> memref<80x128xf32, #tpu.memory_space<vmem>>
        %parallel_loop3A_1660 = arith.index_cast %parallel_loop3A_1633 : i32 to index
        %parallel_loop3A_1661 = arith.constant 32 : index
        %parallel_loop3A_1662 = tpu.vector_load %parallel_loop3A_1659[%parallel_loop3A_1660, %parallel_loop3A_1661] {strides = array<i32>} : memref<80x128xf32, #tpu.memory_space<vmem>>, vector<16xf32>,
        %parallel_loop3A_1663 = vector.broadcast %parallel_loop3A_1629 : f32 to vector<16xf32>
        %parallel_loop3A_1664 = arith.mulf %parallel_loop3A_1662, %parallel_loop3A_1663 : vector<16xf32>
        %parallel_loop3A_1665 = arith.constant 0 : i32
        %parallel_loop3A_1666 = tpu.memref_slice %arg7[%mul3A_241, %parallel_loop3A_1665] : memref<160x128xf32, #tpu.memory_space<vmem>> -> memref<80x128xf32, #tpu.memory_space<vmem>>
        %parallel_loop3A_1667 = arith.index_cast %parallel_loop3A_1633 : i32 to index
        %parallel_loop3A_1668 = arith.constant 32 : index
        %parallel_loop3A_1669 = tpu.vector_load %parallel_loop3A_1666[%parallel_loop3A_1667, %parallel_loop3A_1668] {strides = array<i32>} : memref<80x128xf32, #tpu.memory_space<vmem>>, vector<16xf32>,
        tpu.vector_store %parallel_loop3A_1666[%parallel_loop3A_1667, %parallel_loop3A_1668], %parallel_loop3A_1664 {strides = array<i32>} : memref<80x128xf32, #tpu.memory_space<vmem>>, vector<16xf32>,
        %parallel_loop3A_1670 = arith.constant 0 : i32
        %parallel_loop3A_1671 = tpu.memref_slice %arg6[%mul3A_239, %parallel_loop3A_1670] : memref<160x128xf32, #tpu.memory_space<vmem>> -> memref<80x128xf32, #tpu.memory_space<vmem>>
        %parallel_loop3A_1672 = arith.index_cast %parallel_loop3A_1633 : i32 to index
        %parallel_loop3A_1673 = arith.constant 48 : index
        %parallel_loop3A_1674 = tpu.vector_load %parallel_loop3A_1671[%parallel_loop3A_1672, %parallel_loop3A_1673] {strides = array<i32>} : memref<80x128xf32, #tpu.memory_space<vmem>>, vector<16xf32>,
        %parallel_loop3A_1675 = vector.broadcast %parallel_loop3A_1629 : f32 to vector<16xf32>
        %parallel_loop3A_1676 = arith.mulf %parallel_loop3A_1674, %parallel_loop3A_1675 : vector<16xf32>
        %parallel_loop3A_1677 = arith.constant 0 : i32
        %parallel_loop3A_1678 = tpu.memref_slice %arg7[%mul3A_241, %parallel_loop3A_1677] : memref<160x128xf32, #tpu.memory_space<vmem>> -> memref<80x128xf32, #tpu.memory_space<vmem>>
        %parallel_loop3A_1679 = arith.index_cast %parallel_loop3A_1633 : i32 to index
        %parallel_loop3A_1680 = arith.constant 48 : index
        %parallel_loop3A_1681 = tpu.vector_load %parallel_loop3A_1678[%parallel_loop3A_1679, %parallel_loop3A_1680] {strides = array<i32>} : memref<80x128xf32, #tpu.memory_space<vmem>>, vector<16xf32>,
        tpu.vector_store %parallel_loop3A_1678[%parallel_loop3A_1679, %parallel_loop3A_1680], %parallel_loop3A_1676 {strides = array<i32>} : memref<80x128xf32, #tpu.memory_space<vmem>>, vector<16xf32>,
        %parallel_loop3A_1682 = arith.constant 0 : i32
        %parallel_loop3A_1683 = tpu.memref_slice %arg6[%mul3A_239, %parallel_loop3A_1682] : memref<160x128xf32, #tpu.memory_space<vmem>> -> memref<80x128xf32, #tpu.memory_space<vmem>>
        %parallel_loop3A_1684 = arith.index_cast %parallel_loop3A_1633 : i32 to index
        %parallel_loop3A_1685 = arith.constant 64 : index
        %parallel_loop3A_1686 = tpu.vector_load %parallel_loop3A_1683[%parallel_loop3A_1684, %parallel_loop3A_1685] {strides = array<i32>} : memref<80x128xf32, #tpu.memory_space<vmem>>, vector<16xf32>,
        %parallel_loop3A_1687 = vector.broadcast %parallel_loop3A_1629 : f32 to vector<16xf32>
        %parallel_loop3A_1688 = arith.mulf %parallel_loop3A_1686, %parallel_loop3A_1687 : vector<16xf32>
        %parallel_loop3A_1689 = arith.constant 0 : i32
        %parallel_loop3A_1690 = tpu.memref_slice %arg7[%mul3A_241, %parallel_loop3A_1689] : memref<160x128xf32, #tpu.memory_space<vmem>> -> memref<80x128xf32, #tpu.memory_space<vmem>>
        %parallel_loop3A_1691 = arith.index_cast %parallel_loop3A_1633 : i32 to index
        %parallel_loop3A_1692 = arith.constant 64 : index
        %parallel_loop3A_1693 = tpu.vector_load %parallel_loop3A_1690[%parallel_loop3A_1691, %parallel_loop3A_1692] {strides = array<i32>} : memref<80x128xf32, #tpu.memory_space<vmem>>, vector<16xf32>,
        tpu.vector_store %parallel_loop3A_1690[%parallel_loop3A_1691, %parallel_loop3A_1692], %parallel_loop3A_1688 {strides = array<i32>} : memref<80x128xf32, #tpu.memory_space<vmem>>, vector<16xf32>,
        %parallel_loop3A_1694 = arith.constant 0 : i32
        %parallel_loop3A_1695 = tpu.memref_slice %arg6[%mul3A_239, %parallel_loop3A_1694] : memref<160x128xf32, #tpu.memory_space<vmem>> -> memref<80x128xf32, #tpu.memory_space<vmem>>
        %parallel_loop3A_1696 = arith.index_cast %parallel_loop3A_1633 : i32 to index
        %parallel_loop3A_1697 = arith.constant 80 : index
        %parallel_loop3A_1698 = tpu.vector_load %parallel_loop3A_1695[%parallel_loop3A_1696, %parallel_loop3A_1697] {strides = array<i32>} : memref<80x128xf32, #tpu.memory_space<vmem>>, vector<16xf32>,
        %parallel_loop3A_1699 = vector.broadcast %parallel_loop3A_1629 : f32 to vector<16xf32>
        %parallel_loop3A_1700 = arith.mulf %parallel_loop3A_1698, %parallel_loop3A_1699 : vector<16xf32>
        %parallel_loop3A_1701 = arith.constant 0 : i32
        %parallel_loop3A_1702 = tpu.memref_slice %arg7[%mul3A_241, %parallel_loop3A_1701] : memref<160x128xf32, #tpu.memory_space<vmem>> -> memref<80x128xf32, #tpu.memory_space<vmem>>
        %parallel_loop3A_1703 = arith.index_cast %parallel_loop3A_1633 : i32 to index
        %parallel_loop3A_1704 = arith.constant 80 : index
        %parallel_loop3A_1705 = tpu.vector_load %parallel_loop3A_1702[%parallel_loop3A_1703, %parallel_loop3A_1704] {strides = array<i32>} : memref<80x128xf32, #tpu.memory_space<vmem>>, vector<16xf32>,
        tpu.vector_store %parallel_loop3A_1702[%parallel_loop3A_1703, %parallel_loop3A_1704], %parallel_loop3A_1700 {strides = array<i32>} : memref<80x128xf32, #tpu.memory_space<vmem>>, vector<16xf32>,
        %parallel_loop3A_1706 = arith.constant 0 : i32
        %parallel_loop3A_1707 = tpu.memref_slice %arg6[%mul3A_239, %parallel_loop3A_1706] : memref<160x128xf32, #tpu.memory_space<vmem>> -> memref<80x128xf32, #tpu.memory_space<vmem>>
        %parallel_loop3A_1708 = arith.index_cast %parallel_loop3A_1633 : i32 to index
        %parallel_loop3A_1709 = arith.constant 96 : index
        %parallel_loop3A_1710 = tpu.vector_load %parallel_loop3A_1707[%parallel_loop3A_1708, %parallel_loop3A_1709] {strides = array<i32>} : memref<80x128xf32, #tpu.memory_space<vmem>>, vector<16xf32>,
        %parallel_loop3A_1711 = vector.broadcast %parallel_loop3A_1629 : f32 to vector<16xf32>
        %parallel_loop3A_1712 = arith.mulf %parallel_loop3A_1710, %parallel_loop3A_1711 : vector<16xf32>
        %parallel_loop3A_1713 = arith.constant 0 : i32
        %parallel_loop3A_1714 = tpu.memref_slice %arg7[%mul3A_241, %parallel_loop3A_1713] : memref<160x128xf32, #tpu.memory_space<vmem>> -> memref<80x128xf32, #tpu.memory_space<vmem>>
        %parallel_loop3A_1715 = arith.index_cast %parallel_loop3A_1633 : i32 to index
        %parallel_loop3A_1716 = arith.constant 96 : index
        %parallel_loop3A_1717 = tpu.vector_load %parallel_loop3A_1714[%parallel_loop3A_1715, %parallel_loop3A_1716] {strides = array<i32>} : memref<80x128xf32, #tpu.memory_space<vmem>>, vector<16xf32>,
        tpu.vector_store %parallel_loop3A_1714[%parallel_loop3A_1715, %parallel_loop3A_1716], %parallel_loop3A_1712 {strides = array<i32>} : memref<80x128xf32, #tpu.memory_space<vmem>>, vector<16xf32>,
        %parallel_loop3A_1718 = arith.constant 0 : i32
        %parallel_loop3A_1719 = tpu.memref_slice %arg6[%mul3A_239, %parallel_loop3A_1718] : memref<160x128xf32, #tpu.memory_space<vmem>> -> memref<80x128xf32, #tpu.memory_space<vmem>>
        %parallel_loop3A_1720 = arith.index_cast %parallel_loop3A_1633 : i32 to index
        %parallel_loop3A_1721 = arith.constant 112 : index
        %parallel_loop3A_1722 = tpu.vector_load %parallel_loop3A_1719[%parallel_loop3A_1720, %parallel_loop3A_1721] {strides = array<i32>} : memref<80x128xf32, #tpu.memory_space<vmem>>, vector<16xf32>,
        %parallel_loop3A_1723 = vector.broadcast %parallel_loop3A_1629 : f32 to vector<16xf32>
        %parallel_loop3A_1724 = arith.mulf %parallel_loop3A_1722, %parallel_loop3A_1723 : vector<16xf32>
        %parallel_loop3A_1725 = arith.constant 0 : i32
        %parallel_loop3A_1726 = tpu.memref_slice %arg7[%mul3A_241, %parallel_loop3A_1725] : memref<160x128xf32, #tpu.memory_space<vmem>> -> memref<80x128xf32, #tpu.memory_space<vmem>>
        %parallel_loop3A_1727 = arith.index_cast %parallel_loop3A_1633 : i32 to index
        %parallel_loop3A_1728 = arith.constant 112 : index
        %parallel_loop3A_1729 = tpu.vector_load %parallel_loop3A_1726[%parallel_loop3A_1727, %parallel_loop3A_1728] {strides = array<i32>} : memref<80x128xf32, #tpu.memory_space<vmem>>, vector<16xf32>,
        tpu.vector_store %parallel_loop3A_1726[%parallel_loop3A_1727, %parallel_loop3A_1728], %parallel_loop3A_1724 {strides = array<i32>} : memref<80x128xf32, #tpu.memory_space<vmem>>, vector<16xf32>,
        %parallel_loop3A_1730 = vector.extract_strided_slice %parallel_loop3A_301 {offsets = [14], sizes = [1], strides = [1]} : vector<16xf32> to vector<1xf32>
        %parallel_loop3A_1731 = vector.extract %parallel_loop3A_1730[0] : f32 from vector<1xf32>
        %parallel_loop3A_1732 = arith.constant 16 : i32
        %parallel_loop3A_1733 = arith.muli %parallel_loop3A_292, %parallel_loop3A_1732 : i32
        %parallel_loop3A_1734 = arith.constant 14 : i32
        %parallel_loop3A_1735 = arith.addi %parallel_loop3A_1733, %parallel_loop3A_1734 : i32
        %parallel_loop3A_1736 = arith.constant 0 : i32
        %parallel_loop3A_1737 = tpu.memref_slice %arg6[%mul3A_239, %parallel_loop3A_1736] : memref<160x128xf32, #tpu.memory_space<vmem>> -> memref<80x128xf32, #tpu.memory_space<vmem>>
        %parallel_loop3A_1738 = arith.index_cast %parallel_loop3A_1735 : i32 to index
        %parallel_loop3A_1739 = arith.constant 0 : index
        %parallel_loop3A_1740 = tpu.vector_load %parallel_loop3A_1737[%parallel_loop3A_1738, %parallel_loop3A_1739] {strides = array<i32>} : memref<80x128xf32, #tpu.memory_space<vmem>>, vector<16xf32>,
        %parallel_loop3A_1741 = vector.broadcast %parallel_loop3A_1731 : f32 to vector<16xf32>
        %parallel_loop3A_1742 = arith.mulf %parallel_loop3A_1740, %parallel_loop3A_1741 : vector<16xf32>
        %parallel_loop3A_1743 = arith.constant 0 : i32
        %parallel_loop3A_1744 = tpu.memref_slice %arg7[%mul3A_241, %parallel_loop3A_1743] : memref<160x128xf32, #tpu.memory_space<vmem>> -> memref<80x128xf32, #tpu.memory_space<vmem>>
        %parallel_loop3A_1745 = arith.index_cast %parallel_loop3A_1735 : i32 to index
        %parallel_loop3A_1746 = arith.constant 0 : index
        %parallel_loop3A_1747 = tpu.vector_load %parallel_loop3A_1744[%parallel_loop3A_1745, %parallel_loop3A_1746] {strides = array<i32>} : memref<80x128xf32, #tpu.memory_space<vmem>>, vector<16xf32>,
        tpu.vector_store %parallel_loop3A_1744[%parallel_loop3A_1745, %parallel_loop3A_1746], %parallel_loop3A_1742 {strides = array<i32>} : memref<80x128xf32, #tpu.memory_space<vmem>>, vector<16xf32>,
        %parallel_loop3A_1748 = arith.constant 0 : i32
        %parallel_loop3A_1749 = tpu.memref_slice %arg6[%mul3A_239, %parallel_loop3A_1748] : memref<160x128xf32, #tpu.memory_space<vmem>> -> memref<80x128xf32, #tpu.memory_space<vmem>>
        %parallel_loop3A_1750 = arith.index_cast %parallel_loop3A_1735 : i32 to index
        %parallel_loop3A_1751 = arith.constant 16 : index
        %parallel_loop3A_1752 = tpu.vector_load %parallel_loop3A_1749[%parallel_loop3A_1750, %parallel_loop3A_1751] {strides = array<i32>} : memref<80x128xf32, #tpu.memory_space<vmem>>, vector<16xf32>,
        %parallel_loop3A_1753 = vector.broadcast %parallel_loop3A_1731 : f32 to vector<16xf32>
        %parallel_loop3A_1754 = arith.mulf %parallel_loop3A_1752, %parallel_loop3A_1753 : vector<16xf32>
        %parallel_loop3A_1755 = arith.constant 0 : i32
        %parallel_loop3A_1756 = tpu.memref_slice %arg7[%mul3A_241, %parallel_loop3A_1755] : memref<160x128xf32, #tpu.memory_space<vmem>> -> memref<80x128xf32, #tpu.memory_space<vmem>>
        %parallel_loop3A_1757 = arith.index_cast %parallel_loop3A_1735 : i32 to index
        %parallel_loop3A_1758 = arith.constant 16 : index
        %parallel_loop3A_1759 = tpu.vector_load %parallel_loop3A_1756[%parallel_loop3A_1757, %parallel_loop3A_1758] {strides = array<i32>} : memref<80x128xf32, #tpu.memory_space<vmem>>, vector<16xf32>,
        tpu.vector_store %parallel_loop3A_1756[%parallel_loop3A_1757, %parallel_loop3A_1758], %parallel_loop3A_1754 {strides = array<i32>} : memref<80x128xf32, #tpu.memory_space<vmem>>, vector<16xf32>,
        %parallel_loop3A_1760 = arith.constant 0 : i32
        %parallel_loop3A_1761 = tpu.memref_slice %arg6[%mul3A_239, %parallel_loop3A_1760] : memref<160x128xf32, #tpu.memory_space<vmem>> -> memref<80x128xf32, #tpu.memory_space<vmem>>
        %parallel_loop3A_1762 = arith.index_cast %parallel_loop3A_1735 : i32 to index
        %parallel_loop3A_1763 = arith.constant 32 : index
        %parallel_loop3A_1764 = tpu.vector_load %parallel_loop3A_1761[%parallel_loop3A_1762, %parallel_loop3A_1763] {strides = array<i32>} : memref<80x128xf32, #tpu.memory_space<vmem>>, vector<16xf32>,
        %parallel_loop3A_1765 = vector.broadcast %parallel_loop3A_1731 : f32 to vector<16xf32>
        %parallel_loop3A_1766 = arith.mulf %parallel_loop3A_1764, %parallel_loop3A_1765 : vector<16xf32>
        %parallel_loop3A_1767 = arith.constant 0 : i32
        %parallel_loop3A_1768 = tpu.memref_slice %arg7[%mul3A_241, %parallel_loop3A_1767] : memref<160x128xf32, #tpu.memory_space<vmem>> -> memref<80x128xf32, #tpu.memory_space<vmem>>
        %parallel_loop3A_1769 = arith.index_cast %parallel_loop3A_1735 : i32 to index
        %parallel_loop3A_1770 = arith.constant 32 : index
        %parallel_loop3A_1771 = tpu.vector_load %parallel_loop3A_1768[%parallel_loop3A_1769, %parallel_loop3A_1770] {strides = array<i32>} : memref<80x128xf32, #tpu.memory_space<vmem>>, vector<16xf32>,
        tpu.vector_store %parallel_loop3A_1768[%parallel_loop3A_1769, %parallel_loop3A_1770], %parallel_loop3A_1766 {strides = array<i32>} : memref<80x128xf32, #tpu.memory_space<vmem>>, vector<16xf32>,
        %parallel_loop3A_1772 = arith.constant 0 : i32
        %parallel_loop3A_1773 = tpu.memref_slice %arg6[%mul3A_239, %parallel_loop3A_1772] : memref<160x128xf32, #tpu.memory_space<vmem>> -> memref<80x128xf32, #tpu.memory_space<vmem>>
        %parallel_loop3A_1774 = arith.index_cast %parallel_loop3A_1735 : i32 to index
        %parallel_loop3A_1775 = arith.constant 48 : index
        %parallel_loop3A_1776 = tpu.vector_load %parallel_loop3A_1773[%parallel_loop3A_1774, %parallel_loop3A_1775] {strides = array<i32>} : memref<80x128xf32, #tpu.memory_space<vmem>>, vector<16xf32>,
        %parallel_loop3A_1777 = vector.broadcast %parallel_loop3A_1731 : f32 to vector<16xf32>
        %parallel_loop3A_1778 = arith.mulf %parallel_loop3A_1776, %parallel_loop3A_1777 : vector<16xf32>
        %parallel_loop3A_1779 = arith.constant 0 : i32
        %parallel_loop3A_1780 = tpu.memref_slice %arg7[%mul3A_241, %parallel_loop3A_1779] : memref<160x128xf32, #tpu.memory_space<vmem>> -> memref<80x128xf32, #tpu.memory_space<vmem>>
        %parallel_loop3A_1781 = arith.index_cast %parallel_loop3A_1735 : i32 to index
        %parallel_loop3A_1782 = arith.constant 48 : index
        %parallel_loop3A_1783 = tpu.vector_load %parallel_loop3A_1780[%parallel_loop3A_1781, %parallel_loop3A_1782] {strides = array<i32>} : memref<80x128xf32, #tpu.memory_space<vmem>>, vector<16xf32>,
        tpu.vector_store %parallel_loop3A_1780[%parallel_loop3A_1781, %parallel_loop3A_1782], %parallel_loop3A_1778 {strides = array<i32>} : memref<80x128xf32, #tpu.memory_space<vmem>>, vector<16xf32>,
        %parallel_loop3A_1784 = arith.constant 0 : i32
        %parallel_loop3A_1785 = tpu.memref_slice %arg6[%mul3A_239, %parallel_loop3A_1784] : memref<160x128xf32, #tpu.memory_space<vmem>> -> memref<80x128xf32, #tpu.memory_space<vmem>>
        %parallel_loop3A_1786 = arith.index_cast %parallel_loop3A_1735 : i32 to index
        %parallel_loop3A_1787 = arith.constant 64 : index
        %parallel_loop3A_1788 = tpu.vector_load %parallel_loop3A_1785[%parallel_loop3A_1786, %parallel_loop3A_1787] {strides = array<i32>} : memref<80x128xf32, #tpu.memory_space<vmem>>, vector<16xf32>,
        %parallel_loop3A_1789 = vector.broadcast %parallel_loop3A_1731 : f32 to vector<16xf32>
        %parallel_loop3A_1790 = arith.mulf %parallel_loop3A_1788, %parallel_loop3A_1789 : vector<16xf32>
        %parallel_loop3A_1791 = arith.constant 0 : i32
        %parallel_loop3A_1792 = tpu.memref_slice %arg7[%mul3A_241, %parallel_loop3A_1791] : memref<160x128xf32, #tpu.memory_space<vmem>> -> memref<80x128xf32, #tpu.memory_space<vmem>>
        %parallel_loop3A_1793 = arith.index_cast %parallel_loop3A_1735 : i32 to index
        %parallel_loop3A_1794 = arith.constant 64 : index
        %parallel_loop3A_1795 = tpu.vector_load %parallel_loop3A_1792[%parallel_loop3A_1793, %parallel_loop3A_1794] {strides = array<i32>} : memref<80x128xf32, #tpu.memory_space<vmem>>, vector<16xf32>,
        tpu.vector_store %parallel_loop3A_1792[%parallel_loop3A_1793, %parallel_loop3A_1794], %parallel_loop3A_1790 {strides = array<i32>} : memref<80x128xf32, #tpu.memory_space<vmem>>, vector<16xf32>,
        %parallel_loop3A_1796 = arith.constant 0 : i32
        %parallel_loop3A_1797 = tpu.memref_slice %arg6[%mul3A_239, %parallel_loop3A_1796] : memref<160x128xf32, #tpu.memory_space<vmem>> -> memref<80x128xf32, #tpu.memory_space<vmem>>
        %parallel_loop3A_1798 = arith.index_cast %parallel_loop3A_1735 : i32 to index
        %parallel_loop3A_1799 = arith.constant 80 : index
        %parallel_loop3A_1800 = tpu.vector_load %parallel_loop3A_1797[%parallel_loop3A_1798, %parallel_loop3A_1799] {strides = array<i32>} : memref<80x128xf32, #tpu.memory_space<vmem>>, vector<16xf32>,
        %parallel_loop3A_1801 = vector.broadcast %parallel_loop3A_1731 : f32 to vector<16xf32>
        %parallel_loop3A_1802 = arith.mulf %parallel_loop3A_1800, %parallel_loop3A_1801 : vector<16xf32>
        %parallel_loop3A_1803 = arith.constant 0 : i32
        %parallel_loop3A_1804 = tpu.memref_slice %arg7[%mul3A_241, %parallel_loop3A_1803] : memref<160x128xf32, #tpu.memory_space<vmem>> -> memref<80x128xf32, #tpu.memory_space<vmem>>
        %parallel_loop3A_1805 = arith.index_cast %parallel_loop3A_1735 : i32 to index
        %parallel_loop3A_1806 = arith.constant 80 : index
        %parallel_loop3A_1807 = tpu.vector_load %parallel_loop3A_1804[%parallel_loop3A_1805, %parallel_loop3A_1806] {strides = array<i32>} : memref<80x128xf32, #tpu.memory_space<vmem>>, vector<16xf32>,
        tpu.vector_store %parallel_loop3A_1804[%parallel_loop3A_1805, %parallel_loop3A_1806], %parallel_loop3A_1802 {strides = array<i32>} : memref<80x128xf32, #tpu.memory_space<vmem>>, vector<16xf32>,
        %parallel_loop3A_1808 = arith.constant 0 : i32
        %parallel_loop3A_1809 = tpu.memref_slice %arg6[%mul3A_239, %parallel_loop3A_1808] : memref<160x128xf32, #tpu.memory_space<vmem>> -> memref<80x128xf32, #tpu.memory_space<vmem>>
        %parallel_loop3A_1810 = arith.index_cast %parallel_loop3A_1735 : i32 to index
        %parallel_loop3A_1811 = arith.constant 96 : index
        %parallel_loop3A_1812 = tpu.vector_load %parallel_loop3A_1809[%parallel_loop3A_1810, %parallel_loop3A_1811] {strides = array<i32>} : memref<80x128xf32, #tpu.memory_space<vmem>>, vector<16xf32>,
        %parallel_loop3A_1813 = vector.broadcast %parallel_loop3A_1731 : f32 to vector<16xf32>
        %parallel_loop3A_1814 = arith.mulf %parallel_loop3A_1812, %parallel_loop3A_1813 : vector<16xf32>
        %parallel_loop3A_1815 = arith.constant 0 : i32
        %parallel_loop3A_1816 = tpu.memref_slice %arg7[%mul3A_241, %parallel_loop3A_1815] : memref<160x128xf32, #tpu.memory_space<vmem>> -> memref<80x128xf32, #tpu.memory_space<vmem>>
        %parallel_loop3A_1817 = arith.index_cast %parallel_loop3A_1735 : i32 to index
        %parallel_loop3A_1818 = arith.constant 96 : index
        %parallel_loop3A_1819 = tpu.vector_load %parallel_loop3A_1816[%parallel_loop3A_1817, %parallel_loop3A_1818] {strides = array<i32>} : memref<80x128xf32, #tpu.memory_space<vmem>>, vector<16xf32>,
        tpu.vector_store %parallel_loop3A_1816[%parallel_loop3A_1817, %parallel_loop3A_1818], %parallel_loop3A_1814 {strides = array<i32>} : memref<80x128xf32, #tpu.memory_space<vmem>>, vector<16xf32>,
        %parallel_loop3A_1820 = arith.constant 0 : i32
        %parallel_loop3A_1821 = tpu.memref_slice %arg6[%mul3A_239, %parallel_loop3A_1820] : memref<160x128xf32, #tpu.memory_space<vmem>> -> memref<80x128xf32, #tpu.memory_space<vmem>>
        %parallel_loop3A_1822 = arith.index_cast %parallel_loop3A_1735 : i32 to index
        %parallel_loop3A_1823 = arith.constant 112 : index
        %parallel_loop3A_1824 = tpu.vector_load %parallel_loop3A_1821[%parallel_loop3A_1822, %parallel_loop3A_1823] {strides = array<i32>} : memref<80x128xf32, #tpu.memory_space<vmem>>, vector<16xf32>,
        %parallel_loop3A_1825 = vector.broadcast %parallel_loop3A_1731 : f32 to vector<16xf32>
        %parallel_loop3A_1826 = arith.mulf %parallel_loop3A_1824, %parallel_loop3A_1825 : vector<16xf32>
        %parallel_loop3A_1827 = arith.constant 0 : i32
        %parallel_loop3A_1828 = tpu.memref_slice %arg7[%mul3A_241, %parallel_loop3A_1827] : memref<160x128xf32, #tpu.memory_space<vmem>> -> memref<80x128xf32, #tpu.memory_space<vmem>>
        %parallel_loop3A_1829 = arith.index_cast %parallel_loop3A_1735 : i32 to index
        %parallel_loop3A_1830 = arith.constant 112 : index
        %parallel_loop3A_1831 = tpu.vector_load %parallel_loop3A_1828[%parallel_loop3A_1829, %parallel_loop3A_1830] {strides = array<i32>} : memref<80x128xf32, #tpu.memory_space<vmem>>, vector<16xf32>,
        tpu.vector_store %parallel_loop3A_1828[%parallel_loop3A_1829, %parallel_loop3A_1830], %parallel_loop3A_1826 {strides = array<i32>} : memref<80x128xf32, #tpu.memory_space<vmem>>, vector<16xf32>,
        %parallel_loop3A_1832 = vector.extract_strided_slice %parallel_loop3A_301 {offsets = [15], sizes = [1], strides = [1]} : vector<16xf32> to vector<1xf32>
        %parallel_loop3A_1833 = vector.extract %parallel_loop3A_1832[0] : f32 from vector<1xf32>
        %parallel_loop3A_1834 = arith.constant 16 : i32
        %parallel_loop3A_1835 = arith.muli %parallel_loop3A_292, %parallel_loop3A_1834 : i32
        %parallel_loop3A_1836 = arith.constant 15 : i32
        %parallel_loop3A_1837 = arith.addi %parallel_loop3A_1835, %parallel_loop3A_1836 : i32
        %parallel_loop3A_1838 = arith.constant 0 : i32
        %parallel_loop3A_1839 = tpu.memref_slice %arg6[%mul3A_239, %parallel_loop3A_1838] : memref<160x128xf32, #tpu.memory_space<vmem>> -> memref<80x128xf32, #tpu.memory_space<vmem>>
        %parallel_loop3A_1840 = arith.index_cast %parallel_loop3A_1837 : i32 to index
        %parallel_loop3A_1841 = arith.constant 0 : index
        %parallel_loop3A_1842 = tpu.vector_load %parallel_loop3A_1839[%parallel_loop3A_1840, %parallel_loop3A_1841] {strides = array<i32>} : memref<80x128xf32, #tpu.memory_space<vmem>>, vector<16xf32>,
        %parallel_loop3A_1843 = vector.broadcast %parallel_loop3A_1833 : f32 to vector<16xf32>
        %parallel_loop3A_1844 = arith.mulf %parallel_loop3A_1842, %parallel_loop3A_1843 : vector<16xf32>
        %parallel_loop3A_1845 = arith.constant 0 : i32
        %parallel_loop3A_1846 = tpu.memref_slice %arg7[%mul3A_241, %parallel_loop3A_1845] : memref<160x128xf32, #tpu.memory_space<vmem>> -> memref<80x128xf32, #tpu.memory_space<vmem>>
        %parallel_loop3A_1847 = arith.index_cast %parallel_loop3A_1837 : i32 to index
        %parallel_loop3A_1848 = arith.constant 0 : index
        %parallel_loop3A_1849 = tpu.vector_load %parallel_loop3A_1846[%parallel_loop3A_1847, %parallel_loop3A_1848] {strides = array<i32>} : memref<80x128xf32, #tpu.memory_space<vmem>>, vector<16xf32>,
        tpu.vector_store %parallel_loop3A_1846[%parallel_loop3A_1847, %parallel_loop3A_1848], %parallel_loop3A_1844 {strides = array<i32>} : memref<80x128xf32, #tpu.memory_space<vmem>>, vector<16xf32>,
        %parallel_loop3A_1850 = arith.constant 0 : i32
        %parallel_loop3A_1851 = tpu.memref_slice %arg6[%mul3A_239, %parallel_loop3A_1850] : memref<160x128xf32, #tpu.memory_space<vmem>> -> memref<80x128xf32, #tpu.memory_space<vmem>>
        %parallel_loop3A_1852 = arith.index_cast %parallel_loop3A_1837 : i32 to index
        %parallel_loop3A_1853 = arith.constant 16 : index
        %parallel_loop3A_1854 = tpu.vector_load %parallel_loop3A_1851[%parallel_loop3A_1852, %parallel_loop3A_1853] {strides = array<i32>} : memref<80x128xf32, #tpu.memory_space<vmem>>, vector<16xf32>,
        %parallel_loop3A_1855 = vector.broadcast %parallel_loop3A_1833 : f32 to vector<16xf32>
        %parallel_loop3A_1856 = arith.mulf %parallel_loop3A_1854, %parallel_loop3A_1855 : vector<16xf32>
        %parallel_loop3A_1857 = arith.constant 0 : i32
        %parallel_loop3A_1858 = tpu.memref_slice %arg7[%mul3A_241, %parallel_loop3A_1857] : memref<160x128xf32, #tpu.memory_space<vmem>> -> memref<80x128xf32, #tpu.memory_space<vmem>>
        %parallel_loop3A_1859 = arith.index_cast %parallel_loop3A_1837 : i32 to index
        %parallel_loop3A_1860 = arith.constant 16 : index
        %parallel_loop3A_1861 = tpu.vector_load %parallel_loop3A_1858[%parallel_loop3A_1859, %parallel_loop3A_1860] {strides = array<i32>} : memref<80x128xf32, #tpu.memory_space<vmem>>, vector<16xf32>,
        tpu.vector_store %parallel_loop3A_1858[%parallel_loop3A_1859, %parallel_loop3A_1860], %parallel_loop3A_1856 {strides = array<i32>} : memref<80x128xf32, #tpu.memory_space<vmem>>, vector<16xf32>,
        %parallel_loop3A_1862 = arith.constant 0 : i32
        %parallel_loop3A_1863 = tpu.memref_slice %arg6[%mul3A_239, %parallel_loop3A_1862] : memref<160x128xf32, #tpu.memory_space<vmem>> -> memref<80x128xf32, #tpu.memory_space<vmem>>
        %parallel_loop3A_1864 = arith.index_cast %parallel_loop3A_1837 : i32 to index
        %parallel_loop3A_1865 = arith.constant 32 : index
        %parallel_loop3A_1866 = tpu.vector_load %parallel_loop3A_1863[%parallel_loop3A_1864, %parallel_loop3A_1865] {strides = array<i32>} : memref<80x128xf32, #tpu.memory_space<vmem>>, vector<16xf32>,
        %parallel_loop3A_1867 = vector.broadcast %parallel_loop3A_1833 : f32 to vector<16xf32>
        %parallel_loop3A_1868 = arith.mulf %parallel_loop3A_1866, %parallel_loop3A_1867 : vector<16xf32>
        %parallel_loop3A_1869 = arith.constant 0 : i32
        %parallel_loop3A_1870 = tpu.memref_slice %arg7[%mul3A_241, %parallel_loop3A_1869] : memref<160x128xf32, #tpu.memory_space<vmem>> -> memref<80x128xf32, #tpu.memory_space<vmem>>
        %parallel_loop3A_1871 = arith.index_cast %parallel_loop3A_1837 : i32 to index
        %parallel_loop3A_1872 = arith.constant 32 : index
        %parallel_loop3A_1873 = tpu.vector_load %parallel_loop3A_1870[%parallel_loop3A_1871, %parallel_loop3A_1872] {strides = array<i32>} : memref<80x128xf32, #tpu.memory_space<vmem>>, vector<16xf32>,
        tpu.vector_store %parallel_loop3A_1870[%parallel_loop3A_1871, %parallel_loop3A_1872], %parallel_loop3A_1868 {strides = array<i32>} : memref<80x128xf32, #tpu.memory_space<vmem>>, vector<16xf32>,
        %parallel_loop3A_1874 = arith.constant 0 : i32
        %parallel_loop3A_1875 = tpu.memref_slice %arg6[%mul3A_239, %parallel_loop3A_1874] : memref<160x128xf32, #tpu.memory_space<vmem>> -> memref<80x128xf32, #tpu.memory_space<vmem>>
        %parallel_loop3A_1876 = arith.index_cast %parallel_loop3A_1837 : i32 to index
        %parallel_loop3A_1877 = arith.constant 48 : index
        %parallel_loop3A_1878 = tpu.vector_load %parallel_loop3A_1875[%parallel_loop3A_1876, %parallel_loop3A_1877] {strides = array<i32>} : memref<80x128xf32, #tpu.memory_space<vmem>>, vector<16xf32>,
        %parallel_loop3A_1879 = vector.broadcast %parallel_loop3A_1833 : f32 to vector<16xf32>
        %parallel_loop3A_1880 = arith.mulf %parallel_loop3A_1878, %parallel_loop3A_1879 : vector<16xf32>
        %parallel_loop3A_1881 = arith.constant 0 : i32
        %parallel_loop3A_1882 = tpu.memref_slice %arg7[%mul3A_241, %parallel_loop3A_1881] : memref<160x128xf32, #tpu.memory_space<vmem>> -> memref<80x128xf32, #tpu.memory_space<vmem>>
        %parallel_loop3A_1883 = arith.index_cast %parallel_loop3A_1837 : i32 to index
        %parallel_loop3A_1884 = arith.constant 48 : index
        %parallel_loop3A_1885 = tpu.vector_load %parallel_loop3A_1882[%parallel_loop3A_1883, %parallel_loop3A_1884] {strides = array<i32>} : memref<80x128xf32, #tpu.memory_space<vmem>>, vector<16xf32>,
        tpu.vector_store %parallel_loop3A_1882[%parallel_loop3A_1883, %parallel_loop3A_1884], %parallel_loop3A_1880 {strides = array<i32>} : memref<80x128xf32, #tpu.memory_space<vmem>>, vector<16xf32>,
        %parallel_loop3A_1886 = arith.constant 0 : i32
        %parallel_loop3A_1887 = tpu.memref_slice %arg6[%mul3A_239, %parallel_loop3A_1886] : memref<160x128xf32, #tpu.memory_space<vmem>> -> memref<80x128xf32, #tpu.memory_space<vmem>>
        %parallel_loop3A_1888 = arith.index_cast %parallel_loop3A_1837 : i32 to index
        %parallel_loop3A_1889 = arith.constant 64 : index
        %parallel_loop3A_1890 = tpu.vector_load %parallel_loop3A_1887[%parallel_loop3A_1888, %parallel_loop3A_1889] {strides = array<i32>} : memref<80x128xf32, #tpu.memory_space<vmem>>, vector<16xf32>,
        %parallel_loop3A_1891 = vector.broadcast %parallel_loop3A_1833 : f32 to vector<16xf32>
        %parallel_loop3A_1892 = arith.mulf %parallel_loop3A_1890, %parallel_loop3A_1891 : vector<16xf32>
        %parallel_loop3A_1893 = arith.constant 0 : i32
        %parallel_loop3A_1894 = tpu.memref_slice %arg7[%mul3A_241, %parallel_loop3A_1893] : memref<160x128xf32, #tpu.memory_space<vmem>> -> memref<80x128xf32, #tpu.memory_space<vmem>>
        %parallel_loop3A_1895 = arith.index_cast %parallel_loop3A_1837 : i32 to index
        %parallel_loop3A_1896 = arith.constant 64 : index
        %parallel_loop3A_1897 = tpu.vector_load %parallel_loop3A_1894[%parallel_loop3A_1895, %parallel_loop3A_1896] {strides = array<i32>} : memref<80x128xf32, #tpu.memory_space<vmem>>, vector<16xf32>,
        tpu.vector_store %parallel_loop3A_1894[%parallel_loop3A_1895, %parallel_loop3A_1896], %parallel_loop3A_1892 {strides = array<i32>} : memref<80x128xf32, #tpu.memory_space<vmem>>, vector<16xf32>,
        %parallel_loop3A_1898 = arith.constant 0 : i32
        %parallel_loop3A_1899 = tpu.memref_slice %arg6[%mul3A_239, %parallel_loop3A_1898] : memref<160x128xf32, #tpu.memory_space<vmem>> -> memref<80x128xf32, #tpu.memory_space<vmem>>
        %parallel_loop3A_1900 = arith.index_cast %parallel_loop3A_1837 : i32 to index
        %parallel_loop3A_1901 = arith.constant 80 : index
        %parallel_loop3A_1902 = tpu.vector_load %parallel_loop3A_1899[%parallel_loop3A_1900, %parallel_loop3A_1901] {strides = array<i32>} : memref<80x128xf32, #tpu.memory_space<vmem>>, vector<16xf32>,
        %parallel_loop3A_1903 = vector.broadcast %parallel_loop3A_1833 : f32 to vector<16xf32>
        %parallel_loop3A_1904 = arith.mulf %parallel_loop3A_1902, %parallel_loop3A_1903 : vector<16xf32>
        %parallel_loop3A_1905 = arith.constant 0 : i32
        %parallel_loop3A_1906 = tpu.memref_slice %arg7[%mul3A_241, %parallel_loop3A_1905] : memref<160x128xf32, #tpu.memory_space<vmem>> -> memref<80x128xf32, #tpu.memory_space<vmem>>
        %parallel_loop3A_1907 = arith.index_cast %parallel_loop3A_1837 : i32 to index
        %parallel_loop3A_1908 = arith.constant 80 : index
        %parallel_loop3A_1909 = tpu.vector_load %parallel_loop3A_1906[%parallel_loop3A_1907, %parallel_loop3A_1908] {strides = array<i32>} : memref<80x128xf32, #tpu.memory_space<vmem>>, vector<16xf32>,
        tpu.vector_store %parallel_loop3A_1906[%parallel_loop3A_1907, %parallel_loop3A_1908], %parallel_loop3A_1904 {strides = array<i32>} : memref<80x128xf32, #tpu.memory_space<vmem>>, vector<16xf32>,
        %parallel_loop3A_1910 = arith.constant 0 : i32
        %parallel_loop3A_1911 = tpu.memref_slice %arg6[%mul3A_239, %parallel_loop3A_1910] : memref<160x128xf32, #tpu.memory_space<vmem>> -> memref<80x128xf32, #tpu.memory_space<vmem>>
        %parallel_loop3A_1912 = arith.index_cast %parallel_loop3A_1837 : i32 to index
        %parallel_loop3A_1913 = arith.constant 96 : index
        %parallel_loop3A_1914 = tpu.vector_load %parallel_loop3A_1911[%parallel_loop3A_1912, %parallel_loop3A_1913] {strides = array<i32>} : memref<80x128xf32, #tpu.memory_space<vmem>>, vector<16xf32>,
        %parallel_loop3A_1915 = vector.broadcast %parallel_loop3A_1833 : f32 to vector<16xf32>
        %parallel_loop3A_1916 = arith.mulf %parallel_loop3A_1914, %parallel_loop3A_1915 : vector<16xf32>
        %parallel_loop3A_1917 = arith.constant 0 : i32
        %parallel_loop3A_1918 = tpu.memref_slice %arg7[%mul3A_241, %parallel_loop3A_1917] : memref<160x128xf32, #tpu.memory_space<vmem>> -> memref<80x128xf32, #tpu.memory_space<vmem>>
        %parallel_loop3A_1919 = arith.index_cast %parallel_loop3A_1837 : i32 to index
        %parallel_loop3A_1920 = arith.constant 96 : index
        %parallel_loop3A_1921 = tpu.vector_load %parallel_loop3A_1918[%parallel_loop3A_1919, %parallel_loop3A_1920] {strides = array<i32>} : memref<80x128xf32, #tpu.memory_space<vmem>>, vector<16xf32>,
        tpu.vector_store %parallel_loop3A_1918[%parallel_loop3A_1919, %parallel_loop3A_1920], %parallel_loop3A_1916 {strides = array<i32>} : memref<80x128xf32, #tpu.memory_space<vmem>>, vector<16xf32>,
        %parallel_loop3A_1922 = arith.constant 0 : i32
        %parallel_loop3A_1923 = tpu.memref_slice %arg6[%mul3A_239, %parallel_loop3A_1922] : memref<160x128xf32, #tpu.memory_space<vmem>> -> memref<80x128xf32, #tpu.memory_space<vmem>>
        %parallel_loop3A_1924 = arith.index_cast %parallel_loop3A_1837 : i32 to index
        %parallel_loop3A_1925 = arith.constant 112 : index
        %parallel_loop3A_1926 = tpu.vector_load %parallel_loop3A_1923[%parallel_loop3A_1924, %parallel_loop3A_1925] {strides = array<i32>} : memref<80x128xf32, #tpu.memory_space<vmem>>, vector<16xf32>,
        %parallel_loop3A_1927 = vector.broadcast %parallel_loop3A_1833 : f32 to vector<16xf32>
        %parallel_loop3A_1928 = arith.mulf %parallel_loop3A_1926, %parallel_loop3A_1927 : vector<16xf32>
        %parallel_loop3A_1929 = arith.constant 0 : i32
        %parallel_loop3A_1930 = tpu.memref_slice %arg7[%mul3A_241, %parallel_loop3A_1929] : memref<160x128xf32, #tpu.memory_space<vmem>> -> memref<80x128xf32, #tpu.memory_space<vmem>>
        %parallel_loop3A_1931 = arith.index_cast %parallel_loop3A_1837 : i32 to index
        %parallel_loop3A_1932 = arith.constant 112 : index
        %parallel_loop3A_1933 = tpu.vector_load %parallel_loop3A_1930[%parallel_loop3A_1931, %parallel_loop3A_1932] {strides = array<i32>} : memref<80x128xf32, #tpu.memory_space<vmem>>, vector<16xf32>,
        tpu.vector_store %parallel_loop3A_1930[%parallel_loop3A_1931, %parallel_loop3A_1932], %parallel_loop3A_1928 {strides = array<i32>} : memref<80x128xf32, #tpu.memory_space<vmem>>, vector<16xf32>,
      } {sc.loop_unroll_factor = 5 : i64, sc.parallel_access}
      %add3A_273 = arith.constant 2 : i32
      %add3A_274 = arith.addi %add3A_212, %add3A_273 : i32
      %lt3A_275 = arith.constant 125 : i32
      %lt3A_276 = arith.cmpi slt, %add3A_274, %lt3A_275 : i32
      %convert_element_type3A_277 = arith.extui %lt3A_276 : i1 to i32
      %cond3A_278 = arith.constant 0 : i32
      %cond3A_279 = arith.cmpi ne, %convert_element_type3A_277, %cond3A_278 : i32
      scf.if %cond3A_279 {
        %add3A_292 = arith.constant 2 : i32
        %add3A_293 = arith.addi %select_n3A_221, %add3A_292 : i32
        %jit3A_294 = arith.constant 6 : i32
        %eq3A_295 = arith.constant 0 : i32
        %eq3A_296 = arith.cmpi eq, %jit3A_294, %eq3A_295 : i32
        %jit3A_297 = arith.constant 1 : i32
        %select_n3A_298 = arith.select %eq3A_296, %jit3A_297, %jit3A_294 : i32
        %rem3A_299 = arith.remsi %add3A_293, %select_n3A_298 : i32
        %ne3A_300 = arith.constant 0 : i32
        %ne3A_301 = arith.cmpi ne, %rem3A_299, %ne3A_300 : i32
        %lt3A_302 = arith.constant 0 : i32
        %lt3A_303 = arith.cmpi slt, %rem3A_299, %lt3A_302 : i32
        %lt3A_304 = arith.constant 0 : i32
        %lt3A_305 = arith.cmpi slt, %select_n3A_298, %lt3A_304 : i32
        %ne3A_306 = arith.xori %lt3A_303, %lt3A_305 : i1
        %and3A_307 = arith.andi %ne3A_306, %ne3A_301 : i1
        %add3A_308 = arith.addi %rem3A_299, %select_n3A_298 : i32
        %select_n3A_309 = arith.select %and3A_307, %add3A_308, %rem3A_299 : i32
        %mul3A_310 = arith.constant 8 : i32
        %mul3A_311 = arith.muli %select_n3A_309, %mul3A_310 : i32
        %dma_wait3A_312 = arith.constant 0 : i32
        %dma_wait3A_313 = arith.constant 0 : i32
        %dma_wait3A_314 = tpu.memref_slice %arg5[%mul3A_311, %dma_wait3A_313] : memref<48x80xi32, #tpu.memory_space<vmem>> -> memref<8x80xi32, #tpu.memory_space<vmem>>
        %dma_wait3A_315 = arith.constant 0 : i32
        %dma_wait3A_316 = arith.constant 0 : i32
        %dma_wait3A_317 = tpu.memref_slice %arg3[%add3A, %dma_wait3A_312, %dma_wait3A_315, %dma_wait3A_316] : memref<32x125x8x80xi32, #tpu.memory_space<hbm>> -> memref<1x1x8x80xi32, #tpu.memory_space<hbm>>
        %dma_wait3A_318 = tpu.memref_squeeze %dma_wait3A_317 : memref<1x1x8x80xi32, #tpu.memory_space<hbm>> -> memref<8x80xi32, #tpu.memory_space<hbm>>
        %dma_wait3A_319 = tpu.memref_slice %arg11[%select_n3A_309] : memref<6x!tpu.dma_semaphore, #tpu.memory_space<semaphore_mem>> -> memref<1x!tpu.dma_semaphore, #tpu.memory_space<semaphore_mem>>
        %dma_wait3A_320 = tpu.memref_squeeze %dma_wait3A_319 : memref<1x!tpu.dma_semaphore, #tpu.memory_space<semaphore_mem>> -> memref<!tpu.dma_semaphore, #tpu.memory_space<semaphore_mem>>
        %dma_wait3A_321 = arith.constant 0 : i32
        %dma_wait3A_322 = tpu.memref_slice %arg5[%mul3A_311, %dma_wait3A_321] : memref<48x80xi32, #tpu.memory_space<vmem>> -> memref<8x80xi32, #tpu.memory_space<vmem>>
        %dma_wait3A_323 = arith.constant 0 : i32
        %dma_wait3A_324 = arith.constant 0 : i32
        %dma_wait3A_325 = tpu.memref_slice %arg3[%add3A, %dma_wait3A_312, %dma_wait3A_323, %dma_wait3A_324] : memref<32x125x8x80xi32, #tpu.memory_space<hbm>> -> memref<1x1x8x80xi32, #tpu.memory_space<hbm>>
        %dma_wait3A_326 = tpu.memref_squeeze %dma_wait3A_325 : memref<1x1x8x80xi32, #tpu.memory_space<hbm>> -> memref<8x80xi32, #tpu.memory_space<hbm>>
        tpu.wait_dma2 semaphore(%dma_wait3A_320 : memref<!tpu.dma_semaphore, #tpu.memory_space<semaphore_mem>>) src(%dma_wait3A_326 : memref<8x80xi32, #tpu.memory_space<hbm>>) dst(%dma_wait3A_322 : memref<8x80xi32, #tpu.memory_space<vmem>>)
        %mul3A_327 = arith.constant 8 : i32
        %mul3A_328 = arith.muli %select_n3A_309, %mul3A_327 : i32
        %dma_start3A_329 = arith.constant 0 : i32
        %dma_start3A_330 = tpu.memref_slice %arg6[%mul3A_239, %dma_start3A_329] : memref<160x128xf32, #tpu.memory_space<vmem>> -> memref<80x128xf32, #tpu.memory_space<vmem>>
        %dma_start3A_331 = arith.constant 0 : i32
        %dma_start3A_332 = tpu.memref_slice %arg5[%mul3A_328, %dma_start3A_331] : memref<48x80xi32, #tpu.memory_space<vmem>> -> memref<1x80xi32, #tpu.memory_space<vmem>>
        %dma_start3A_333 = tpu.memref_squeeze %dma_start3A_332 : memref<1x80xi32, #tpu.memory_space<vmem>> -> memref<80xi32, #tpu.memory_space<vmem>>
        %dma_start3A_334 = arith.constant 0 : i32
        %dma_start3A_335 = arith.constant 0 : i32
        %dma_start3A_336 = tpu.memref_slice %arg2[%dma_start3A_334, %dma_start3A_335] : memref<10240x128xf32, #tpu.memory_space<hbm>> -> memref<10240x128xf32, #tpu.memory_space<hbm>>
        %dma_start3A_337 = tpu.memref_slice %arg9[%select_n3A_237] : memref<2x!tpu.dma_semaphore, #tpu.memory_space<semaphore_mem>> -> memref<1x!tpu.dma_semaphore, #tpu.memory_space<semaphore_mem>>
        %dma_start3A_338 = tpu.memref_squeeze %dma_start3A_337 : memref<1x!tpu.dma_semaphore, #tpu.memory_space<semaphore_mem>> -> memref<!tpu.dma_semaphore, #tpu.memory_space<semaphore_mem>>
        tpu.enqueue_indirect_dma source(%dma_start3A_336 : memref<10240x128xf32, #tpu.memory_space<hbm>>) target(%dma_start3A_330 : memref<80x128xf32, #tpu.memory_space<vmem>>) offsets(%dma_start3A_333 : memref<80xi32, #tpu.memory_space<vmem>>) semaphore(%dma_start3A_338 : memref<!tpu.dma_semaphore, #tpu.memory_space<semaphore_mem>>)
      } else {
      }
      %add3A_280 = arith.constant 1 : i32
      %add3A_281 = arith.addi %mul3A_243, %add3A_280 : i32
      %dma_start3A_282 = arith.constant 0 : i32
      %dma_start3A_283 = tpu.memref_slice %arg7[%mul3A_241, %dma_start3A_282] : memref<160x128xf32, #tpu.memory_space<vmem>> -> memref<80x128xf32, #tpu.memory_space<vmem>>
      %dma_start3A_284 = arith.constant 0 : i32
      %dma_start3A_285 = tpu.memref_slice %arg5[%add3A_281, %dma_start3A_284] : memref<48x80xi32, #tpu.memory_space<vmem>> -> memref<1x80xi32, #tpu.memory_space<vmem>>
      %dma_start3A_286 = tpu.memref_squeeze %dma_start3A_285 : memref<1x80xi32, #tpu.memory_space<vmem>> -> memref<80xi32, #tpu.memory_space<vmem>>
      %dma_start3A_287 = arith.constant 0 : i32
      %dma_start3A_288 = arith.constant 0 : i32
      %dma_start3A_289 = tpu.memref_slice %arg8[%dma_start3A_287, %dma_start3A_288] : memref<10240x128xf32, #tpu.memory_space<vmem_shared>> -> memref<10240x128xf32, #tpu.memory_space<vmem_shared>>
      %dma_start3A_290 = tpu.memref_slice %arg10[%select_n3A_237] : memref<2x!tpu.dma_semaphore, #tpu.memory_space<semaphore_mem>> -> memref<1x!tpu.dma_semaphore, #tpu.memory_space<semaphore_mem>>
      %dma_start3A_291 = tpu.memref_squeeze %dma_start3A_290 : memref<1x!tpu.dma_semaphore, #tpu.memory_space<semaphore_mem>> -> memref<!tpu.dma_semaphore, #tpu.memory_space<semaphore_mem>>
      tpu.enqueue_indirect_dma source(%dma_start3A_283 : memref<80x128xf32, #tpu.memory_space<vmem>>) target(%dma_start3A_289 : memref<10240x128xf32, #tpu.memory_space<vmem_shared>>) offsets(%dma_start3A_286 : memref<80xi32, #tpu.memory_space<vmem>>) semaphore(%dma_start3A_291 : memref<!tpu.dma_semaphore, #tpu.memory_space<semaphore_mem>>) {add = true}
    }
    %scan3A_178 = arith.constant 125 : i32
    %dma_wait3A_179 = arith.constant 1 : i32
    %dma_wait3A_180 = arith.constant 0 : i32
    %dma_wait3A_181 = arith.constant 0 : i32
    %dma_wait3A_182 = arith.constant 0 : i32
    %dma_wait3A_183 = tpu.memref_slice %arg7[%dma_wait3A_181, %dma_wait3A_182] : memref<160x128xf32, #tpu.memory_space<vmem>> -> memref<80x128xf32, #tpu.memory_space<vmem>>
    %dma_wait3A_184 = arith.constant 0 : i32
    %dma_wait3A_185 = tpu.memref_slice %arg5[%dma_wait3A_179, %dma_wait3A_184] : memref<48x80xi32, #tpu.memory_space<vmem>> -> memref<1x80xi32, #tpu.memory_space<vmem>>
    %dma_wait3A_186 = tpu.memref_squeeze %dma_wait3A_185 : memref<1x80xi32, #tpu.memory_space<vmem>> -> memref<80xi32, #tpu.memory_space<vmem>>
    %dma_wait3A_187 = arith.constant 0 : i32
    %dma_wait3A_188 = arith.constant 0 : i32
    %dma_wait3A_189 = tpu.memref_slice %arg8[%dma_wait3A_187, %dma_wait3A_188] : memref<10240x128xf32, #tpu.memory_space<vmem_shared>> -> memref<10240x128xf32, #tpu.memory_space<vmem_shared>>
    %dma_wait3A_190 = tpu.memref_slice %arg10[%dma_wait3A_180] : memref<2x!tpu.dma_semaphore, #tpu.memory_space<semaphore_mem>> -> memref<1x!tpu.dma_semaphore, #tpu.memory_space<semaphore_mem>>
    %dma_wait3A_191 = tpu.memref_squeeze %dma_wait3A_190 : memref<1x!tpu.dma_semaphore, #tpu.memory_space<semaphore_mem>> -> memref<!tpu.dma_semaphore, #tpu.memory_space<semaphore_mem>>
    tpu.wait_indirect_dma semaphore(%dma_wait3A_191 : memref<!tpu.dma_semaphore, #tpu.memory_space<semaphore_mem>>) src(%dma_wait3A_183 : memref<80x128xf32, #tpu.memory_space<vmem>>) dst(%dma_wait3A_189 : memref<10240x128xf32, #tpu.memory_space<vmem_shared>>)
    %dma_wait3A_192 = arith.constant 9 : i32
    %dma_wait3A_193 = arith.constant 1 : i32
    %dma_wait3A_194 = arith.constant 80 : i32
    %dma_wait3A_195 = arith.constant 0 : i32
    %dma_wait3A_196 = tpu.memref_slice %arg7[%dma_wait3A_194, %dma_wait3A_195] : memref<160x128xf32, #tpu.memory_space<vmem>> -> memref<80x128xf32, #tpu.memory_space<vmem>>
    %dma_wait3A_197 = arith.constant 0 : i32
    %dma_wait3A_198 = tpu.memref_slice %arg5[%dma_wait3A_192, %dma_wait3A_197] : memref<48x80xi32, #tpu.memory_space<vmem>> -> memref<1x80xi32, #tpu.memory_space<vmem>>
    %dma_wait3A_199 = tpu.memref_squeeze %dma_wait3A_198 : memref<1x80xi32, #tpu.memory_space<vmem>> -> memref<80xi32, #tpu.memory_space<vmem>>
    %dma_wait3A_200 = arith.constant 0 : i32
    %dma_wait3A_201 = arith.constant 0 : i32
    %dma_wait3A_202 = tpu.memref_slice %arg8[%dma_wait3A_200, %dma_wait3A_201] : memref<10240x128xf32, #tpu.memory_space<vmem_shared>> -> memref<10240x128xf32, #tpu.memory_space<vmem_shared>>
    %dma_wait3A_203 = tpu.memref_slice %arg10[%dma_wait3A_193] : memref<2x!tpu.dma_semaphore, #tpu.memory_space<semaphore_mem>> -> memref<1x!tpu.dma_semaphore, #tpu.memory_space<semaphore_mem>>
    %dma_wait3A_204 = tpu.memref_squeeze %dma_wait3A_203 : memref<1x!tpu.dma_semaphore, #tpu.memory_space<semaphore_mem>> -> memref<!tpu.dma_semaphore, #tpu.memory_space<semaphore_mem>>
    tpu.wait_indirect_dma semaphore(%dma_wait3A_204 : memref<!tpu.dma_semaphore, #tpu.memory_space<semaphore_mem>>) src(%dma_wait3A_196 : memref<80x128xf32, #tpu.memory_space<vmem>>) dst(%dma_wait3A_202 : memref<10240x128xf32, #tpu.memory_space<vmem_shared>>)
    %barrier3A_205 = arith.constant 0 : index
    tpu.barrier barrier_id(%barrier3A_205)
    %mul3A_206 = arith.constant 640 : i32
    %mul3A_207 = arith.muli %arg1, %mul3A_206 : i32
    %multiple_of3A = tpu.assume_multiple %mul3A_207, 640 : i32
    "tpu.region"() ({
      %run_scoped3A = tpu.sem_alloc : memref<!tpu.dma_semaphore, #tpu.memory_space<semaphore_mem>>
      %dma_start3A_208 = arith.constant 0 : i32
      %dma_start3A_209 = tpu.memref_slice %arg4[%arg0, %multiple_of3A, %dma_start3A_208] : memref<2x10240x128xf32, #tpu.memory_space<hbm>> -> memref<1x640x128xf32, #tpu.memory_space<hbm>>
      %dma_start3A_210 = tpu.memref_squeeze %dma_start3A_209 : memref<1x640x128xf32, #tpu.memory_space<hbm>> -> memref<640x128xf32, #tpu.memory_space<hbm>>
      %dma_start3A_211 = arith.constant 0 : i32
      %dma_start3A_212 = tpu.memref_slice %arg8[%multiple_of3A, %dma_start3A_211] : memref<10240x128xf32, #tpu.memory_space<vmem_shared>> -> memref<640x128xf32, #tpu.memory_space<vmem_shared>>
      tpu.enqueue_dma source(%dma_start3A_212 : memref<640x128xf32, #tpu.memory_space<vmem_shared>>) target(%dma_start3A_210 : memref<640x128xf32, #tpu.memory_space<hbm>>) target_semaphore(%run_scoped3A : memref<!tpu.dma_semaphore, #tpu.memory_space<semaphore_mem>>)
      %dma_wait3A_213 = arith.constant 0 : i32
      %dma_wait3A_214 = tpu.memref_slice %arg4[%arg0, %multiple_of3A, %dma_wait3A_213] : memref<2x10240x128xf32, #tpu.memory_space<hbm>> -> memref<1x640x128xf32, #tpu.memory_space<hbm>>
      %dma_wait3A_215 = tpu.memref_squeeze %dma_wait3A_214 : memref<1x640x128xf32, #tpu.memory_space<hbm>> -> memref<640x128xf32, #tpu.memory_space<hbm>>
      %dma_wait3A_216 = arith.constant 0 : i32
      %dma_wait3A_217 = tpu.memref_slice %arg8[%multiple_of3A, %dma_wait3A_216] : memref<10240x128xf32, #tpu.memory_space<vmem_shared>> -> memref<640x128xf32, #tpu.memory_space<vmem_shared>>
      tpu.wait_dma2 semaphore(%run_scoped3A : memref<!tpu.dma_semaphore, #tpu.memory_space<semaphore_mem>>) src(%dma_wait3A_217 : memref<640x128xf32, #tpu.memory_space<vmem_shared>>) dst(%dma_wait3A_215 : memref<640x128xf32, #tpu.memory_space<hbm>>)
      tpu.yield
    }) : () -> ()
    return
  }
}

module attributes {stable_mosaic.version = 14 : i64} {
  func.func @_pre_body(%arg0: i32, %arg1: memref<1024x128xf32, #tpu.memory_space<vmem>>, %arg2: memref<128x128xf32, #tpu.memory_space<vmem>>, %arg3: memref<2x1024xf32, #tpu.memory_space<vmem>>, %arg4: memref<1024x128xf32, #tpu.memory_space<vmem>>) attributes {dimension_semantics = [#tpu.dimension_semantics<arbitrary>], iteration_bounds = array<i64: 10>, scalar_prefetch = 0 : i64, scratch_operands = 0 : i64, tpu.core_type = #tpu.core_type<tc>, window_params = [{transform_indices = @transform_0, window_bounds = array<i64: 1024, 128>}, {pipeline_mode = #tpu.pipeline_mode<synchronous>, transform_indices = @transform_1, window_bounds = array<i64: 128, 128>}, {transform_indices = @transform_2, window_bounds = array<i64: 2, 1024>}, {transform_indices = @transform_3, window_bounds = array<i64: 1024, 128>}]} {
    %get3A = arith.constant 0 : index
    %get3A_0 = arith.constant 0 : index
    %get3A_1 = vector.load %arg3[%get3A, %get3A_0] : memref<2x1024xf32, #tpu.memory_space<vmem>>, vector<2x1024xf32>
    %reduce_sum3A = arith.constant dense<0.000000e+00> : vector<1024xf32>
    %reduce_sum3A_2 = vector.multi_reduction <add>, %get3A_1, %reduce_sum3A [0] : vector<2x1024xf32> to vector<1024xf32>
    %add3A = arith.constant 1.000000e+00 : f32
    %add3A_3 = vector.broadcast %add3A : f32 to vector<1024xf32>
    %add3A_4 = arith.addf %add3A_3, %reduce_sum3A_2 : vector<1024xf32>
    %rsqrt3A = math.rsqrt %add3A_4 : vector<1024xf32>
    %get3A_5 = arith.constant 0 : index
    %get3A_6 = arith.constant 0 : index
    %get3A_7 = vector.load %arg1[%get3A_5, %get3A_6] : memref<1024x128xf32, #tpu.memory_space<vmem>>, vector<1024x128xf32>
    %get3A_8 = arith.constant 0 : index
    %get3A_9 = arith.constant 0 : index
    %get3A_10 = vector.load %arg2[%get3A_8, %get3A_9] : memref<128x128xf32, #tpu.memory_space<vmem>>, vector<128x128xf32>
    %dot_general3A = arith.constant dense<0.000000e+00> : vector<1024x128xf32>
    %dot_general3A_11 = tpu.matmul %get3A_7, %get3A_10, %dot_general3A {dimension_numbers = #tpu.dot_dimension_numbers<[1], [0], [0], [1], [0, 0, 1, 1], [], []>, transpose_lhs_hint = false} : vector<1024x128xf32>, vector<128x128xf32>, vector<1024x128xf32> -> vector<1024x128xf32>
    %broadcast_in_dim3A = vector.shape_cast %rsqrt3A : vector<1024xf32> to vector<1024x1xf32>
    %mul3A = vector.broadcast %broadcast_in_dim3A : vector<1024x1xf32> to vector<1024x128xf32>
    %mul3A_12 = arith.mulf %dot_general3A_11, %mul3A : vector<1024x128xf32>
    %swap3A = arith.constant 0 : index
    %swap3A_13 = arith.constant 0 : index
    %swap3A_14 = vector.load %arg4[%swap3A, %swap3A_13] : memref<1024x128xf32, #tpu.memory_space<vmem>>, vector<1024x128xf32>
    tpu.vector_store %arg4[%swap3A, %swap3A_13], %mul3A_12 {strides = array<i32>} : memref<1024x128xf32, #tpu.memory_space<vmem>>, vector<1024x128xf32>,
    return
  }
  func.func @transform_0(%arg0: i32) -> (i32, i32) {
    %c0_i32 = arith.constant 0 : i32
    %c0_i32_0 = arith.constant 0 : i32
    return %arg0, %c0_i32 : i32, i32
  }
  func.func @transform_1(%arg0: i32) -> (i32, i32) {
    %c0_i32 = arith.constant 0 : i32
    %c0_i32_0 = arith.constant 0 : i32
    %c0_i32_1 = arith.constant 0 : i32
    return %c0_i32, %c0_i32_0 : i32, i32
  }
  func.func @transform_2(%arg0: i32) -> (i32, i32) {
    %c0_i32 = arith.constant 0 : i32
    %c0_i32_0 = arith.constant 0 : i32
    return %c0_i32, %arg0 : i32, i32
  }
  func.func @transform_3(%arg0: i32) -> (i32, i32) {
    %c0_i32 = arith.constant 0 : i32
    %c0_i32_0 = arith.constant 0 : i32
    return %arg0, %c0_i32 : i32, i32
  }
}

module attributes {stable_mosaic.version = 14 : i64} {
  func.func @_post_body(%arg0: i32, %arg1: memref<2x1024x128xf32, #tpu.memory_space<vmem>>, %arg2: memref<1024x128xf32, #tpu.memory_space<vmem>>, %arg3: memref<2x1024xf32, #tpu.memory_space<vmem>>, %arg4: memref<1x128xf32, #tpu.memory_space<vmem>>, %arg5: memref<1024x128xf32, #tpu.memory_space<vmem>>) attributes {dimension_semantics = [#tpu.dimension_semantics<arbitrary>], iteration_bounds = array<i64: 10>, scalar_prefetch = 0 : i64, scratch_operands = 0 : i64, tpu.core_type = #tpu.core_type<tc>, window_params = [{transform_indices = @transform_0, window_bounds = array<i64: 2, 1024, 128>}, {transform_indices = @transform_1, window_bounds = array<i64: 1024, 128>}, {transform_indices = @transform_2, window_bounds = array<i64: 2, 1024>}, {pipeline_mode = #tpu.pipeline_mode<synchronous>, transform_indices = @transform_3, window_bounds = array<i64: 1, 128>}, {transform_indices = @transform_4, window_bounds = array<i64: 1024, 128>}]} {
    %get3A = arith.constant 0 : index
    %get3A_0 = arith.constant 0 : index
    %get3A_1 = vector.load %arg3[%get3A, %get3A_0] : memref<2x1024xf32, #tpu.memory_space<vmem>>, vector<2x1024xf32>
    %reduce_sum3A = arith.constant dense<0.000000e+00> : vector<1024xf32>
    %reduce_sum3A_2 = vector.multi_reduction <add>, %get3A_1, %reduce_sum3A [0] : vector<2x1024xf32> to vector<1024xf32>
    %add3A = arith.constant 1.000000e+00 : f32
    %add3A_3 = vector.broadcast %add3A : f32 to vector<1024xf32>
    %add3A_4 = arith.addf %add3A_3, %reduce_sum3A_2 : vector<1024xf32>
    %rsqrt3A = math.rsqrt %add3A_4 : vector<1024xf32>
    %broadcast_in_dim3A = vector.shape_cast %rsqrt3A : vector<1024xf32> to vector<1024x1xf32>
    %get3A_5 = arith.constant 0 : index
    %get3A_6 = arith.constant 0 : index
    %get3A_7 = arith.constant 0 : index
    %get3A_8 = vector.load %arg1[%get3A_5, %get3A_6, %get3A_7] : memref<2x1024x128xf32, #tpu.memory_space<vmem>>, vector<1x1024x128xf32>
    %get3A_9 = vector.shape_cast %get3A_8 : vector<1x1024x128xf32> to vector<1024x128xf32>
    %get3A_10 = arith.constant 1 : index
    %get3A_11 = arith.constant 0 : index
    %get3A_12 = arith.constant 0 : index
    %get3A_13 = vector.load %arg1[%get3A_10, %get3A_11, %get3A_12] : memref<2x1024x128xf32, #tpu.memory_space<vmem>>, vector<1x1024x128xf32>
    %get3A_14 = vector.shape_cast %get3A_13 : vector<1x1024x128xf32> to vector<1024x128xf32>
    %add3A_15 = arith.addf %get3A_9, %get3A_14 : vector<1024x128xf32>
    %get3A_16 = arith.constant 0 : index
    %get3A_17 = arith.constant 0 : index
    %get3A_18 = vector.load %arg2[%get3A_16, %get3A_17] : memref<1024x128xf32, #tpu.memory_space<vmem>>, vector<1024x128xf32>
    %add3A_19 = arith.addf %add3A_15, %get3A_18 : vector<1024x128xf32>
    %mul3A = vector.broadcast %broadcast_in_dim3A : vector<1024x1xf32> to vector<1024x128xf32>
    %mul3A_20 = arith.mulf %mul3A, %add3A_19 : vector<1024x128xf32>
    %get3A_21 = arith.constant 0 : index
    %get3A_22 = arith.constant 0 : index
    %get3A_23 = vector.load %arg4[%get3A_21, %get3A_22] : memref<1x128xf32, #tpu.memory_space<vmem>>, vector<1x128xf32>
    %add3A_24 = vector.broadcast %get3A_23 : vector<1x128xf32> to vector<1024x128xf32>
    %add3A_25 = arith.addf %mul3A_20, %add3A_24 : vector<1024x128xf32>
    %max3A = arith.constant 0.000000e+00 : f32
    %max3A_26 = vector.broadcast %max3A : f32 to vector<1024x128xf32>
    %max3A_27 = arith.maximumf %add3A_25, %max3A_26 : vector<1024x128xf32>
    %swap3A = arith.constant 0 : index
    %swap3A_28 = arith.constant 0 : index
    %swap3A_29 = vector.load %arg5[%swap3A, %swap3A_28] : memref<1024x128xf32, #tpu.memory_space<vmem>>, vector<1024x128xf32>
    tpu.vector_store %arg5[%swap3A, %swap3A_28], %max3A_27 {strides = array<i32>} : memref<1024x128xf32, #tpu.memory_space<vmem>>, vector<1024x128xf32>,
    return
  }
  func.func @transform_0(%arg0: i32) -> (i32, i32, i32) {
    %c0_i32 = arith.constant 0 : i32
    %c0_i32_0 = arith.constant 0 : i32
    %c0_i32_1 = arith.constant 0 : i32
    return %c0_i32, %arg0, %c0_i32_0 : i32, i32, i32
  }
  func.func @transform_1(%arg0: i32) -> (i32, i32) {
    %c0_i32 = arith.constant 0 : i32
    %c0_i32_0 = arith.constant 0 : i32
    return %arg0, %c0_i32 : i32, i32
  }
  func.func @transform_2(%arg0: i32) -> (i32, i32) {
    %c0_i32 = arith.constant 0 : i32
    %c0_i32_0 = arith.constant 0 : i32
    return %c0_i32, %arg0 : i32, i32
  }
  func.func @transform_3(%arg0: i32) -> (i32, i32) {
    %c0_i32 = arith.constant 0 : i32
    %c0_i32_0 = arith.constant 0 : i32
    %c0_i32_1 = arith.constant 0 : i32
    return %c0_i32, %c0_i32_0 : i32, i32
  }
  func.func @transform_4(%arg0: i32) -> (i32, i32) {
    %c0_i32 = arith.constant 0 : i32
    %c0_i32_0 = arith.constant 0 : i32
    return %arg0, %c0_i32 : i32, i32
  }
}

</mosaic_0001>

<sc_bundles>
// kernel: closed_call.12.cloned.1.call-start
scs
__scs_entry_jumppad:
0x0: {  	(pc) =	sbr.rel $0x88, $3  }
0x1: {  	(tag) =	ssettag $0x0;
	lr =	simm.s32 $0x1  }
0x2: {  	[smem:$0x3F9A] =	sst lr;
	_ =	strace $0xD0000000  }
0x3: {  	_ = 	snop  }
0x4: {  	_ = 	snop  }
0x5: {  	_ = 	snop  }
0x6: {  	_ = 	snop  }
0x7: {  	_ = 	snop  }
__scs_overlays_trampoline_lowered:
0x8: {  	[smem:$0x3FA9] =	sst s0  }
0x9: {  	[smem:$0x3FAA] =	sst s1  }
0xa: {  	[smem:$0x3FAB] =	sst s2  }
0xb: {  	[smem:$0x3FAC] =	sst s3  }
0xc: {  	[smem:$0x3FAD] =	sst s4  }
0xd: {  	[smem:$0x3FAE] =	sst s5  }
0xe: {  	[smem:$0x3FAF] =	sst s6  }
0xf: {  	[smem:$0x3FB0] =	sst s7  }
0x10: {  	[smem:$0x3FB1] =	sst s8  }
0x11: {  	[smem:$0x3FB2] =	sst s9;
	s0 =	simm.s32 @!p0 $0x0  }
0x12: {  	s1 =	sld [smem:$0x3F98];
	s0 =	simm.s32 @p0 $0x1  }
0x13: {  	[smem:$0x3FB3] =	sst s0;
	s0 =	simm.s32 @!p1 $0x0  }
0x14: {  	s2 =	sld [smem:$0x3F97];
	s0 =	simm.s32 @p1 $0x1  }
0x15: {  	[smem:$0x3FB4] =	sst s0;
	s0 =	simm.s32 @!p2 $0x0  }
0x16: {  	s3 =	sld [smem:$0x3FDB];
	s0 =	simm.s32 @p2 $0x1  }
0x17: {  	s4 =	simm.s32 $0x1BF5;
	[smem:$0x3FB6] =	sst s0  }
0x18: {  	s0 =	sld [smem:$0x3F99];
	_ =	swait.ge [sflag:s4], $0x0  }
0x19: {  	s7 =	sld [smem:$0x3F9A]  }
0x1a: {  	s8 =	sadd.s32 $0xFFFFE003, lr  }
0x1b: {  	s9 =	sadd.s32 $0xFFFFFEF7, lr;
	s5 =	simm.s32 $0xFFFFFFFF;
	p2 =	slt.u32 s8, $0xFFFFF086  }
0x1c: {  	p1 =	slt.u32 s9, $0xF7A;
	s5 =	simm.s32 @!p2 $0x0  }
0x1d: {  	s5 =	simm.s32 @p1 $0x1;
	p0 =	seq.s32 s7, s2  }
0x1e: {  	s7 =	smul.u32 @!p0 $0xF7A, s2;
	p2 =	seq.s32 @!p0 s5, $0x0  }
0x1f: {  	s9 =	smul.u32 $0xF7A, s1;
	s8 =	simm.s32 @!p0 $0x1BF5;
	p2 =	por !p2, p0  }
0x20: {  	[sflag:s8] =	ssyncset.s32 @!p0 $0xFFFFF086;
	s6 =	sadd.s32 @!p0 s3, s7;
	s7 =	simm.s32 @!p0 $0x108  }
0x21: {  	s3 =	sadd.s32 s3, s9;
	s6 =	sadd.s32 @!p0 $0x88, s6;
	s7 =	simm.s32 @p2 $0x1082  }
0x22: {  	[simem:s7], [sflag:s8] =	dma.local @!p0 [hbm:s6], $0xF7A  }
0x23: {  	s9 =	sor.u32 $0xD0000000, s2;
	s6 =	simm.s32 $0x108;
	_ =	swait.ge @!p0 [sflag:s8], $0x0  }
0x24: {  	s3 =	sadd.s32 $0x88, s3;
	s6 =	simm.s32 @!p1 $0x1082;
	[sflag:s4] =	ssyncset.s32 $0xFFFFF086  }
0x25: {  	[simem:s6], [sflag:s4] =	dma.local [hbm:s3], $0xF7A  }
0x26: {  	[smem:$0x3F9A] =	sst s1;
	(tag) =	ssettag s2;
	_ =	strace s9  }
0x27: {  	s1 =	sld [smem:$0x3FAA]  }
0x28: {  	s2 =	sld [smem:$0x3FAB]  }
0x29: {  	s4 =	sld [smem:$0x3FAD]  }
0x2a: {  	p0 =	seq.s32 s5, $0x0;
	s5 =	sld [smem:$0x3FAE]  }
0x2b: {  	s6 =	sld [smem:$0x3FAF]  }
0x2c: {  	s7 =	sld [smem:$0x3FB0]  }
0x2d: {  	s3 =	simm.s32 $0x108;
	s8 =	sld [smem:$0x3FB1]  }
0x2e: {  	s3 =	simm.s32 @!p0 $0x1082;
	s9 =	sld [smem:$0x3FB2]  }
0x2f: {  	lr =	sadd.s32 s0, s3;
	s0 =	sld [smem:$0x3FA9]  }
0x30: {  	s3 =	sld [smem:$0x3FAC]  }
0x31: {  	[smem:$0x3FB5] =	sst s10  }
0x32: {  	s10 =	sld [smem:$0x3FB3];
	_ =	sdelay $0x3  }
0x33: {  	p0 =	seq.s32 s10, $0x1;
	s10 =	sld [smem:$0x3FB5];
	_ =	sdelay $0x3  }
0x34: {  	[smem:$0x3FB5] =	sst s10  }
0x35: {  	s10 =	sld [smem:$0x3FB4];
	_ =	sdelay $0x3  }
0x36: {  	p1 =	seq.s32 s10, $0x1;
	s10 =	sld [smem:$0x3FB5];
	_ =	sdelay $0x3  }
0x37: {  	[smem:$0x3FB5] =	sst s10  }
0x38: {  	s10 =	sld [smem:$0x3FB6]  }
0x39: {  	_ = 	snop;
	(pc) =	sbr.ind lr, $3  }
0x3a: {  	_ = 	snop  }
0x3b: {  	_ = 	snop  }
0x3c: {  	p2 =	seq.s32 s10, $0x1;
	s10 =	sld [smem:$0x3FB5]  }
0x3d: {  	_ =	shalt  }
0x3e: {  	_ =	shalt  }
0x3f: {  	_ =	shalt  }
0x40: {  	_ =	shalt  }
0x41: {  	_ =	shalt  }
0x42: {  	_ =	shalt  }
0x43: {  	_ =	shalt  }
0x44: {  	_ =	shalt  }
0x45: {  	_ =	shalt  }
0x46: {  	_ =	shalt  }
0x47: {  	_ =	shalt  }
0x48: {  	_ =	shalt  }
0x49: {  	_ =	shalt  }
0x4a: {  	_ =	shalt  }
0x4b: {  	_ =	shalt  }
0x4c: {  	_ =	shalt  }
0x4d: {  	_ =	shalt  }
0x4e: {  	_ =	shalt  }
0x4f: {  	_ =	shalt  }
0x50: {  	_ =	shalt  }
0x51: {  	_ =	shalt  }
0x52: {  	_ =	shalt  }
0x53: {  	_ =	shalt  }
0x54: {  	_ =	shalt  }
0x55: {  	_ =	shalt  }
0x56: {  	_ =	shalt  }
0x57: {  	_ =	shalt  }
0x58: {  	_ =	shalt  }
0x59: {  	_ =	shalt  }
0x5a: {  	_ =	shalt  }
0x5b: {  	_ =	shalt  }
0x5c: {  	_ =	shalt  }
0x5d: {  	_ =	shalt  }
0x5e: {  	_ =	shalt  }
0x5f: {  	_ =	shalt  }
0x60: {  	_ =	shalt  }
0x61: {  	_ =	shalt  }
0x62: {  	_ =	shalt  }
0x63: {  	_ =	shalt  }
0x64: {  	_ =	shalt  }
0x65: {  	_ =	shalt  }
0x66: {  	_ =	shalt  }
0x67: {  	_ =	shalt  }
0x68: {  	_ =	shalt  }
0x69: {  	_ =	shalt  }
0x6a: {  	_ =	shalt  }
0x6b: {  	_ =	shalt  }
0x6c: {  	_ =	shalt  }
0x6d: {  	_ =	shalt  }
0x6e: {  	_ =	shalt  }
0x6f: {  	_ =	shalt  }
0x70: {  	_ =	shalt  }
0x71: {  	_ =	shalt  }
0x72: {  	_ =	shalt  }
0x73: {  	_ =	shalt  }
0x74: {  	_ =	shalt  }
0x75: {  	_ =	shalt  }
0x76: {  	_ =	shalt  }
0x77: {  	_ =	shalt  }
0x78: {  	_ =	shalt  }
0x79: {  	_ =	shalt  }
0x7a: {  	_ =	shalt  }
0x7b: {  	_ =	shalt  }
0x7c: {  	_ =	shalt  }
0x7d: {  	_ =	shalt  }
0x7e: {  	_ =	shalt  }
0x7f: {  	_ =	shalt  }
0x80: {  	_ =	shalt  }
0x81: {  	_ =	shalt  }
0x82: {  	_ =	shalt  }
0x83: {  	_ =	shalt  }
0x84: {  	_ =	shalt  }
0x85: {  	_ =	shalt  }
0x86: {  	_ =	shalt  }
0x87: {  	_ =	shalt  }
.Lfunc_end0:
.L_simem_size_0:
called_computation_lowered:
.L_overlay_start_0:
0x88: {  	s2 =	sld [smem:$0x3FD9]  }
0x89: {  	s3 =	sld [smem:$0x3FFE];
	_ =	sdelay $0x1  }
0x8a: {  	s1 =	srdreg.scid  }
0x8b: {  	s0 =	sand.u32 $0x1, s1  }
0x8c: {  	s16 =	sshll.u32 s0, $0xA;
	s2 =	sadd.s32 s3, s2  }
0x8d: {  	s2 =	sadd.s32 s2, s16  }
0x8e: {  	[smem:$0x3FC1] =	sst s2  }
0x8f: {  	_ = 	snop  }
0x90: {  	(tm) =	ssettm $0x1  }
0x91: {  	s17 =	sld [smem:$0x3FFB];
	_ =	sdelay $0x3  }
0x92: {  	_ =	strace s17  }
0x93: {  	s2 =	sld [smem:$0x3FFC];
	_ =	sdelay $0x3  }
0x94: {  	_ =	strace s2  }
0x95: {  	s2 =	sld [smem:$0x3FFD];
	_ =	sdelay $0x3  }
0x96: {  	_ =	strace s2  }
0x97: {  	_ =	strace $0x8FFFFFFF  }
0x98: {  	s18 =	sld [smem:$0x3FDB];
	_ =	sdelay $0x1  }
0x99: {  	s19 =	simm.s32 $_scs_section_size  }
0x9a: {  	s4 =	simm.s32 $_size__tile_overlayer_lowered;
	s5 =	simm.s32 $_tile_overlayer_lowered  }
0x9b: {  	s22 =	simm.s32 $0x1BFF;
	s21 =	sshll.u32 s5, $0x1;
	s2 =	sadd.s32 s19, s18  }
0x9c: {  	s6 =	simm.s32 $0x0;
	s20 =	sshll.u32 s4, $0x1;
	s4 =	sadd.s32 s21, s2  }
0x9d: {  	[timem:s6], [sflag:s22] =	dma.local [hbm:s4], s20  }
0x9e: {  	_ =	swait.ge [sflag:s22], s20  }
0x9f: {  	s3 =	ssub.s32 $0x0, s20;
	[sflag:s22] =	ssyncset.done $0x0  }
0xa0: {  	[sflag:s22] =	ssyncadd.s32 s3;
	_ =	sdelay $0x1  }
0xa1: {  	s23 =	simm.s32 $0x1B8B  }
0xa2: {  	_ =	swait.ge [sflag:s23], $0x1  }
0xa3: {  	[sflag:s23] =	ssyncset.done $0x0  }
0xa4: {  	s25 =	simm.s32 $0x1B8E;
	s24 =	sld [smem:$0x3FFE];
	[sflag:s23] =	ssyncadd.s32 $0xFFFFFFFF  }
0xa5: {  	s26 =	simm.s32 $execute0_lowered;
	[smem:$0x3FD2] =	sst s25  }
0xa6: {  	s4 =	sshll.u32 s26, $0x1;
	_ =	strace $0x80000049;
	[dreg:$0x1] =	wrdreg $0xFFFFFFFF  }
0xa7: {  	s28 =	simm.s32 $_size_execute0_lowered;
	s2 =	sadd.s32 s2, s4;
	[dreg:$0x0] =	wrdreg $0x0  }
0xa8: {  	s4 =	sshll.u32 s28, $0x1;
	[dreg:$0x2] =	wrdreg s2  }
0xa9: {  	[dreg:$0x3] =	wrdreg s4  }
0xaa: {  	[dreg:$0x4] =	wrdreg $0xC0  }
0xab: {  	_ =	task [dreg:s6], $0x5FFFF  }
0xac: {  	[dreg:$0x1] =	wrdreg $0xFFFFFFFF  }
0xad: {  	[dreg:$0x0] =	wrdreg $0x60  }
0xae: {  	[dreg:$0x2] =	wrdreg s24  }
0xaf: {  	[dreg:$0x3] =	wrdreg $0xB8000  }
0xb0: {  	[dreg:$0x4] =	wrdreg $0x9  }
0xb1: {  	_ =	task.clear_ibuf [dreg:s6], $0x5FFFF;
	_ =	strace $0x90000049  }
0xb2: {  	s29 =	simm.s32 $0x9;
	_ =	strace $0x8000004B  }
0xb3: {  	_ =	swait.ge [sflag:s29], $0x1  }
0xb4: {  	[sflag:s29] =	ssyncadd.s32 $0xFFFFFFFF  }
0xb5: {  	_ =	strace $0x9000004B  }
0xb6: {  	_ =	sfence  }
0xb7: {  	s30 =	sld [smem:$0x0];
	_ =	sdelay $0x2  }
0xb8: {  	s31 =	sshll.u32 s1, $0xD;
	s1 =	sshrl.u32 s1, $0x2  }
0xb9: {  	s3 =	sand.u32 $0x4000, s31;
	s1 =	sadd.s32 s1, s30  }
0xba: {  	s0 =	sor.u32 s3, s0;
	s1 =	sshll.u32 s1, $0x11  }
0xbb: {  	s0 =	sor.u32 s1, s0  }
0xbc: {  	s0 =	sadd.s32 $0x8F2B, s0  }
0xbd: {  	[sflag:s0] =	ssyncadd.remote.s32 $0x1  }
0xbe: {  	_ =	sfence.sel $0xFFFF  }
0xbf: {  	[dreg:$0x0] =	wrdreg $0xFFFFFFFF;
	(pc) =	sbr.abs _section_cstart, $3  }
0xc0: {  	[dreg:$0x1] =	wrdreg $0xFFFFFFFF  }
0xc1: {  	_ =	task.clear_ibuf [dreg:s6], $0x2FFFF;
	_ =	strace $0x9FFFFFFF  }
0xc2: {  	(tm) =	ssettm $0x7FFFFFFF  }
0xc3: {  	_ =	shalt  }
tec
execute0_lowered:
.L_overlay_start_1:
0x0: {  	(tag) =	ssettag $0x1  }
0x1: {  	s0 =	rddreg [dreg:$0x0]  }
0x2: {  	s2 =	rddreg [dreg:$0x1];
	s1 =	srdreg.scid  }
0x3: {  	s11 =	stileid.u32;
	s3 =	simm.s32 $0x0;
	s30 =	simm.s32 $0x6  }
0x4: {  	s28 =	simm.s32 $0x4;
	s29 =	simm.s32 $0xB;
	s6 =	smul.u32 $0x14000, s11  }
0x5: {  	s31 =	simm.s32 $0x0;
	s1 =	sand.u32 $0x1, s1;
	s10 =	smul.u32 $0x50000, s11  }
0x6: {  	s4 =	sshll.u32 s11, $0x1;
	[smem:$0x7FF] =	sst s3;
	s22 =	smul.u32 $0x3E800, s11  }
0x7: {  	s8 =	sadd.s32 $0x1C00, s0;
	s5 =	smul.u32 $0x140000, s1;
	s4 =	sor.u32 s1, s4  }
0x8: {  	_ =	strace $0x8000004A;
	s9 =	ssub.s32 $0x2, s1;
	s1 =	smul.u32 $0x1F400, s1  }
0x9: {  	s7 =	smul.u32 $0x1F400, s4;
	s4 =	sadd.s32 $0x7EC00, s0;
	s17 =	sshrl.u32 s9, $0x1  }
0xa: {  	s21 =	sshrl.u32 s10, $0x2;
	s5 =	sadd.s32 s6, s5;
	s18 =	ssub.s32 s9, s17  }
0xb: {  	s9 =	sadd.s32 s21, s2;
	s26 =	sadd.s32 s1, s22;
	s22 =	simm.s32 $0x3  }
0xc: {  	s6 =	sshrl.u32 s5, $0x3;
	s16 =	sshrl.u32 s7, $0x3;
	s24 =	smax.u32 s18, $0x1  }
0xd: {  	s25 =	sadd.s32 $0x2800, s9;
	s13 =	sadd.s32 $0x5000, s9;
	s14 =	sadd.s32 $0x7800, s9  }
0xe: {  	s15 =	sadd.s32 $0xA000, s9;
	s17 =	sadd.s32 $0xF000, s9;
	s18 =	sadd.s32 $0x11800, s9  }
0xf: {  	s5 =	sadd.s32 s8, s16;
	s0 =	sadd.s32 s6, s0;
	[dreg:$0x7] =	wrdreg s24  }
0x10: {  	[dreg:$0x8] =	wrdreg s25;
	s16 =	sadd.s32 $0xC800, s9;
	s19 =	sadd.s32 $0x80, s5  }
0x11: {  	s6 =	simm.s32 $0x400;
	s20 =	sadd.s32 $0x100, s5;
	[dreg:$0x3] =	wrdreg s19  }
0x12: {  	s24 =	simm.s32 $0x1;
	s0 =	sadd.s32 $0xA6C00, s0;
	[dreg:$0x4] =	wrdreg s20  }
0x13: {  	s23 =	sadd.s32 $0x180, s5;
	[dreg:$0x6] =	wrdreg s0;
	s0 =	sadd.s32 $0x1000, s26  }
0x14: {  	s25 =	simm.s32 $0x5;
	[dreg:$0x5] =	wrdreg s23;
	s0 =	sshrl.u32 s0, $0x3  }
0x15: {  	v0 =	vimm.f32 $0.0e+00;
	s23 =	simm.s32 $0x6800;
	s26 =	simm.s32 $0x50;
	s21 =	sadd.s32 s0, s8  }
.LBB2_1:
0x16: {  	[tilespmem:s3], [sflag:$0x5] =	stream.linear.gather [hbm4b:s5+s3], $0x400, $0x38;
	[tilespmem:$0x1F800] =	vst v63  }
0x17: {  	s0 =	rddreg [dreg:$0x3]  }
0x18: {  	s12 =	rddreg [dreg:$0x4]  }
0x19: {  	[tilespmem:s6], [sflag:$0x6] =	stream.linear.gather [hbm4b:s0+s3], $0x400, $0x38;
	[tilespmem:$0x1F800] =	vst v63  }
0x1a: {  	s1 =	simm.s32 $0x800;
	s19 =	rddreg [dreg:$0x5]  }
0x1b: {  	[tilespmem:s1], [sflag:$0x7] =	stream.linear.gather [hbm4b:s12+s3], $0x400, $0x38;
	[tilespmem:$0x1F800] =	vst v63  }
0x1c: {  	s20 =	simm.s32 $0xC00;
	s0 =	simm.s32 $0x0;
	s1 =	simm.s32 $0x200  }
0x1d: {  	[tilespmem:s20], [sflag:$0x8] =	stream.linear.gather [hbm4b:s19+s3], $0x400, $0x38;
	[tilespmem:$0x1F800] =	vst v63  }
.LBB2_2:
0x1e: {  	p0 =	sne.s32 s1, $0x13E00;
	[tilespmem:s0+$0x6870] =	vst v0  }
0x1f: {  	[tilespmem:s0+$0x6800] =	vst v0  }
0x20: {  	[tilespmem:s0+$0x6810] =	vst v0  }
.Ltmp0:
0x21: {  	[tilespmem:s0+$0x6820] =	vst v0;
	(pc) =	sbr.rel @p0 .LBB2_2-.Ltmp0, $4  }
0x22: {  	[tilespmem:s0+$0x6830] =	vst v0  }
0x23: {  	[tilespmem:s0+$0x6840] =	vst v0  }
0x24: {  	[tilespmem:s0+$0x6850] =	vst v0  }
0x25: {  	[tilespmem:s0+$0x6860] =	vst v0;
	s0 =	sshra.s32 s1, $0x2;
	s1 =	sadd.s32 $0x200, s1  }
0x26: {  	[tilespmem:s0+$0x6870] =	vst v0  }
0x27: {  	[tilespmem:s0+$0x6800] =	vst v0  }
0x28: {  	[tilespmem:s0+$0x6810] =	vst v0  }
0x29: {  	[tilespmem:s0+$0x6820] =	vst v0  }
0x2a: {  	[tilespmem:s0+$0x6830] =	vst v0  }
0x2b: {  	[tilespmem:s0+$0x6840] =	vst v0  }
0x2c: {  	[tilespmem:s0+$0x6850] =	vst v0  }
0x2d: {  	[tilespmem:s0+$0x6860] =	vst v0  }
0x2e: {  	[spmem:s9] =	stream.linear.scatter [tilespmem:s23], [sflag:$0x1], $0x2800, $0x38;
	[tilespmem:$0x1F800] =	vst v63  }
0x2f: {  	s10 =	rddreg [dreg:$0x8]  }
0x30: {  	[spmem:s10] =	stream.linear.scatter [tilespmem:s23], [sflag:$0x1], $0x2800, $0x38;
	[tilespmem:$0x1F800] =	vst v63  }
0x31: {  	_ = 	snop  }
0x32: {  	[spmem:s13] =	stream.linear.scatter [tilespmem:s23], [sflag:$0x1], $0x2800, $0x38;
	[tilespmem:$0x1F800] =	vst v63  }
0x33: {  	_ = 	snop  }
0x34: {  	[spmem:s14] =	stream.linear.scatter [tilespmem:s23], [sflag:$0x1], $0x2800, $0x38;
	[tilespmem:$0x1F800] =	vst v63  }
0x35: {  	_ = 	snop  }
0x36: {  	[spmem:s15] =	stream.linear.scatter [tilespmem:s23], [sflag:$0x1], $0x2800, $0x38;
	[tilespmem:$0x1F800] =	vst v63  }
0x37: {  	_ = 	snop  }
0x38: {  	[spmem:s16] =	stream.linear.scatter [tilespmem:s23], [sflag:$0x1], $0x2800, $0x38;
	[tilespmem:$0x1F800] =	vst v63  }
0x39: {  	_ = 	snop  }
0x3a: {  	[spmem:s17] =	stream.linear.scatter [tilespmem:s23], [sflag:$0x1], $0x2800, $0x38;
	[tilespmem:$0x1F800] =	vst v63  }
0x3b: {  	_ = 	snop  }
0x3c: {  	[spmem:s18] =	stream.linear.scatter [tilespmem:s23], [sflag:$0x1], $0x2800, $0x38;
	[tilespmem:$0x1F800] =	vst v63  }
0x3d: {  	_ =	swait.ge [sflag:s24], $0x2800  }
0x3e: {  	[sflag:s24] =	ssyncset.done $0x0  }
0x3f: {  	[sflag:s24] =	ssyncadd.s32 $0xFFFFD800  }
0x40: {  	_ =	swait.ge [sflag:s24], $0x2800  }
0x41: {  	[sflag:s24] =	ssyncset.done $0x0  }
0x42: {  	[sflag:s24] =	ssyncadd.s32 $0xFFFFD800  }
0x43: {  	_ =	swait.ge [sflag:s24], $0x2800  }
0x44: {  	[sflag:s24] =	ssyncset.done $0x0  }
0x45: {  	[sflag:s24] =	ssyncadd.s32 $0xFFFFD800  }
0x46: {  	_ =	swait.ge [sflag:s24], $0x2800  }
0x47: {  	[sflag:s24] =	ssyncset.done $0x0  }
0x48: {  	[sflag:s24] =	ssyncadd.s32 $0xFFFFD800  }
0x49: {  	_ =	swait.ge [sflag:s24], $0x2800  }
0x4a: {  	[sflag:s24] =	ssyncset.done $0x0  }
0x4b: {  	[sflag:s24] =	ssyncadd.s32 $0xFFFFD800  }
0x4c: {  	_ =	swait.ge [sflag:s24], $0x2800  }
0x4d: {  	[sflag:s24] =	ssyncset.done $0x0  }
0x4e: {  	[sflag:s24] =	ssyncadd.s32 $0xFFFFD800  }
0x4f: {  	_ =	swait.ge [sflag:s24], $0x2800  }
0x50: {  	[sflag:s24] =	ssyncset.done $0x0  }
0x51: {  	[sflag:s24] =	ssyncadd.s32 $0xFFFFD800  }
0x52: {  	_ =	swait.ge [sflag:s24], $0x2800  }
0x53: {  	[sflag:s24] =	ssyncset.done $0x0  }
0x54: {  	[sflag:s24] =	ssyncadd.s32 $0xFFFFD800  }
0x55: {  	[bflag:$0x0] =	sbarrier.arrive $0xFFFF  }
0x56: {  	_ =	swait.ge [sflag:s25], $0x400  }
0x57: {  	[sflag:s25] =	ssyncset.done $0x0  }
0x58: {  	s0 =	simm.s32 $0x0;
	s1 =	simm.s32 $0x1800;
	[sflag:s25] =	ssyncadd.s32 $0xFFFFFC00  }
0x59: {  	[tilespmem:s1], [sflag:$0x1] =	stream.indirect.gather [hbm4b:s4+s26], $0x80, s0, s26, $0xb8;
	[tilespmem:$0x1F800] =	vst v63  }
0x5a: {  	s11 =	simm.s32 $0x80  }
0x5b: {  	[spmem:s2] =	stream.indirect.scatter.add.f32 [tilespmem:s23], [sflag:$0x3], $0x80, s11, s26, $0xb8;
	[tilespmem:$0x1F800] =	vst v63  }
0x5c: {  	_ =	swait.ge [sflag:s30], $0x400  }
0x5d: {  	[sflag:s30] =	ssyncset.done $0x0  }
0x5e: {  	s12 =	simm.s32 $0x4000;
	[sflag:s30] =	ssyncadd.s32 $0xFFFFFC00  }
0x5f: {  	[tilespmem:s12], [sflag:$0x2] =	stream.indirect.gather [hbm4b:s4+s26], $0x80, s6, s26, $0xb8;
	[tilespmem:$0x1F800] =	vst v63  }
0x60: {  	s19 =	simm.s32 $0x480;
	s20 =	simm.s32 $0x9000  }
0x61: {  	[spmem:s2] =	stream.indirect.scatter.add.f32 [tilespmem:s20], [sflag:$0x4], $0x80, s19, s26, $0xb8;
	[tilespmem:$0x1F800] =	vst v63  }
0x62: {  	s19 =	smov.u32 s21  }
.LBB2_4:
0x63: {  	s1 =	smul.u32 $0xAB, s0;
	_ =	sdelay $0x1  }
0x64: {  	s1 =	sshrl.u32 s1, $0xA  }
0x65: {  	s1 =	sand.u32 $0x3F, s1  }
0x66: {  	s6 =	smul.u32 $0x6, s1;
	_ =	sdelay $0x1  }
0x67: {  	s8 =	sand.u32 $0x1, s0;
	p0 =	sgt.u32 s0, $0x78;
	s10 =	ssub.s32 s0, s6  }
0x68: {  	s1 =	sadd.s32 $0x1, s8;
	s6 =	sand.u32 @!p0 $0xFF, s10  }
0x69: {  	s20 =	sadd.s32 $0x3, s8;
	_ =	swait.ge [sflag:s1], $0x2800;
	p1 =	slt.u32 @!p0 s6, $0x2  }
0x6a: {  	[sflag:s1] =	ssyncset.done $0x0;
	s6 =	simm.s32 @!p0 $0x4;
	p1 =	por !p1, p0  }
0x6b: {  	[sflag:s1] =	ssyncadd.s32 $0xFFFFD800;
	s7 =	sand.u32 $0xFF, s10;
	s6 =	simm.s32 @p1 $0xFFFFFFFE  }
0x6c: {  	_ =	swait.ge [sflag:s20], $0x2800;
	s6 =	sadd.s32 @!p0 s7, s6  }
0x6d: {  	s12 =	simm.s32 @!p0 $0x0;
	[sflag:s20] =	ssyncset.done $0x0;
	s11 =	sshll.u32 @!p0 s6, $0xA  }
0x6e: {  	[sflag:s20] =	ssyncadd.s32 $0xFFFFD800;
	s6 =	sadd.s32 @!p0 $0x5, s6;
	s11 =	sand.u32 @!p0 $0x3FFFFC00, s11  }
0x6f: {  	[tilespmem:s11], [sflag:s6] =	stream.linear.gather @!p0 [hbm4b:s19+s12], $0x400, $0x38;
	[tilespmem:$0x1F800] =	vst v63  }
0x70: {  	s8 =	smul.u32 $0x2800, s8;
	s6 =	sshll.u32 s7, $0xA  }
0x71: {  	v1 =	vld [tilespmem:s6+$0x100]  }
0x72: {  	v2 =	vld [tilespmem:s8+$0x1800]  }
0x73: {  	v3 =	vld [tilespmem:s8+$0x1810]  }
0x74: {  	v4 =	vld [tilespmem:s8+$0x1820]  }
0x75: {  	v5 =	vld [tilespmem:s8+$0x1830]  }
0x76: {  	v7 =	vld [tilespmem:s8+$0x1840];
	v6 =	vbroadcast v1, $0x0  }
0x77: {  	v8 =	vld [tilespmem:s8+$0x1850]  }
0x78: {  	v9 =	vld [tilespmem:s8+$0x1860];
	v2 =	vmul.f32 v6, v2  }
0x79: {  	v10 =	vld [tilespmem:s8+$0x1870];
	v3 =	vmul.f32 v3, v6  }
0x7a: {  	v26 =	vld [tilespmem:s8+$0x1880];
	[tilespmem:s8+$0x6800] =	vst v2;
	v2 =	vmul.f32 v4, v6  }
0x7b: {  	v27 =	vld [tilespmem:s8+$0x1890];
	[tilespmem:s8+$0x6810] =	vst v3;
	v3 =	vmul.f32 v5, v6  }
0x7c: {  	v28 =	vld [tilespmem:s8+$0x18A0];
	[tilespmem:s8+$0x6820] =	vst v2;
	v2 =	vmul.f32 v7, v6  }
0x7d: {  	v29 =	vld [tilespmem:s8+$0x18B0];
	[tilespmem:s8+$0x6830] =	vst v3;
	v3 =	vmul.f32 v8, v6  }
0x7e: {  	v11 =	vld [tilespmem:s8+$0x18C0];
	v30 =	vbroadcast v1, $0x1;
	[tilespmem:s8+$0x6840] =	vst v2;
	v2 =	vmul.f32 v9, v6  }
0x7f: {  	v31 =	vld [tilespmem:s8+$0x18D0];
	[tilespmem:s8+$0x6850] =	vst v3;
	v3 =	vmul.f32 v10, v6  }
0x80: {  	v32 =	vld [tilespmem:s8+$0x18E0];
	[tilespmem:s8+$0x6860] =	vst v2;
	v2 =	vmul.f32 v26, v30  }
0x81: {  	v33 =	vld [tilespmem:s8+$0x18F0];
	[tilespmem:s8+$0x6870] =	vst v3;
	v3 =	vmul.f32 v27, v30  }
0x82: {  	v34 =	vld [tilespmem:s8+$0x1900];
	[tilespmem:s8+$0x6880] =	vst v2;
	v2 =	vmul.f32 v28, v30  }
0x83: {  	v35 =	vld [tilespmem:s8+$0x1910];
	[tilespmem:s8+$0x6890] =	vst v3;
	v3 =	vmul.f32 v29, v30  }
0x84: {  	v36 =	vld [tilespmem:s8+$0x1920];
	[tilespmem:s8+$0x68A0] =	vst v2;
	v2 =	vmul.f32 v11, v30  }
0x85: {  	v37 =	vld [tilespmem:s8+$0x1930];
	[tilespmem:s8+$0x68B0] =	vst v3;
	v3 =	vmul.f32 v31, v30  }
0x86: {  	v39 =	vld [tilespmem:s8+$0x1940];
	v38 =	vbroadcast v1, $0x2;
	[tilespmem:s8+$0x68C0] =	vst v2;
	v2 =	vmul.f32 v32, v30  }
0x87: {  	v40 =	vld [tilespmem:s8+$0x1950];
	[tilespmem:s8+$0x68D0] =	vst v3;
	v3 =	vmul.f32 v33, v30  }
0x88: {  	v41 =	vld [tilespmem:s8+$0x1960];
	[tilespmem:s8+$0x68E0] =	vst v2;
	v2 =	vmul.f32 v34, v38  }
0x89: {  	v42 =	vld [tilespmem:s8+$0x1970];
	[tilespmem:s8+$0x68F0] =	vst v3;
	v3 =	vmul.f32 v35, v38  }
0x8a: {  	v43 =	vld [tilespmem:s8+$0x1980];
	[tilespmem:s8+$0x6900] =	vst v2;
	v2 =	vmul.f32 v36, v38  }
0x8b: {  	v44 =	vld [tilespmem:s8+$0x1990];
	[tilespmem:s8+$0x6910] =	vst v3;
	v3 =	vmul.f32 v37, v38  }
0x8c: {  	v45 =	vld [tilespmem:s8+$0x19A0];
	[tilespmem:s8+$0x6920] =	vst v2;
	v2 =	vmul.f32 v39, v38  }
0x8d: {  	v46 =	vld [tilespmem:s8+$0x19B0];
	[tilespmem:s8+$0x6930] =	vst v3;
	v3 =	vmul.f32 v40, v38  }
0x8e: {  	v48 =	vld [tilespmem:s8+$0x19C0];
	v47 =	vbroadcast v1, $0x3;
	[tilespmem:s8+$0x6940] =	vst v2;
	v2 =	vmul.f32 v41, v38  }
0x8f: {  	v49 =	vld [tilespmem:s8+$0x19D0];
	[tilespmem:s8+$0x6950] =	vst v3;
	v3 =	vmul.f32 v42, v38  }
0x90: {  	v50 =	vld [tilespmem:s8+$0x19E0];
	[tilespmem:s8+$0x6960] =	vst v2;
	v2 =	vmul.f32 v43, v47  }
0x91: {  	v51 =	vld [tilespmem:s8+$0x19F0];
	[tilespmem:s8+$0x6970] =	vst v3;
	v3 =	vmul.f32 v44, v47  }
0x92: {  	v52 =	vld [tilespmem:s8+$0x1A00];
	[tilespmem:s8+$0x6980] =	vst v2;
	v2 =	vmul.f32 v45, v47  }
0x93: {  	v53 =	vld [tilespmem:s8+$0x1A10];
	[tilespmem:s8+$0x6990] =	vst v3;
	v3 =	vmul.f32 v46, v47  }
0x94: {  	v54 =	vld [tilespmem:s8+$0x1A20];
	[tilespmem:s8+$0x69A0] =	vst v2;
	v2 =	vmul.f32 v48, v47  }
0x95: {  	v55 =	vld [tilespmem:s8+$0x1A30];
	[tilespmem:s8+$0x69B0] =	vst v3;
	v3 =	vmul.f32 v49, v47  }
0x96: {  	v57 =	vld [tilespmem:s8+$0x1A40];
	v56 =	vbroadcast v1, $0x4;
	[tilespmem:s8+$0x69C0] =	vst v2;
	v2 =	vmul.f32 v50, v47  }
0x97: {  	v58 =	vld [tilespmem:s8+$0x1A50];
	[tilespmem:s8+$0x69D0] =	vst v3;
	v3 =	vmul.f32 v51, v47  }
0x98: {  	v59 =	vld [tilespmem:s8+$0x1A60];
	[tilespmem:s8+$0x69E0] =	vst v2;
	v2 =	vmul.f32 v52, v56  }
0x99: {  	v60 =	vld [tilespmem:s8+$0x1A70];
	[tilespmem:s8+$0x69F0] =	vst v3;
	v3 =	vmul.f32 v53, v56  }
0x9a: {  	v61 =	vld [tilespmem:s8+$0x1A80];
	[tilespmem:s8+$0x6A00] =	vst v2;
	v2 =	vmul.f32 v54, v56  }
0x9b: {  	v62 =	vld [tilespmem:s8+$0x1A90];
	[tilespmem:s8+$0x6A10] =	vst v3;
	v3 =	vmul.f32 v55, v56  }
0x9c: {  	v63 =	vld [tilespmem:s8+$0x1AA0];
	[tilespmem:s8+$0x6A20] =	vst v2;
	v2 =	vmul.f32 v57, v56  }
0x9d: {  	v12 =	vld [tilespmem:s8+$0x1AB0];
	[tilespmem:s8+$0x6A30] =	vst v3;
	v3 =	vmul.f32 v58, v56  }
0x9e: {  	v14 =	vld [tilespmem:s8+$0x1AC0];
	v13 =	vbroadcast v1, $0x5;
	[tilespmem:s8+$0x6A40] =	vst v2;
	v2 =	vmul.f32 v59, v56  }
0x9f: {  	v15 =	vld [tilespmem:s8+$0x1AD0];
	[tilespmem:s8+$0x6A50] =	vst v3;
	v3 =	vmul.f32 v60, v56  }
0xa0: {  	v16 =	vld [tilespmem:s8+$0x1AE0];
	[tilespmem:s8+$0x6A60] =	vst v2;
	v2 =	vmul.f32 v61, v13  }
0xa1: {  	v17 =	vld [tilespmem:s8+$0x1AF0];
	[tilespmem:s8+$0x6A70] =	vst v3;
	v3 =	vmul.f32 v62, v13  }
0xa2: {  	v18 =	vld [tilespmem:s8+$0x1B00];
	[tilespmem:s8+$0x6A80] =	vst v2;
	v2 =	vmul.f32 v63, v13  }
0xa3: {  	v19 =	vld [tilespmem:s8+$0x1B10];
	[tilespmem:s8+$0x6A90] =	vst v3;
	v3 =	vmul.f32 v12, v13  }
0xa4: {  	v20 =	vld [tilespmem:s8+$0x1B20];
	[tilespmem:s8+$0x6AA0] =	vst v2;
	v2 =	vmul.f32 v14, v13  }
0xa5: {  	v21 =	vld [tilespmem:s8+$0x1B30];
	[tilespmem:s8+$0x6AB0] =	vst v3;
	v3 =	vmul.f32 v15, v13  }
0xa6: {  	v23 =	vld [tilespmem:s8+$0x1B40];
	v22 =	vbroadcast v1, $0x6;
	[tilespmem:s8+$0x6AC0] =	vst v2;
	v2 =	vmul.f32 v16, v13  }
0xa7: {  	v24 =	vld [tilespmem:s8+$0x1B50];
	[tilespmem:s8+$0x6AD0] =	vst v3;
	v3 =	vmul.f32 v17, v13  }
0xa8: {  	v25 =	vld [tilespmem:s8+$0x1B60];
	[tilespmem:s8+$0x6AE0] =	vst v2;
	v2 =	vmul.f32 v18, v22  }
0xa9: {  	v26 =	vld [tilespmem:s8+$0x1B70];
	[tilespmem:s8+$0x6AF0] =	vst v3;
	v3 =	vmul.f32 v19, v22  }
0xaa: {  	v27 =	vld [tilespmem:s8+$0x1B80];
	[tilespmem:s8+$0x6B00] =	vst v2;
	v2 =	vmul.f32 v20, v22  }
0xab: {  	v28 =	vld [tilespmem:s8+$0x1B90];
	[tilespmem:s8+$0x6B10] =	vst v3;
	v3 =	vmul.f32 v21, v22  }
0xac: {  	v29 =	vld [tilespmem:s8+$0x1BA0];
	[tilespmem:s8+$0x6B20] =	vst v2;
	v2 =	vmul.f32 v23, v22  }
0xad: {  	v30 =	vld [tilespmem:s8+$0x1BB0];
	[tilespmem:s8+$0x6B30] =	vst v3;
	v3 =	vmul.f32 v24, v22  }
0xae: {  	v31 =	vbroadcast v1, $0x7;
	v32 =	vld [tilespmem:s8+$0x1BC0];
	[tilespmem:s8+$0x6B40] =	vst v2;
	v2 =	vmul.f32 v25, v22  }
0xaf: {  	v33 =	vld [tilespmem:s8+$0x1BD0];
	[tilespmem:s8+$0x6B50] =	vst v3;
	v3 =	vmul.f32 v26, v22  }
0xb0: {  	v34 =	vld [tilespmem:s8+$0x1BE0];
	[tilespmem:s8+$0x6B60] =	vst v2;
	v2 =	vmul.f32 v27, v31  }
0xb1: {  	v35 =	vld [tilespmem:s8+$0x1BF0];
	[tilespmem:s8+$0x6B70] =	vst v3;
	v3 =	vmul.f32 v28, v31  }
0xb2: {  	v36 =	vld [tilespmem:s8+$0x1C00];
	[tilespmem:s8+$0x6B80] =	vst v2;
	v2 =	vmul.f32 v29, v31  }
0xb3: {  	v37 =	vld [tilespmem:s8+$0x1C10];
	[tilespmem:s8+$0x6B90] =	vst v3;
	v3 =	vmul.f32 v30, v31  }
0xb4: {  	v39 =	vld [tilespmem:s8+$0x1C30];
	[tilespmem:s8+$0x6BA0] =	vst v2;
	v2 =	vmul.f32 v32, v31  }
0xb5: {  	v38 =	vld [tilespmem:s8+$0x1C20];
	[tilespmem:s8+$0x6BB0] =	vst v3;
	v3 =	vmul.f32 v33, v31  }
0xb6: {  	v40 =	vbroadcast v1, $0x8;
	v41 =	vld [tilespmem:s8+$0x1C40];
	[tilespmem:s8+$0x6BC0] =	vst v2;
	v2 =	vmul.f32 v34, v31  }
0xb7: {  	v42 =	vld [tilespmem:s8+$0x1C50];
	[tilespmem:s8+$0x6BD0] =	vst v3;
	v3 =	vmul.f32 v35, v31  }
0xb8: {  	v43 =	vld [tilespmem:s8+$0x1C60];
	[tilespmem:s8+$0x6BE0] =	vst v2;
	v2 =	vmul.f32 v36, v40  }
0xb9: {  	v44 =	vld [tilespmem:s8+$0x1C70];
	[tilespmem:s8+$0x6BF0] =	vst v3;
	v3 =	vmul.f32 v37, v40  }
0xba: {  	v45 =	vld [tilespmem:s8+$0x1C80];
	[tilespmem:s8+$0x6C00] =	vst v2;
	v2 =	vmul.f32 v38, v40  }
0xbb: {  	v46 =	vld [tilespmem:s8+$0x1C90];
	[tilespmem:s8+$0x6C10] =	vst v3;
	v3 =	vmul.f32 v39, v40  }
0xbc: {  	v48 =	vld [tilespmem:s8+$0x1CB0];
	[tilespmem:s8+$0x6C20] =	vst v2;
	v2 =	vmul.f32 v41, v40  }
0xbd: {  	v47 =	vld [tilespmem:s8+$0x1CA0];
	[tilespmem:s8+$0x6C30] =	vst v3;
	v3 =	vmul.f32 v42, v40  }
0xbe: {  	v49 =	vbroadcast v1, $0x9;
	v50 =	vld [tilespmem:s8+$0x1CC0];
	[tilespmem:s8+$0x6C40] =	vst v2;
	v2 =	vmul.f32 v43, v40  }
0xbf: {  	v51 =	vld [tilespmem:s8+$0x1CD0];
	[tilespmem:s8+$0x6C50] =	vst v3;
	v3 =	vmul.f32 v44, v40  }
0xc0: {  	v52 =	vld [tilespmem:s8+$0x1CE0];
	[tilespmem:s8+$0x6C60] =	vst v2;
	v2 =	vmul.f32 v45, v49  }
0xc1: {  	v53 =	vld [tilespmem:s8+$0x1CF0];
	[tilespmem:s8+$0x6C70] =	vst v3;
	v3 =	vmul.f32 v46, v49  }
0xc2: {  	v54 =	vld [tilespmem:s8+$0x1D00];
	[tilespmem:s8+$0x6C80] =	vst v2;
	v2 =	vmul.f32 v47, v49  }
0xc3: {  	v55 =	vld [tilespmem:s8+$0x1D10];
	[tilespmem:s8+$0x6C90] =	vst v3;
	v3 =	vmul.f32 v48, v49  }
0xc4: {  	v57 =	vld [tilespmem:s8+$0x1D30];
	[tilespmem:s8+$0x6CA0] =	vst v2;
	v2 =	vmul.f32 v50, v49  }
0xc5: {  	v56 =	vld [tilespmem:s8+$0x1D20];
	[tilespmem:s8+$0x6CB0] =	vst v3;
	v3 =	vmul.f32 v51, v49  }
0xc6: {  	v58 =	vbroadcast v1, $0xA;
	v59 =	vld [tilespmem:s8+$0x1D40];
	[tilespmem:s8+$0x6CC0] =	vst v2;
	v2 =	vmul.f32 v52, v49  }
0xc7: {  	v60 =	vld [tilespmem:s8+$0x1D50];
	[tilespmem:s8+$0x6CD0] =	vst v3;
	v3 =	vmul.f32 v53, v49  }
0xc8: {  	v61 =	vld [tilespmem:s8+$0x1D60];
	[tilespmem:s8+$0x6CE0] =	vst v2;
	v2 =	vmul.f32 v54, v58  }
0xc9: {  	v62 =	vld [tilespmem:s8+$0x1D70];
	[tilespmem:s8+$0x6CF0] =	vst v3;
	v3 =	vmul.f32 v55, v58  }
0xca: {  	v63 =	vld [tilespmem:s8+$0x1D80];
	[tilespmem:s8+$0x6D00] =	vst v2;
	v2 =	vmul.f32 v56, v58  }
0xcb: {  	v12 =	vld [tilespmem:s8+$0x1D90];
	[tilespmem:s8+$0x6D10] =	vst v3;
	v3 =	vmul.f32 v57, v58  }
0xcc: {  	v14 =	vld [tilespmem:s8+$0x1DB0];
	[tilespmem:s8+$0x6D20] =	vst v2;
	v2 =	vmul.f32 v59, v58  }
0xcd: {  	v13 =	vld [tilespmem:s8+$0x1DA0];
	[tilespmem:s8+$0x6D30] =	vst v3;
	v3 =	vmul.f32 v60, v58  }
0xce: {  	v15 =	vbroadcast v1, $0xB;
	v16 =	vld [tilespmem:s8+$0x1DC0];
	[tilespmem:s8+$0x6D40] =	vst v2;
	v2 =	vmul.f32 v61, v58  }
0xcf: {  	v17 =	vld [tilespmem:s8+$0x1DD0];
	[tilespmem:s8+$0x6D50] =	vst v3;
	v3 =	vmul.f32 v62, v58  }
0xd0: {  	v18 =	vld [tilespmem:s8+$0x1DE0];
	[tilespmem:s8+$0x6D60] =	vst v2;
	v2 =	vmul.f32 v63, v15  }
0xd1: {  	v19 =	vld [tilespmem:s8+$0x1DF0];
	[tilespmem:s8+$0x6D70] =	vst v3;
	v3 =	vmul.f32 v12, v15  }
0xd2: {  	v20 =	vld [tilespmem:s8+$0x1E00];
	[tilespmem:s8+$0x6D80] =	vst v2;
	v2 =	vmul.f32 v13, v15  }
0xd3: {  	v21 =	vld [tilespmem:s8+$0x1E10];
	[tilespmem:s8+$0x6D90] =	vst v3;
	v3 =	vmul.f32 v14, v15  }
0xd4: {  	v23 =	vld [tilespmem:s8+$0x1E30];
	[tilespmem:s8+$0x6DA0] =	vst v2;
	v2 =	vmul.f32 v16, v15  }
0xd5: {  	v22 =	vld [tilespmem:s8+$0x1E20];
	[tilespmem:s8+$0x6DB0] =	vst v3;
	v3 =	vmul.f32 v17, v15  }
0xd6: {  	v24 =	vbroadcast v1, $0xC;
	v25 =	vld [tilespmem:s8+$0x1E40];
	[tilespmem:s8+$0x6DC0] =	vst v2;
	v2 =	vmul.f32 v18, v15  }
0xd7: {  	v26 =	vld [tilespmem:s8+$0x1E50];
	[tilespmem:s8+$0x6DD0] =	vst v3;
	v3 =	vmul.f32 v19, v15  }
0xd8: {  	v27 =	vld [tilespmem:s8+$0x1E60];
	[tilespmem:s8+$0x6DE0] =	vst v2;
	v2 =	vmul.f32 v20, v24  }
0xd9: {  	v28 =	vld [tilespmem:s8+$0x1E70];
	[tilespmem:s8+$0x6DF0] =	vst v3;
	v3 =	vmul.f32 v21, v24  }
0xda: {  	v29 =	vld [tilespmem:s8+$0x1E80];
	[tilespmem:s8+$0x6E00] =	vst v2;
	v2 =	vmul.f32 v22, v24  }
0xdb: {  	v30 =	vld [tilespmem:s8+$0x1E90];
	[tilespmem:s8+$0x6E10] =	vst v3;
	v3 =	vmul.f32 v23, v24  }
0xdc: {  	v32 =	vld [tilespmem:s8+$0x1EB0];
	[tilespmem:s8+$0x6E20] =	vst v2;
	v2 =	vmul.f32 v25, v24  }
0xdd: {  	v31 =	vld [tilespmem:s8+$0x1EA0];
	[tilespmem:s8+$0x6E30] =	vst v3;
	v3 =	vmul.f32 v26, v24  }
0xde: {  	v33 =	vbroadcast v1, $0xD;
	v34 =	vld [tilespmem:s8+$0x1EC0];
	[tilespmem:s8+$0x6E40] =	vst v2;
	v2 =	vmul.f32 v27, v24  }
0xdf: {  	v35 =	vld [tilespmem:s8+$0x1ED0];
	[tilespmem:s8+$0x6E50] =	vst v3;
	v3 =	vmul.f32 v28, v24  }
0xe0: {  	v36 =	vld [tilespmem:s8+$0x1EE0];
	[tilespmem:s8+$0x6E60] =	vst v2;
	v2 =	vmul.f32 v29, v33  }
0xe1: {  	v37 =	vld [tilespmem:s8+$0x1EF0];
	[tilespmem:s8+$0x6E70] =	vst v3;
	v3 =	vmul.f32 v30, v33  }
0xe2: {  	v38 =	vld [tilespmem:s8+$0x1F00];
	[tilespmem:s8+$0x6E80] =	vst v2;
	v2 =	vmul.f32 v31, v33  }
0xe3: {  	v39 =	vld [tilespmem:s8+$0x1F10];
	[tilespmem:s8+$0x6E90] =	vst v3;
	v3 =	vmul.f32 v32, v33  }
0xe4: {  	v41 =	vld [tilespmem:s8+$0x1F30];
	[tilespmem:s8+$0x6EA0] =	vst v2;
	v2 =	vmul.f32 v34, v33  }
0xe5: {  	v40 =	vld [tilespmem:s8+$0x1F20];
	[tilespmem:s8+$0x6EB0] =	vst v3;
	v3 =	vmul.f32 v35, v33  }
0xe6: {  	v42 =	vbroadcast v1, $0xE;
	v43 =	vld [tilespmem:s8+$0x1F40];
	[tilespmem:s8+$0x6EC0] =	vst v2;
	v2 =	vmul.f32 v36, v33  }
0xe7: {  	v44 =	vld [tilespmem:s8+$0x1F50];
	[tilespmem:s8+$0x6ED0] =	vst v3;
	v3 =	vmul.f32 v37, v33  }
0xe8: {  	v45 =	vld [tilespmem:s8+$0x1F60];
	[tilespmem:s8+$0x6EE0] =	vst v2;
	v2 =	vmul.f32 v38, v42  }
0xe9: {  	v46 =	vld [tilespmem:s8+$0x1F70];
	[tilespmem:s8+$0x6EF0] =	vst v3;
	v3 =	vmul.f32 v39, v42  }
0xea: {  	v47 =	vld [tilespmem:s8+$0x1F80];
	[tilespmem:s8+$0x6F00] =	vst v2;
	v2 =	vmul.f32 v40, v42  }
0xeb: {  	v48 =	vld [tilespmem:s8+$0x1F90];
	[tilespmem:s8+$0x6F10] =	vst v3;
	v3 =	vmul.f32 v41, v42  }
0xec: {  	v50 =	vld [tilespmem:s8+$0x1FB0];
	[tilespmem:s8+$0x6F20] =	vst v2;
	v2 =	vmul.f32 v43, v42  }
0xed: {  	v49 =	vld [tilespmem:s8+$0x1FA0];
	[tilespmem:s8+$0x6F30] =	vst v3;
	v3 =	vmul.f32 v44, v42  }
0xee: {  	v51 =	vbroadcast v1, $0xF;
	v52 =	vld [tilespmem:s8+$0x1FC0];
	[tilespmem:s8+$0x6F40] =	vst v2;
	v2 =	vmul.f32 v45, v42  }
0xef: {  	v1 =	vmul.f32 v46, v42;
	v53 =	vld [tilespmem:s8+$0x1FE0];
	[tilespmem:s8+$0x6F50] =	vst v3  }
0xf0: {  	v3 =	vld [tilespmem:s8+$0x1FD0];
	[tilespmem:s8+$0x6F60] =	vst v2;
	v2 =	vmul.f32 v47, v51  }
0xf1: {  	[tilespmem:s8+$0x6F70] =	vst v1;
	v6 =	vmul.f32 v48, v51;
	v1 =	vld [tilespmem:s6+$0x110]  }
0xf2: {  	v54 =	vld [tilespmem:s8+$0x1FF0];
	[tilespmem:s8+$0x6F80] =	vst v2;
	v2 =	vmul.f32 v49, v51  }
0xf3: {  	v55 =	vld [tilespmem:s8+$0x2000];
	[tilespmem:s8+$0x6F90] =	vst v6;
	v5 =	vmul.f32 v50, v51  }
0xf4: {  	v56 =	vld [tilespmem:s8+$0x2010];
	[tilespmem:s8+$0x6FA0] =	vst v2;
	v2 =	vmul.f32 v52, v51  }
0xf5: {  	v57 =	vld [tilespmem:s8+$0x2020];
	[tilespmem:s8+$0x6FB0] =	vst v5;
	v3 =	vmul.f32 v3, v51  }
0xf6: {  	v59 =	vld [tilespmem:s8+$0x2030];
	v58 =	vbroadcast v1, $0x0;
	[tilespmem:s8+$0x6FC0] =	vst v2;
	v2 =	vmul.f32 v53, v51  }
0xf7: {  	v60 =	vld [tilespmem:s8+$0x2040];
	[tilespmem:s8+$0x6FD0] =	vst v3;
	v3 =	vmul.f32 v54, v51  }
0xf8: {  	v61 =	vld [tilespmem:s8+$0x2050];
	[tilespmem:s8+$0x6FE0] =	vst v2;
	v2 =	vmul.f32 v58, v55  }
0xf9: {  	v62 =	vld [tilespmem:s8+$0x2060];
	[tilespmem:s8+$0x6FF0] =	vst v3;
	v3 =	vmul.f32 v56, v58  }
0xfa: {  	v63 =	vld [tilespmem:s8+$0x2070];
	[tilespmem:s8+$0x7000] =	vst v2;
	v2 =	vmul.f32 v57, v58  }
0xfb: {  	v12 =	vld [tilespmem:s8+$0x2080];
	[tilespmem:s8+$0x7010] =	vst v3;
	v3 =	vmul.f32 v59, v58  }
0xfc: {  	v13 =	vld [tilespmem:s8+$0x2090];
	[tilespmem:s8+$0x7020] =	vst v2;
	v2 =	vmul.f32 v60, v58  }
0xfd: {  	v14 =	vld [tilespmem:s8+$0x20A0];
	[tilespmem:s8+$0x7030] =	vst v3;
	v3 =	vmul.f32 v61, v58  }
0xfe: {  	v16 =	vld [tilespmem:s8+$0x20B0];
	v15 =	vbroadcast v1, $0x1;
	[tilespmem:s8+$0x7040] =	vst v2;
	v2 =	vmul.f32 v62, v58  }
0xff: {  	v17 =	vld [tilespmem:s8+$0x20C0];
	[tilespmem:s8+$0x7050] =	vst v3;
	v3 =	vmul.f32 v63, v58  }
0x100: {  	v18 =	vld [tilespmem:s8+$0x20D0];
	[tilespmem:s8+$0x7060] =	vst v2;
	v2 =	vmul.f32 v12, v15  }
0x101: {  	v19 =	vld [tilespmem:s8+$0x20E0];
	[tilespmem:s8+$0x7070] =	vst v3;
	v3 =	vmul.f32 v13, v15  }
0x102: {  	v20 =	vld [tilespmem:s8+$0x20F0];
	[tilespmem:s8+$0x7080] =	vst v2;
	v2 =	vmul.f32 v14, v15  }
0x103: {  	[tilespmem:s8+$0x7090] =	vst v3;
	v3 =	vmul.f32 v16, v15  }
0x104: {  	[tilespmem:s8+$0x70A0] =	vst v2;
	v2 =	vmul.f32 v17, v15  }
0x105: {  	[tilespmem:s8+$0x70B0] =	vst v3;
	v3 =	vmul.f32 v18, v15  }
0x106: {  	[tilespmem:s8+$0x70C0] =	vst v2;
	v2 =	vmul.f32 v19, v15  }
0x107: {  	[tilespmem:s8+$0x70D0] =	vst v3;
	v3 =	vmul.f32 v20, v15  }
0x108: {  	[tilespmem:s8+$0x70E0] =	vst v2  }
0x109: {  	[tilespmem:s8+$0x70F0] =	vst v3  }
0x10a: {  	v2 =	vld [tilespmem:s8+$0x2100]  }
0x10b: {  	v3 =	vld [tilespmem:s8+$0x2110]  }
0x10c: {  	v21 =	vld [tilespmem:s8+$0x2120]  }
0x10d: {  	v22 =	vld [tilespmem:s8+$0x2130]  }
0x10e: {  	v23 =	vld [tilespmem:s8+$0x2140]  }
0x10f: {  	v24 =	vbroadcast v1, $0x2;
	v25 =	vld [tilespmem:s8+$0x2150]  }
0x110: {  	v26 =	vld [tilespmem:s8+$0x2160]  }
0x111: {  	v27 =	vld [tilespmem:s8+$0x2170];
	v2 =	vmul.f32 v2, v24  }
0x112: {  	v28 =	vld [tilespmem:s8+$0x2180];
	v3 =	vmul.f32 v3, v24  }
0x113: {  	v29 =	vld [tilespmem:s8+$0x2190];
	[tilespmem:s8+$0x7100] =	vst v2;
	v2 =	vmul.f32 v21, v24  }
0x114: {  	v30 =	vld [tilespmem:s8+$0x21A0];
	[tilespmem:s8+$0x7110] =	vst v3;
	v3 =	vmul.f32 v22, v24  }
0x115: {  	v31 =	vld [tilespmem:s8+$0x21B0];
	[tilespmem:s8+$0x7120] =	vst v2;
	v2 =	vmul.f32 v23, v24  }
0x116: {  	v32 =	vld [tilespmem:s8+$0x21C0];
	[tilespmem:s8+$0x7130] =	vst v3;
	v3 =	vmul.f32 v25, v24  }
0x117: {  	v33 =	vbroadcast v1, $0x3;
	v12 =	vld [tilespmem:s8+$0x21D0];
	[tilespmem:s8+$0x7140] =	vst v2;
	v2 =	vmul.f32 v26, v24  }
0x118: {  	v34 =	vld [tilespmem:s8+$0x21E0];
	[tilespmem:s8+$0x7150] =	vst v3;
	v3 =	vmul.f32 v27, v24  }
0x119: {  	v35 =	vld [tilespmem:s8+$0x21F0];
	[tilespmem:s8+$0x7160] =	vst v2;
	v2 =	vmul.f32 v28, v33  }
0x11a: {  	v36 =	vld [tilespmem:s8+$0x2200];
	[tilespmem:s8+$0x7170] =	vst v3;
	v3 =	vmul.f32 v29, v33  }
0x11b: {  	v37 =	vld [tilespmem:s8+$0x2210];
	[tilespmem:s8+$0x7180] =	vst v2;
	v2 =	vmul.f32 v30, v33  }
0x11c: {  	v38 =	vld [tilespmem:s8+$0x2220];
	[tilespmem:s8+$0x7190] =	vst v3;
	v3 =	vmul.f32 v31, v33  }
0x11d: {  	v39 =	vld [tilespmem:s8+$0x2230];
	[tilespmem:s8+$0x71A0] =	vst v2;
	v2 =	vmul.f32 v32, v33  }
0x11e: {  	v40 =	vld [tilespmem:s8+$0x2240];
	[tilespmem:s8+$0x71B0] =	vst v3;
	v3 =	vmul.f32 v12, v33  }
0x11f: {  	v41 =	vbroadcast v1, $0x4;
	v42 =	vld [tilespmem:s8+$0x2250];
	[tilespmem:s8+$0x71C0] =	vst v2;
	v2 =	vmul.f32 v34, v33  }
0x120: {  	v43 =	vld [tilespmem:s8+$0x2260];
	[tilespmem:s8+$0x71D0] =	vst v3;
	v3 =	vmul.f32 v35, v33  }
0x121: {  	v44 =	vld [tilespmem:s8+$0x2270];
	[tilespmem:s8+$0x71E0] =	vst v2;
	v2 =	vmul.f32 v36, v41  }
0x122: {  	v45 =	vld [tilespmem:s8+$0x2280];
	[tilespmem:s8+$0x71F0] =	vst v3;
	v3 =	vmul.f32 v37, v41  }
0x123: {  	v46 =	vld [tilespmem:s8+$0x2290];
	[tilespmem:s8+$0x7200] =	vst v2;
	v2 =	vmul.f32 v38, v41  }
0x124: {  	v47 =	vld [tilespmem:s8+$0x22A0];
	[tilespmem:s8+$0x7210] =	vst v3;
	v3 =	vmul.f32 v39, v41  }
0x125: {  	v48 =	vld [tilespmem:s8+$0x22B0];
	[tilespmem:s8+$0x7220] =	vst v2;
	v2 =	vmul.f32 v40, v41  }
0x126: {  	v49 =	vld [tilespmem:s8+$0x22C0];
	[tilespmem:s8+$0x7230] =	vst v3;
	v3 =	vmul.f32 v42, v41  }
0x127: {  	v50 =	vbroadcast v1, $0x5;
	v51 =	vld [tilespmem:s8+$0x22D0];
	[tilespmem:s8+$0x7240] =	vst v2;
	v2 =	vmul.f32 v43, v41  }
0x128: {  	v52 =	vld [tilespmem:s8+$0x22E0];
	[tilespmem:s8+$0x7250] =	vst v3;
	v3 =	vmul.f32 v44, v41  }
0x129: {  	v53 =	vld [tilespmem:s8+$0x22F0];
	[tilespmem:s8+$0x7260] =	vst v2;
	v2 =	vmul.f32 v45, v50  }
0x12a: {  	v54 =	vld [tilespmem:s8+$0x2300];
	[tilespmem:s8+$0x7270] =	vst v3;
	v3 =	vmul.f32 v46, v50  }
0x12b: {  	v55 =	vld [tilespmem:s8+$0x2310];
	[tilespmem:s8+$0x7280] =	vst v2;
	v2 =	vmul.f32 v47, v50  }
0x12c: {  	v56 =	vld [tilespmem:s8+$0x2320];
	[tilespmem:s8+$0x7290] =	vst v3;
	v3 =	vmul.f32 v48, v50  }
0x12d: {  	v57 =	vld [tilespmem:s8+$0x2330];
	[tilespmem:s8+$0x72A0] =	vst v2;
	v2 =	vmul.f32 v49, v50  }
0x12e: {  	v58 =	vld [tilespmem:s8+$0x2340];
	[tilespmem:s8+$0x72B0] =	vst v3;
	v3 =	vmul.f32 v51, v50  }
0x12f: {  	v59 =	vbroadcast v1, $0x6;
	v60 =	vld [tilespmem:s8+$0x2350];
	[tilespmem:s8+$0x72C0] =	vst v2;
	v2 =	vmul.f32 v52, v50  }
0x130: {  	v61 =	vld [tilespmem:s8+$0x2360];
	[tilespmem:s8+$0x72D0] =	vst v3;
	v3 =	vmul.f32 v53, v50  }
0x131: {  	v62 =	vld [tilespmem:s8+$0x2370];
	[tilespmem:s8+$0x72E0] =	vst v2;
	v2 =	vmul.f32 v54, v59  }
0x132: {  	v63 =	vld [tilespmem:s8+$0x2380];
	[tilespmem:s8+$0x72F0] =	vst v3;
	v3 =	vmul.f32 v55, v59  }
0x133: {  	v16 =	vld [tilespmem:s8+$0x2390];
	[tilespmem:s8+$0x7300] =	vst v2;
	v2 =	vmul.f32 v56, v59  }
0x134: {  	v17 =	vld [tilespmem:s8+$0x23A0];
	[tilespmem:s8+$0x7310] =	vst v3;
	v3 =	vmul.f32 v57, v59  }
0x135: {  	v18 =	vld [tilespmem:s8+$0x23B0];
	[tilespmem:s8+$0x7320] =	vst v2;
	v2 =	vmul.f32 v58, v59  }
0x136: {  	v19 =	vld [tilespmem:s8+$0x23C0];
	[tilespmem:s8+$0x7330] =	vst v3;
	v3 =	vmul.f32 v60, v59  }
0x137: {  	v20 =	vbroadcast v1, $0x7;
	v14 =	vld [tilespmem:s8+$0x28C0];
	[tilespmem:s8+$0x7340] =	vst v2;
	v2 =	vmul.f32 v61, v59  }
0x138: {  	v21 =	vld [tilespmem:s8+$0x23D0];
	[tilespmem:s8+$0x7350] =	vst v3;
	v3 =	vmul.f32 v62, v59  }
0x139: {  	v22 =	vld [tilespmem:s8+$0x23E0];
	[tilespmem:s8+$0x7360] =	vst v2;
	v2 =	vmul.f32 v63, v20  }
0x13a: {  	v23 =	vld [tilespmem:s8+$0x23F0];
	[tilespmem:s8+$0x7370] =	vst v3;
	v3 =	vmul.f32 v16, v20  }
0x13b: {  	v25 =	vld [tilespmem:s8+$0x2410];
	[tilespmem:s8+$0x7380] =	vst v2;
	v2 =	vmul.f32 v17, v20  }
0x13c: {  	v24 =	vld [tilespmem:s8+$0x2400];
	[tilespmem:s8+$0x7390] =	vst v3;
	v3 =	vmul.f32 v18, v20  }
0x13d: {  	v26 =	vld [tilespmem:s8+$0x2420];
	[tilespmem:s8+$0x73A0] =	vst v2;
	v2 =	vmul.f32 v19, v20  }
0x13e: {  	v27 =	vld [tilespmem:s8+$0x2430];
	[tilespmem:s8+$0x73B0] =	vst v3;
	v3 =	vmul.f32 v21, v20  }
0x13f: {  	v28 =	vld [tilespmem:s8+$0x2440];
	v29 =	vbroadcast v1, $0x8;
	[tilespmem:s8+$0x73C0] =	vst v2;
	v2 =	vmul.f32 v22, v20  }
0x140: {  	v30 =	vld [tilespmem:s8+$0x2450];
	[tilespmem:s8+$0x73D0] =	vst v3;
	v3 =	vmul.f32 v23, v20  }
0x141: {  	v31 =	vld [tilespmem:s8+$0x2460];
	[tilespmem:s8+$0x73E0] =	vst v2;
	v2 =	vmul.f32 v24, v29  }
0x142: {  	v32 =	vld [tilespmem:s8+$0x2470];
	[tilespmem:s8+$0x73F0] =	vst v3;
	v3 =	vmul.f32 v25, v29  }
0x143: {  	v33 =	vld [tilespmem:s8+$0x2480];
	[tilespmem:s8+$0x7400] =	vst v2;
	v2 =	vmul.f32 v26, v29  }
0x144: {  	v34 =	vld [tilespmem:s8+$0x2490];
	[tilespmem:s8+$0x7410] =	vst v3;
	v3 =	vmul.f32 v27, v29  }
0x145: {  	v35 =	vld [tilespmem:s8+$0x24A0];
	[tilespmem:s8+$0x7420] =	vst v2;
	v2 =	vmul.f32 v28, v29  }
0x146: {  	v36 =	vld [tilespmem:s8+$0x24B0];
	[tilespmem:s8+$0x7430] =	vst v3;
	v3 =	vmul.f32 v30, v29  }
0x147: {  	v37 =	vld [tilespmem:s8+$0x24C0];
	v38 =	vbroadcast v1, $0x9;
	[tilespmem:s8+$0x7440] =	vst v2;
	v2 =	vmul.f32 v31, v29  }
0x148: {  	v39 =	vld [tilespmem:s8+$0x24D0];
	[tilespmem:s8+$0x7450] =	vst v3;
	v3 =	vmul.f32 v32, v29  }
0x149: {  	v40 =	vld [tilespmem:s8+$0x24E0];
	[tilespmem:s8+$0x7460] =	vst v2;
	v2 =	vmul.f32 v33, v38  }
0x14a: {  	v42 =	vld [tilespmem:s8+$0x2500];
	[tilespmem:s8+$0x7470] =	vst v3;
	v3 =	vmul.f32 v34, v38  }
0x14b: {  	v41 =	vld [tilespmem:s8+$0x24F0];
	[tilespmem:s8+$0x7480] =	vst v2;
	v2 =	vmul.f32 v35, v38  }
0x14c: {  	v43 =	vld [tilespmem:s8+$0x2510];
	[tilespmem:s8+$0x7490] =	vst v3;
	v3 =	vmul.f32 v36, v38  }
0x14d: {  	v44 =	vld [tilespmem:s8+$0x2520];
	[tilespmem:s8+$0x74A0] =	vst v2;
	v2 =	vmul.f32 v37, v38  }
0x14e: {  	v45 =	vld [tilespmem:s8+$0x2530];
	[tilespmem:s8+$0x74B0] =	vst v3;
	v3 =	vmul.f32 v39, v38  }
0x14f: {  	v46 =	vld [tilespmem:s8+$0x2540];
	v47 =	vbroadcast v1, $0xA;
	[tilespmem:s8+$0x74C0] =	vst v2;
	v2 =	vmul.f32 v40, v38  }
0x150: {  	v48 =	vld [tilespmem:s8+$0x2550];
	[tilespmem:s8+$0x74D0] =	vst v3;
	v3 =	vmul.f32 v41, v38  }
0x151: {  	v38 =	vld [tilespmem:s8+$0x2770];
	[tilespmem:s8+$0x74E0] =	vst v2;
	v2 =	vmul.f32 v42, v47  }
0x152: {  	v49 =	vld [tilespmem:s8+$0x2560];
	v56 =	vbroadcast v1, $0xB;
	[tilespmem:s8+$0x74F0] =	vst v3;
	v3 =	vmul.f32 v43, v47  }
0x153: {  	v51 =	vld [tilespmem:s8+$0x2580];
	v17 =	vbroadcast v1, $0xC;
	[tilespmem:s8+$0x7500] =	vst v2;
	v2 =	vmul.f32 v44, v47  }
0x154: {  	v50 =	vld [tilespmem:s8+$0x2570];
	v35 =	vbroadcast v1, $0xE;
	[tilespmem:s8+$0x7510] =	vst v3;
	v3 =	vmul.f32 v45, v47  }
0x155: {  	v52 =	vld [tilespmem:s8+$0x2590];
	v26 =	vbroadcast v1, $0xD;
	[tilespmem:s8+$0x7520] =	vst v2;
	v2 =	vmul.f32 v46, v47  }
0x156: {  	v53 =	vld [tilespmem:s8+$0x25A0];
	v44 =	vbroadcast v1, $0xF;
	v1 =	vmul.f32 v38, v35;
	[tilespmem:s8+$0x7530] =	vst v3  }
0x157: {  	v54 =	vld [tilespmem:s8+$0x25B0];
	[tilespmem:s8+$0x7540] =	vst v2;
	v2 =	vmul.f32 v49, v47  }
0x158: {  	v55 =	vld [tilespmem:s8+$0x25C0];
	v3 =	vmul.f32 v48, v47;
	[tilespmem:s8+$0x7770] =	vst v1  }
0x159: {  	v57 =	vld [tilespmem:s8+$0x25D0];
	[tilespmem:s8+$0x7560] =	vst v2;
	v2 =	vmul.f32 v51, v56  }
0x15a: {  	v58 =	vld [tilespmem:s8+$0x25E0];
	[tilespmem:s8+$0x7550] =	vst v3;
	v3 =	vmul.f32 v50, v47  }
0x15b: {  	v60 =	vld [tilespmem:s8+$0x2600];
	[tilespmem:s8+$0x7580] =	vst v2;
	v2 =	vmul.f32 v53, v56  }
0x15c: {  	v59 =	vld [tilespmem:s8+$0x25F0];
	[tilespmem:s8+$0x7570] =	vst v3;
	v3 =	vmul.f32 v52, v56  }
0x15d: {  	v61 =	vld [tilespmem:s8+$0x2610];
	[tilespmem:s8+$0x75A0] =	vst v2;
	v2 =	vmul.f32 v55, v56  }
0x15e: {  	v62 =	vld [tilespmem:s8+$0x2620];
	[tilespmem:s8+$0x7590] =	vst v3;
	v3 =	vmul.f32 v54, v56  }
0x15f: {  	v63 =	vld [tilespmem:s8+$0x2630];
	[tilespmem:s8+$0x75C0] =	vst v2;
	v2 =	vmul.f32 v58, v56  }
0x160: {  	v16 =	vld [tilespmem:s8+$0x2640];
	[tilespmem:s8+$0x75B0] =	vst v3;
	v3 =	vmul.f32 v57, v56  }
0x161: {  	v18 =	vld [tilespmem:s8+$0x2650];
	[tilespmem:s8+$0x75E0] =	vst v2;
	v2 =	vmul.f32 v60, v17  }
0x162: {  	v19 =	vld [tilespmem:s8+$0x2660];
	[tilespmem:s8+$0x75D0] =	vst v3;
	v3 =	vmul.f32 v59, v56  }
0x163: {  	v21 =	vld [tilespmem:s8+$0x2680];
	[tilespmem:s8+$0x7600] =	vst v2;
	v2 =	vmul.f32 v62, v17  }
0x164: {  	v20 =	vld [tilespmem:s8+$0x2670];
	[tilespmem:s8+$0x75F0] =	vst v3;
	v3 =	vmul.f32 v61, v17  }
0x165: {  	v22 =	vld [tilespmem:s8+$0x2690];
	[tilespmem:s8+$0x7620] =	vst v2;
	v2 =	vmul.f32 v16, v17  }
0x166: {  	v23 =	vld [tilespmem:s8+$0x26A0];
	[tilespmem:s8+$0x7610] =	vst v3;
	v3 =	vmul.f32 v63, v17  }
0x167: {  	v24 =	vld [tilespmem:s8+$0x26B0];
	[tilespmem:s8+$0x7640] =	vst v2;
	v2 =	vmul.f32 v19, v17  }
0x168: {  	v25 =	vld [tilespmem:s8+$0x26C0];
	[tilespmem:s8+$0x7630] =	vst v3;
	v3 =	vmul.f32 v18, v17  }
0x169: {  	v27 =	vld [tilespmem:s8+$0x26D0];
	[tilespmem:s8+$0x7660] =	vst v2;
	v2 =	vmul.f32 v21, v26  }
0x16a: {  	v28 =	vld [tilespmem:s8+$0x26E0];
	[tilespmem:s8+$0x7650] =	vst v3;
	v3 =	vmul.f32 v20, v17  }
0x16b: {  	v30 =	vld [tilespmem:s8+$0x2700];
	[tilespmem:s8+$0x7680] =	vst v2;
	v2 =	vmul.f32 v23, v26  }
0x16c: {  	v29 =	vld [tilespmem:s8+$0x26F0];
	[tilespmem:s8+$0x7670] =	vst v3;
	v3 =	vmul.f32 v22, v26  }
0x16d: {  	v31 =	vld [tilespmem:s8+$0x2710];
	[tilespmem:s8+$0x76A0] =	vst v2;
	v2 =	vmul.f32 v25, v26  }
0x16e: {  	v32 =	vld [tilespmem:s8+$0x2720];
	[tilespmem:s8+$0x7690] =	vst v3;
	v3 =	vmul.f32 v24, v26  }
0x16f: {  	v33 =	vld [tilespmem:s8+$0x2730];
	[tilespmem:s8+$0x76C0] =	vst v2;
	v2 =	vmul.f32 v28, v26  }
0x170: {  	v34 =	vld [tilespmem:s8+$0x2740];
	[tilespmem:s8+$0x76B0] =	vst v3;
	v3 =	vmul.f32 v27, v26  }
0x171: {  	v36 =	vld [tilespmem:s8+$0x2750];
	[tilespmem:s8+$0x76E0] =	vst v2;
	v2 =	vmul.f32 v30, v35  }
0x172: {  	v37 =	vld [tilespmem:s8+$0x2760];
	[tilespmem:s8+$0x76D0] =	vst v3;
	v3 =	vmul.f32 v29, v26  }
0x173: {  	v39 =	vld [tilespmem:s8+$0x2780];
	[tilespmem:s8+$0x7700] =	vst v2;
	v2 =	vmul.f32 v32, v35  }
0x174: {  	v40 =	vld [tilespmem:s8+$0x2790];
	[tilespmem:s8+$0x76F0] =	vst v3;
	v3 =	vmul.f32 v31, v35  }
0x175: {  	v41 =	vld [tilespmem:s8+$0x27A0];
	[tilespmem:s8+$0x7720] =	vst v2;
	v2 =	vmul.f32 v34, v35  }
0x176: {  	v42 =	vld [tilespmem:s8+$0x27B0];
	[tilespmem:s8+$0x7710] =	vst v3;
	v3 =	vmul.f32 v33, v35  }
0x177: {  	v43 =	vld [tilespmem:s8+$0x27C0];
	[tilespmem:s8+$0x7740] =	vst v2;
	v2 =	vmul.f32 v37, v35  }
0x178: {  	v45 =	vld [tilespmem:s8+$0x27D0];
	[tilespmem:s8+$0x7730] =	vst v3;
	v3 =	vmul.f32 v36, v35  }
0x179: {  	v1 =	vld [tilespmem:s6+$0x120];
	[tilespmem:s8+$0x7760] =	vst v2;
	v2 =	vmul.f32 v39, v44  }
0x17a: {  	v47 =	vmul.f32 v40, v44;
	[tilespmem:s8+$0x7750] =	vst v3;
	v3 =	vld [tilespmem:s8+$0x27E0]  }
0x17b: {  	v46 =	vld [tilespmem:s8+$0x27F0];
	[tilespmem:s8+$0x7780] =	vst v2;
	v2 =	vmul.f32 v41, v44  }
0x17c: {  	v48 =	vld [tilespmem:s8+$0x2800];
	v49 =	vmul.f32 v42, v44;
	[tilespmem:s8+$0x7790] =	vst v47  }
0x17d: {  	v50 =	vld [tilespmem:s8+$0x2810];
	[tilespmem:s8+$0x77A0] =	vst v2;
	v2 =	vmul.f32 v43, v44  }
0x17e: {  	v51 =	vld [tilespmem:s8+$0x2820];
	[tilespmem:s8+$0x77B0] =	vst v49;
	v52 =	vmul.f32 v45, v44  }
0x17f: {  	v53 =	vld [tilespmem:s8+$0x2830];
	[tilespmem:s8+$0x77C0] =	vst v2;
	v2 =	vmul.f32 v3, v44;
	v3 =	vbroadcast v1, $0x0  }
0x180: {  	v4 =	vmul.f32 v46, v44;
	v54 =	vld [tilespmem:s8+$0x2840];
	[tilespmem:s8+$0x77D0] =	vst v52  }
0x181: {  	v55 =	vld [tilespmem:s8+$0x2850];
	[tilespmem:s8+$0x77E0] =	vst v2;
	v2 =	vmul.f32 v3, v48  }
0x182: {  	[tilespmem:s8+$0x77F0] =	vst v4;
	v56 =	vld [tilespmem:s8+$0x2860];
	v57 =	vmul.f32 v50, v3  }
0x183: {  	v58 =	vld [tilespmem:s8+$0x2870];
	[tilespmem:s8+$0x7800] =	vst v2;
	v2 =	vmul.f32 v51, v3  }
0x184: {  	v59 =	vld [tilespmem:s8+$0x2880];
	v60 =	vmul.f32 v53, v3;
	[tilespmem:s8+$0x7810] =	vst v57  }
0x185: {  	v61 =	vld [tilespmem:s8+$0x2890];
	[tilespmem:s8+$0x7820] =	vst v2;
	v2 =	vmul.f32 v54, v3  }
0x186: {  	v62 =	vld [tilespmem:s8+$0x28A0];
	v63 =	vmul.f32 v55, v3;
	[tilespmem:s8+$0x7830] =	vst v60  }
0x187: {  	v12 =	vld [tilespmem:s8+$0x28B0];
	v13 =	vbroadcast v1, $0x1;
	[tilespmem:s8+$0x7840] =	vst v2;
	v2 =	vmul.f32 v56, v3  }
0x188: {  	v15 =	vld [tilespmem:s8+$0x28D0];
	[tilespmem:s8+$0x7850] =	vst v63;
	v3 =	vmul.f32 v58, v3  }
0x189: {  	v38 =	vld [tilespmem:s8+$0x2A20];
	[tilespmem:s8+$0x7860] =	vst v2;
	v2 =	vmul.f32 v59, v13  }
0x18a: {  	v16 =	vld [tilespmem:s8+$0x28E0];
	[tilespmem:s8+$0x7870] =	vst v3;
	v3 =	vmul.f32 v61, v13  }
0x18b: {  	v17 =	vld [tilespmem:s8+$0x28F0];
	[tilespmem:s8+$0x7880] =	vst v2;
	v2 =	vmul.f32 v62, v13  }
0x18c: {  	v18 =	vld [tilespmem:s8+$0x2900];
	[tilespmem:s8+$0x7890] =	vst v3;
	v3 =	vmul.f32 v12, v13  }
0x18d: {  	v19 =	vld [tilespmem:s8+$0x2910];
	[tilespmem:s8+$0x78A0] =	vst v2;
	v2 =	vmul.f32 v14, v13  }
0x18e: {  	v20 =	vld [tilespmem:s8+$0x2920];
	[tilespmem:s8+$0x78B0] =	vst v3;
	v3 =	vmul.f32 v15, v13  }
0x18f: {  	v21 =	vld [tilespmem:s8+$0x2930];
	v22 =	vbroadcast v1, $0x2;
	[tilespmem:s8+$0x78C0] =	vst v2;
	v2 =	vmul.f32 v16, v13  }
0x190: {  	v23 =	vld [tilespmem:s8+$0x2940];
	[tilespmem:s8+$0x78D0] =	vst v3;
	v3 =	vmul.f32 v17, v13  }
0x191: {  	v24 =	vld [tilespmem:s8+$0x2950];
	[tilespmem:s8+$0x78E0] =	vst v2;
	v2 =	vmul.f32 v18, v22  }
0x192: {  	v25 =	vld [tilespmem:s8+$0x2960];
	[tilespmem:s8+$0x78F0] =	vst v3;
	v3 =	vmul.f32 v19, v22  }
0x193: {  	v26 =	vld [tilespmem:s8+$0x2970];
	[tilespmem:s8+$0x7900] =	vst v2;
	v2 =	vmul.f32 v20, v22  }
0x194: {  	v27 =	vld [tilespmem:s8+$0x2980];
	[tilespmem:s8+$0x7910] =	vst v3;
	v3 =	vmul.f32 v21, v22  }
0x195: {  	v28 =	vld [tilespmem:s8+$0x2990];
	[tilespmem:s8+$0x7920] =	vst v2;
	v2 =	vmul.f32 v23, v22  }
0x196: {  	v29 =	vld [tilespmem:s8+$0x29A0];
	[tilespmem:s8+$0x7930] =	vst v3;
	v3 =	vmul.f32 v24, v22  }
0x197: {  	v30 =	vld [tilespmem:s8+$0x29B0];
	v31 =	vbroadcast v1, $0x3;
	[tilespmem:s8+$0x7940] =	vst v2;
	v2 =	vmul.f32 v25, v22  }
0x198: {  	v32 =	vld [tilespmem:s8+$0x29C0];
	[tilespmem:s8+$0x7950] =	vst v3;
	v3 =	vmul.f32 v26, v22  }
0x199: {  	v33 =	vld [tilespmem:s8+$0x29D0];
	[tilespmem:s8+$0x7960] =	vst v2;
	v2 =	vmul.f32 v27, v31  }
0x19a: {  	v34 =	vld [tilespmem:s8+$0x29E0];
	[tilespmem:s8+$0x7970] =	vst v3;
	v3 =	vmul.f32 v28, v31  }
0x19b: {  	v35 =	vld [tilespmem:s8+$0x29F0];
	[tilespmem:s8+$0x7980] =	vst v2;
	v2 =	vmul.f32 v29, v31  }
0x19c: {  	v36 =	vld [tilespmem:s8+$0x2A00];
	[tilespmem:s8+$0x7990] =	vst v3;
	v3 =	vmul.f32 v30, v31  }
0x19d: {  	v37 =	vld [tilespmem:s8+$0x2A10];
	[tilespmem:s8+$0x79A0] =	vst v2;
	v2 =	vmul.f32 v32, v31  }
0x19e: {  	v42 =	vld [tilespmem:s8+$0x2A50];
	[tilespmem:s8+$0x79B0] =	vst v3;
	v3 =	vmul.f32 v33, v31  }
0x19f: {  	v40 =	vbroadcast v1, $0x4;
	v39 =	vld [tilespmem:s8+$0x2A30];
	[tilespmem:s8+$0x79C0] =	vst v2;
	v2 =	vmul.f32 v34, v31  }
0x1a0: {  	v41 =	vld [tilespmem:s8+$0x2A40];
	[tilespmem:s8+$0x79D0] =	vst v3;
	v3 =	vmul.f32 v35, v31  }
0x1a1: {  	v45 =	vld [tilespmem:s8+$0x2A80];
	[tilespmem:s8+$0x79E0] =	vst v2;
	v2 =	vmul.f32 v36, v40  }
0x1a2: {  	v43 =	vld [tilespmem:s8+$0x2A60];
	[tilespmem:s8+$0x79F0] =	vst v3;
	v3 =	vmul.f32 v37, v40  }
0x1a3: {  	v44 =	vld [tilespmem:s8+$0x2A70];
	[tilespmem:s8+$0x7A00] =	vst v2;
	v2 =	vmul.f32 v38, v40  }
0x1a4: {  	v47 =	vld [tilespmem:s8+$0x2AA0];
	[tilespmem:s8+$0x7A10] =	vst v3;
	v3 =	vmul.f32 v39, v40  }
0x1a5: {  	v46 =	vld [tilespmem:s8+$0x2A90];
	[tilespmem:s8+$0x7A20] =	vst v2;
	v2 =	vmul.f32 v41, v40  }
0x1a6: {  	v52 =	vld [tilespmem:s8+$0x2AE0];
	[tilespmem:s8+$0x7A30] =	vst v3;
	v3 =	vmul.f32 v42, v40  }
0x1a7: {  	v49 =	vbroadcast v1, $0x5;
	v48 =	vld [tilespmem:s8+$0x2AB0];
	[tilespmem:s8+$0x7A40] =	vst v2;
	v2 =	vmul.f32 v43, v40  }
0x1a8: {  	v50 =	vld [tilespmem:s8+$0x2AC0];
	[tilespmem:s8+$0x7A50] =	vst v3;
	v3 =	vmul.f32 v44, v40  }
0x1a9: {  	v51 =	vld [tilespmem:s8+$0x2AD0];
	[tilespmem:s8+$0x7A60] =	vst v2;
	v2 =	vmul.f32 v45, v49  }
0x1aa: {  	v53 =	vld [tilespmem:s8+$0x2AF0];
	[tilespmem:s8+$0x7A70] =	vst v3;
	v3 =	vmul.f32 v46, v49  }
0x1ab: {  	v55 =	vld [tilespmem:s8+$0x2B10];
	[tilespmem:s8+$0x7A80] =	vst v2;
	v2 =	vmul.f32 v47, v49  }
0x1ac: {  	v54 =	vld [tilespmem:s8+$0x2B00];
	[tilespmem:s8+$0x7A90] =	vst v3;
	v3 =	vmul.f32 v48, v49  }
0x1ad: {  	v57 =	vld [tilespmem:s8+$0x2B30];
	[tilespmem:s8+$0x7AA0] =	vst v2;
	v2 =	vmul.f32 v50, v49  }
0x1ae: {  	v56 =	vld [tilespmem:s8+$0x2B20];
	[tilespmem:s8+$0x7AB0] =	vst v3;
	v3 =	vmul.f32 v51, v49  }
0x1af: {  	v60 =	vld [tilespmem:s8+$0x2B50];
	v58 =	vbroadcast v1, $0x6;
	[tilespmem:s8+$0x7AC0] =	vst v2;
	v2 =	vmul.f32 v52, v49  }
0x1b0: {  	v59 =	vld [tilespmem:s8+$0x2B40];
	[tilespmem:s8+$0x7AD0] =	vst v3;
	v3 =	vmul.f32 v53, v49  }
0x1b1: {  	v63 =	vld [tilespmem:s8+$0x2B80];
	[tilespmem:s8+$0x7AE0] =	vst v2;
	v2 =	vmul.f32 v54, v58  }
0x1b2: {  	v61 =	vld [tilespmem:s8+$0x2B60];
	[tilespmem:s8+$0x7AF0] =	vst v3;
	v3 =	vmul.f32 v55, v58  }
0x1b3: {  	v62 =	vld [tilespmem:s8+$0x2B70];
	[tilespmem:s8+$0x7B00] =	vst v2;
	v2 =	vmul.f32 v56, v58  }
0x1b4: {  	v12 =	vld [tilespmem:s8+$0x2B90];
	[tilespmem:s8+$0x7B10] =	vst v3;
	v3 =	vmul.f32 v57, v58  }
0x1b5: {  	v14 =	vld [tilespmem:s8+$0x2BB0];
	[tilespmem:s8+$0x7B20] =	vst v2;
	v2 =	vmul.f32 v59, v58  }
0x1b6: {  	v13 =	vld [tilespmem:s8+$0x2BA0];
	[tilespmem:s8+$0x7B30] =	vst v3;
	v3 =	vmul.f32 v60, v58  }
0x1b7: {  	v15 =	vbroadcast v1, $0x7;
	v16 =	vld [tilespmem:s8+$0x2BC0];
	[tilespmem:s8+$0x7B40] =	vst v2;
	v2 =	vmul.f32 v61, v58  }
0x1b8: {  	v17 =	vld [tilespmem:s8+$0x2BD0];
	[tilespmem:s8+$0x7B50] =	vst v3;
	v3 =	vmul.f32 v62, v58  }
0x1b9: {  	v18 =	vld [tilespmem:s8+$0x2BE0];
	[tilespmem:s8+$0x7B60] =	vst v2;
	v2 =	vmul.f32 v63, v15  }
0x1ba: {  	v19 =	vld [tilespmem:s8+$0x2BF0];
	[tilespmem:s8+$0x7B70] =	vst v3;
	v3 =	vmul.f32 v12, v15  }
0x1bb: {  	v20 =	vld [tilespmem:s8+$0x2C00];
	[tilespmem:s8+$0x7B80] =	vst v2;
	v2 =	vmul.f32 v13, v15  }
0x1bc: {  	v21 =	vld [tilespmem:s8+$0x2C10];
	[tilespmem:s8+$0x7B90] =	vst v3;
	v3 =	vmul.f32 v14, v15  }
0x1bd: {  	v23 =	vld [tilespmem:s8+$0x2C30];
	[tilespmem:s8+$0x7BA0] =	vst v2;
	v2 =	vmul.f32 v16, v15  }
0x1be: {  	v22 =	vld [tilespmem:s8+$0x2C20];
	[tilespmem:s8+$0x7BB0] =	vst v3;
	v3 =	vmul.f32 v17, v15  }
0x1bf: {  	v24 =	vbroadcast v1, $0x8;
	v25 =	vld [tilespmem:s8+$0x2C40];
	[tilespmem:s8+$0x7BC0] =	vst v2;
	v2 =	vmul.f32 v18, v15  }
0x1c0: {  	v26 =	vld [tilespmem:s8+$0x2C50];
	[tilespmem:s8+$0x7BD0] =	vst v3;
	v3 =	vmul.f32 v19, v15  }
0x1c1: {  	v27 =	vld [tilespmem:s8+$0x2C60];
	[tilespmem:s8+$0x7BE0] =	vst v2;
	v2 =	vmul.f32 v20, v24  }
0x1c2: {  	v28 =	vld [tilespmem:s8+$0x2C70];
	[tilespmem:s8+$0x7BF0] =	vst v3;
	v3 =	vmul.f32 v21, v24  }
0x1c3: {  	v29 =	vld [tilespmem:s8+$0x2C80];
	[tilespmem:s8+$0x7C00] =	vst v2;
	v2 =	vmul.f32 v22, v24  }
0x1c4: {  	v30 =	vld [tilespmem:s8+$0x2C90];
	[tilespmem:s8+$0x7C10] =	vst v3;
	v3 =	vmul.f32 v23, v24  }
0x1c5: {  	v32 =	vld [tilespmem:s8+$0x2CB0];
	[tilespmem:s8+$0x7C20] =	vst v2;
	v2 =	vmul.f32 v25, v24  }
0x1c6: {  	v31 =	vld [tilespmem:s8+$0x2CA0];
	[tilespmem:s8+$0x7C30] =	vst v3;
	v3 =	vmul.f32 v26, v24  }
0x1c7: {  	v33 =	vbroadcast v1, $0x9;
	v34 =	vld [tilespmem:s8+$0x2CC0];
	[tilespmem:s8+$0x7C40] =	vst v2;
	v2 =	vmul.f32 v27, v24  }
0x1c8: {  	v35 =	vld [tilespmem:s8+$0x2CD0];
	[tilespmem:s8+$0x7C50] =	vst v3;
	v3 =	vmul.f32 v28, v24  }
0x1c9: {  	v36 =	vld [tilespmem:s8+$0x2CE0];
	[tilespmem:s8+$0x7C60] =	vst v2;
	v2 =	vmul.f32 v29, v33  }
0x1ca: {  	v37 =	vld [tilespmem:s8+$0x2CF0];
	[tilespmem:s8+$0x7C70] =	vst v3;
	v3 =	vmul.f32 v30, v33  }
0x1cb: {  	v38 =	vld [tilespmem:s8+$0x2D00];
	[tilespmem:s8+$0x7C80] =	vst v2;
	v2 =	vmul.f32 v31, v33  }
0x1cc: {  	v39 =	vld [tilespmem:s8+$0x2D10];
	[tilespmem:s8+$0x7C90] =	vst v3;
	v3 =	vmul.f32 v32, v33  }
0x1cd: {  	v41 =	vld [tilespmem:s8+$0x2D30];
	[tilespmem:s8+$0x7CA0] =	vst v2;
	v2 =	vmul.f32 v34, v33  }
0x1ce: {  	v40 =	vld [tilespmem:s8+$0x2D20];
	[tilespmem:s8+$0x7CB0] =	vst v3;
	v3 =	vmul.f32 v35, v33  }
0x1cf: {  	v42 =	vbroadcast v1, $0xA;
	v43 =	vld [tilespmem:s8+$0x2D40];
	[tilespmem:s8+$0x7CC0] =	vst v2;
	v2 =	vmul.f32 v36, v33  }
0x1d0: {  	v44 =	vld [tilespmem:s8+$0x2D50];
	[tilespmem:s8+$0x7CD0] =	vst v3;
	v3 =	vmul.f32 v37, v33  }
0x1d1: {  	v45 =	vld [tilespmem:s8+$0x2D60];
	[tilespmem:s8+$0x7CE0] =	vst v2;
	v2 =	vmul.f32 v38, v42  }
0x1d2: {  	v46 =	vld [tilespmem:s8+$0x2D70];
	[tilespmem:s8+$0x7CF0] =	vst v3;
	v3 =	vmul.f32 v39, v42  }
0x1d3: {  	v47 =	vld [tilespmem:s8+$0x2D80];
	[tilespmem:s8+$0x7D00] =	vst v2;
	v2 =	vmul.f32 v40, v42  }
0x1d4: {  	v48 =	vld [tilespmem:s8+$0x2D90];
	[tilespmem:s8+$0x7D10] =	vst v3;
	v3 =	vmul.f32 v41, v42  }
0x1d5: {  	v50 =	vld [tilespmem:s8+$0x2DB0];
	[tilespmem:s8+$0x7D20] =	vst v2;
	v2 =	vmul.f32 v43, v42  }
0x1d6: {  	v49 =	vld [tilespmem:s8+$0x2DA0];
	[tilespmem:s8+$0x7D30] =	vst v3;
	v3 =	vmul.f32 v44, v42  }
0x1d7: {  	v51 =	vbroadcast v1, $0xB;
	v52 =	vld [tilespmem:s8+$0x2DC0];
	[tilespmem:s8+$0x7D40] =	vst v2;
	v2 =	vmul.f32 v45, v42  }
0x1d8: {  	v53 =	vld [tilespmem:s8+$0x2DD0];
	[tilespmem:s8+$0x7D50] =	vst v3;
	v3 =	vmul.f32 v46, v42  }
0x1d9: {  	v54 =	vld [tilespmem:s8+$0x2DE0];
	[tilespmem:s8+$0x7D60] =	vst v2;
	v2 =	vmul.f32 v47, v51  }
0x1da: {  	v55 =	vld [tilespmem:s8+$0x2DF0];
	[tilespmem:s8+$0x7D70] =	vst v3;
	v3 =	vmul.f32 v48, v51  }
0x1db: {  	v56 =	vld [tilespmem:s8+$0x2E00];
	[tilespmem:s8+$0x7D80] =	vst v2;
	v2 =	vmul.f32 v49, v51  }
0x1dc: {  	v57 =	vld [tilespmem:s8+$0x2E10];
	[tilespmem:s8+$0x7D90] =	vst v3;
	v3 =	vmul.f32 v50, v51  }
0x1dd: {  	v59 =	vld [tilespmem:s8+$0x2E30];
	[tilespmem:s8+$0x7DA0] =	vst v2;
	v2 =	vmul.f32 v52, v51  }
0x1de: {  	v58 =	vld [tilespmem:s8+$0x2E20];
	[tilespmem:s8+$0x7DB0] =	vst v3;
	v3 =	vmul.f32 v53, v51  }
0x1df: {  	v60 =	vbroadcast v1, $0xC;
	v61 =	vld [tilespmem:s8+$0x2E40];
	[tilespmem:s8+$0x7DC0] =	vst v2;
	v2 =	vmul.f32 v54, v51  }
0x1e0: {  	v62 =	vld [tilespmem:s8+$0x2E50];
	[tilespmem:s8+$0x7DD0] =	vst v3;
	v3 =	vmul.f32 v55, v51  }
0x1e1: {  	v63 =	vld [tilespmem:s8+$0x2E60];
	[tilespmem:s8+$0x7DE0] =	vst v2;
	v2 =	vmul.f32 v56, v60  }
0x1e2: {  	v12 =	vld [tilespmem:s8+$0x2E70];
	[tilespmem:s8+$0x7DF0] =	vst v3;
	v3 =	vmul.f32 v57, v60  }
0x1e3: {  	v13 =	vld [tilespmem:s8+$0x2E80];
	[tilespmem:s8+$0x7E00] =	vst v2;
	v2 =	vmul.f32 v58, v60  }
0x1e4: {  	v14 =	vld [tilespmem:s8+$0x2E90];
	[tilespmem:s8+$0x7E10] =	vst v3;
	v3 =	vmul.f32 v59, v60  }
0x1e5: {  	v16 =	vld [tilespmem:s8+$0x2EB0];
	[tilespmem:s8+$0x7E20] =	vst v2;
	v2 =	vmul.f32 v61, v60  }
0x1e6: {  	v15 =	vld [tilespmem:s8+$0x2EA0];
	[tilespmem:s8+$0x7E30] =	vst v3;
	v3 =	vmul.f32 v62, v60  }
0x1e7: {  	v17 =	vbroadcast v1, $0xD;
	v18 =	vld [tilespmem:s8+$0x2EC0];
	[tilespmem:s8+$0x7E40] =	vst v2;
	v2 =	vmul.f32 v63, v60  }
0x1e8: {  	v19 =	vld [tilespmem:s8+$0x2ED0];
	[tilespmem:s8+$0x7E50] =	vst v3;
	v3 =	vmul.f32 v12, v60  }
0x1e9: {  	v20 =	vld [tilespmem:s8+$0x2EE0];
	[tilespmem:s8+$0x7E60] =	vst v2;
	v2 =	vmul.f32 v13, v17  }
0x1ea: {  	v21 =	vld [tilespmem:s8+$0x2EF0];
	[tilespmem:s8+$0x7E70] =	vst v3;
	v3 =	vmul.f32 v14, v17  }
0x1eb: {  	v22 =	vld [tilespmem:s8+$0x2F00];
	[tilespmem:s8+$0x7E80] =	vst v2;
	v2 =	vmul.f32 v15, v17  }
0x1ec: {  	v23 =	vld [tilespmem:s8+$0x2F10];
	[tilespmem:s8+$0x7E90] =	vst v3;
	v3 =	vmul.f32 v16, v17  }
0x1ed: {  	v25 =	vld [tilespmem:s8+$0x2F30];
	[tilespmem:s8+$0x7EA0] =	vst v2;
	v2 =	vmul.f32 v18, v17  }
0x1ee: {  	v24 =	vld [tilespmem:s8+$0x2F20];
	[tilespmem:s8+$0x7EB0] =	vst v3;
	v3 =	vmul.f32 v19, v17  }
0x1ef: {  	v26 =	vbroadcast v1, $0xE;
	v27 =	vld [tilespmem:s8+$0x2F40];
	[tilespmem:s8+$0x7EC0] =	vst v2;
	v2 =	vmul.f32 v20, v17  }
0x1f0: {  	v28 =	vld [tilespmem:s8+$0x2F50];
	[tilespmem:s8+$0x7ED0] =	vst v3;
	v3 =	vmul.f32 v21, v17  }
0x1f1: {  	v29 =	vld [tilespmem:s8+$0x2F60];
	[tilespmem:s8+$0x7EE0] =	vst v2;
	v2 =	vmul.f32 v22, v26  }
0x1f2: {  	v30 =	vld [tilespmem:s8+$0x2F70];
	[tilespmem:s8+$0x7EF0] =	vst v3;
	v3 =	vmul.f32 v23, v26  }
0x1f3: {  	v31 =	vld [tilespmem:s8+$0x2F80];
	[tilespmem:s8+$0x7F00] =	vst v2;
	v2 =	vmul.f32 v24, v26  }
0x1f4: {  	v32 =	vld [tilespmem:s8+$0x2F90];
	[tilespmem:s8+$0x7F10] =	vst v3;
	v3 =	vmul.f32 v25, v26  }
0x1f5: {  	v34 =	vld [tilespmem:s8+$0x2FB0];
	[tilespmem:s8+$0x7F20] =	vst v2;
	v2 =	vmul.f32 v27, v26  }
0x1f6: {  	v33 =	vld [tilespmem:s8+$0x2FA0];
	[tilespmem:s8+$0x7F30] =	vst v3;
	v3 =	vmul.f32 v28, v26  }
0x1f7: {  	v35 =	vbroadcast v1, $0xF;
	v36 =	vld [tilespmem:s8+$0x2FC0];
	[tilespmem:s8+$0x7F40] =	vst v2;
	v2 =	vmul.f32 v29, v26  }
0x1f8: {  	v1 =	vmul.f32 v30, v26;
	v37 =	vld [tilespmem:s8+$0x2FE0];
	[tilespmem:s8+$0x7F50] =	vst v3  }
0x1f9: {  	v3 =	vld [tilespmem:s8+$0x2FD0];
	[tilespmem:s8+$0x7F60] =	vst v2;
	v2 =	vmul.f32 v31, v35  }
0x1fa: {  	[tilespmem:s8+$0x7F70] =	vst v1;
	v4 =	vmul.f32 v32, v35;
	v1 =	vld [tilespmem:s6+$0x130]  }
0x1fb: {  	v38 =	vld [tilespmem:s8+$0x2FF0];
	[tilespmem:s8+$0x7F80] =	vst v2;
	v2 =	vmul.f32 v33, v35  }
0x1fc: {  	[tilespmem:s8+$0x7F90] =	vst v4;
	v39 =	vmul.f32 v34, v35;
	v40 =	vld [tilespmem:s8+$0x3000]  }
0x1fd: {  	v41 =	vld [tilespmem:s8+$0x3010];
	[tilespmem:s8+$0x7FA0] =	vst v2;
	v2 =	vmul.f32 v36, v35  }
0x1fe: {  	[tilespmem:s8+$0x7FB0] =	vst v39;
	v42 =	vld [tilespmem:s8+$0x3020];
	v3 =	vmul.f32 v3, v35  }
0x1ff: {  	v43 =	vbroadcast v1, $0x0;
	v44 =	vld [tilespmem:s8+$0x3030];
	[tilespmem:s8+$0x7FC0] =	vst v2;
	v2 =	vmul.f32 v37, v35  }
0x200: {  	v45 =	vld [tilespmem:s8+$0x3040];
	[tilespmem:s8+$0x7FD0] =	vst v3;
	v3 =	vmul.f32 v38, v35  }
0x201: {  	v46 =	vld [tilespmem:s8+$0x3050];
	[tilespmem:s8+$0x7FE0] =	vst v2;
	v2 =	vmul.f32 v43, v40  }
0x202: {  	v47 =	vld [tilespmem:s8+$0x3060];
	[tilespmem:s8+$0x7FF0] =	vst v3;
	v3 =	vmul.f32 v41, v43  }
0x203: {  	v48 =	vld [tilespmem:s8+$0x3070];
	[tilespmem:s8+$0x8000] =	vst v2;
	v2 =	vmul.f32 v42, v43  }
0x204: {  	v49 =	vld [tilespmem:s8+$0x3080];
	[tilespmem:s8+$0x8010] =	vst v3;
	v3 =	vmul.f32 v44, v43  }
0x205: {  	[tilespmem:s8+$0x8020] =	vst v2;
	v2 =	vmul.f32 v45, v43  }
0x206: {  	[tilespmem:s8+$0x8030] =	vst v3;
	v3 =	vmul.f32 v46, v43  }
0x207: {  	v50 =	vbroadcast v1, $0x1;
	[tilespmem:s8+$0x8040] =	vst v2;
	v2 =	vmul.f32 v47, v43  }
0x208: {  	[tilespmem:s8+$0x8050] =	vst v3;
	v3 =	vmul.f32 v48, v43  }
0x209: {  	[tilespmem:s8+$0x8060] =	vst v2;
	v2 =	vmul.f32 v49, v50  }
0x20a: {  	[tilespmem:s8+$0x8070] =	vst v3  }
0x20b: {  	[tilespmem:s8+$0x8080] =	vst v2  }
0x20c: {  	v2 =	vld [tilespmem:s8+$0x3090]  }
0x20d: {  	v3 =	vld [tilespmem:s8+$0x30A0]  }
0x20e: {  	v51 =	vld [tilespmem:s8+$0x30B0]  }
0x20f: {  	v52 =	vld [tilespmem:s8+$0x30C0]  }
0x210: {  	v53 =	vld [tilespmem:s8+$0x30D0]  }
0x211: {  	v54 =	vld [tilespmem:s8+$0x30E0]  }
0x212: {  	v55 =	vld [tilespmem:s8+$0x30F0];
	v2 =	vmul.f32 v2, v50  }
0x213: {  	v56 =	vld [tilespmem:s8+$0x3100];
	v3 =	vmul.f32 v3, v50  }
0x214: {  	v57 =	vld [tilespmem:s8+$0x3110];
	[tilespmem:s8+$0x8090] =	vst v2;
	v2 =	vmul.f32 v51, v50  }
0x215: {  	v58 =	vld [tilespmem:s8+$0x3120];
	[tilespmem:s8+$0x80A0] =	vst v3;
	v3 =	vmul.f32 v52, v50  }
0x216: {  	v59 =	vld [tilespmem:s8+$0x3130];
	[tilespmem:s8+$0x80B0] =	vst v2;
	v2 =	vmul.f32 v53, v50  }
0x217: {  	v60 =	vbroadcast v1, $0x2;
	v61 =	vld [tilespmem:s8+$0x3140];
	[tilespmem:s8+$0x80C0] =	vst v3;
	v3 =	vmul.f32 v54, v50  }
0x218: {  	v62 =	vld [tilespmem:s8+$0x3150];
	[tilespmem:s8+$0x80D0] =	vst v2;
	v2 =	vmul.f32 v55, v50  }
0x219: {  	v63 =	vld [tilespmem:s8+$0x3160];
	[tilespmem:s8+$0x80E0] =	vst v3;
	v3 =	vmul.f32 v56, v60  }
0x21a: {  	v12 =	vld [tilespmem:s8+$0x3170];
	[tilespmem:s8+$0x80F0] =	vst v2;
	v2 =	vmul.f32 v57, v60  }
0x21b: {  	v13 =	vld [tilespmem:s8+$0x3180];
	[tilespmem:s8+$0x8100] =	vst v3;
	v3 =	vmul.f32 v58, v60  }
0x21c: {  	v14 =	vld [tilespmem:s8+$0x3190];
	[tilespmem:s8+$0x8110] =	vst v2;
	v2 =	vmul.f32 v59, v60  }
0x21d: {  	v15 =	vld [tilespmem:s8+$0x31A0];
	[tilespmem:s8+$0x8120] =	vst v3;
	v3 =	vmul.f32 v61, v60  }
0x21e: {  	v16 =	vld [tilespmem:s8+$0x31B0];
	[tilespmem:s8+$0x8130] =	vst v2;
	v2 =	vmul.f32 v62, v60  }
0x21f: {  	v17 =	vbroadcast v1, $0x3;
	v18 =	vld [tilespmem:s8+$0x31C0];
	[tilespmem:s8+$0x8140] =	vst v3;
	v3 =	vmul.f32 v63, v60  }
0x220: {  	v19 =	vld [tilespmem:s8+$0x31D0];
	[tilespmem:s8+$0x8150] =	vst v2;
	v2 =	vmul.f32 v12, v60  }
0x221: {  	v20 =	vld [tilespmem:s8+$0x31E0];
	[tilespmem:s8+$0x8160] =	vst v3;
	v3 =	vmul.f32 v13, v17  }
0x222: {  	v21 =	vld [tilespmem:s8+$0x31F0];
	[tilespmem:s8+$0x8170] =	vst v2;
	v2 =	vmul.f32 v14, v17  }
0x223: {  	v22 =	vld [tilespmem:s8+$0x3200];
	[tilespmem:s8+$0x8180] =	vst v3;
	v3 =	vmul.f32 v15, v17  }
0x224: {  	v23 =	vld [tilespmem:s8+$0x3210];
	[tilespmem:s8+$0x8190] =	vst v2;
	v2 =	vmul.f32 v16, v17  }
0x225: {  	v24 =	vld [tilespmem:s8+$0x3220];
	[tilespmem:s8+$0x81A0] =	vst v3;
	v3 =	vmul.f32 v18, v17  }
0x226: {  	v25 =	vld [tilespmem:s8+$0x3230];
	[tilespmem:s8+$0x81B0] =	vst v2;
	v2 =	vmul.f32 v19, v17  }
0x227: {  	v26 =	vbroadcast v1, $0x4;
	v27 =	vld [tilespmem:s8+$0x3240];
	[tilespmem:s8+$0x81C0] =	vst v3;
	v3 =	vmul.f32 v20, v17  }
0x228: {  	v28 =	vld [tilespmem:s8+$0x3250];
	[tilespmem:s8+$0x81D0] =	vst v2;
	v2 =	vmul.f32 v21, v17  }
0x229: {  	v29 =	vld [tilespmem:s8+$0x3260];
	[tilespmem:s8+$0x81E0] =	vst v3;
	v3 =	vmul.f32 v22, v26  }
0x22a: {  	v30 =	vld [tilespmem:s8+$0x3270];
	[tilespmem:s8+$0x81F0] =	vst v2;
	v2 =	vmul.f32 v23, v26  }
0x22b: {  	v31 =	vld [tilespmem:s8+$0x3280];
	[tilespmem:s8+$0x8200] =	vst v3;
	v3 =	vmul.f32 v24, v26  }
0x22c: {  	v32 =	vld [tilespmem:s8+$0x3290];
	[tilespmem:s8+$0x8210] =	vst v2;
	v2 =	vmul.f32 v25, v26  }
0x22d: {  	v33 =	vld [tilespmem:s8+$0x32A0];
	[tilespmem:s8+$0x8220] =	vst v3;
	v3 =	vmul.f32 v27, v26  }
0x22e: {  	v34 =	vld [tilespmem:s8+$0x32B0];
	[tilespmem:s8+$0x8230] =	vst v2;
	v2 =	vmul.f32 v28, v26  }
0x22f: {  	v35 =	vbroadcast v1, $0x5;
	v36 =	vld [tilespmem:s8+$0x32C0];
	[tilespmem:s8+$0x8240] =	vst v3;
	v3 =	vmul.f32 v29, v26  }
0x230: {  	v37 =	vld [tilespmem:s8+$0x32D0];
	[tilespmem:s8+$0x8250] =	vst v2;
	v2 =	vmul.f32 v30, v26  }
0x231: {  	v38 =	vld [tilespmem:s8+$0x32E0];
	[tilespmem:s8+$0x8260] =	vst v3;
	v3 =	vmul.f32 v31, v35  }
0x232: {  	v39 =	vld [tilespmem:s8+$0x32F0];
	[tilespmem:s8+$0x8270] =	vst v2;
	v2 =	vmul.f32 v32, v35  }
0x233: {  	v40 =	vld [tilespmem:s8+$0x3300];
	[tilespmem:s8+$0x8280] =	vst v3;
	v3 =	vmul.f32 v33, v35  }
0x234: {  	v41 =	vld [tilespmem:s8+$0x3310];
	[tilespmem:s8+$0x8290] =	vst v2;
	v2 =	vmul.f32 v34, v35  }
0x235: {  	v42 =	vld [tilespmem:s8+$0x3320];
	[tilespmem:s8+$0x82A0] =	vst v3;
	v3 =	vmul.f32 v36, v35  }
0x236: {  	v43 =	vld [tilespmem:s8+$0x3330];
	[tilespmem:s8+$0x82B0] =	vst v2;
	v2 =	vmul.f32 v37, v35  }
0x237: {  	v44 =	vbroadcast v1, $0x6;
	v45 =	vld [tilespmem:s8+$0x3340];
	[tilespmem:s8+$0x82C0] =	vst v3;
	v3 =	vmul.f32 v38, v35  }
0x238: {  	v46 =	vld [tilespmem:s8+$0x3350];
	[tilespmem:s8+$0x82D0] =	vst v2;
	v2 =	vmul.f32 v39, v35  }
0x239: {  	v47 =	vld [tilespmem:s8+$0x3360];
	[tilespmem:s8+$0x82E0] =	vst v3;
	v3 =	vmul.f32 v40, v44  }
0x23a: {  	v48 =	vld [tilespmem:s8+$0x3370];
	[tilespmem:s8+$0x82F0] =	vst v2;
	v2 =	vmul.f32 v41, v44  }
0x23b: {  	v49 =	vld [tilespmem:s8+$0x3380];
	[tilespmem:s8+$0x8300] =	vst v3;
	v3 =	vmul.f32 v42, v44  }
0x23c: {  	v51 =	vld [tilespmem:s8+$0x33A0];
	[tilespmem:s8+$0x8310] =	vst v2;
	v2 =	vmul.f32 v43, v44  }
0x23d: {  	v50 =	vld [tilespmem:s8+$0x3390];
	[tilespmem:s8+$0x8320] =	vst v3;
	v3 =	vmul.f32 v45, v44  }
0x23e: {  	v52 =	vld [tilespmem:s8+$0x33B0];
	[tilespmem:s8+$0x8330] =	vst v2;
	v2 =	vmul.f32 v46, v44  }
0x23f: {  	v53 =	vbroadcast v1, $0x7;
	v54 =	vld [tilespmem:s8+$0x33C0];
	[tilespmem:s8+$0x8340] =	vst v3;
	v3 =	vmul.f32 v47, v44  }
0x240: {  	v55 =	vld [tilespmem:s8+$0x33D0];
	[tilespmem:s8+$0x8350] =	vst v2;
	v2 =	vmul.f32 v48, v44  }
0x241: {  	v56 =	vld [tilespmem:s8+$0x33E0];
	[tilespmem:s8+$0x8360] =	vst v3;
	v3 =	vmul.f32 v49, v53  }
0x242: {  	v57 =	vld [tilespmem:s8+$0x33F0];
	[tilespmem:s8+$0x8370] =	vst v2;
	v2 =	vmul.f32 v50, v53  }
0x243: {  	v58 =	vld [tilespmem:s8+$0x3400];
	[tilespmem:s8+$0x8380] =	vst v3;
	v3 =	vmul.f32 v51, v53  }
0x244: {  	v59 =	vld [tilespmem:s8+$0x3410];
	[tilespmem:s8+$0x8390] =	vst v2;
	v2 =	vmul.f32 v52, v53  }
0x245: {  	v61 =	vld [tilespmem:s8+$0x3430];
	[tilespmem:s8+$0x83A0] =	vst v3;
	v3 =	vmul.f32 v54, v53  }
0x246: {  	v60 =	vld [tilespmem:s8+$0x3420];
	[tilespmem:s8+$0x83B0] =	vst v2;
	v2 =	vmul.f32 v55, v53  }
0x247: {  	v62 =	vbroadcast v1, $0x8;
	v63 =	vld [tilespmem:s8+$0x3440];
	[tilespmem:s8+$0x83C0] =	vst v3;
	v3 =	vmul.f32 v56, v53  }
0x248: {  	v12 =	vld [tilespmem:s8+$0x3450];
	[tilespmem:s8+$0x83D0] =	vst v2;
	v2 =	vmul.f32 v57, v53  }
0x249: {  	v13 =	vld [tilespmem:s8+$0x3460];
	[tilespmem:s8+$0x83E0] =	vst v3;
	v3 =	vmul.f32 v58, v62  }
0x24a: {  	v14 =	vld [tilespmem:s8+$0x3470];
	[tilespmem:s8+$0x83F0] =	vst v2;
	v2 =	vmul.f32 v59, v62  }
0x24b: {  	v15 =	vld [tilespmem:s8+$0x3480];
	[tilespmem:s8+$0x8400] =	vst v3;
	v3 =	vmul.f32 v60, v62  }
0x24c: {  	v16 =	vld [tilespmem:s8+$0x3490];
	[tilespmem:s8+$0x8410] =	vst v2;
	v2 =	vmul.f32 v61, v62  }
0x24d: {  	v18 =	vld [tilespmem:s8+$0x34B0];
	[tilespmem:s8+$0x8420] =	vst v3;
	v3 =	vmul.f32 v63, v62  }
0x24e: {  	v17 =	vld [tilespmem:s8+$0x34A0];
	[tilespmem:s8+$0x8430] =	vst v2;
	v2 =	vmul.f32 v12, v62  }
0x24f: {  	v19 =	vbroadcast v1, $0x9;
	v20 =	vld [tilespmem:s8+$0x34C0];
	[tilespmem:s8+$0x8440] =	vst v3;
	v3 =	vmul.f32 v13, v62  }
0x250: {  	v21 =	vld [tilespmem:s8+$0x34D0];
	[tilespmem:s8+$0x8450] =	vst v2;
	v2 =	vmul.f32 v14, v62  }
0x251: {  	v22 =	vld [tilespmem:s8+$0x34E0];
	[tilespmem:s8+$0x8460] =	vst v3;
	v3 =	vmul.f32 v15, v19  }
0x252: {  	v23 =	vld [tilespmem:s8+$0x34F0];
	[tilespmem:s8+$0x8470] =	vst v2;
	v2 =	vmul.f32 v16, v19  }
0x253: {  	v24 =	vld [tilespmem:s8+$0x3500];
	[tilespmem:s8+$0x8480] =	vst v3;
	v3 =	vmul.f32 v17, v19  }
0x254: {  	v25 =	vld [tilespmem:s8+$0x3510];
	[tilespmem:s8+$0x8490] =	vst v2;
	v2 =	vmul.f32 v18, v19  }
0x255: {  	v27 =	vld [tilespmem:s8+$0x3530];
	[tilespmem:s8+$0x84A0] =	vst v3;
	v3 =	vmul.f32 v20, v19  }
0x256: {  	v26 =	vld [tilespmem:s8+$0x3520];
	[tilespmem:s8+$0x84B0] =	vst v2;
	v2 =	vmul.f32 v21, v19  }
0x257: {  	v28 =	vbroadcast v1, $0xA;
	v29 =	vld [tilespmem:s8+$0x3540];
	[tilespmem:s8+$0x84C0] =	vst v3;
	v3 =	vmul.f32 v22, v19  }
0x258: {  	v30 =	vld [tilespmem:s8+$0x3550];
	[tilespmem:s8+$0x84D0] =	vst v2;
	v2 =	vmul.f32 v23, v19  }
0x259: {  	v31 =	vld [tilespmem:s8+$0x3560];
	[tilespmem:s8+$0x84E0] =	vst v3;
	v3 =	vmul.f32 v24, v28  }
0x25a: {  	v32 =	vld [tilespmem:s8+$0x3570];
	[tilespmem:s8+$0x84F0] =	vst v2;
	v2 =	vmul.f32 v25, v28  }
0x25b: {  	v33 =	vld [tilespmem:s8+$0x3580];
	[tilespmem:s8+$0x8500] =	vst v3;
	v3 =	vmul.f32 v26, v28  }
0x25c: {  	v34 =	vld [tilespmem:s8+$0x3590];
	[tilespmem:s8+$0x8510] =	vst v2;
	v2 =	vmul.f32 v27, v28  }
0x25d: {  	v36 =	vld [tilespmem:s8+$0x35B0];
	[tilespmem:s8+$0x8520] =	vst v3;
	v3 =	vmul.f32 v29, v28  }
0x25e: {  	v35 =	vld [tilespmem:s8+$0x35A0];
	[tilespmem:s8+$0x8530] =	vst v2;
	v2 =	vmul.f32 v30, v28  }
0x25f: {  	v37 =	vbroadcast v1, $0xB;
	v38 =	vld [tilespmem:s8+$0x35C0];
	[tilespmem:s8+$0x8540] =	vst v3;
	v3 =	vmul.f32 v31, v28  }
0x260: {  	v39 =	vld [tilespmem:s8+$0x35D0];
	[tilespmem:s8+$0x8550] =	vst v2;
	v2 =	vmul.f32 v32, v28  }
0x261: {  	v40 =	vld [tilespmem:s8+$0x35E0];
	[tilespmem:s8+$0x8560] =	vst v3;
	v3 =	vmul.f32 v33, v37  }
0x262: {  	v41 =	vld [tilespmem:s8+$0x35F0];
	[tilespmem:s8+$0x8570] =	vst v2;
	v2 =	vmul.f32 v34, v37  }
0x263: {  	v42 =	vld [tilespmem:s8+$0x3600];
	[tilespmem:s8+$0x8580] =	vst v3;
	v3 =	vmul.f32 v35, v37  }
0x264: {  	v43 =	vld [tilespmem:s8+$0x3610];
	[tilespmem:s8+$0x8590] =	vst v2;
	v2 =	vmul.f32 v36, v37  }
0x265: {  	v45 =	vld [tilespmem:s8+$0x3630];
	[tilespmem:s8+$0x85A0] =	vst v3;
	v3 =	vmul.f32 v38, v37  }
0x266: {  	v44 =	vld [tilespmem:s8+$0x3620];
	[tilespmem:s8+$0x85B0] =	vst v2;
	v2 =	vmul.f32 v39, v37  }
0x267: {  	v46 =	vbroadcast v1, $0xC;
	v47 =	vld [tilespmem:s8+$0x3640];
	[tilespmem:s8+$0x85C0] =	vst v3;
	v3 =	vmul.f32 v40, v37  }
0x268: {  	v48 =	vld [tilespmem:s8+$0x3650];
	[tilespmem:s8+$0x85D0] =	vst v2;
	v2 =	vmul.f32 v41, v37  }
0x269: {  	v49 =	vld [tilespmem:s8+$0x3660];
	[tilespmem:s8+$0x85E0] =	vst v3;
	v3 =	vmul.f32 v42, v46  }
0x26a: {  	v50 =	vld [tilespmem:s8+$0x3670];
	[tilespmem:s8+$0x85F0] =	vst v2;
	v2 =	vmul.f32 v43, v46  }
0x26b: {  	v51 =	vld [tilespmem:s8+$0x3680];
	[tilespmem:s8+$0x8600] =	vst v3;
	v3 =	vmul.f32 v44, v46  }
0x26c: {  	v52 =	vld [tilespmem:s8+$0x3690];
	[tilespmem:s8+$0x8610] =	vst v2;
	v2 =	vmul.f32 v45, v46  }
0x26d: {  	v54 =	vld [tilespmem:s8+$0x36B0];
	[tilespmem:s8+$0x8620] =	vst v3;
	v3 =	vmul.f32 v47, v46  }
0x26e: {  	v53 =	vld [tilespmem:s8+$0x36A0];
	[tilespmem:s8+$0x8630] =	vst v2;
	v2 =	vmul.f32 v48, v46  }
0x26f: {  	v55 =	vbroadcast v1, $0xD;
	v56 =	vld [tilespmem:s8+$0x36C0];
	[tilespmem:s8+$0x8640] =	vst v3;
	v3 =	vmul.f32 v49, v46  }
0x270: {  	v57 =	vld [tilespmem:s8+$0x36D0];
	[tilespmem:s8+$0x8650] =	vst v2;
	v2 =	vmul.f32 v50, v46  }
0x271: {  	v58 =	vld [tilespmem:s8+$0x36E0];
	[tilespmem:s8+$0x8660] =	vst v3;
	v3 =	vmul.f32 v51, v55  }
0x272: {  	v59 =	vld [tilespmem:s8+$0x36F0];
	[tilespmem:s8+$0x8670] =	vst v2;
	v2 =	vmul.f32 v52, v55  }
0x273: {  	v60 =	vld [tilespmem:s8+$0x3700];
	[tilespmem:s8+$0x8680] =	vst v3;
	v3 =	vmul.f32 v53, v55  }
0x274: {  	v61 =	vld [tilespmem:s8+$0x3710];
	[tilespmem:s8+$0x8690] =	vst v2;
	v2 =	vmul.f32 v54, v55  }
0x275: {  	v63 =	vld [tilespmem:s8+$0x3730];
	[tilespmem:s8+$0x86A0] =	vst v3;
	v3 =	vmul.f32 v56, v55  }
0x276: {  	v62 =	vld [tilespmem:s8+$0x3720];
	[tilespmem:s8+$0x86B0] =	vst v2;
	v2 =	vmul.f32 v57, v55  }
0x277: {  	v12 =	vbroadcast v1, $0xE;
	v13 =	vld [tilespmem:s8+$0x3740];
	[tilespmem:s8+$0x86C0] =	vst v3;
	v3 =	vmul.f32 v58, v55  }
0x278: {  	v14 =	vld [tilespmem:s8+$0x3750];
	[tilespmem:s8+$0x86D0] =	vst v2;
	v2 =	vmul.f32 v59, v55  }
0x279: {  	v15 =	vld [tilespmem:s8+$0x3760];
	[tilespmem:s8+$0x86E0] =	vst v3;
	v3 =	vmul.f32 v60, v12  }
0x27a: {  	v16 =	vld [tilespmem:s8+$0x3770];
	[tilespmem:s8+$0x86F0] =	vst v2;
	v2 =	vmul.f32 v61, v12  }
0x27b: {  	v17 =	vld [tilespmem:s8+$0x3780];
	[tilespmem:s8+$0x8700] =	vst v3;
	v3 =	vmul.f32 v62, v12  }
0x27c: {  	v18 =	vld [tilespmem:s8+$0x3790];
	[tilespmem:s8+$0x8710] =	vst v2;
	v2 =	vmul.f32 v63, v12  }
0x27d: {  	v20 =	vld [tilespmem:s8+$0x37B0];
	[tilespmem:s8+$0x8720] =	vst v3;
	v3 =	vmul.f32 v13, v12  }
0x27e: {  	v19 =	vld [tilespmem:s8+$0x37A0];
	[tilespmem:s8+$0x8730] =	vst v2;
	v2 =	vmul.f32 v14, v12  }
0x27f: {  	v21 =	vbroadcast v1, $0xF;
	v22 =	vld [tilespmem:s8+$0x37C0];
	[tilespmem:s8+$0x8740] =	vst v3;
	v3 =	vmul.f32 v15, v12  }
0x280: {  	v1 =	vmul.f32 v16, v12;
	v23 =	vld [tilespmem:s8+$0x37E0];
	[tilespmem:s8+$0x8750] =	vst v2  }
0x281: {  	v2 =	vld [tilespmem:s8+$0x37D0];
	[tilespmem:s8+$0x8760] =	vst v3;
	v3 =	vmul.f32 v17, v21  }
0x282: {  	[tilespmem:s8+$0x8770] =	vst v1;
	v6 =	vmul.f32 v18, v21;
	v1 =	vld [tilespmem:s6+$0x140]  }
0x283: {  	v24 =	vld [tilespmem:s8+$0x37F0];
	[tilespmem:s8+$0x8780] =	vst v3;
	v3 =	vmul.f32 v19, v21  }
0x284: {  	v5 =	vmul.f32 v20, v21;
	v25 =	vld [tilespmem:s8+$0x3800];
	[tilespmem:s8+$0x8790] =	vst v6  }
0x285: {  	v26 =	vld [tilespmem:s8+$0x3810];
	[tilespmem:s8+$0x87A0] =	vst v3;
	v3 =	vmul.f32 v22, v21  }
0x286: {  	[tilespmem:s8+$0x87B0] =	vst v5;
	v27 =	vld [tilespmem:s8+$0x3820];
	v2 =	vmul.f32 v2, v21  }
0x287: {  	v29 =	vld [tilespmem:s8+$0x3830];
	v28 =	vbroadcast v1, $0x0;
	[tilespmem:s8+$0x87C0] =	vst v3;
	v3 =	vmul.f32 v23, v21  }
0x288: {  	v30 =	vld [tilespmem:s8+$0x3840];
	[tilespmem:s8+$0x87D0] =	vst v2;
	v2 =	vmul.f32 v24, v21  }
0x289: {  	v31 =	vld [tilespmem:s8+$0x3850];
	[tilespmem:s8+$0x87E0] =	vst v3;
	v3 =	vmul.f32 v28, v25  }
0x28a: {  	v32 =	vld [tilespmem:s8+$0x3860];
	[tilespmem:s8+$0x87F0] =	vst v2;
	v2 =	vmul.f32 v26, v28  }
0x28b: {  	v33 =	vld [tilespmem:s8+$0x3870];
	[tilespmem:s8+$0x8800] =	vst v3;
	v3 =	vmul.f32 v27, v28  }
0x28c: {  	v34 =	vld [tilespmem:s8+$0x3880];
	[tilespmem:s8+$0x8810] =	vst v2;
	v2 =	vmul.f32 v29, v28  }
0x28d: {  	v35 =	vld [tilespmem:s8+$0x3890];
	[tilespmem:s8+$0x8820] =	vst v3;
	v3 =	vmul.f32 v30, v28  }
0x28e: {  	v36 =	vld [tilespmem:s8+$0x38A0];
	[tilespmem:s8+$0x8830] =	vst v2;
	v2 =	vmul.f32 v31, v28  }
0x28f: {  	v38 =	vld [tilespmem:s8+$0x38B0];
	v37 =	vbroadcast v1, $0x1;
	[tilespmem:s8+$0x8840] =	vst v3;
	v3 =	vmul.f32 v32, v28  }
0x290: {  	v39 =	vld [tilespmem:s8+$0x38C0];
	[tilespmem:s8+$0x8850] =	vst v2;
	v2 =	vmul.f32 v33, v28  }
0x291: {  	v40 =	vld [tilespmem:s8+$0x38D0];
	[tilespmem:s8+$0x8860] =	vst v3;
	v3 =	vmul.f32 v34, v37  }
0x292: {  	v41 =	vld [tilespmem:s8+$0x38E0];
	[tilespmem:s8+$0x8870] =	vst v2;
	v2 =	vmul.f32 v35, v37  }
0x293: {  	v42 =	vld [tilespmem:s8+$0x38F0];
	[tilespmem:s8+$0x8880] =	vst v3;
	v3 =	vmul.f32 v36, v37  }
0x294: {  	v43 =	vld [tilespmem:s8+$0x3900];
	[tilespmem:s8+$0x8890] =	vst v2;
	v2 =	vmul.f32 v38, v37  }
0x295: {  	v44 =	vld [tilespmem:s8+$0x3910];
	[tilespmem:s8+$0x88A0] =	vst v3;
	v3 =	vmul.f32 v39, v37  }
0x296: {  	v45 =	vld [tilespmem:s8+$0x3920];
	[tilespmem:s8+$0x88B0] =	vst v2;
	v2 =	vmul.f32 v40, v37  }
0x297: {  	v47 =	vld [tilespmem:s8+$0x3930];
	v46 =	vbroadcast v1, $0x2;
	[tilespmem:s8+$0x88C0] =	vst v3;
	v3 =	vmul.f32 v41, v37  }
0x298: {  	v48 =	vld [tilespmem:s8+$0x3940];
	[tilespmem:s8+$0x88D0] =	vst v2;
	v2 =	vmul.f32 v42, v37  }
0x299: {  	v49 =	vld [tilespmem:s8+$0x3950];
	[tilespmem:s8+$0x88E0] =	vst v3;
	v3 =	vmul.f32 v43, v46  }
0x29a: {  	v50 =	vld [tilespmem:s8+$0x3960];
	[tilespmem:s8+$0x88F0] =	vst v2;
	v2 =	vmul.f32 v44, v46  }
0x29b: {  	v51 =	vld [tilespmem:s8+$0x3970];
	[tilespmem:s8+$0x8900] =	vst v3;
	v3 =	vmul.f32 v45, v46  }
0x29c: {  	v52 =	vld [tilespmem:s8+$0x3980];
	[tilespmem:s8+$0x8910] =	vst v2;
	v2 =	vmul.f32 v47, v46  }
0x29d: {  	v53 =	vld [tilespmem:s8+$0x3990];
	[tilespmem:s8+$0x8920] =	vst v3;
	v3 =	vmul.f32 v48, v46  }
0x29e: {  	v54 =	vld [tilespmem:s8+$0x39A0];
	[tilespmem:s8+$0x8930] =	vst v2;
	v2 =	vmul.f32 v49, v46  }
0x29f: {  	v56 =	vld [tilespmem:s8+$0x39B0];
	v55 =	vbroadcast v1, $0x3;
	[tilespmem:s8+$0x8940] =	vst v3;
	v3 =	vmul.f32 v50, v46  }
0x2a0: {  	v57 =	vld [tilespmem:s8+$0x39C0];
	[tilespmem:s8+$0x8950] =	vst v2;
	v2 =	vmul.f32 v51, v46  }
0x2a1: {  	v58 =	vld [tilespmem:s8+$0x39D0];
	[tilespmem:s8+$0x8960] =	vst v3;
	v3 =	vmul.f32 v52, v55  }
0x2a2: {  	v59 =	vld [tilespmem:s8+$0x39E0];
	[tilespmem:s8+$0x8970] =	vst v2;
	v2 =	vmul.f32 v53, v55  }
0x2a3: {  	v60 =	vld [tilespmem:s8+$0x39F0];
	[tilespmem:s8+$0x8980] =	vst v3;
	v3 =	vmul.f32 v54, v55  }
0x2a4: {  	v61 =	vld [tilespmem:s8+$0x3A00];
	[tilespmem:s8+$0x8990] =	vst v2;
	v2 =	vmul.f32 v56, v55  }
0x2a5: {  	v62 =	vld [tilespmem:s8+$0x3A10];
	[tilespmem:s8+$0x89A0] =	vst v3;
	v3 =	vmul.f32 v57, v55  }
0x2a6: {  	v63 =	vld [tilespmem:s8+$0x3A20];
	[tilespmem:s8+$0x89B0] =	vst v2;
	v2 =	vmul.f32 v58, v55  }
0x2a7: {  	v13 =	vld [tilespmem:s8+$0x3A30];
	v12 =	vbroadcast v1, $0x4;
	[tilespmem:s8+$0x89C0] =	vst v3;
	v3 =	vmul.f32 v59, v55  }
0x2a8: {  	v14 =	vld [tilespmem:s8+$0x3A40];
	[tilespmem:s8+$0x89D0] =	vst v2;
	v2 =	vmul.f32 v60, v55  }
0x2a9: {  	v15 =	vld [tilespmem:s8+$0x3A50];
	[tilespmem:s8+$0x89E0] =	vst v3;
	v3 =	vmul.f32 v61, v12  }
0x2aa: {  	v16 =	vld [tilespmem:s8+$0x3A60];
	[tilespmem:s8+$0x89F0] =	vst v2;
	v2 =	vmul.f32 v62, v12  }
0x2ab: {  	v17 =	vld [tilespmem:s8+$0x3A70];
	[tilespmem:s8+$0x8A00] =	vst v3;
	v3 =	vmul.f32 v63, v12  }
0x2ac: {  	v18 =	vld [tilespmem:s8+$0x3A80];
	[tilespmem:s8+$0x8A10] =	vst v2;
	v2 =	vmul.f32 v13, v12  }
0x2ad: {  	v19 =	vld [tilespmem:s8+$0x3A90];
	[tilespmem:s8+$0x8A20] =	vst v3;
	v3 =	vmul.f32 v14, v12  }
0x2ae: {  	v20 =	vld [tilespmem:s8+$0x3AA0];
	[tilespmem:s8+$0x8A30] =	vst v2;
	v2 =	vmul.f32 v15, v12  }
0x2af: {  	v22 =	vld [tilespmem:s8+$0x3AB0];
	v21 =	vbroadcast v1, $0x5;
	[tilespmem:s8+$0x8A40] =	vst v3;
	v3 =	vmul.f32 v16, v12  }
0x2b0: {  	v23 =	vld [tilespmem:s8+$0x3AC0];
	[tilespmem:s8+$0x8A50] =	vst v2;
	v2 =	vmul.f32 v17, v12  }
0x2b1: {  	v24 =	vld [tilespmem:s8+$0x3AD0];
	[tilespmem:s8+$0x8A60] =	vst v3;
	v3 =	vmul.f32 v18, v21  }
0x2b2: {  	v25 =	vld [tilespmem:s8+$0x3AE0];
	[tilespmem:s8+$0x8A70] =	vst v2;
	v2 =	vmul.f32 v19, v21  }
0x2b3: {  	v26 =	vld [tilespmem:s8+$0x3AF0];
	[tilespmem:s8+$0x8A80] =	vst v3;
	v3 =	vmul.f32 v20, v21  }
0x2b4: {  	v27 =	vld [tilespmem:s8+$0x3B00];
	[tilespmem:s8+$0x8A90] =	vst v2;
	v2 =	vmul.f32 v22, v21  }
0x2b5: {  	v28 =	vld [tilespmem:s8+$0x3B10];
	[tilespmem:s8+$0x8AA0] =	vst v3;
	v3 =	vmul.f32 v23, v21  }
0x2b6: {  	v29 =	vld [tilespmem:s8+$0x3B20];
	[tilespmem:s8+$0x8AB0] =	vst v2;
	v2 =	vmul.f32 v24, v21  }
0x2b7: {  	v30 =	vbroadcast v1, $0x6;
	v31 =	vld [tilespmem:s8+$0x3B30];
	[tilespmem:s8+$0x8AC0] =	vst v3;
	v3 =	vmul.f32 v25, v21  }
0x2b8: {  	v32 =	vld [tilespmem:s8+$0x3B40];
	[tilespmem:s8+$0x8AD0] =	vst v2;
	v2 =	vmul.f32 v26, v21  }
0x2b9: {  	v33 =	vld [tilespmem:s8+$0x3B50];
	[tilespmem:s8+$0x8AE0] =	vst v3;
	v3 =	vmul.f32 v27, v30  }
0x2ba: {  	v34 =	vld [tilespmem:s8+$0x3B60];
	[tilespmem:s8+$0x8AF0] =	vst v2;
	v2 =	vmul.f32 v28, v30  }
0x2bb: {  	v35 =	vld [tilespmem:s8+$0x3B70];
	[tilespmem:s8+$0x8B00] =	vst v3;
	v3 =	vmul.f32 v29, v30  }
0x2bc: {  	v36 =	vld [tilespmem:s8+$0x3B80];
	[tilespmem:s8+$0x8B10] =	vst v2;
	v2 =	vmul.f32 v31, v30  }
0x2bd: {  	v37 =	vld [tilespmem:s8+$0x3B90];
	[tilespmem:s8+$0x8B20] =	vst v3;
	v3 =	vmul.f32 v32, v30  }
0x2be: {  	v38 =	vld [tilespmem:s8+$0x3BA0];
	[tilespmem:s8+$0x8B30] =	vst v2;
	v2 =	vmul.f32 v33, v30  }
0x2bf: {  	v39 =	vbroadcast v1, $0x7;
	v40 =	vld [tilespmem:s8+$0x3BB0];
	[tilespmem:s8+$0x8B40] =	vst v3;
	v3 =	vmul.f32 v34, v30  }
0x2c0: {  	v41 =	vld [tilespmem:s8+$0x3BC0];
	[tilespmem:s8+$0x8B50] =	vst v2;
	v2 =	vmul.f32 v35, v30  }
0x2c1: {  	v42 =	vld [tilespmem:s8+$0x3BD0];
	[tilespmem:s8+$0x8B60] =	vst v3;
	v3 =	vmul.f32 v36, v39  }
0x2c2: {  	v43 =	vld [tilespmem:s8+$0x3BE0];
	[tilespmem:s8+$0x8B70] =	vst v2;
	v2 =	vmul.f32 v37, v39  }
0x2c3: {  	v44 =	vld [tilespmem:s8+$0x3BF0];
	[tilespmem:s8+$0x8B80] =	vst v3;
	v3 =	vmul.f32 v38, v39  }
0x2c4: {  	v45 =	vld [tilespmem:s8+$0x3C00];
	[tilespmem:s8+$0x8B90] =	vst v2;
	v2 =	vmul.f32 v40, v39  }
0x2c5: {  	v46 =	vld [tilespmem:s8+$0x3C10];
	[tilespmem:s8+$0x8BA0] =	vst v3;
	v3 =	vmul.f32 v41, v39  }
0x2c6: {  	v47 =	vld [tilespmem:s8+$0x3C20];
	[tilespmem:s8+$0x8BB0] =	vst v2;
	v2 =	vmul.f32 v42, v39  }
0x2c7: {  	v48 =	vbroadcast v1, $0x8;
	v49 =	vld [tilespmem:s8+$0x3C30];
	[tilespmem:s8+$0x8BC0] =	vst v3;
	v3 =	vmul.f32 v43, v39  }
0x2c8: {  	v50 =	vld [tilespmem:s8+$0x3C40];
	[tilespmem:s8+$0x8BD0] =	vst v2;
	v2 =	vmul.f32 v44, v39  }
0x2c9: {  	v51 =	vld [tilespmem:s8+$0x3C50];
	[tilespmem:s8+$0x8BE0] =	vst v3;
	v3 =	vmul.f32 v45, v48  }
0x2ca: {  	v52 =	vld [tilespmem:s8+$0x3C60];
	[tilespmem:s8+$0x8BF0] =	vst v2;
	v2 =	vmul.f32 v46, v48  }
0x2cb: {  	v53 =	vld [tilespmem:s8+$0x3C70];
	[tilespmem:s8+$0x8C00] =	vst v3;
	v3 =	vmul.f32 v47, v48  }
0x2cc: {  	v54 =	vld [tilespmem:s8+$0x3C80];
	[tilespmem:s8+$0x8C10] =	vst v2;
	v2 =	vmul.f32 v49, v48  }
0x2cd: {  	v55 =	vld [tilespmem:s8+$0x3C90];
	[tilespmem:s8+$0x8C20] =	vst v3;
	v3 =	vmul.f32 v50, v48  }
0x2ce: {  	v56 =	vld [tilespmem:s8+$0x3CA0];
	[tilespmem:s8+$0x8C30] =	vst v2;
	v2 =	vmul.f32 v51, v48  }
0x2cf: {  	v57 =	vbroadcast v1, $0x9;
	v58 =	vld [tilespmem:s8+$0x3CB0];
	[tilespmem:s8+$0x8C40] =	vst v3;
	v3 =	vmul.f32 v52, v48  }
0x2d0: {  	v59 =	vld [tilespmem:s8+$0x3CC0];
	[tilespmem:s8+$0x8C50] =	vst v2;
	v2 =	vmul.f32 v53, v48  }
0x2d1: {  	v60 =	vld [tilespmem:s8+$0x3CD0];
	[tilespmem:s8+$0x8C60] =	vst v3;
	v3 =	vmul.f32 v54, v57  }
0x2d2: {  	v61 =	vld [tilespmem:s8+$0x3CE0];
	[tilespmem:s8+$0x8C70] =	vst v2;
	v2 =	vmul.f32 v55, v57  }
0x2d3: {  	v62 =	vld [tilespmem:s8+$0x3CF0];
	[tilespmem:s8+$0x8C80] =	vst v3;
	v3 =	vmul.f32 v56, v57  }
0x2d4: {  	v63 =	vld [tilespmem:s8+$0x3D00];
	[tilespmem:s8+$0x8C90] =	vst v2;
	v2 =	vmul.f32 v58, v57  }
0x2d5: {  	v12 =	vld [tilespmem:s8+$0x3D10];
	[tilespmem:s8+$0x8CA0] =	vst v3;
	v3 =	vmul.f32 v59, v57  }
0x2d6: {  	v13 =	vld [tilespmem:s8+$0x3D20];
	[tilespmem:s8+$0x8CB0] =	vst v2;
	v2 =	vmul.f32 v60, v57  }
0x2d7: {  	v14 =	vbroadcast v1, $0xA;
	v15 =	vld [tilespmem:s8+$0x3D30];
	[tilespmem:s8+$0x8CC0] =	vst v3;
	v3 =	vmul.f32 v61, v57  }
0x2d8: {  	v16 =	vld [tilespmem:s8+$0x3D40];
	[tilespmem:s8+$0x8CD0] =	vst v2;
	v2 =	vmul.f32 v62, v57  }
0x2d9: {  	v17 =	vld [tilespmem:s8+$0x3D50];
	[tilespmem:s8+$0x8CE0] =	vst v3;
	v3 =	vmul.f32 v63, v14  }
0x2da: {  	v18 =	vld [tilespmem:s8+$0x3D60];
	[tilespmem:s8+$0x8CF0] =	vst v2;
	v2 =	vmul.f32 v12, v14  }
0x2db: {  	v19 =	vld [tilespmem:s8+$0x3D70];
	[tilespmem:s8+$0x8D00] =	vst v3;
	v3 =	vmul.f32 v13, v14  }
0x2dc: {  	v20 =	vld [tilespmem:s8+$0x3D80];
	[tilespmem:s8+$0x8D10] =	vst v2;
	v2 =	vmul.f32 v15, v14  }
0x2dd: {  	v21 =	vld [tilespmem:s8+$0x3D90];
	[tilespmem:s8+$0x8D20] =	vst v3;
	v3 =	vmul.f32 v16, v14  }
0x2de: {  	v22 =	vld [tilespmem:s8+$0x3DA0];
	[tilespmem:s8+$0x8D30] =	vst v2;
	v2 =	vmul.f32 v17, v14  }
0x2df: {  	v23 =	vbroadcast v1, $0xB;
	v24 =	vld [tilespmem:s8+$0x3DB0];
	[tilespmem:s8+$0x8D40] =	vst v3;
	v3 =	vmul.f32 v18, v14  }
0x2e0: {  	v25 =	vld [tilespmem:s8+$0x3DC0];
	[tilespmem:s8+$0x8D50] =	vst v2;
	v2 =	vmul.f32 v19, v14  }
0x2e1: {  	v26 =	vld [tilespmem:s8+$0x3DD0];
	[tilespmem:s8+$0x8D60] =	vst v3;
	v3 =	vmul.f32 v20, v23  }
0x2e2: {  	v27 =	vld [tilespmem:s8+$0x3DE0];
	[tilespmem:s8+$0x8D70] =	vst v2;
	v2 =	vmul.f32 v21, v23  }
0x2e3: {  	v28 =	vld [tilespmem:s8+$0x3DF0];
	[tilespmem:s8+$0x8D80] =	vst v3;
	v3 =	vmul.f32 v22, v23  }
0x2e4: {  	v29 =	vld [tilespmem:s8+$0x3E00];
	[tilespmem:s8+$0x8D90] =	vst v2;
	v2 =	vmul.f32 v24, v23  }
0x2e5: {  	v30 =	vld [tilespmem:s8+$0x3E10];
	[tilespmem:s8+$0x8DA0] =	vst v3;
	v3 =	vmul.f32 v25, v23  }
0x2e6: {  	v31 =	vld [tilespmem:s8+$0x3E20];
	[tilespmem:s8+$0x8DB0] =	vst v2;
	v2 =	vmul.f32 v26, v23  }
0x2e7: {  	v32 =	vbroadcast v1, $0xC;
	v33 =	vld [tilespmem:s8+$0x3E30];
	[tilespmem:s8+$0x8DC0] =	vst v3;
	v3 =	vmul.f32 v27, v23  }
0x2e8: {  	v34 =	vld [tilespmem:s8+$0x3E40];
	[tilespmem:s8+$0x8DD0] =	vst v2;
	v2 =	vmul.f32 v28, v23  }
0x2e9: {  	v35 =	vld [tilespmem:s8+$0x3E50];
	[tilespmem:s8+$0x8DE0] =	vst v3;
	v3 =	vmul.f32 v29, v32  }
0x2ea: {  	v36 =	vld [tilespmem:s8+$0x3E60];
	[tilespmem:s8+$0x8DF0] =	vst v2;
	v2 =	vmul.f32 v30, v32  }
0x2eb: {  	v37 =	vld [tilespmem:s8+$0x3E70];
	[tilespmem:s8+$0x8E00] =	vst v3;
	v3 =	vmul.f32 v31, v32  }
0x2ec: {  	v38 =	vld [tilespmem:s8+$0x3E80];
	[tilespmem:s8+$0x8E10] =	vst v2;
	v2 =	vmul.f32 v33, v32  }
0x2ed: {  	v39 =	vld [tilespmem:s8+$0x3E90];
	[tilespmem:s8+$0x8E20] =	vst v3;
	v3 =	vmul.f32 v34, v32  }
0x2ee: {  	v40 =	vld [tilespmem:s8+$0x3EA0];
	[tilespmem:s8+$0x8E30] =	vst v2;
	v2 =	vmul.f32 v35, v32  }
0x2ef: {  	v41 =	vbroadcast v1, $0xD;
	v42 =	vld [tilespmem:s8+$0x3EB0];
	[tilespmem:s8+$0x8E40] =	vst v3;
	v3 =	vmul.f32 v36, v32  }
0x2f0: {  	v43 =	vld [tilespmem:s8+$0x3EC0];
	[tilespmem:s8+$0x8E50] =	vst v2;
	v2 =	vmul.f32 v37, v32  }
0x2f1: {  	v44 =	vld [tilespmem:s8+$0x3ED0];
	[tilespmem:s8+$0x8E60] =	vst v3;
	v3 =	vmul.f32 v38, v41  }
0x2f2: {  	v45 =	vld [tilespmem:s8+$0x3EE0];
	[tilespmem:s8+$0x8E70] =	vst v2;
	v2 =	vmul.f32 v39, v41  }
0x2f3: {  	v46 =	vld [tilespmem:s8+$0x3EF0];
	[tilespmem:s8+$0x8E80] =	vst v3;
	v3 =	vmul.f32 v40, v41  }
0x2f4: {  	v47 =	vld [tilespmem:s8+$0x3F00];
	[tilespmem:s8+$0x8E90] =	vst v2;
	v2 =	vmul.f32 v42, v41  }
0x2f5: {  	v48 =	vld [tilespmem:s8+$0x3F10];
	[tilespmem:s8+$0x8EA0] =	vst v3;
	v3 =	vmul.f32 v43, v41  }
0x2f6: {  	v49 =	vld [tilespmem:s8+$0x3F20];
	[tilespmem:s8+$0x8EB0] =	vst v2;
	v2 =	vmul.f32 v44, v41  }
0x2f7: {  	v50 =	vbroadcast v1, $0xE;
	v51 =	vld [tilespmem:s8+$0x3F30];
	[tilespmem:s8+$0x8EC0] =	vst v3;
	v3 =	vmul.f32 v45, v41  }
0x2f8: {  	v52 =	vld [tilespmem:s8+$0x3F40];
	[tilespmem:s8+$0x8ED0] =	vst v2;
	v2 =	vmul.f32 v46, v41  }
0x2f9: {  	v53 =	vld [tilespmem:s8+$0x3F50];
	[tilespmem:s8+$0x8EE0] =	vst v3;
	v3 =	vmul.f32 v47, v50  }
0x2fa: {  	v54 =	vld [tilespmem:s8+$0x3F60];
	[tilespmem:s8+$0x8EF0] =	vst v2;
	v2 =	vmul.f32 v48, v50  }
0x2fb: {  	v55 =	vld [tilespmem:s8+$0x3F70];
	[tilespmem:s8+$0x8F00] =	vst v3;
	v3 =	vmul.f32 v49, v50  }
0x2fc: {  	v56 =	vld [tilespmem:s8+$0x3F80];
	[tilespmem:s8+$0x8F10] =	vst v2;
	v2 =	vmul.f32 v51, v50  }
0x2fd: {  	v57 =	vld [tilespmem:s8+$0x3F90];
	[tilespmem:s8+$0x8F20] =	vst v3;
	v3 =	vmul.f32 v52, v50  }
0x2fe: {  	v58 =	vld [tilespmem:s8+$0x3FA0];
	[tilespmem:s8+$0x8F30] =	vst v2;
	v2 =	vmul.f32 v53, v50  }
0x2ff: {  	v1 =	vbroadcast v1, $0xF;
	v59 =	vld [tilespmem:s8+$0x3FB0];
	[tilespmem:s8+$0x8F40] =	vst v3;
	v3 =	vmul.f32 v54, v50  }
0x300: {  	v60 =	vld [tilespmem:s8+$0x3FC0];
	[tilespmem:s8+$0x8F50] =	vst v2;
	v2 =	vmul.f32 v55, v50  }
0x301: {  	v61 =	vld [tilespmem:s8+$0x3FD0];
	[tilespmem:s8+$0x8F60] =	vst v3;
	v3 =	vmul.f32 v56, v1  }
0x302: {  	v62 =	vld [tilespmem:s8+$0x3FE0];
	[tilespmem:s8+$0x8F70] =	vst v2;
	v2 =	vmul.f32 v57, v1  }
0x303: {  	v63 =	vld [tilespmem:s8+$0x3FF0];
	[tilespmem:s8+$0x8F80] =	vst v3;
	v3 =	vmul.f32 v58, v1  }
0x304: {  	p0 =	sgt.u32 s0, $0x7A;
	[tilespmem:s8+$0x8F90] =	vst v2;
	v2 =	vmul.f32 v59, v1  }
0x305: {  	s10 =	sand.u32 @!p0 $0xFF, s10;
	[tilespmem:s8+$0x8FA0] =	vst v3;
	v3 =	vmul.f32 v60, v1  }
0x306: {  	p1 =	slt.u32 @!p0 s10, $0x4;
	[tilespmem:s8+$0x8FB0] =	vst v2;
	v2 =	vmul.f32 v61, v1  }
0x307: {  	s10 =	simm.s32 @!p0 $0x2;
	p1 =	por !p1, p0;
	[tilespmem:s8+$0x8FC0] =	vst v3;
	v3 =	vmul.f32 v62, v1  }
0x308: {  	s10 =	simm.s32 @p1 $0xFFFFFFFC;
	v1 =	vmul.f32 v63, v1;
	[tilespmem:s8+$0x8FD0] =	vst v2  }
0x309: {  	s7 =	sadd.s32 @!p0 s7, s10;
	[tilespmem:s8+$0x8FE0] =	vst v3  }
0x30a: {  	s10 =	sadd.s32 @!p0 $0x5, s7;
	[tilespmem:s8+$0x8FF0] =	vst v1  }
0x30b: {  	s11 =	sadd.s32 $0x1800, s8;
	_ =	swait.ge @!p0 [sflag:s10], $0x400  }
0x30c: {  	s0 =	sadd.s32 $0x1, s0;
	s7 =	sshll.u32 @!p0 s7, $0xA;
	[sflag:s10] =	ssyncset.done @!p0 $0x0  }
0x30d: {  	s7 =	sand.u32 @!p0 $0x3FFFFC00, s7;
	[sflag:s10] =	ssyncadd.s32 @!p0 $0xFFFFFC00;
	s10 =	simm.s32 @!p0 $0x50  }
0x30e: {  	[tilespmem:s11], [sflag:s1] =	stream.indirect.gather @!p0 [hbm4b:s4+s10], $0x80, s7, s10, $0xb8;
	[tilespmem:$0x1F800] =	vst v63  }
0x30f: {  	p0 =	sne.s32 s0, $0x7D  }
.Ltmp1:
0x310: {  	_ = 	snop;
	(pc) =	sbr.rel @p0 .LBB2_4-.Ltmp1, $3  }
0x311: {  	_ =	sdelay $0x1  }
0x312: {  	s12 =	sadd.s32 $0x6800, s8;
	s19 =	sadd.s32 $0x80, s19;
	s6 =	sadd.s32 $0x80, s6  }
0x313: {  	[spmem:s2] =	stream.indirect.scatter.add.f32 [tilespmem:s12], [sflag:s20], $0x80, s6, s26, $0xb8;
	[tilespmem:$0x1F800] =	vst v63  }
0x314: {  	_ =	swait.ge [sflag:s22], $0x2800  }
0x315: {  	[sflag:s22] =	ssyncset.done $0x0  }
0x316: {  	[sflag:s22] =	ssyncadd.s32 $0xFFFFD800  }
0x317: {  	_ =	swait.ge [sflag:s28], $0x2800  }
0x318: {  	[sflag:s28] =	ssyncset.done $0x0  }
0x319: {  	s0 =	stileid.u32;
	[sflag:s28] =	ssyncadd.s32 $0xFFFFD800  }
0x31a: {  	s0 =	sshll.u32 s0, $0x6;
	[bflag:$0x0] =	sbarrier.arrive $0xFFFF  }
0x31b: {  	s1 =	sshrl.u32 s9, $0x3;
	s0 =	sor.u32 $0x1C0B, s0;
	s6 =	rddreg [dreg:$0x6]  }
0x31c: {  	[hbm:s6], [sflag:s0] =	dma.local [spmem:s1], $0x2800  }
0x31d: {  	_ =	swait.ge [sflag:s29], $0x2800  }
0x31e: {  	s31 =	sadd.s32 $0x1, s31;
	s20 =	rddreg [dreg:$0x7]  }
0x31f: {  	p0 =	sne.s32 s31, s20  }
.Ltmp2:
0x320: {  	_ = 	snop;
	(pc) =	sbr.rel @p0 .LBB2_1-.Ltmp2, $3  }
0x321: {  	_ =	sdelay $0x1  }
0x322: {  	[sflag:s29] =	ssyncset.done $0x0  }
0x323: {  	s6 =	simm.s32 $0x400;
	[sflag:s29] =	ssyncadd.s32 $0xFFFFD800  }
0x324: {  	_ =	sfence.sel $0x180000  }
0x325: {  	[bflag:$0x0] =	sbarrier.arrive $0xFFFF  }
0x326: {  	_ =	strace $0x9000004A  }
0x327: {  	s0 =	stileid.u32;
	[bflag:$0x2] =	sbarrier.arrive $0xFFFF  }
0x328: {  	p0 =	sne.s32 s0, $0x0;
	s0 =	rddreg [dreg:$0x2]  }
0x329: {  	s0 =	sadd.s32 @!p0 $0x100000, s0  }
0x32a: {  	[sflag:s0] =	ssyncadd.tile.s32 @!p0 $0x1;
	_ =	shalt  }
.Lfunc_end2:
_tile_overlayer_lowered:
.L_overlay_start_2:
0x32b: {  	(tag) =	ssettag $0x2  }
0x32c: {  	s0 =	rddreg [dreg:$0x0];
	s2 =	stileid.u32  }
0x32d: {  	s1 =	rddreg [dreg:$0x1];
	p0 =	sne.s32 s2, $0x0  }
0x32e: {  	s3 =	rddreg [dreg:$0x2];
	[bflag:$0x3] =	sbarrier.arrive $0xFFFF;
	s2 =	simm.s32 @!p0 $0x1C0B  }
0x32f: {  	[timem:s3], [sflag:s2] =	dma.local @!p0 [hbm:s0], s1  }
0x330: {  	s0 =	simm.s32 @!p0 $0xB  }
0x331: {  	_ =	swait.ge @!p0 [sflag:s0], s1  }
0x332: {  	s1 =	ssub.s32 @!p0 $0x0, s1;
	[sflag:s0] =	ssyncset.done @!p0 $0x0  }
0x333: {  	[sflag:s0] =	ssyncadd.s32 @!p0 s1  }
0x334: {  	[bflag:$0x3] =	sbarrier.arrive $0xFFFF  }
0x335: {  	_ =	shalt  }

// kernel: kernel.3.cloned.1.call-start
scs
__scs_entry_jumppad:
0x0: {  	(pc) =	sbr.rel $0x88, $3  }
0x1: {  	(tag) =	ssettag $0x0;
	lr =	simm.s32 $0x1  }
0x2: {  	[smem:$0x3F9A] =	sst lr;
	_ =	strace $0xD0000000  }
0x3: {  	_ = 	snop  }
0x4: {  	_ = 	snop  }
0x5: {  	_ = 	snop  }
0x6: {  	_ = 	snop  }
0x7: {  	_ = 	snop  }
__scs_overlays_trampoline_lowered:
0x8: {  	[smem:$0x3FA9] =	sst s0  }
0x9: {  	[smem:$0x3FAA] =	sst s1  }
0xa: {  	[smem:$0x3FAB] =	sst s2  }
0xb: {  	[smem:$0x3FAC] =	sst s3  }
0xc: {  	[smem:$0x3FAD] =	sst s4  }
0xd: {  	[smem:$0x3FAE] =	sst s5  }
0xe: {  	[smem:$0x3FAF] =	sst s6  }
0xf: {  	[smem:$0x3FB0] =	sst s7  }
0x10: {  	[smem:$0x3FB1] =	sst s8  }
0x11: {  	[smem:$0x3FB2] =	sst s9;
	s0 =	simm.s32 @!p0 $0x0  }
0x12: {  	s1 =	sld [smem:$0x3F98];
	s0 =	simm.s32 @p0 $0x1  }
0x13: {  	[smem:$0x3FB3] =	sst s0;
	s0 =	simm.s32 @!p1 $0x0  }
0x14: {  	s2 =	sld [smem:$0x3F97];
	s0 =	simm.s32 @p1 $0x1  }
0x15: {  	[smem:$0x3FB4] =	sst s0;
	s0 =	simm.s32 @!p2 $0x0  }
0x16: {  	s3 =	sld [smem:$0x3FDB];
	s0 =	simm.s32 @p2 $0x1  }
0x17: {  	s4 =	simm.s32 $0x1BF5;
	[smem:$0x3FB6] =	sst s0  }
0x18: {  	s0 =	sld [smem:$0x3F99];
	_ =	swait.ge [sflag:s4], $0x0  }
0x19: {  	s7 =	sld [smem:$0x3F9A]  }
0x1a: {  	s8 =	sadd.s32 $0xFFFFE003, lr  }
0x1b: {  	s9 =	sadd.s32 $0xFFFFFEF7, lr;
	s5 =	simm.s32 $0xFFFFFFFF;
	p2 =	slt.u32 s8, $0xFFFFF086  }
0x1c: {  	p1 =	slt.u32 s9, $0xF7A;
	s5 =	simm.s32 @!p2 $0x0  }
0x1d: {  	s5 =	simm.s32 @p1 $0x1;
	p0 =	seq.s32 s7, s2  }
0x1e: {  	s7 =	smul.u32 @!p0 $0xF7A, s2;
	p2 =	seq.s32 @!p0 s5, $0x0  }
0x1f: {  	s9 =	smul.u32 $0xF7A, s1;
	s8 =	simm.s32 @!p0 $0x1BF5;
	p2 =	por !p2, p0  }
0x20: {  	[sflag:s8] =	ssyncset.s32 @!p0 $0xFFFFF086;
	s6 =	sadd.s32 @!p0 s3, s7;
	s7 =	simm.s32 @!p0 $0x108  }
0x21: {  	s3 =	sadd.s32 s3, s9;
	s6 =	sadd.s32 @!p0 $0x88, s6;
	s7 =	simm.s32 @p2 $0x1082  }
0x22: {  	[simem:s7], [sflag:s8] =	dma.local @!p0 [hbm:s6], $0xF7A  }
0x23: {  	s9 =	sor.u32 $0xD0000000, s2;
	s6 =	simm.s32 $0x108;
	_ =	swait.ge @!p0 [sflag:s8], $0x0  }
0x24: {  	s3 =	sadd.s32 $0x88, s3;
	s6 =	simm.s32 @!p1 $0x1082;
	[sflag:s4] =	ssyncset.s32 $0xFFFFF086  }
0x25: {  	[simem:s6], [sflag:s4] =	dma.local [hbm:s3], $0xF7A  }
0x26: {  	[smem:$0x3F9A] =	sst s1;
	(tag) =	ssettag s2;
	_ =	strace s9  }
0x27: {  	s1 =	sld [smem:$0x3FAA]  }
0x28: {  	s2 =	sld [smem:$0x3FAB]  }
0x29: {  	s4 =	sld [smem:$0x3FAD]  }
0x2a: {  	p0 =	seq.s32 s5, $0x0;
	s5 =	sld [smem:$0x3FAE]  }
0x2b: {  	s6 =	sld [smem:$0x3FAF]  }
0x2c: {  	s7 =	sld [smem:$0x3FB0]  }
0x2d: {  	s3 =	simm.s32 $0x108;
	s8 =	sld [smem:$0x3FB1]  }
0x2e: {  	s3 =	simm.s32 @!p0 $0x1082;
	s9 =	sld [smem:$0x3FB2]  }
0x2f: {  	lr =	sadd.s32 s0, s3;
	s0 =	sld [smem:$0x3FA9]  }
0x30: {  	s3 =	sld [smem:$0x3FAC]  }
0x31: {  	[smem:$0x3FB5] =	sst s10  }
0x32: {  	s10 =	sld [smem:$0x3FB3];
	_ =	sdelay $0x3  }
0x33: {  	p0 =	seq.s32 s10, $0x1;
	s10 =	sld [smem:$0x3FB5];
	_ =	sdelay $0x3  }
0x34: {  	[smem:$0x3FB5] =	sst s10  }
0x35: {  	s10 =	sld [smem:$0x3FB4];
	_ =	sdelay $0x3  }
0x36: {  	p1 =	seq.s32 s10, $0x1;
	s10 =	sld [smem:$0x3FB5];
	_ =	sdelay $0x3  }
0x37: {  	[smem:$0x3FB5] =	sst s10  }
0x38: {  	s10 =	sld [smem:$0x3FB6]  }
0x39: {  	_ = 	snop;
	(pc) =	sbr.ind lr, $3  }
0x3a: {  	_ = 	snop  }
0x3b: {  	_ = 	snop  }
0x3c: {  	p2 =	seq.s32 s10, $0x1;
	s10 =	sld [smem:$0x3FB5]  }
0x3d: {  	_ =	shalt  }
0x3e: {  	_ =	shalt  }
0x3f: {  	_ =	shalt  }
0x40: {  	_ =	shalt  }
0x41: {  	_ =	shalt  }
0x42: {  	_ =	shalt  }
0x43: {  	_ =	shalt  }
0x44: {  	_ =	shalt  }
0x45: {  	_ =	shalt  }
0x46: {  	_ =	shalt  }
0x47: {  	_ =	shalt  }
0x48: {  	_ =	shalt  }
0x49: {  	_ =	shalt  }
0x4a: {  	_ =	shalt  }
0x4b: {  	_ =	shalt  }
0x4c: {  	_ =	shalt  }
0x4d: {  	_ =	shalt  }
0x4e: {  	_ =	shalt  }
0x4f: {  	_ =	shalt  }
0x50: {  	_ =	shalt  }
0x51: {  	_ =	shalt  }
0x52: {  	_ =	shalt  }
0x53: {  	_ =	shalt  }
0x54: {  	_ =	shalt  }
0x55: {  	_ =	shalt  }
0x56: {  	_ =	shalt  }
0x57: {  	_ =	shalt  }
0x58: {  	_ =	shalt  }
0x59: {  	_ =	shalt  }
0x5a: {  	_ =	shalt  }
0x5b: {  	_ =	shalt  }
0x5c: {  	_ =	shalt  }
0x5d: {  	_ =	shalt  }
0x5e: {  	_ =	shalt  }
0x5f: {  	_ =	shalt  }
0x60: {  	_ =	shalt  }
0x61: {  	_ =	shalt  }
0x62: {  	_ =	shalt  }
0x63: {  	_ =	shalt  }
0x64: {  	_ =	shalt  }
0x65: {  	_ =	shalt  }
0x66: {  	_ =	shalt  }
0x67: {  	_ =	shalt  }
0x68: {  	_ =	shalt  }
0x69: {  	_ =	shalt  }
0x6a: {  	_ =	shalt  }
0x6b: {  	_ =	shalt  }
0x6c: {  	_ =	shalt  }
0x6d: {  	_ =	shalt  }
0x6e: {  	_ =	shalt  }
0x6f: {  	_ =	shalt  }
0x70: {  	_ =	shalt  }
0x71: {  	_ =	shalt  }
0x72: {  	_ =	shalt  }
0x73: {  	_ =	shalt  }
0x74: {  	_ =	shalt  }
0x75: {  	_ =	shalt  }
0x76: {  	_ =	shalt  }
0x77: {  	_ =	shalt  }
0x78: {  	_ =	shalt  }
0x79: {  	_ =	shalt  }
0x7a: {  	_ =	shalt  }
0x7b: {  	_ =	shalt  }
0x7c: {  	_ =	shalt  }
0x7d: {  	_ =	shalt  }
0x7e: {  	_ =	shalt  }
0x7f: {  	_ =	shalt  }
0x80: {  	_ =	shalt  }
0x81: {  	_ =	shalt  }
0x82: {  	_ =	shalt  }
0x83: {  	_ =	shalt  }
0x84: {  	_ =	shalt  }
0x85: {  	_ =	shalt  }
0x86: {  	_ =	shalt  }
0x87: {  	_ =	shalt  }
.Lfunc_end0:
.L_simem_size_0:
called_computation.1_lowered:
.L_overlay_start_0:
0x88: {  	s2 =	sld [smem:$0x3FD9]  }
0x89: {  	s3 =	sld [smem:$0x3FFE];
	_ =	sdelay $0x1  }
0x8a: {  	s1 =	srdreg.scid  }
0x8b: {  	s0 =	sand.u32 $0x1, s1  }
0x8c: {  	s17 =	sshll.u32 s0, $0xA;
	s2 =	sadd.s32 s3, s2  }
0x8d: {  	s2 =	sadd.s32 s2, s17  }
0x8e: {  	[smem:$0x3FC1] =	sst s2  }
0x8f: {  	_ = 	snop  }
0x90: {  	s2 =	sld [smem:$0x3FD0];
	(tm) =	ssettm $0x1  }
0x91: {  	s18 =	sld [smem:$0x3FFB];
	_ =	sdelay $0x3  }
0x92: {  	_ =	strace s18  }
0x93: {  	s3 =	sld [smem:$0x3FFC];
	_ =	sdelay $0x3  }
0x94: {  	_ =	strace s3  }
0x95: {  	s3 =	sld [smem:$0x3FFD];
	_ =	sdelay $0x3  }
0x96: {  	_ =	strace s3  }
0x97: {  	_ =	strace $0x8FFFFFFF  }
0x98: {  	s19 =	sld [smem:$0x3FDB];
	_ =	sdelay $0x1  }
0x99: {  	s4 =	simm.s32 $_scs_section_size  }
0x9a: {  	s5 =	simm.s32 $_size__tile_overlayer_lowered;
	s6 =	simm.s32 $_tile_overlayer_lowered  }
0x9b: {  	s22 =	simm.s32 $0x1BFF;
	s21 =	sshll.u32 s6, $0x1;
	s3 =	sadd.s32 s4, s19  }
0x9c: {  	s7 =	simm.s32 $0x0;
	s20 =	sshll.u32 s5, $0x1;
	s5 =	sadd.s32 s21, s3  }
0x9d: {  	[timem:s7], [sflag:s22] =	dma.local [hbm:s5], s20  }
0x9e: {  	_ =	swait.ge [sflag:s22], s20  }
0x9f: {  	s4 =	ssub.s32 $0x0, s20;
	[sflag:s22] =	ssyncset.done $0x0  }
0xa0: {  	[sflag:s22] =	ssyncadd.s32 s4;
	_ =	sdelay $0x1  }
0xa1: {  	s23 =	simm.s32 $0x1B8B  }
0xa2: {  	_ =	swait.ge [sflag:s23], $0x1  }
0xa3: {  	[sflag:s23] =	ssyncset.done $0x0  }
0xa4: {  	s25 =	simm.s32 $0x1B8E;
	s24 =	sld [smem:$0x3FFE];
	[sflag:s23] =	ssyncadd.s32 $0xFFFFFFFF  }
0xa5: {  	s26 =	simm.s32 $execute0_lowered;
	[smem:$0x3FD2] =	sst s25  }
0xa6: {  	s5 =	sshll.u32 s26, $0x1;
	_ =	strace $0x80000046;
	[dreg:$0x1] =	wrdreg $0xFFFFFFFF  }
0xa7: {  	s28 =	simm.s32 $_size_execute0_lowered;
	s3 =	sadd.s32 s3, s5;
	[dreg:$0x0] =	wrdreg $0x0  }
0xa8: {  	s5 =	sshll.u32 s28, $0x1;
	[dreg:$0x2] =	wrdreg s3  }
0xa9: {  	[dreg:$0x3] =	wrdreg s5  }
0xaa: {  	[dreg:$0x4] =	wrdreg $0xC0  }
0xab: {  	_ =	task [dreg:s7], $0x5FFFF  }
0xac: {  	[dreg:$0x1] =	wrdreg $0xFFFFFFFF  }
0xad: {  	[dreg:$0x0] =	wrdreg $0x60  }
0xae: {  	[dreg:$0x2] =	wrdreg s24  }
0xaf: {  	[dreg:$0x3] =	wrdreg s2  }
0xb0: {  	[dreg:$0x4] =	wrdreg $0x13800  }
0xb1: {  	[dreg:$0x5] =	wrdreg $0x9  }
0xb2: {  	_ =	task.clear_ibuf [dreg:s7], $0x6FFFF;
	_ =	strace $0x90000046  }
0xb3: {  	s29 =	simm.s32 $0x9;
	_ =	strace $0x80000048  }
0xb4: {  	_ =	swait.ge [sflag:s29], $0x1  }
0xb5: {  	[sflag:s29] =	ssyncadd.s32 $0xFFFFFFFF  }
0xb6: {  	_ =	strace $0x90000048  }
0xb7: {  	_ =	sfence  }
0xb8: {  	s30 =	sld [smem:$0x0];
	_ =	sdelay $0x2  }
0xb9: {  	s31 =	sshll.u32 s1, $0xD;
	s1 =	sshrl.u32 s1, $0x2  }
0xba: {  	s3 =	sand.u32 $0x4000, s31;
	s1 =	sadd.s32 s1, s30  }
0xbb: {  	s0 =	sor.u32 s3, s0;
	s1 =	sshll.u32 s1, $0x11  }
0xbc: {  	s0 =	sor.u32 s1, s0  }
0xbd: {  	s0 =	sadd.s32 $0x8F2B, s0  }
0xbe: {  	[sflag:s0] =	ssyncadd.remote.s32 $0x1  }
0xbf: {  	_ =	sfence.sel $0xFFFF  }
0xc0: {  	[dreg:$0x0] =	wrdreg $0xFFFFFFFF;
	(pc) =	sbr.abs _section_cstart, $3  }
0xc1: {  	[dreg:$0x1] =	wrdreg $0xFFFFFFFF  }
0xc2: {  	_ =	task.clear_ibuf [dreg:s7], $0x2FFFF;
	_ =	strace $0x9FFFFFFF  }
0xc3: {  	(tm) =	ssettm $0x7FFFFFFF  }
tec
execute0_lowered:
.L_overlay_start_1:
0x0: {  	(tag) =	ssettag $0x1  }
0x1: {  	s0 =	rddreg [dreg:$0x0]  }
0x2: {  	s1 =	rddreg [dreg:$0x1]  }
0x3: {  	s2 =	rddreg [dreg:$0x2];
	s3 =	simm.s32 $0x0;
	s4 =	srdreg.scid  }
0x4: {  	s9 =	stileid.u32;
	s14 =	simm.s32 $0x1100;
	s15 =	simm.s32 $0x7  }
0x5: {  	s16 =	simm.s32 $0x400;
	s19 =	simm.s32 $0x3;
	s28 =	simm.s32 $0x2  }
0x6: {  	s30 =	simm.s32 $0x0;
	[smem:$0x7FF] =	sst s3;
	s7 =	smul.u32 $0xA00, s9  }
0x7: {  	s5 =	sand.u32 $0x1, s4;
	s20 =	sshll.u32 s9, $0x1;
	s21 =	smul.u32 $0x500, s9  }
0x8: {  	s0 =	sadd.s32 $0x1C00, s0;
	s9 =	smul.u32 $0x3E800, s9;
	s6 =	ssub.s32 $0x2, s5  }
0x9: {  	s4 =	sor.u32 s5, s20;
	_ =	strace $0x80000047;
	s10 =	sshll.u32 s5, $0x7  }
0xa: {  	s11 =	smul.u32 $0x1F400, s5;
	s20 =	simm.s32 $0x50;
	s8 =	sshrl.u32 s6, $0x1  }
0xb: {  	s4 =	smul.u32 $0x1F400, s4;
	s7 =	sshrl.u32 s7, $0x2;
	s23 =	sor.u32 s10, s21  }
0xc: {  	s21 =	simm.s32 $0x80;
	s6 =	ssub.s32 s6, s8;
	s5 =	sadd.s32 s7, s2  }
0xd: {  	s7 =	sshrl.u32 s23, $0x3;
	s25 =	sadd.s32 s11, s9;
	s23 =	simm.s32 $0x4  }
0xe: {  	s4 =	sshrl.u32 s4, $0x3;
	s1 =	sadd.s32 s1, s7;
	s31 =	sadd.s32 $0x1800, s25  }
0xf: {  	s6 =	smax.u32 s6, $0x1;
	s4 =	sadd.s32 s0, s4;
	[dreg:$0x7] =	wrdreg s1  }
0x10: {  	s25 =	simm.s32 $0x1050;
	[dreg:$0x8] =	wrdreg s6;
	s22 =	sadd.s32 $0x80, s4  }
0x11: {  	s1 =	sshrl.u32 s31, $0x3;
	s24 =	sadd.s32 $0x100, s4;
	[dreg:$0x4] =	wrdreg s22  }
0x12: {  	s26 =	sadd.s32 $0x180, s4;
	s11 =	sadd.s32 $0x200, s4;
	[dreg:$0x5] =	wrdreg s24  }
0x13: {  	s12 =	sadd.s32 $0x280, s4;
	s29 =	sadd.s32 s1, s0;
	[dreg:$0x6] =	wrdreg s26  }
0x14: {  	v0 =	vimm.f32 $0.0e+00;
	s22 =	simm.s32 $0x1000;
	s24 =	simm.s32 $0x480;
	s26 =	simm.s32 $0x1  }
.LBB2_1:
0x15: {  	[tilespmem:$0x1100] =	vst v0  }
0x16: {  	[tilespmem:$0x1110] =	vst v0  }
0x17: {  	[tilespmem:$0x1120] =	vst v0  }
0x18: {  	[tilespmem:$0x1130] =	vst v0  }
0x19: {  	[tilespmem:$0x1140] =	vst v0  }
0x1a: {  	[tilespmem:$0x1150] =	vst v0  }
0x1b: {  	[tilespmem:$0x1160] =	vst v0  }
0x1c: {  	[tilespmem:$0x1170] =	vst v0  }
0x1d: {  	[tilespmem:$0x1180] =	vst v0  }
0x1e: {  	[tilespmem:$0x1190] =	vst v0  }
0x1f: {  	[tilespmem:$0x11A0] =	vst v0  }
0x20: {  	[tilespmem:$0x11B0] =	vst v0  }
0x21: {  	[tilespmem:$0x11C0] =	vst v0  }
0x22: {  	[tilespmem:$0x11D0] =	vst v0  }
0x23: {  	[tilespmem:$0x11E0] =	vst v0  }
0x24: {  	[tilespmem:$0x11F0] =	vst v0  }
0x25: {  	[tilespmem:$0x1200] =	vst v0  }
0x26: {  	[tilespmem:$0x1210] =	vst v0  }
0x27: {  	[tilespmem:$0x1220] =	vst v0  }
0x28: {  	[tilespmem:$0x1230] =	vst v0  }
0x29: {  	[tilespmem:$0x1240] =	vst v0  }
0x2a: {  	[tilespmem:$0x1250] =	vst v0  }
0x2b: {  	[tilespmem:$0x1260] =	vst v0  }
0x2c: {  	[tilespmem:$0x1270] =	vst v0  }
0x2d: {  	[tilespmem:$0x1280] =	vst v0  }
0x2e: {  	[tilespmem:$0x1290] =	vst v0  }
0x2f: {  	[tilespmem:$0x12A0] =	vst v0  }
0x30: {  	[tilespmem:$0x12B0] =	vst v0  }
0x31: {  	[tilespmem:$0x12C0] =	vst v0  }
0x32: {  	[tilespmem:$0x12D0] =	vst v0  }
0x33: {  	[tilespmem:$0x12E0] =	vst v0  }
0x34: {  	[tilespmem:$0x12F0] =	vst v0  }
0x35: {  	[tilespmem:$0x1300] =	vst v0  }
0x36: {  	[tilespmem:$0x1310] =	vst v0  }
0x37: {  	[tilespmem:$0x1320] =	vst v0  }
0x38: {  	[tilespmem:$0x1330] =	vst v0  }
0x39: {  	[tilespmem:$0x1340] =	vst v0  }
0x3a: {  	[tilespmem:$0x1350] =	vst v0  }
0x3b: {  	[tilespmem:$0x1360] =	vst v0  }
0x3c: {  	[tilespmem:$0x1370] =	vst v0  }
0x3d: {  	[tilespmem:$0x1000] =	vst v0  }
0x3e: {  	[tilespmem:$0x1010] =	vst v0  }
0x3f: {  	[tilespmem:$0x1020] =	vst v0  }
0x40: {  	[tilespmem:$0x1030] =	vst v0  }
0x41: {  	[tilespmem:$0x1040] =	vst v0  }
0x42: {  	[tilespmem:$0x1050] =	vst v0  }
0x43: {  	[tilespmem:$0x1060] =	vst v0  }
0x44: {  	[tilespmem:$0x1070] =	vst v0  }
0x45: {  	[tilespmem:$0x1080] =	vst v0  }
0x46: {  	[tilespmem:$0x1090] =	vst v0  }
0x47: {  	[spmem:s5] =	stream.linear.scatter [tilespmem:s14], [sflag:$0x7], $0x280, $0x38;
	[tilespmem:$0x1600] =	vst v63  }
0x48: {  	_ =	swait.ge [sflag:s15], $0x280  }
0x49: {  	[sflag:s15] =	ssyncset.done $0x0  }
0x4a: {  	[sflag:s15] =	ssyncadd.s32 $0xFFFFFD80  }
0x4b: {  	[bflag:$0x0] =	sbarrier.arrive $0xFFFF  }
0x4c: {  	[tilespmem:s3], [sflag:$0x3] =	stream.linear.gather [hbm4b:s4+s3], $0x400, $0x38;
	[tilespmem:$0x1600] =	vst v63  }
0x4d: {  	s0 =	rddreg [dreg:$0x4]  }
0x4e: {  	[tilespmem:s16], [sflag:$0x4] =	stream.linear.gather [hbm4b:s0+s3], $0x400, $0x38;
	[tilespmem:$0x1600] =	vst v63  }
0x4f: {  	s1 =	simm.s32 $0x800;
	s6 =	rddreg [dreg:$0x5]  }
0x50: {  	[tilespmem:s1], [sflag:$0x5] =	stream.linear.gather [hbm4b:s6+s3], $0x400, $0x38;
	[tilespmem:$0x1600] =	vst v63  }
0x51: {  	s8 =	simm.s32 $0xC00;
	s7 =	rddreg [dreg:$0x6]  }
0x52: {  	[tilespmem:s8], [sflag:$0x6] =	stream.linear.gather [hbm4b:s7+s3], $0x400, $0x38;
	[tilespmem:$0x1600] =	vst v63  }
0x53: {  	_ =	swait.ge [sflag:s19], $0x400  }
0x54: {  	[sflag:s19] =	ssyncset.done $0x0  }
0x55: {  	[sflag:s19] =	ssyncadd.s32 $0xFFFFFC00  }
0x56: {  	[spmem:s2] =	stream.indirect.scatter.add.f32 [tilespmem:s22], [sflag:$0x1], $0x1, s21, s20, $0xb8;
	[tilespmem:$0x1600] =	vst v63  }
0x57: {  	_ =	swait.ge [sflag:s23], $0x400  }
0x58: {  	[sflag:s23] =	ssyncset.done $0x0  }
0x59: {  	[sflag:s23] =	ssyncadd.s32 $0xFFFFFC00  }
0x5a: {  	[spmem:s2] =	stream.indirect.scatter.add.f32 [tilespmem:s25], [sflag:$0x2], $0x1, s24, s20, $0xb8;
	[tilespmem:$0x1600] =	vst v63  }
0x5b: {  	_ =	swait.ge [sflag:s26], $0x50  }
0x5c: {  	[sflag:s26] =	ssyncset.done $0x0  }
0x5d: {  	[sflag:s26] =	ssyncadd.s32 $0xFFFFFFB0  }
0x5e: {  	v1 =	vld [tilespmem:$0x100]  }
0x5f: {  	v2 =	vld [tilespmem:$0x110]  }
0x60: {  	v3 =	vld [tilespmem:$0x120]  }
0x61: {  	v4 =	vld [tilespmem:$0x130]  }
0x62: {  	v5 =	vld [tilespmem:$0x140]  }
0x63: {  	[tilespmem:$0x1000] =	vst v1  }
0x64: {  	[tilespmem:$0x1010] =	vst v2  }
0x65: {  	[tilespmem:$0x1020] =	vst v3  }
0x66: {  	[tilespmem:$0x1030] =	vst v4  }
0x67: {  	[tilespmem:$0x1040] =	vst v5  }
0x68: {  	[spmem:s2] =	stream.indirect.scatter.add.f32 [tilespmem:s22], [sflag:$0x1], $0x1, s21, s20, $0xb8;
	[tilespmem:$0x1600] =	vst v63  }
0x69: {  	_ = 	snop  }
0x6a: {  	[tilespmem:s3], [sflag:$0x3] =	stream.linear.gather [hbm4b:s11+s3], $0x400, $0x38;
	[tilespmem:$0x1600] =	vst v63  }
0x6b: {  	_ =	swait.ge [sflag:s28], $0x50  }
0x6c: {  	[sflag:s28] =	ssyncset.done $0x0  }
0x6d: {  	[sflag:s28] =	ssyncadd.s32 $0xFFFFFFB0  }
0x6e: {  	v1 =	vld [tilespmem:$0x500]  }
0x6f: {  	v2 =	vld [tilespmem:$0x510]  }
0x70: {  	v3 =	vld [tilespmem:$0x520]  }
0x71: {  	v62 =	vld [tilespmem:$0x530]  }
0x72: {  	v63 =	vld [tilespmem:$0x540]  }
0x73: {  	[tilespmem:$0x1050] =	vst v1  }
0x74: {  	[tilespmem:$0x1060] =	vst v2  }
0x75: {  	[tilespmem:$0x1070] =	vst v3  }
0x76: {  	[tilespmem:$0x1080] =	vst v62  }
0x77: {  	s9 =	sand.u32 $0x3, s28;
	[tilespmem:$0x1090] =	vst v63  }
0x78: {  	[spmem:s2] =	stream.indirect.scatter.add.f32 [tilespmem:s25], [sflag:$0x2], $0x1, s24, s20, $0xb8;
	[tilespmem:$0x1600] =	vst v63  }
0x79: {  	s31 =	sadd.s32 $0x3, s9  }
0x7a: {  	[tilespmem:s16], [sflag:$0x4] =	stream.linear.gather [hbm4b:s12+s3], $0x400, $0x38;
	[tilespmem:$0x1600] =	vst v63  }
0x7b: {  	_ =	swait.ge [sflag:s31], $0x400  }
0x7c: {  	s10 =	sand.u32 $0x1, s28;
	[sflag:s31] =	ssyncset.done $0x0  }
0x7d: {  	s6 =	sadd.s32 $0x1, s10;
	[sflag:s31] =	ssyncadd.s32 $0xFFFFFC00  }
0x7e: {  	_ =	swait.ge [sflag:s6], $0x50  }
0x7f: {  	[sflag:s6] =	ssyncset.done $0x0  }
0x80: {  	s17 =	sshll.u32 s9, $0xA;
	[sflag:s6] =	ssyncadd.s32 $0xFFFFFFB0  }
0x81: {  	v1 =	vld [tilespmem:s17+$0x100];
	_ =	sdelay $0x1  }
0x82: {  	s13 =	smul.u32 $0x140, s10;
	_ =	sdelay $0x1  }
0x83: {  	s0 =	sshrl.u32 s13, $0x2  }
0x84: {  	[tilespmem:s0+$0x1000] =	vst v1  }
0x85: {  	v1 =	vld [tilespmem:s17+$0x110];
	_ =	sdelay $0x4  }
0x86: {  	[tilespmem:s0+$0x1010] =	vst v1  }
0x87: {  	v1 =	vld [tilespmem:s17+$0x120];
	_ =	sdelay $0x4  }
0x88: {  	[tilespmem:s0+$0x1020] =	vst v1  }
0x89: {  	v1 =	vld [tilespmem:s17+$0x130];
	_ =	sdelay $0x4  }
0x8a: {  	[tilespmem:s0+$0x1030] =	vst v1  }
0x8b: {  	v1 =	vld [tilespmem:s17+$0x140];
	_ =	sdelay $0x3  }
0x8c: {  	p1 =	por $0x0, $0x0;
	s18 =	sor.u32 $0x80, s17;
	s13 =	smov.u32 s29  }
0x8d: {  	s1 =	smov.u32 s29;
	s7 =	sor.u32 $0x1000, s0;
	[tilespmem:s0+$0x1040] =	vst v1;
	s0 =	simm.s32 $0x3  }
0x8e: {  	[spmem:s2] =	stream.indirect.scatter.add.f32 [tilespmem:s7], [sflag:s6], $0x1, s18, s20, $0xb8;
	[tilespmem:$0x1600] =	vst v63  }
0x8f: {  	s8 =	simm.s32 @!p1 $0x0;
	s18 =	simm.s32 $0x4;
	s7 =	sand.u32 $0x3, s0  }
.LBB2_2:
0x90: {  	s9 =	sadd.s32 $0x3, s7  }
0x91: {  	s13 =	sadd.s32 $0x80, s13;
	s6 =	smov.u32 s18;
	s18 =	sadd.s32 $0x1, s18  }
0x92: {  	[tilespmem:s17], [sflag:s31] =	stream.linear.gather @!p1 [hbm4b:s1+s8], $0x400, $0x38;
	[tilespmem:$0x1600] =	vst v63  }
0x93: {  	p0 =	sne.s32 s18, $0x7D;
	s31 =	smov.u32 s9;
	_ =	swait.ge [sflag:s9], $0x400  }
0x94: {  	s8 =	sand.u32 $0x1, s0;
	s1 =	smov.u32 s13;
	[sflag:s31] =	ssyncset.done $0x0  }
0x95: {  	s9 =	sadd.s32 $0x1, s8;
	[sflag:s31] =	ssyncadd.s32 $0xFFFFFC00  }
0x96: {  	_ =	swait.ge [sflag:s9], $0x50  }
0x97: {  	[sflag:s9] =	ssyncset.done $0x0  }
0x98: {  	s17 =	sshll.u32 s7, $0xA;
	[sflag:s9] =	ssyncadd.s32 $0xFFFFFFB0  }
0x99: {  	v1 =	vld [tilespmem:s17+$0x100];
	_ =	sdelay $0x1  }
0x9a: {  	s7 =	smul.u32 $0x140, s8;
	_ =	sdelay $0x1  }
0x9b: {  	s8 =	sshrl.u32 s7, $0x2  }
0x9c: {  	[tilespmem:s8+$0x1000] =	vst v1  }
0x9d: {  	v1 =	vld [tilespmem:s17+$0x110];
	_ =	sdelay $0x4  }
0x9e: {  	[tilespmem:s8+$0x1010] =	vst v1  }
0x9f: {  	v1 =	vld [tilespmem:s17+$0x120];
	_ =	sdelay $0x4  }
0xa0: {  	[tilespmem:s8+$0x1020] =	vst v1  }
0xa1: {  	v1 =	vld [tilespmem:s17+$0x130];
	_ =	sdelay $0x4  }
0xa2: {  	[tilespmem:s8+$0x1030] =	vst v1  }
0xa3: {  	v1 =	vld [tilespmem:s17+$0x140];
	_ =	sdelay $0x1  }
.Ltmp0:
0xa4: {  	(pc) =	sbr.rel @p0 .LBB2_2-.Ltmp0, $4  }
0xa5: {  	_ = 	snop  }
0xa6: {  	p1 =	sgt.u32 s0, $0x78;
	s0 =	smov.u32 s6;
	s10 =	sor.u32 $0x80, s17  }
0xa7: {  	s7 =	sand.u32 $0x3, s0;
	s6 =	sor.u32 $0x1000, s8;
	[tilespmem:s8+$0x1040] =	vst v1;
	s8 =	simm.s32 @!p1 $0x0  }
0xa8: {  	[spmem:s2] =	stream.indirect.scatter.add.f32 [tilespmem:s6], [sflag:s9], $0x1, s10, s20, $0xb8;
	[tilespmem:$0x1600] =	vst v63  }
0xa9: {  	s6 =	sadd.s32 $0x3, s7  }
0xaa: {  	[tilespmem:s17], [sflag:s31] =	stream.linear.gather @!p1 [hbm4b:s1+s8], $0x400, $0x38;
	[tilespmem:$0x1600] =	vst v63  }
0xab: {  	_ =	swait.ge [sflag:s6], $0x400  }
0xac: {  	s18 =	sand.u32 $0x1, s0;
	[sflag:s6] =	ssyncset.done $0x0  }
0xad: {  	s31 =	sadd.s32 $0x1, s18;
	[sflag:s6] =	ssyncadd.s32 $0xFFFFFC00  }
0xae: {  	_ =	swait.ge [sflag:s31], $0x50  }
0xaf: {  	[sflag:s31] =	ssyncset.done $0x0  }
0xb0: {  	s7 =	sshll.u32 s7, $0xA;
	[sflag:s31] =	ssyncadd.s32 $0xFFFFFFB0  }
0xb1: {  	v1 =	vld [tilespmem:s7+$0x100];
	_ =	sdelay $0x1  }
0xb2: {  	s1 =	smul.u32 $0x140, s18;
	_ =	sdelay $0x1  }
0xb3: {  	s1 =	sshrl.u32 s1, $0x2  }
0xb4: {  	[tilespmem:s1+$0x1000] =	vst v1  }
0xb5: {  	v1 =	vld [tilespmem:s7+$0x110];
	_ =	sdelay $0x4  }
0xb6: {  	[tilespmem:s1+$0x1010] =	vst v1  }
0xb7: {  	v1 =	vld [tilespmem:s7+$0x120];
	_ =	sdelay $0x4  }
0xb8: {  	[tilespmem:s1+$0x1020] =	vst v1  }
0xb9: {  	v1 =	vld [tilespmem:s7+$0x130];
	_ =	sdelay $0x4  }
0xba: {  	[tilespmem:s1+$0x1030] =	vst v1  }
0xbb: {  	v1 =	vld [tilespmem:s7+$0x140];
	_ =	sdelay $0x4  }
0xbc: {  	p0 =	sgt.u32 s0, $0x78;
	s9 =	sor.u32 $0x80, s7;
	s10 =	sor.u32 $0x1000, s1;
	[tilespmem:s1+$0x1040] =	vst v1  }
0xbd: {  	[spmem:s2] =	stream.indirect.scatter.add.f32 [tilespmem:s10], [sflag:s31], $0x1, s9, s20, $0xb8;
	[tilespmem:$0x1600] =	vst v63  }
0xbe: {  	s0 =	sadd.s32 $0x80, s13;
	s1 =	simm.s32 @!p0 $0x0  }
0xbf: {  	[tilespmem:s7], [sflag:s6] =	stream.linear.gather @!p0 [hbm4b:s0+s1], $0x400, $0x38;
	[tilespmem:$0x1600] =	vst v63  }
0xc0: {  	_ =	swait.ge [sflag:s26], $0x50  }
0xc1: {  	[sflag:s26] =	ssyncset.done $0x0  }
0xc2: {  	[sflag:s26] =	ssyncadd.s32 $0xFFFFFFB0  }
0xc3: {  	_ =	swait.ge [sflag:s28], $0x50  }
0xc4: {  	[sflag:s28] =	ssyncset.done $0x0  }
0xc5: {  	[sflag:s28] =	ssyncadd.s32 $0xFFFFFFB0  }
0xc6: {  	[bflag:$0x0] =	sbarrier.arrive $0xFFFF  }
0xc7: {  	[tilespmem:s14], [sflag:$0x7] =	stream.linear.gather [spmem:s5], $0x280, $0x38;
	[tilespmem:$0x1600] =	vst v63  }
0xc8: {  	_ =	swait.ge [sflag:s15], $0x280  }
0xc9: {  	[sflag:s15] =	ssyncset.done $0x0  }
0xca: {  	s18 =	simm.s32 $0x100;
	s17 =	rddreg [dreg:$0x7];
	[sflag:s15] =	ssyncadd.s32 $0xFFFFFD80  }
0xcb: {  	[hbm4b:s17+s21] =	stream.strided.scatter [tilespmem:s14], [sflag:$0x7], $0x280, s18, s21, $0x38;
	[tilespmem:$0x1600] =	vst v63  }
0xcc: {  	_ =	swait.ge [sflag:s15], $0x280  }
0xcd: {  	s30 =	sadd.s32 $0x1, s30;
	s31 =	rddreg [dreg:$0x8]  }
0xce: {  	p0 =	sne.s32 s30, s31  }
.Ltmp1:
0xcf: {  	_ = 	snop;
	(pc) =	sbr.rel @p0 .LBB2_1-.Ltmp1, $3  }
0xd0: {  	_ =	sdelay $0x1  }
0xd1: {  	[sflag:s15] =	ssyncset.done $0x0  }
0xd2: {  	[sflag:s15] =	ssyncadd.s32 $0xFFFFFD80  }
0xd3: {  	_ =	sfence.sel $0x180000  }
0xd4: {  	[bflag:$0x0] =	sbarrier.arrive $0xFFFF  }
0xd5: {  	_ =	strace $0x90000047  }
0xd6: {  	s0 =	stileid.u32;
	[bflag:$0x2] =	sbarrier.arrive $0xFFFF  }
0xd7: {  	p0 =	sne.s32 s0, $0x0;
	s0 =	rddreg [dreg:$0x3]  }
0xd8: {  	s0 =	sadd.s32 @!p0 $0x100000, s0  }
0xd9: {  	[sflag:s0] =	ssyncadd.tile.s32 @!p0 $0x1;
	_ =	shalt  }
.Lfunc_end2:
_tile_overlayer_lowered:
.L_overlay_start_2:
0xda: {  	(tag) =	ssettag $0x2  }
0xdb: {  	s0 =	rddreg [dreg:$0x0];
	s2 =	stileid.u32  }
0xdc: {  	s1 =	rddreg [dreg:$0x1];
	p0 =	sne.s32 s2, $0x0  }
0xdd: {  	s3 =	rddreg [dreg:$0x2];
	[bflag:$0x3] =	sbarrier.arrive $0xFFFF;
	s2 =	simm.s32 @!p0 $0x1C07  }
0xde: {  	[timem:s3], [sflag:s2] =	dma.local @!p0 [hbm:s0], s1  }
0xdf: {  	s0 =	simm.s32 @!p0 $0x7  }
0xe0: {  	_ =	swait.ge @!p0 [sflag:s0], s1  }
0xe1: {  	s1 =	ssub.s32 @!p0 $0x0, s1;
	[sflag:s0] =	ssyncset.done @!p0 $0x0  }
0xe2: {  	[sflag:s0] =	ssyncadd.s32 @!p0 s1  }
0xe3: {  	[bflag:$0x3] =	sbarrier.arrive $0xFFFF  }
0xe4: {  	_ =	shalt  }

</sc_bundles>
